<compile_context>
chip_gen: v7x
topology: tpu7x:2x2x1
jax: 0.10.2.dev20260603
libtpu: 0.0.44.dev20260713+nightly
codegen_flags: <defaults>
</compile_context>

<pallas_src>
import functools

import jax
import jax.numpy as jnp
from jax import lax
from jax.experimental import pallas as pl
from jax.experimental.pallas import tpu as pltpu
from jax.experimental.pallas import tpu_sc as plsc

_NC = 2
_NS = 16
_NW = _NC * _NS
_L = 16
_ROWS = 8
_NBUF = 2


@functools.lru_cache(maxsize=None)
def _make_kernel(n_seg: int, h: int, w: int):
    rows_per_w = h // _NW
    n_chunks = rows_per_w // _ROWS
    chunk_elems = _ROWS * w
    mesh = plsc.VectorSubcoreMesh(core_axis_name="c", subcore_axis_name="s")

    @functools.partial(
        pl.kernel,
        mesh=mesh,
        out_type=jax.ShapeDtypeStruct((h, w), jnp.float32),
        compiler_params=pltpu.CompilerParams(needs_layout_passes=False),
        scratch_types=[
            pltpu.VMEM((n_seg,), jnp.float32),
            pltpu.VMEM((_ROWS, w), jnp.int32),
            pltpu.VMEM((_ROWS, w), jnp.int32),
            pltpu.VMEM((_ROWS, w), jnp.float32),
            pltpu.VMEM((_ROWS, w), jnp.float32),
            pltpu.SemaphoreType.DMA,
            pltpu.SemaphoreType.DMA,
            pltpu.SemaphoreType.DMA,
            pltpu.SemaphoreType.DMA,
        ],
    )
    def gather_kernel(inp_hbm, idx_hbm, out_hbm, table_v, idx_v0, idx_v1,
                      out_v0, out_v1, isem0, isem1, osem0, osem1):
        idx_bufs = (idx_v0, idx_v1)
        out_bufs = (out_v0, out_v1)
        isems = (isem0, isem1)
        osems = (osem0, osem1)
        wid = lax.axis_index("s") * _NC + lax.axis_index("c")
        row0 = wid * rows_per_w

        def start_idx(g):
            return pltpu.async_copy(
                idx_hbm.at[pl.ds(row0 + g * _ROWS, _ROWS), :],
                idx_bufs[g % _NBUF], isems[g % _NBUF])

        def start_out(g):
            return pltpu.async_copy(
                out_bufs[g % _NBUF],
                out_hbm.at[pl.ds(row0 + g * _ROWS, _ROWS), :],
                osems[g % _NBUF])

        idx_copies = {0: start_idx(0)}
        pltpu.sync_copy(inp_hbm, table_v)
        out_copies = {}
        for g in range(n_chunks):
            if g + 1 < n_chunks:
                idx_copies[g + 1] = start_idx(g + 1)
            idx_copies[g].wait()
            if g >= _NBUF:
                out_copies[g - _NBUF].wait()
            ib = idx_bufs[g % _NBUF]
            ob = out_bufs[g % _NBUF]

            @plsc.parallel_loop(0, w, step=_L, unroll=4)
            def _body(i, ib=ib, ob=ob):
                for r in range(_ROWS):
                    iv = ib[r, pl.ds(i, _L)]
                    ob[r, pl.ds(i, _L)] = plsc.load_gather(table_v, [iv])

            out_copies[g] = start_out(g)
        for g in range(max(0, n_chunks - _NBUF), n_chunks):
            out_copies[g].wait()

    return gather_kernel


def kernel(input, segm_img):
    n_seg = input.shape[0]
    h, w = segm_img.shape
    return _make_kernel(n_seg, h, w)(input, segm_img)

# --- scband reference (transcript-rebuilt; emitter-appended) ---
"""Pipeline reference for scband-superpixel2-pixel-38165079392835 (READ-ONLY COPY).

The authoritative reference and input builder live on the scoring server;
editing this copy changes nothing except your own understanding.
"""

import jax, jax.numpy as jnp
import numpy as np

N_SEGM = 10000
H, W = 2048, 2048

def setup_inputs(seed: int = 0) -> dict:
    key = jax.random.key(seed)
    k1, k2 = jax.random.split(key)
    # segm_img: per-pixel superpixel label in [0, N_SEGM)
    segm_img = jax.random.randint(k1, (H, W), 0, N_SEGM, dtype=jnp.int32)
    # input: one scalar value per superpixel
    inp = jax.random.normal(k2, (N_SEGM,), dtype=jnp.float32)
    return {"input": inp, "segm_img": segm_img}

def reference(input, segm_img):
    # Original torch module loops over segments s and accumulates
    # (segm_img == s) * input[s]. Since each pixel has exactly one label,
    # this is exactly a gather: pixelmask[i, j] = input[segm_img[i, j]].
    pixelmask = jnp.take(input, segm_img, axis=0)
    return pixelmask

if __name__ == "__main__":
    import jax
    _d = setup_inputs()
    print(jax.jit(kernel)(*tuple(_d.values())))

</pallas_src>

<mosaic_0001>
#map = affine_map<(d0, d1) -> (0)>
#map1 = affine_map<(d0, d1) -> (0, 0)>
module attributes {stable_mosaic.version = 14 : i64} {
  func.func @gather_kernel(%arg0: i32, %arg1: i32, %arg2: memref<10000xf32, #tpu.memory_space<hbm>>, %arg3: memref<2048x2048xi32, #tpu.memory_space<hbm>>, %arg4: memref<2048x2048xf32, #tpu.memory_space<hbm>>, %arg5: memref<10000xf32, #tpu.memory_space<vmem>>, %arg6: memref<8x2048xi32, #tpu.memory_space<vmem>>, %arg7: memref<8x2048xi32, #tpu.memory_space<vmem>>, %arg8: memref<8x2048xf32, #tpu.memory_space<vmem>>, %arg9: memref<8x2048xf32, #tpu.memory_space<vmem>>, %arg10: memref<!tpu.dma_semaphore, #tpu.memory_space<semaphore_mem>>, %arg11: memref<!tpu.dma_semaphore, #tpu.memory_space<semaphore_mem>>, %arg12: memref<!tpu.dma_semaphore, #tpu.memory_space<semaphore_mem>>, %arg13: memref<!tpu.dma_semaphore, #tpu.memory_space<semaphore_mem>>) attributes {dimension_semantics = [#tpu.dimension_semantics<core_parallel>, #tpu.dimension_semantics<subcore_parallel>], iteration_bounds = array<i64: 2, 16>, scalar_prefetch = 0 : i64, scratch_operands = 9 : i64, tpu.core_type = #tpu.core_type<sc_vector_subcore>, window_params = [{transform_indices = #map}, {transform_indices = #map1}, {transform_indices = #map1}]} {
    %mul3A = arith.constant 2 : i32
    %mul3A_0 = arith.muli %arg1, %mul3A : i32
    %add3A = arith.addi %mul3A_0, %arg0 : i32
    %mul3A_1 = arith.constant 64 : i32
    %mul3A_2 = arith.muli %add3A, %mul3A_1 : i32
    %add3A_3 = arith.constant 0 : i32
    %add3A_4 = arith.addi %mul3A_2, %add3A_3 : i32
    %dma_start3A = arith.constant 0 : i32
    %dma_start3A_5 = tpu.memref_slice %arg3[%add3A_4, %dma_start3A] : memref<2048x2048xi32, #tpu.memory_space<hbm>> -> memref<8x2048xi32, #tpu.memory_space<hbm>>
    %dma_start3A_6 = arith.constant 0 : i32
    %dma_start3A_7 = tpu.memref_slice %arg3[%add3A_4, %dma_start3A_6] : memref<2048x2048xi32, #tpu.memory_space<hbm>> -> memref<8x2048xi32, #tpu.memory_space<hbm>>
    tpu.enqueue_dma source(%dma_start3A_7 : memref<8x2048xi32, #tpu.memory_space<hbm>>) target(%arg6 : memref<8x2048xi32, #tpu.memory_space<vmem>>) target_semaphore(%arg10 : memref<!tpu.dma_semaphore, #tpu.memory_space<semaphore_mem>>)
    "tpu.region"() ({
      %run_scoped3A = tpu.sem_alloc : memref<!tpu.dma_semaphore, #tpu.memory_space<semaphore_mem>>
      tpu.enqueue_dma source(%arg2 : memref<10000xf32, #tpu.memory_space<hbm>>) target(%arg5 : memref<10000xf32, #tpu.memory_space<vmem>>) target_semaphore(%run_scoped3A : memref<!tpu.dma_semaphore, #tpu.memory_space<semaphore_mem>>)
      tpu.wait_dma2 semaphore(%run_scoped3A : memref<!tpu.dma_semaphore, #tpu.memory_space<semaphore_mem>>) src(%arg2 : memref<10000xf32, #tpu.memory_space<hbm>>) dst(%arg5 : memref<10000xf32, #tpu.memory_space<vmem>>)
      tpu.yield
    }) : () -> ()
    %add3A_8 = arith.constant 8 : i32
    %add3A_9 = arith.addi %mul3A_2, %add3A_8 : i32
    %dma_start3A_10 = arith.constant 0 : i32
    %dma_start3A_11 = tpu.memref_slice %arg3[%add3A_9, %dma_start3A_10] : memref<2048x2048xi32, #tpu.memory_space<hbm>> -> memref<8x2048xi32, #tpu.memory_space<hbm>>
    %dma_start3A_12 = arith.constant 0 : i32
    %dma_start3A_13 = tpu.memref_slice %arg3[%add3A_9, %dma_start3A_12] : memref<2048x2048xi32, #tpu.memory_space<hbm>> -> memref<8x2048xi32, #tpu.memory_space<hbm>>
    tpu.enqueue_dma source(%dma_start3A_13 : memref<8x2048xi32, #tpu.memory_space<hbm>>) target(%arg7 : memref<8x2048xi32, #tpu.memory_space<vmem>>) target_semaphore(%arg11 : memref<!tpu.dma_semaphore, #tpu.memory_space<semaphore_mem>>)
    %dma_wait3A = arith.constant 0 : i32
    %dma_wait3A_14 = tpu.memref_slice %arg3[%add3A_4, %dma_wait3A] : memref<2048x2048xi32, #tpu.memory_space<hbm>> -> memref<8x2048xi32, #tpu.memory_space<hbm>>
    %dma_wait3A_15 = arith.constant 0 : i32
    %dma_wait3A_16 = tpu.memref_slice %arg3[%add3A_4, %dma_wait3A_15] : memref<2048x2048xi32, #tpu.memory_space<hbm>> -> memref<8x2048xi32, #tpu.memory_space<hbm>>
    tpu.wait_dma2 semaphore(%arg10 : memref<!tpu.dma_semaphore, #tpu.memory_space<semaphore_mem>>) src(%dma_wait3A_16 : memref<8x2048xi32, #tpu.memory_space<hbm>>) dst(%arg6 : memref<8x2048xi32, #tpu.memory_space<vmem>>)
    %parallel_loop3A = arith.constant 0 : i32
    %parallel_loop3A_17 = arith.constant 2048 : i32
    %parallel_loop3A_18 = arith.constant 16 : i32
    scf.for %parallel_loop3A_184 = %parallel_loop3A to %parallel_loop3A_17 step %parallel_loop3A_18  : i32 {
      %parallel_loop3A_185 = arith.constant 0 : i32
      %parallel_loop3A_186 = arith.index_cast %parallel_loop3A_185 : i32 to index
      %parallel_loop3A_187 = arith.index_cast %parallel_loop3A_184 : i32 to index
      %parallel_loop3A_188 = tpu.vector_load %arg6[%parallel_loop3A_186, %parallel_loop3A_187] {strides = array<i32>} : memref<8x2048xi32, #tpu.memory_space<vmem>>, vector<16xi32>,
      %parallel_loop3A_189 = tpu.vector_load_idx %arg5[%parallel_loop3A_188] : memref<10000xf32, #tpu.memory_space<vmem>>[vector<16xi32>], vector<16xf32>,
      %parallel_loop3A_190 = arith.constant 0 : i32
      %parallel_loop3A_191 = arith.index_cast %parallel_loop3A_190 : i32 to index
      %parallel_loop3A_192 = arith.index_cast %parallel_loop3A_184 : i32 to index
      %parallel_loop3A_193 = tpu.vector_load %arg8[%parallel_loop3A_191, %parallel_loop3A_192] {strides = array<i32>} : memref<8x2048xf32, #tpu.memory_space<vmem>>, vector<16xf32>,
      tpu.vector_store %arg8[%parallel_loop3A_191, %parallel_loop3A_192], %parallel_loop3A_189 {strides = array<i32>} : memref<8x2048xf32, #tpu.memory_space<vmem>>, vector<16xf32>,
      %parallel_loop3A_194 = arith.constant 1 : i32
      %parallel_loop3A_195 = arith.index_cast %parallel_loop3A_194 : i32 to index
      %parallel_loop3A_196 = arith.index_cast %parallel_loop3A_184 : i32 to index
      %parallel_loop3A_197 = tpu.vector_load %arg6[%parallel_loop3A_195, %parallel_loop3A_196] {strides = array<i32>} : memref<8x2048xi32, #tpu.memory_space<vmem>>, vector<16xi32>,
      %parallel_loop3A_198 = tpu.vector_load_idx %arg5[%parallel_loop3A_197] : memref<10000xf32, #tpu.memory_space<vmem>>[vector<16xi32>], vector<16xf32>,
      %parallel_loop3A_199 = arith.constant 1 : i32
      %parallel_loop3A_200 = arith.index_cast %parallel_loop3A_199 : i32 to index
      %parallel_loop3A_201 = arith.index_cast %parallel_loop3A_184 : i32 to index
      %parallel_loop3A_202 = tpu.vector_load %arg8[%parallel_loop3A_200, %parallel_loop3A_201] {strides = array<i32>} : memref<8x2048xf32, #tpu.memory_space<vmem>>, vector<16xf32>,
      tpu.vector_store %arg8[%parallel_loop3A_200, %parallel_loop3A_201], %parallel_loop3A_198 {strides = array<i32>} : memref<8x2048xf32, #tpu.memory_space<vmem>>, vector<16xf32>,
      %parallel_loop3A_203 = arith.constant 2 : i32
      %parallel_loop3A_204 = arith.index_cast %parallel_loop3A_203 : i32 to index
      %parallel_loop3A_205 = arith.index_cast %parallel_loop3A_184 : i32 to index
      %parallel_loop3A_206 = tpu.vector_load %arg6[%parallel_loop3A_204, %parallel_loop3A_205] {strides = array<i32>} : memref<8x2048xi32, #tpu.memory_space<vmem>>, vector<16xi32>,
      %parallel_loop3A_207 = tpu.vector_load_idx %arg5[%parallel_loop3A_206] : memref<10000xf32, #tpu.memory_space<vmem>>[vector<16xi32>], vector<16xf32>,
      %parallel_loop3A_208 = arith.constant 2 : i32
      %parallel_loop3A_209 = arith.index_cast %parallel_loop3A_208 : i32 to index
      %parallel_loop3A_210 = arith.index_cast %parallel_loop3A_184 : i32 to index
      %parallel_loop3A_211 = tpu.vector_load %arg8[%parallel_loop3A_209, %parallel_loop3A_210] {strides = array<i32>} : memref<8x2048xf32, #tpu.memory_space<vmem>>, vector<16xf32>,
      tpu.vector_store %arg8[%parallel_loop3A_209, %parallel_loop3A_210], %parallel_loop3A_207 {strides = array<i32>} : memref<8x2048xf32, #tpu.memory_space<vmem>>, vector<16xf32>,
      %parallel_loop3A_212 = arith.constant 3 : i32
      %parallel_loop3A_213 = arith.index_cast %parallel_loop3A_212 : i32 to index
      %parallel_loop3A_214 = arith.index_cast %parallel_loop3A_184 : i32 to index
      %parallel_loop3A_215 = tpu.vector_load %arg6[%parallel_loop3A_213, %parallel_loop3A_214] {strides = array<i32>} : memref<8x2048xi32, #tpu.memory_space<vmem>>, vector<16xi32>,
      %parallel_loop3A_216 = tpu.vector_load_idx %arg5[%parallel_loop3A_215] : memref<10000xf32, #tpu.memory_space<vmem>>[vector<16xi32>], vector<16xf32>,
      %parallel_loop3A_217 = arith.constant 3 : i32
      %parallel_loop3A_218 = arith.index_cast %parallel_loop3A_217 : i32 to index
      %parallel_loop3A_219 = arith.index_cast %parallel_loop3A_184 : i32 to index
      %parallel_loop3A_220 = tpu.vector_load %arg8[%parallel_loop3A_218, %parallel_loop3A_219] {strides = array<i32>} : memref<8x2048xf32, #tpu.memory_space<vmem>>, vector<16xf32>,
      tpu.vector_store %arg8[%parallel_loop3A_218, %parallel_loop3A_219], %parallel_loop3A_216 {strides = array<i32>} : memref<8x2048xf32, #tpu.memory_space<vmem>>, vector<16xf32>,
      %parallel_loop3A_221 = arith.constant 4 : i32
      %parallel_loop3A_222 = arith.index_cast %parallel_loop3A_221 : i32 to index
      %parallel_loop3A_223 = arith.index_cast %parallel_loop3A_184 : i32 to index
      %parallel_loop3A_224 = tpu.vector_load %arg6[%parallel_loop3A_222, %parallel_loop3A_223] {strides = array<i32>} : memref<8x2048xi32, #tpu.memory_space<vmem>>, vector<16xi32>,
      %parallel_loop3A_225 = tpu.vector_load_idx %arg5[%parallel_loop3A_224] : memref<10000xf32, #tpu.memory_space<vmem>>[vector<16xi32>], vector<16xf32>,
      %parallel_loop3A_226 = arith.constant 4 : i32
      %parallel_loop3A_227 = arith.index_cast %parallel_loop3A_226 : i32 to index
      %parallel_loop3A_228 = arith.index_cast %parallel_loop3A_184 : i32 to index
      %parallel_loop3A_229 = tpu.vector_load %arg8[%parallel_loop3A_227, %parallel_loop3A_228] {strides = array<i32>} : memref<8x2048xf32, #tpu.memory_space<vmem>>, vector<16xf32>,
      tpu.vector_store %arg8[%parallel_loop3A_227, %parallel_loop3A_228], %parallel_loop3A_225 {strides = array<i32>} : memref<8x2048xf32, #tpu.memory_space<vmem>>, vector<16xf32>,
      %parallel_loop3A_230 = arith.constant 5 : i32
      %parallel_loop3A_231 = arith.index_cast %parallel_loop3A_230 : i32 to index
      %parallel_loop3A_232 = arith.index_cast %parallel_loop3A_184 : i32 to index
      %parallel_loop3A_233 = tpu.vector_load %arg6[%parallel_loop3A_231, %parallel_loop3A_232] {strides = array<i32>} : memref<8x2048xi32, #tpu.memory_space<vmem>>, vector<16xi32>,
      %parallel_loop3A_234 = tpu.vector_load_idx %arg5[%parallel_loop3A_233] : memref<10000xf32, #tpu.memory_space<vmem>>[vector<16xi32>], vector<16xf32>,
      %parallel_loop3A_235 = arith.constant 5 : i32
      %parallel_loop3A_236 = arith.index_cast %parallel_loop3A_235 : i32 to index
      %parallel_loop3A_237 = arith.index_cast %parallel_loop3A_184 : i32 to index
      %parallel_loop3A_238 = tpu.vector_load %arg8[%parallel_loop3A_236, %parallel_loop3A_237] {strides = array<i32>} : memref<8x2048xf32, #tpu.memory_space<vmem>>, vector<16xf32>,
      tpu.vector_store %arg8[%parallel_loop3A_236, %parallel_loop3A_237], %parallel_loop3A_234 {strides = array<i32>} : memref<8x2048xf32, #tpu.memory_space<vmem>>, vector<16xf32>,
      %parallel_loop3A_239 = arith.constant 6 : i32
      %parallel_loop3A_240 = arith.index_cast %parallel_loop3A_239 : i32 to index
      %parallel_loop3A_241 = arith.index_cast %parallel_loop3A_184 : i32 to index
      %parallel_loop3A_242 = tpu.vector_load %arg6[%parallel_loop3A_240, %parallel_loop3A_241] {strides = array<i32>} : memref<8x2048xi32, #tpu.memory_space<vmem>>, vector<16xi32>,
      %parallel_loop3A_243 = tpu.vector_load_idx %arg5[%parallel_loop3A_242] : memref<10000xf32, #tpu.memory_space<vmem>>[vector<16xi32>], vector<16xf32>,
      %parallel_loop3A_244 = arith.constant 6 : i32
      %parallel_loop3A_245 = arith.index_cast %parallel_loop3A_244 : i32 to index
      %parallel_loop3A_246 = arith.index_cast %parallel_loop3A_184 : i32 to index
      %parallel_loop3A_247 = tpu.vector_load %arg8[%parallel_loop3A_245, %parallel_loop3A_246] {strides = array<i32>} : memref<8x2048xf32, #tpu.memory_space<vmem>>, vector<16xf32>,
      tpu.vector_store %arg8[%parallel_loop3A_245, %parallel_loop3A_246], %parallel_loop3A_243 {strides = array<i32>} : memref<8x2048xf32, #tpu.memory_space<vmem>>, vector<16xf32>,
      %parallel_loop3A_248 = arith.constant 7 : i32
      %parallel_loop3A_249 = arith.index_cast %parallel_loop3A_248 : i32 to index
      %parallel_loop3A_250 = arith.index_cast %parallel_loop3A_184 : i32 to index
      %parallel_loop3A_251 = tpu.vector_load %arg6[%parallel_loop3A_249, %parallel_loop3A_250] {strides = array<i32>} : memref<8x2048xi32, #tpu.memory_space<vmem>>, vector<16xi32>,
      %parallel_loop3A_252 = tpu.vector_load_idx %arg5[%parallel_loop3A_251] : memref<10000xf32, #tpu.memory_space<vmem>>[vector<16xi32>], vector<16xf32>,
      %parallel_loop3A_253 = arith.constant 7 : i32
      %parallel_loop3A_254 = arith.index_cast %parallel_loop3A_253 : i32 to index
      %parallel_loop3A_255 = arith.index_cast %parallel_loop3A_184 : i32 to index
      %parallel_loop3A_256 = tpu.vector_load %arg8[%parallel_loop3A_254, %parallel_loop3A_255] {strides = array<i32>} : memref<8x2048xf32, #tpu.memory_space<vmem>>, vector<16xf32>,
      tpu.vector_store %arg8[%parallel_loop3A_254, %parallel_loop3A_255], %parallel_loop3A_252 {strides = array<i32>} : memref<8x2048xf32, #tpu.memory_space<vmem>>, vector<16xf32>,
    } {sc.loop_unroll_factor = 4 : i64, sc.parallel_access}
    %add3A_19 = arith.constant 0 : i32
    %add3A_20 = arith.addi %mul3A_2, %add3A_19 : i32
    %dma_start3A_21 = arith.constant 0 : i32
    %dma_start3A_22 = tpu.memref_slice %arg4[%add3A_20, %dma_start3A_21] : memref<2048x2048xf32, #tpu.memory_space<hbm>> -> memref<8x2048xf32, #tpu.memory_space<hbm>>
    %dma_start3A_23 = arith.constant 0 : i32
    %dma_start3A_24 = tpu.memref_slice %arg4[%add3A_20, %dma_start3A_23] : memref<2048x2048xf32, #tpu.memory_space<hbm>> -> memref<8x2048xf32, #tpu.memory_space<hbm>>
    tpu.enqueue_dma source(%arg8 : memref<8x2048xf32, #tpu.memory_space<vmem>>) target(%dma_start3A_24 : memref<8x2048xf32, #tpu.memory_space<hbm>>) target_semaphore(%arg12 : memref<!tpu.dma_semaphore, #tpu.memory_space<semaphore_mem>>)
    %add3A_25 = arith.constant 16 : i32
    %add3A_26 = arith.addi %mul3A_2, %add3A_25 : i32
    %dma_start3A_27 = arith.constant 0 : i32
    %dma_start3A_28 = tpu.memref_slice %arg3[%add3A_26, %dma_start3A_27] : memref<2048x2048xi32, #tpu.memory_space<hbm>> -> memref<8x2048xi32, #tpu.memory_space<hbm>>
    %dma_start3A_29 = arith.constant 0 : i32
    %dma_start3A_30 = tpu.memref_slice %arg3[%add3A_26, %dma_start3A_29] : memref<2048x2048xi32, #tpu.memory_space<hbm>> -> memref<8x2048xi32, #tpu.memory_space<hbm>>
    tpu.enqueue_dma source(%dma_start3A_30 : memref<8x2048xi32, #tpu.memory_space<hbm>>) target(%arg6 : memref<8x2048xi32, #tpu.memory_space<vmem>>) target_semaphore(%arg10 : memref<!tpu.dma_semaphore, #tpu.memory_space<semaphore_mem>>)
    %dma_wait3A_31 = arith.constant 0 : i32
    %dma_wait3A_32 = tpu.memref_slice %arg3[%add3A_9, %dma_wait3A_31] : memref<2048x2048xi32, #tpu.memory_space<hbm>> -> memref<8x2048xi32, #tpu.memory_space<hbm>>
    %dma_wait3A_33 = arith.constant 0 : i32
    %dma_wait3A_34 = tpu.memref_slice %arg3[%add3A_9, %dma_wait3A_33] : memref<2048x2048xi32, #tpu.memory_space<hbm>> -> memref<8x2048xi32, #tpu.memory_space<hbm>>
    tpu.wait_dma2 semaphore(%arg11 : memref<!tpu.dma_semaphore, #tpu.memory_space<semaphore_mem>>) src(%dma_wait3A_34 : memref<8x2048xi32, #tpu.memory_space<hbm>>) dst(%arg7 : memref<8x2048xi32, #tpu.memory_space<vmem>>)
    %parallel_loop3A_35 = arith.constant 0 : i32
    %parallel_loop3A_36 = arith.constant 2048 : i32
    %parallel_loop3A_37 = arith.constant 16 : i32
    scf.for %parallel_loop3A_184 = %parallel_loop3A_35 to %parallel_loop3A_36 step %parallel_loop3A_37  : i32 {
      %parallel_loop3A_185 = arith.constant 0 : i32
      %parallel_loop3A_186 = arith.index_cast %parallel_loop3A_185 : i32 to index
      %parallel_loop3A_187 = arith.index_cast %parallel_loop3A_184 : i32 to index
      %parallel_loop3A_188 = tpu.vector_load %arg7[%parallel_loop3A_186, %parallel_loop3A_187] {strides = array<i32>} : memref<8x2048xi32, #tpu.memory_space<vmem>>, vector<16xi32>,
      %parallel_loop3A_189 = tpu.vector_load_idx %arg5[%parallel_loop3A_188] : memref<10000xf32, #tpu.memory_space<vmem>>[vector<16xi32>], vector<16xf32>,
      %parallel_loop3A_190 = arith.constant 0 : i32
      %parallel_loop3A_191 = arith.index_cast %parallel_loop3A_190 : i32 to index
      %parallel_loop3A_192 = arith.index_cast %parallel_loop3A_184 : i32 to index
      %parallel_loop3A_193 = tpu.vector_load %arg9[%parallel_loop3A_191, %parallel_loop3A_192] {strides = array<i32>} : memref<8x2048xf32, #tpu.memory_space<vmem>>, vector<16xf32>,
      tpu.vector_store %arg9[%parallel_loop3A_191, %parallel_loop3A_192], %parallel_loop3A_189 {strides = array<i32>} : memref<8x2048xf32, #tpu.memory_space<vmem>>, vector<16xf32>,
      %parallel_loop3A_194 = arith.constant 1 : i32
      %parallel_loop3A_195 = arith.index_cast %parallel_loop3A_194 : i32 to index
      %parallel_loop3A_196 = arith.index_cast %parallel_loop3A_184 : i32 to index
      %parallel_loop3A_197 = tpu.vector_load %arg7[%parallel_loop3A_195, %parallel_loop3A_196] {strides = array<i32>} : memref<8x2048xi32, #tpu.memory_space<vmem>>, vector<16xi32>,
      %parallel_loop3A_198 = tpu.vector_load_idx %arg5[%parallel_loop3A_197] : memref<10000xf32, #tpu.memory_space<vmem>>[vector<16xi32>], vector<16xf32>,
      %parallel_loop3A_199 = arith.constant 1 : i32
      %parallel_loop3A_200 = arith.index_cast %parallel_loop3A_199 : i32 to index
      %parallel_loop3A_201 = arith.index_cast %parallel_loop3A_184 : i32 to index
      %parallel_loop3A_202 = tpu.vector_load %arg9[%parallel_loop3A_200, %parallel_loop3A_201] {strides = array<i32>} : memref<8x2048xf32, #tpu.memory_space<vmem>>, vector<16xf32>,
      tpu.vector_store %arg9[%parallel_loop3A_200, %parallel_loop3A_201], %parallel_loop3A_198 {strides = array<i32>} : memref<8x2048xf32, #tpu.memory_space<vmem>>, vector<16xf32>,
      %parallel_loop3A_203 = arith.constant 2 : i32
      %parallel_loop3A_204 = arith.index_cast %parallel_loop3A_203 : i32 to index
      %parallel_loop3A_205 = arith.index_cast %parallel_loop3A_184 : i32 to index
      %parallel_loop3A_206 = tpu.vector_load %arg7[%parallel_loop3A_204, %parallel_loop3A_205] {strides = array<i32>} : memref<8x2048xi32, #tpu.memory_space<vmem>>, vector<16xi32>,
      %parallel_loop3A_207 = tpu.vector_load_idx %arg5[%parallel_loop3A_206] : memref<10000xf32, #tpu.memory_space<vmem>>[vector<16xi32>], vector<16xf32>,
      %parallel_loop3A_208 = arith.constant 2 : i32
      %parallel_loop3A_209 = arith.index_cast %parallel_loop3A_208 : i32 to index
      %parallel_loop3A_210 = arith.index_cast %parallel_loop3A_184 : i32 to index
      %parallel_loop3A_211 = tpu.vector_load %arg9[%parallel_loop3A_209, %parallel_loop3A_210] {strides = array<i32>} : memref<8x2048xf32, #tpu.memory_space<vmem>>, vector<16xf32>,
      tpu.vector_store %arg9[%parallel_loop3A_209, %parallel_loop3A_210], %parallel_loop3A_207 {strides = array<i32>} : memref<8x2048xf32, #tpu.memory_space<vmem>>, vector<16xf32>,
      %parallel_loop3A_212 = arith.constant 3 : i32
      %parallel_loop3A_213 = arith.index_cast %parallel_loop3A_212 : i32 to index
      %parallel_loop3A_214 = arith.index_cast %parallel_loop3A_184 : i32 to index
      %parallel_loop3A_215 = tpu.vector_load %arg7[%parallel_loop3A_213, %parallel_loop3A_214] {strides = array<i32>} : memref<8x2048xi32, #tpu.memory_space<vmem>>, vector<16xi32>,
      %parallel_loop3A_216 = tpu.vector_load_idx %arg5[%parallel_loop3A_215] : memref<10000xf32, #tpu.memory_space<vmem>>[vector<16xi32>], vector<16xf32>,
      %parallel_loop3A_217 = arith.constant 3 : i32
      %parallel_loop3A_218 = arith.index_cast %parallel_loop3A_217 : i32 to index
      %parallel_loop3A_219 = arith.index_cast %parallel_loop3A_184 : i32 to index
      %parallel_loop3A_220 = tpu.vector_load %arg9[%parallel_loop3A_218, %parallel_loop3A_219] {strides = array<i32>} : memref<8x2048xf32, #tpu.memory_space<vmem>>, vector<16xf32>,
      tpu.vector_store %arg9[%parallel_loop3A_218, %parallel_loop3A_219], %parallel_loop3A_216 {strides = array<i32>} : memref<8x2048xf32, #tpu.memory_space<vmem>>, vector<16xf32>,
      %parallel_loop3A_221 = arith.constant 4 : i32
      %parallel_loop3A_222 = arith.index_cast %parallel_loop3A_221 : i32 to index
      %parallel_loop3A_223 = arith.index_cast %parallel_loop3A_184 : i32 to index
      %parallel_loop3A_224 = tpu.vector_load %arg7[%parallel_loop3A_222, %parallel_loop3A_223] {strides = array<i32>} : memref<8x2048xi32, #tpu.memory_space<vmem>>, vector<16xi32>,
      %parallel_loop3A_225 = tpu.vector_load_idx %arg5[%parallel_loop3A_224] : memref<10000xf32, #tpu.memory_space<vmem>>[vector<16xi32>], vector<16xf32>,
      %parallel_loop3A_226 = arith.constant 4 : i32
      %parallel_loop3A_227 = arith.index_cast %parallel_loop3A_226 : i32 to index
      %parallel_loop3A_228 = arith.index_cast %parallel_loop3A_184 : i32 to index
      %parallel_loop3A_229 = tpu.vector_load %arg9[%parallel_loop3A_227, %parallel_loop3A_228] {strides = array<i32>} : memref<8x2048xf32, #tpu.memory_space<vmem>>, vector<16xf32>,
      tpu.vector_store %arg9[%parallel_loop3A_227, %parallel_loop3A_228], %parallel_loop3A_225 {strides = array<i32>} : memref<8x2048xf32, #tpu.memory_space<vmem>>, vector<16xf32>,
      %parallel_loop3A_230 = arith.constant 5 : i32
      %parallel_loop3A_231 = arith.index_cast %parallel_loop3A_230 : i32 to index
      %parallel_loop3A_232 = arith.index_cast %parallel_loop3A_184 : i32 to index
      %parallel_loop3A_233 = tpu.vector_load %arg7[%parallel_loop3A_231, %parallel_loop3A_232] {strides = array<i32>} : memref<8x2048xi32, #tpu.memory_space<vmem>>, vector<16xi32>,
      %parallel_loop3A_234 = tpu.vector_load_idx %arg5[%parallel_loop3A_233] : memref<10000xf32, #tpu.memory_space<vmem>>[vector<16xi32>], vector<16xf32>,
      %parallel_loop3A_235 = arith.constant 5 : i32
      %parallel_loop3A_236 = arith.index_cast %parallel_loop3A_235 : i32 to index
      %parallel_loop3A_237 = arith.index_cast %parallel_loop3A_184 : i32 to index
      %parallel_loop3A_238 = tpu.vector_load %arg9[%parallel_loop3A_236, %parallel_loop3A_237] {strides = array<i32>} : memref<8x2048xf32, #tpu.memory_space<vmem>>, vector<16xf32>,
      tpu.vector_store %arg9[%parallel_loop3A_236, %parallel_loop3A_237], %parallel_loop3A_234 {strides = array<i32>} : memref<8x2048xf32, #tpu.memory_space<vmem>>, vector<16xf32>,
      %parallel_loop3A_239 = arith.constant 6 : i32
      %parallel_loop3A_240 = arith.index_cast %parallel_loop3A_239 : i32 to index
      %parallel_loop3A_241 = arith.index_cast %parallel_loop3A_184 : i32 to index
      %parallel_loop3A_242 = tpu.vector_load %arg7[%parallel_loop3A_240, %parallel_loop3A_241] {strides = array<i32>} : memref<8x2048xi32, #tpu.memory_space<vmem>>, vector<16xi32>,
      %parallel_loop3A_243 = tpu.vector_load_idx %arg5[%parallel_loop3A_242] : memref<10000xf32, #tpu.memory_space<vmem>>[vector<16xi32>], vector<16xf32>,
      %parallel_loop3A_244 = arith.constant 6 : i32
      %parallel_loop3A_245 = arith.index_cast %parallel_loop3A_244 : i32 to index
      %parallel_loop3A_246 = arith.index_cast %parallel_loop3A_184 : i32 to index
      %parallel_loop3A_247 = tpu.vector_load %arg9[%parallel_loop3A_245, %parallel_loop3A_246] {strides = array<i32>} : memref<8x2048xf32, #tpu.memory_space<vmem>>, vector<16xf32>,
      tpu.vector_store %arg9[%parallel_loop3A_245, %parallel_loop3A_246], %parallel_loop3A_243 {strides = array<i32>} : memref<8x2048xf32, #tpu.memory_space<vmem>>, vector<16xf32>,
      %parallel_loop3A_248 = arith.constant 7 : i32
      %parallel_loop3A_249 = arith.index_cast %parallel_loop3A_248 : i32 to index
      %parallel_loop3A_250 = arith.index_cast %parallel_loop3A_184 : i32 to index
      %parallel_loop3A_251 = tpu.vector_load %arg7[%parallel_loop3A_249, %parallel_loop3A_250] {strides = array<i32>} : memref<8x2048xi32, #tpu.memory_space<vmem>>, vector<16xi32>,
      %parallel_loop3A_252 = tpu.vector_load_idx %arg5[%parallel_loop3A_251] : memref<10000xf32, #tpu.memory_space<vmem>>[vector<16xi32>], vector<16xf32>,
      %parallel_loop3A_253 = arith.constant 7 : i32
      %parallel_loop3A_254 = arith.index_cast %parallel_loop3A_253 : i32 to index
      %parallel_loop3A_255 = arith.index_cast %parallel_loop3A_184 : i32 to index
      %parallel_loop3A_256 = tpu.vector_load %arg9[%parallel_loop3A_254, %parallel_loop3A_255] {strides = array<i32>} : memref<8x2048xf32, #tpu.memory_space<vmem>>, vector<16xf32>,
      tpu.vector_store %arg9[%parallel_loop3A_254, %parallel_loop3A_255], %parallel_loop3A_252 {strides = array<i32>} : memref<8x2048xf32, #tpu.memory_space<vmem>>, vector<16xf32>,
    } {sc.loop_unroll_factor = 4 : i64, sc.parallel_access}
    %add3A_38 = arith.constant 8 : i32
    %add3A_39 = arith.addi %mul3A_2, %add3A_38 : i32
    %dma_start3A_40 = arith.constant 0 : i32
    %dma_start3A_41 = tpu.memref_slice %arg4[%add3A_39, %dma_start3A_40] : memref<2048x2048xf32, #tpu.memory_space<hbm>> -> memref<8x2048xf32, #tpu.memory_space<hbm>>
    %dma_start3A_42 = arith.constant 0 : i32
    %dma_start3A_43 = tpu.memref_slice %arg4[%add3A_39, %dma_start3A_42] : memref<2048x2048xf32, #tpu.memory_space<hbm>> -> memref<8x2048xf32, #tpu.memory_space<hbm>>
    tpu.enqueue_dma source(%arg9 : memref<8x2048xf32, #tpu.memory_space<vmem>>) target(%dma_start3A_43 : memref<8x2048xf32, #tpu.memory_space<hbm>>) target_semaphore(%arg13 : memref<!tpu.dma_semaphore, #tpu.memory_space<semaphore_mem>>)
    %add3A_44 = arith.constant 24 : i32
    %add3A_45 = arith.addi %mul3A_2, %add3A_44 : i32
    %dma_start3A_46 = arith.constant 0 : i32
    %dma_start3A_47 = tpu.memref_slice %arg3[%add3A_45, %dma_start3A_46] : memref<2048x2048xi32, #tpu.memory_space<hbm>> -> memref<8x2048xi32, #tpu.memory_space<hbm>>
    %dma_start3A_48 = arith.constant 0 : i32
    %dma_start3A_49 = tpu.memref_slice %arg3[%add3A_45, %dma_start3A_48] : memref<2048x2048xi32, #tpu.memory_space<hbm>> -> memref<8x2048xi32, #tpu.memory_space<hbm>>
    tpu.enqueue_dma source(%dma_start3A_49 : memref<8x2048xi32, #tpu.memory_space<hbm>>) target(%arg7 : memref<8x2048xi32, #tpu.memory_space<vmem>>) target_semaphore(%arg11 : memref<!tpu.dma_semaphore, #tpu.memory_space<semaphore_mem>>)
    %dma_wait3A_50 = arith.constant 0 : i32
    %dma_wait3A_51 = tpu.memref_slice %arg3[%add3A_26, %dma_wait3A_50] : memref<2048x2048xi32, #tpu.memory_space<hbm>> -> memref<8x2048xi32, #tpu.memory_space<hbm>>
    %dma_wait3A_52 = arith.constant 0 : i32
    %dma_wait3A_53 = tpu.memref_slice %arg3[%add3A_26, %dma_wait3A_52] : memref<2048x2048xi32, #tpu.memory_space<hbm>> -> memref<8x2048xi32, #tpu.memory_space<hbm>>
    tpu.wait_dma2 semaphore(%arg10 : memref<!tpu.dma_semaphore, #tpu.memory_space<semaphore_mem>>) src(%dma_wait3A_53 : memref<8x2048xi32, #tpu.memory_space<hbm>>) dst(%arg6 : memref<8x2048xi32, #tpu.memory_space<vmem>>)
    %dma_wait3A_54 = arith.constant 0 : i32
    %dma_wait3A_55 = tpu.memref_slice %arg4[%add3A_20, %dma_wait3A_54] : memref<2048x2048xf32, #tpu.memory_space<hbm>> -> memref<8x2048xf32, #tpu.memory_space<hbm>>
    %dma_wait3A_56 = arith.constant 0 : i32
    %dma_wait3A_57 = tpu.memref_slice %arg4[%add3A_20, %dma_wait3A_56] : memref<2048x2048xf32, #tpu.memory_space<hbm>> -> memref<8x2048xf32, #tpu.memory_space<hbm>>
    tpu.wait_dma2 semaphore(%arg12 : memref<!tpu.dma_semaphore, #tpu.memory_space<semaphore_mem>>) src(%arg8 : memref<8x2048xf32, #tpu.memory_space<vmem>>) dst(%dma_wait3A_57 : memref<8x2048xf32, #tpu.memory_space<hbm>>)
    %parallel_loop3A_58 = arith.constant 0 : i32
    %parallel_loop3A_59 = arith.constant 2048 : i32
    %parallel_loop3A_60 = arith.constant 16 : i32
    scf.for %parallel_loop3A_184 = %parallel_loop3A_58 to %parallel_loop3A_59 step %parallel_loop3A_60  : i32 {
      %parallel_loop3A_185 = arith.constant 0 : i32
      %parallel_loop3A_186 = arith.index_cast %parallel_loop3A_185 : i32 to index
      %parallel_loop3A_187 = arith.index_cast %parallel_loop3A_184 : i32 to index
      %parallel_loop3A_188 = tpu.vector_load %arg6[%parallel_loop3A_186, %parallel_loop3A_187] {strides = array<i32>} : memref<8x2048xi32, #tpu.memory_space<vmem>>, vector<16xi32>,
      %parallel_loop3A_189 = tpu.vector_load_idx %arg5[%parallel_loop3A_188] : memref<10000xf32, #tpu.memory_space<vmem>>[vector<16xi32>], vector<16xf32>,
      %parallel_loop3A_190 = arith.constant 0 : i32
      %parallel_loop3A_191 = arith.index_cast %parallel_loop3A_190 : i32 to index
      %parallel_loop3A_192 = arith.index_cast %parallel_loop3A_184 : i32 to index
      %parallel_loop3A_193 = tpu.vector_load %arg8[%parallel_loop3A_191, %parallel_loop3A_192] {strides = array<i32>} : memref<8x2048xf32, #tpu.memory_space<vmem>>, vector<16xf32>,
      tpu.vector_store %arg8[%parallel_loop3A_191, %parallel_loop3A_192], %parallel_loop3A_189 {strides = array<i32>} : memref<8x2048xf32, #tpu.memory_space<vmem>>, vector<16xf32>,
      %parallel_loop3A_194 = arith.constant 1 : i32
      %parallel_loop3A_195 = arith.index_cast %parallel_loop3A_194 : i32 to index
      %parallel_loop3A_196 = arith.index_cast %parallel_loop3A_184 : i32 to index
      %parallel_loop3A_197 = tpu.vector_load %arg6[%parallel_loop3A_195, %parallel_loop3A_196] {strides = array<i32>} : memref<8x2048xi32, #tpu.memory_space<vmem>>, vector<16xi32>,
      %parallel_loop3A_198 = tpu.vector_load_idx %arg5[%parallel_loop3A_197] : memref<10000xf32, #tpu.memory_space<vmem>>[vector<16xi32>], vector<16xf32>,
      %parallel_loop3A_199 = arith.constant 1 : i32
      %parallel_loop3A_200 = arith.index_cast %parallel_loop3A_199 : i32 to index
      %parallel_loop3A_201 = arith.index_cast %parallel_loop3A_184 : i32 to index
      %parallel_loop3A_202 = tpu.vector_load %arg8[%parallel_loop3A_200, %parallel_loop3A_201] {strides = array<i32>} : memref<8x2048xf32, #tpu.memory_space<vmem>>, vector<16xf32>,
      tpu.vector_store %arg8[%parallel_loop3A_200, %parallel_loop3A_201], %parallel_loop3A_198 {strides = array<i32>} : memref<8x2048xf32, #tpu.memory_space<vmem>>, vector<16xf32>,
      %parallel_loop3A_203 = arith.constant 2 : i32
      %parallel_loop3A_204 = arith.index_cast %parallel_loop3A_203 : i32 to index
      %parallel_loop3A_205 = arith.index_cast %parallel_loop3A_184 : i32 to index
      %parallel_loop3A_206 = tpu.vector_load %arg6[%parallel_loop3A_204, %parallel_loop3A_205] {strides = array<i32>} : memref<8x2048xi32, #tpu.memory_space<vmem>>, vector<16xi32>,
      %parallel_loop3A_207 = tpu.vector_load_idx %arg5[%parallel_loop3A_206] : memref<10000xf32, #tpu.memory_space<vmem>>[vector<16xi32>], vector<16xf32>,
      %parallel_loop3A_208 = arith.constant 2 : i32
      %parallel_loop3A_209 = arith.index_cast %parallel_loop3A_208 : i32 to index
      %parallel_loop3A_210 = arith.index_cast %parallel_loop3A_184 : i32 to index
      %parallel_loop3A_211 = tpu.vector_load %arg8[%parallel_loop3A_209, %parallel_loop3A_210] {strides = array<i32>} : memref<8x2048xf32, #tpu.memory_space<vmem>>, vector<16xf32>,
      tpu.vector_store %arg8[%parallel_loop3A_209, %parallel_loop3A_210], %parallel_loop3A_207 {strides = array<i32>} : memref<8x2048xf32, #tpu.memory_space<vmem>>, vector<16xf32>,
      %parallel_loop3A_212 = arith.constant 3 : i32
      %parallel_loop3A_213 = arith.index_cast %parallel_loop3A_212 : i32 to index
      %parallel_loop3A_214 = arith.index_cast %parallel_loop3A_184 : i32 to index
      %parallel_loop3A_215 = tpu.vector_load %arg6[%parallel_loop3A_213, %parallel_loop3A_214] {strides = array<i32>} : memref<8x2048xi32, #tpu.memory_space<vmem>>, vector<16xi32>,
      %parallel_loop3A_216 = tpu.vector_load_idx %arg5[%parallel_loop3A_215] : memref<10000xf32, #tpu.memory_space<vmem>>[vector<16xi32>], vector<16xf32>,
      %parallel_loop3A_217 = arith.constant 3 : i32
      %parallel_loop3A_218 = arith.index_cast %parallel_loop3A_217 : i32 to index
      %parallel_loop3A_219 = arith.index_cast %parallel_loop3A_184 : i32 to index
      %parallel_loop3A_220 = tpu.vector_load %arg8[%parallel_loop3A_218, %parallel_loop3A_219] {strides = array<i32>} : memref<8x2048xf32, #tpu.memory_space<vmem>>, vector<16xf32>,
      tpu.vector_store %arg8[%parallel_loop3A_218, %parallel_loop3A_219], %parallel_loop3A_216 {strides = array<i32>} : memref<8x2048xf32, #tpu.memory_space<vmem>>, vector<16xf32>,
      %parallel_loop3A_221 = arith.constant 4 : i32
      %parallel_loop3A_222 = arith.index_cast %parallel_loop3A_221 : i32 to index
      %parallel_loop3A_223 = arith.index_cast %parallel_loop3A_184 : i32 to index
      %parallel_loop3A_224 = tpu.vector_load %arg6[%parallel_loop3A_222, %parallel_loop3A_223] {strides = array<i32>} : memref<8x2048xi32, #tpu.memory_space<vmem>>, vector<16xi32>,
      %parallel_loop3A_225 = tpu.vector_load_idx %arg5[%parallel_loop3A_224] : memref<10000xf32, #tpu.memory_space<vmem>>[vector<16xi32>], vector<16xf32>,
      %parallel_loop3A_226 = arith.constant 4 : i32
      %parallel_loop3A_227 = arith.index_cast %parallel_loop3A_226 : i32 to index
      %parallel_loop3A_228 = arith.index_cast %parallel_loop3A_184 : i32 to index
      %parallel_loop3A_229 = tpu.vector_load %arg8[%parallel_loop3A_227, %parallel_loop3A_228] {strides = array<i32>} : memref<8x2048xf32, #tpu.memory_space<vmem>>, vector<16xf32>,
      tpu.vector_store %arg8[%parallel_loop3A_227, %parallel_loop3A_228], %parallel_loop3A_225 {strides = array<i32>} : memref<8x2048xf32, #tpu.memory_space<vmem>>, vector<16xf32>,
      %parallel_loop3A_230 = arith.constant 5 : i32
      %parallel_loop3A_231 = arith.index_cast %parallel_loop3A_230 : i32 to index
      %parallel_loop3A_232 = arith.index_cast %parallel_loop3A_184 : i32 to index
      %parallel_loop3A_233 = tpu.vector_load %arg6[%parallel_loop3A_231, %parallel_loop3A_232] {strides = array<i32>} : memref<8x2048xi32, #tpu.memory_space<vmem>>, vector<16xi32>,
      %parallel_loop3A_234 = tpu.vector_load_idx %arg5[%parallel_loop3A_233] : memref<10000xf32, #tpu.memory_space<vmem>>[vector<16xi32>], vector<16xf32>,
      %parallel_loop3A_235 = arith.constant 5 : i32
      %parallel_loop3A_236 = arith.index_cast %parallel_loop3A_235 : i32 to index
      %parallel_loop3A_237 = arith.index_cast %parallel_loop3A_184 : i32 to index
      %parallel_loop3A_238 = tpu.vector_load %arg8[%parallel_loop3A_236, %parallel_loop3A_237] {strides = array<i32>} : memref<8x2048xf32, #tpu.memory_space<vmem>>, vector<16xf32>,
      tpu.vector_store %arg8[%parallel_loop3A_236, %parallel_loop3A_237], %parallel_loop3A_234 {strides = array<i32>} : memref<8x2048xf32, #tpu.memory_space<vmem>>, vector<16xf32>,
      %parallel_loop3A_239 = arith.constant 6 : i32
      %parallel_loop3A_240 = arith.index_cast %parallel_loop3A_239 : i32 to index
      %parallel_loop3A_241 = arith.index_cast %parallel_loop3A_184 : i32 to index
      %parallel_loop3A_242 = tpu.vector_load %arg6[%parallel_loop3A_240, %parallel_loop3A_241] {strides = array<i32>} : memref<8x2048xi32, #tpu.memory_space<vmem>>, vector<16xi32>,
      %parallel_loop3A_243 = tpu.vector_load_idx %arg5[%parallel_loop3A_242] : memref<10000xf32, #tpu.memory_space<vmem>>[vector<16xi32>], vector<16xf32>,
      %parallel_loop3A_244 = arith.constant 6 : i32
      %parallel_loop3A_245 = arith.index_cast %parallel_loop3A_244 : i32 to index
      %parallel_loop3A_246 = arith.index_cast %parallel_loop3A_184 : i32 to index
      %parallel_loop3A_247 = tpu.vector_load %arg8[%parallel_loop3A_245, %parallel_loop3A_246] {strides = array<i32>} : memref<8x2048xf32, #tpu.memory_space<vmem>>, vector<16xf32>,
      tpu.vector_store %arg8[%parallel_loop3A_245, %parallel_loop3A_246], %parallel_loop3A_243 {strides = array<i32>} : memref<8x2048xf32, #tpu.memory_space<vmem>>, vector<16xf32>,
      %parallel_loop3A_248 = arith.constant 7 : i32
      %parallel_loop3A_249 = arith.index_cast %parallel_loop3A_248 : i32 to index
      %parallel_loop3A_250 = arith.index_cast %parallel_loop3A_184 : i32 to index
      %parallel_loop3A_251 = tpu.vector_load %arg6[%parallel_loop3A_249, %parallel_loop3A_250] {strides = array<i32>} : memref<8x2048xi32, #tpu.memory_space<vmem>>, vector<16xi32>,
      %parallel_loop3A_252 = tpu.vector_load_idx %arg5[%parallel_loop3A_251] : memref<10000xf32, #tpu.memory_space<vmem>>[vector<16xi32>], vector<16xf32>,
      %parallel_loop3A_253 = arith.constant 7 : i32
      %parallel_loop3A_254 = arith.index_cast %parallel_loop3A_253 : i32 to index
      %parallel_loop3A_255 = arith.index_cast %parallel_loop3A_184 : i32 to index
      %parallel_loop3A_256 = tpu.vector_load %arg8[%parallel_loop3A_254, %parallel_loop3A_255] {strides = array<i32>} : memref<8x2048xf32, #tpu.memory_space<vmem>>, vector<16xf32>,
      tpu.vector_store %arg8[%parallel_loop3A_254, %parallel_loop3A_255], %parallel_loop3A_252 {strides = array<i32>} : memref<8x2048xf32, #tpu.memory_space<vmem>>, vector<16xf32>,
    } {sc.loop_unroll_factor = 4 : i64, sc.parallel_access}
    %add3A_61 = arith.constant 16 : i32
    %add3A_62 = arith.addi %mul3A_2, %add3A_61 : i32
    %dma_start3A_63 = arith.constant 0 : i32
    %dma_start3A_64 = tpu.memref_slice %arg4[%add3A_62, %dma_start3A_63] : memref<2048x2048xf32, #tpu.memory_space<hbm>> -> memref<8x2048xf32, #tpu.memory_space<hbm>>
    %dma_start3A_65 = arith.constant 0 : i32
    %dma_start3A_66 = tpu.memref_slice %arg4[%add3A_62, %dma_start3A_65] : memref<2048x2048xf32, #tpu.memory_space<hbm>> -> memref<8x2048xf32, #tpu.memory_space<hbm>>
    tpu.enqueue_dma source(%arg8 : memref<8x2048xf32, #tpu.memory_space<vmem>>) target(%dma_start3A_66 : memref<8x2048xf32, #tpu.memory_space<hbm>>) target_semaphore(%arg12 : memref<!tpu.dma_semaphore, #tpu.memory_space<semaphore_mem>>)
    %add3A_67 = arith.constant 32 : i32
    %add3A_68 = arith.addi %mul3A_2, %add3A_67 : i32
    %dma_start3A_69 = arith.constant 0 : i32
    %dma_start3A_70 = tpu.memref_slice %arg3[%add3A_68, %dma_start3A_69] : memref<2048x2048xi32, #tpu.memory_space<hbm>> -> memref<8x2048xi32, #tpu.memory_space<hbm>>
    %dma_start3A_71 = arith.constant 0 : i32
    %dma_start3A_72 = tpu.memref_slice %arg3[%add3A_68, %dma_start3A_71] : memref<2048x2048xi32, #tpu.memory_space<hbm>> -> memref<8x2048xi32, #tpu.memory_space<hbm>>
    tpu.enqueue_dma source(%dma_start3A_72 : memref<8x2048xi32, #tpu.memory_space<hbm>>) target(%arg6 : memref<8x2048xi32, #tpu.memory_space<vmem>>) target_semaphore(%arg10 : memref<!tpu.dma_semaphore, #tpu.memory_space<semaphore_mem>>)
    %dma_wait3A_73 = arith.constant 0 : i32
    %dma_wait3A_74 = tpu.memref_slice %arg3[%add3A_45, %dma_wait3A_73] : memref<2048x2048xi32, #tpu.memory_space<hbm>> -> memref<8x2048xi32, #tpu.memory_space<hbm>>
    %dma_wait3A_75 = arith.constant 0 : i32
    %dma_wait3A_76 = tpu.memref_slice %arg3[%add3A_45, %dma_wait3A_75] : memref<2048x2048xi32, #tpu.memory_space<hbm>> -> memref<8x2048xi32, #tpu.memory_space<hbm>>
    tpu.wait_dma2 semaphore(%arg11 : memref<!tpu.dma_semaphore, #tpu.memory_space<semaphore_mem>>) src(%dma_wait3A_76 : memref<8x2048xi32, #tpu.memory_space<hbm>>) dst(%arg7 : memref<8x2048xi32, #tpu.memory_space<vmem>>)
    %dma_wait3A_77 = arith.constant 0 : i32
    %dma_wait3A_78 = tpu.memref_slice %arg4[%add3A_39, %dma_wait3A_77] : memref<2048x2048xf32, #tpu.memory_space<hbm>> -> memref<8x2048xf32, #tpu.memory_space<hbm>>
    %dma_wait3A_79 = arith.constant 0 : i32
    %dma_wait3A_80 = tpu.memref_slice %arg4[%add3A_39, %dma_wait3A_79] : memref<2048x2048xf32, #tpu.memory_space<hbm>> -> memref<8x2048xf32, #tpu.memory_space<hbm>>
    tpu.wait_dma2 semaphore(%arg13 : memref<!tpu.dma_semaphore, #tpu.memory_space<semaphore_mem>>) src(%arg9 : memref<8x2048xf32, #tpu.memory_space<vmem>>) dst(%dma_wait3A_80 : memref<8x2048xf32, #tpu.memory_space<hbm>>)
    %parallel_loop3A_81 = arith.constant 0 : i32
    %parallel_loop3A_82 = arith.constant 2048 : i32
    %parallel_loop3A_83 = arith.constant 16 : i32
    scf.for %parallel_loop3A_184 = %parallel_loop3A_81 to %parallel_loop3A_82 step %parallel_loop3A_83  : i32 {
      %parallel_loop3A_185 = arith.constant 0 : i32
      %parallel_loop3A_186 = arith.index_cast %parallel_loop3A_185 : i32 to index
      %parallel_loop3A_187 = arith.index_cast %parallel_loop3A_184 : i32 to index
      %parallel_loop3A_188 = tpu.vector_load %arg7[%parallel_loop3A_186, %parallel_loop3A_187] {strides = array<i32>} : memref<8x2048xi32, #tpu.memory_space<vmem>>, vector<16xi32>,
      %parallel_loop3A_189 = tpu.vector_load_idx %arg5[%parallel_loop3A_188] : memref<10000xf32, #tpu.memory_space<vmem>>[vector<16xi32>], vector<16xf32>,
      %parallel_loop3A_190 = arith.constant 0 : i32
      %parallel_loop3A_191 = arith.index_cast %parallel_loop3A_190 : i32 to index
      %parallel_loop3A_192 = arith.index_cast %parallel_loop3A_184 : i32 to index
      %parallel_loop3A_193 = tpu.vector_load %arg9[%parallel_loop3A_191, %parallel_loop3A_192] {strides = array<i32>} : memref<8x2048xf32, #tpu.memory_space<vmem>>, vector<16xf32>,
      tpu.vector_store %arg9[%parallel_loop3A_191, %parallel_loop3A_192], %parallel_loop3A_189 {strides = array<i32>} : memref<8x2048xf32, #tpu.memory_space<vmem>>, vector<16xf32>,
      %parallel_loop3A_194 = arith.constant 1 : i32
      %parallel_loop3A_195 = arith.index_cast %parallel_loop3A_194 : i32 to index
      %parallel_loop3A_196 = arith.index_cast %parallel_loop3A_184 : i32 to index
      %parallel_loop3A_197 = tpu.vector_load %arg7[%parallel_loop3A_195, %parallel_loop3A_196] {strides = array<i32>} : memref<8x2048xi32, #tpu.memory_space<vmem>>, vector<16xi32>,
      %parallel_loop3A_198 = tpu.vector_load_idx %arg5[%parallel_loop3A_197] : memref<10000xf32, #tpu.memory_space<vmem>>[vector<16xi32>], vector<16xf32>,
      %parallel_loop3A_199 = arith.constant 1 : i32
      %parallel_loop3A_200 = arith.index_cast %parallel_loop3A_199 : i32 to index
      %parallel_loop3A_201 = arith.index_cast %parallel_loop3A_184 : i32 to index
      %parallel_loop3A_202 = tpu.vector_load %arg9[%parallel_loop3A_200, %parallel_loop3A_201] {strides = array<i32>} : memref<8x2048xf32, #tpu.memory_space<vmem>>, vector<16xf32>,
      tpu.vector_store %arg9[%parallel_loop3A_200, %parallel_loop3A_201], %parallel_loop3A_198 {strides = array<i32>} : memref<8x2048xf32, #tpu.memory_space<vmem>>, vector<16xf32>,
      %parallel_loop3A_203 = arith.constant 2 : i32
      %parallel_loop3A_204 = arith.index_cast %parallel_loop3A_203 : i32 to index
      %parallel_loop3A_205 = arith.index_cast %parallel_loop3A_184 : i32 to index
      %parallel_loop3A_206 = tpu.vector_load %arg7[%parallel_loop3A_204, %parallel_loop3A_205] {strides = array<i32>} : memref<8x2048xi32, #tpu.memory_space<vmem>>, vector<16xi32>,
      %parallel_loop3A_207 = tpu.vector_load_idx %arg5[%parallel_loop3A_206] : memref<10000xf32, #tpu.memory_space<vmem>>[vector<16xi32>], vector<16xf32>,
      %parallel_loop3A_208 = arith.constant 2 : i32
      %parallel_loop3A_209 = arith.index_cast %parallel_loop3A_208 : i32 to index
      %parallel_loop3A_210 = arith.index_cast %parallel_loop3A_184 : i32 to index
      %parallel_loop3A_211 = tpu.vector_load %arg9[%parallel_loop3A_209, %parallel_loop3A_210] {strides = array<i32>} : memref<8x2048xf32, #tpu.memory_space<vmem>>, vector<16xf32>,
      tpu.vector_store %arg9[%parallel_loop3A_209, %parallel_loop3A_210], %parallel_loop3A_207 {strides = array<i32>} : memref<8x2048xf32, #tpu.memory_space<vmem>>, vector<16xf32>,
      %parallel_loop3A_212 = arith.constant 3 : i32
      %parallel_loop3A_213 = arith.index_cast %parallel_loop3A_212 : i32 to index
      %parallel_loop3A_214 = arith.index_cast %parallel_loop3A_184 : i32 to index
      %parallel_loop3A_215 = tpu.vector_load %arg7[%parallel_loop3A_213, %parallel_loop3A_214] {strides = array<i32>} : memref<8x2048xi32, #tpu.memory_space<vmem>>, vector<16xi32>,
      %parallel_loop3A_216 = tpu.vector_load_idx %arg5[%parallel_loop3A_215] : memref<10000xf32, #tpu.memory_space<vmem>>[vector<16xi32>], vector<16xf32>,
      %parallel_loop3A_217 = arith.constant 3 : i32
      %parallel_loop3A_218 = arith.index_cast %parallel_loop3A_217 : i32 to index
      %parallel_loop3A_219 = arith.index_cast %parallel_loop3A_184 : i32 to index
      %parallel_loop3A_220 = tpu.vector_load %arg9[%parallel_loop3A_218, %parallel_loop3A_219] {strides = array<i32>} : memref<8x2048xf32, #tpu.memory_space<vmem>>, vector<16xf32>,
      tpu.vector_store %arg9[%parallel_loop3A_218, %parallel_loop3A_219], %parallel_loop3A_216 {strides = array<i32>} : memref<8x2048xf32, #tpu.memory_space<vmem>>, vector<16xf32>,
      %parallel_loop3A_221 = arith.constant 4 : i32
      %parallel_loop3A_222 = arith.index_cast %parallel_loop3A_221 : i32 to index
      %parallel_loop3A_223 = arith.index_cast %parallel_loop3A_184 : i32 to index
      %parallel_loop3A_224 = tpu.vector_load %arg7[%parallel_loop3A_222, %parallel_loop3A_223] {strides = array<i32>} : memref<8x2048xi32, #tpu.memory_space<vmem>>, vector<16xi32>,
      %parallel_loop3A_225 = tpu.vector_load_idx %arg5[%parallel_loop3A_224] : memref<10000xf32, #tpu.memory_space<vmem>>[vector<16xi32>], vector<16xf32>,
      %parallel_loop3A_226 = arith.constant 4 : i32
      %parallel_loop3A_227 = arith.index_cast %parallel_loop3A_226 : i32 to index
      %parallel_loop3A_228 = arith.index_cast %parallel_loop3A_184 : i32 to index
      %parallel_loop3A_229 = tpu.vector_load %arg9[%parallel_loop3A_227, %parallel_loop3A_228] {strides = array<i32>} : memref<8x2048xf32, #tpu.memory_space<vmem>>, vector<16xf32>,
      tpu.vector_store %arg9[%parallel_loop3A_227, %parallel_loop3A_228], %parallel_loop3A_225 {strides = array<i32>} : memref<8x2048xf32, #tpu.memory_space<vmem>>, vector<16xf32>,
      %parallel_loop3A_230 = arith.constant 5 : i32
      %parallel_loop3A_231 = arith.index_cast %parallel_loop3A_230 : i32 to index
      %parallel_loop3A_232 = arith.index_cast %parallel_loop3A_184 : i32 to index
      %parallel_loop3A_233 = tpu.vector_load %arg7[%parallel_loop3A_231, %parallel_loop3A_232] {strides = array<i32>} : memref<8x2048xi32, #tpu.memory_space<vmem>>, vector<16xi32>,
      %parallel_loop3A_234 = tpu.vector_load_idx %arg5[%parallel_loop3A_233] : memref<10000xf32, #tpu.memory_space<vmem>>[vector<16xi32>], vector<16xf32>,
      %parallel_loop3A_235 = arith.constant 5 : i32
      %parallel_loop3A_236 = arith.index_cast %parallel_loop3A_235 : i32 to index
      %parallel_loop3A_237 = arith.index_cast %parallel_loop3A_184 : i32 to index
      %parallel_loop3A_238 = tpu.vector_load %arg9[%parallel_loop3A_236, %parallel_loop3A_237] {strides = array<i32>} : memref<8x2048xf32, #tpu.memory_space<vmem>>, vector<16xf32>,
      tpu.vector_store %arg9[%parallel_loop3A_236, %parallel_loop3A_237], %parallel_loop3A_234 {strides = array<i32>} : memref<8x2048xf32, #tpu.memory_space<vmem>>, vector<16xf32>,
      %parallel_loop3A_239 = arith.constant 6 : i32
      %parallel_loop3A_240 = arith.index_cast %parallel_loop3A_239 : i32 to index
      %parallel_loop3A_241 = arith.index_cast %parallel_loop3A_184 : i32 to index
      %parallel_loop3A_242 = tpu.vector_load %arg7[%parallel_loop3A_240, %parallel_loop3A_241] {strides = array<i32>} : memref<8x2048xi32, #tpu.memory_space<vmem>>, vector<16xi32>,
      %parallel_loop3A_243 = tpu.vector_load_idx %arg5[%parallel_loop3A_242] : memref<10000xf32, #tpu.memory_space<vmem>>[vector<16xi32>], vector<16xf32>,
      %parallel_loop3A_244 = arith.constant 6 : i32
      %parallel_loop3A_245 = arith.index_cast %parallel_loop3A_244 : i32 to index
      %parallel_loop3A_246 = arith.index_cast %parallel_loop3A_184 : i32 to index
      %parallel_loop3A_247 = tpu.vector_load %arg9[%parallel_loop3A_245, %parallel_loop3A_246] {strides = array<i32>} : memref<8x2048xf32, #tpu.memory_space<vmem>>, vector<16xf32>,
      tpu.vector_store %arg9[%parallel_loop3A_245, %parallel_loop3A_246], %parallel_loop3A_243 {strides = array<i32>} : memref<8x2048xf32, #tpu.memory_space<vmem>>, vector<16xf32>,
      %parallel_loop3A_248 = arith.constant 7 : i32
      %parallel_loop3A_249 = arith.index_cast %parallel_loop3A_248 : i32 to index
      %parallel_loop3A_250 = arith.index_cast %parallel_loop3A_184 : i32 to index
      %parallel_loop3A_251 = tpu.vector_load %arg7[%parallel_loop3A_249, %parallel_loop3A_250] {strides = array<i32>} : memref<8x2048xi32, #tpu.memory_space<vmem>>, vector<16xi32>,
      %parallel_loop3A_252 = tpu.vector_load_idx %arg5[%parallel_loop3A_251] : memref<10000xf32, #tpu.memory_space<vmem>>[vector<16xi32>], vector<16xf32>,
      %parallel_loop3A_253 = arith.constant 7 : i32
      %parallel_loop3A_254 = arith.index_cast %parallel_loop3A_253 : i32 to index
      %parallel_loop3A_255 = arith.index_cast %parallel_loop3A_184 : i32 to index
      %parallel_loop3A_256 = tpu.vector_load %arg9[%parallel_loop3A_254, %parallel_loop3A_255] {strides = array<i32>} : memref<8x2048xf32, #tpu.memory_space<vmem>>, vector<16xf32>,
      tpu.vector_store %arg9[%parallel_loop3A_254, %parallel_loop3A_255], %parallel_loop3A_252 {strides = array<i32>} : memref<8x2048xf32, #tpu.memory_space<vmem>>, vector<16xf32>,
    } {sc.loop_unroll_factor = 4 : i64, sc.parallel_access}
    %add3A_84 = arith.constant 24 : i32
    %add3A_85 = arith.addi %mul3A_2, %add3A_84 : i32
    %dma_start3A_86 = arith.constant 0 : i32
    %dma_start3A_87 = tpu.memref_slice %arg4[%add3A_85, %dma_start3A_86] : memref<2048x2048xf32, #tpu.memory_space<hbm>> -> memref<8x2048xf32, #tpu.memory_space<hbm>>
    %dma_start3A_88 = arith.constant 0 : i32
    %dma_start3A_89 = tpu.memref_slice %arg4[%add3A_85, %dma_start3A_88] : memref<2048x2048xf32, #tpu.memory_space<hbm>> -> memref<8x2048xf32, #tpu.memory_space<hbm>>
    tpu.enqueue_dma source(%arg9 : memref<8x2048xf32, #tpu.memory_space<vmem>>) target(%dma_start3A_89 : memref<8x2048xf32, #tpu.memory_space<hbm>>) target_semaphore(%arg13 : memref<!tpu.dma_semaphore, #tpu.memory_space<semaphore_mem>>)
    %add3A_90 = arith.constant 40 : i32
    %add3A_91 = arith.addi %mul3A_2, %add3A_90 : i32
    %dma_start3A_92 = arith.constant 0 : i32
    %dma_start3A_93 = tpu.memref_slice %arg3[%add3A_91, %dma_start3A_92] : memref<2048x2048xi32, #tpu.memory_space<hbm>> -> memref<8x2048xi32, #tpu.memory_space<hbm>>
    %dma_start3A_94 = arith.constant 0 : i32
    %dma_start3A_95 = tpu.memref_slice %arg3[%add3A_91, %dma_start3A_94] : memref<2048x2048xi32, #tpu.memory_space<hbm>> -> memref<8x2048xi32, #tpu.memory_space<hbm>>
    tpu.enqueue_dma source(%dma_start3A_95 : memref<8x2048xi32, #tpu.memory_space<hbm>>) target(%arg7 : memref<8x2048xi32, #tpu.memory_space<vmem>>) target_semaphore(%arg11 : memref<!tpu.dma_semaphore, #tpu.memory_space<semaphore_mem>>)
    %dma_wait3A_96 = arith.constant 0 : i32
    %dma_wait3A_97 = tpu.memref_slice %arg3[%add3A_68, %dma_wait3A_96] : memref<2048x2048xi32, #tpu.memory_space<hbm>> -> memref<8x2048xi32, #tpu.memory_space<hbm>>
    %dma_wait3A_98 = arith.constant 0 : i32
    %dma_wait3A_99 = tpu.memref_slice %arg3[%add3A_68, %dma_wait3A_98] : memref<2048x2048xi32, #tpu.memory_space<hbm>> -> memref<8x2048xi32, #tpu.memory_space<hbm>>
    tpu.wait_dma2 semaphore(%arg10 : memref<!tpu.dma_semaphore, #tpu.memory_space<semaphore_mem>>) src(%dma_wait3A_99 : memref<8x2048xi32, #tpu.memory_space<hbm>>) dst(%arg6 : memref<8x2048xi32, #tpu.memory_space<vmem>>)
    %dma_wait3A_100 = arith.constant 0 : i32
    %dma_wait3A_101 = tpu.memref_slice %arg4[%add3A_62, %dma_wait3A_100] : memref<2048x2048xf32, #tpu.memory_space<hbm>> -> memref<8x2048xf32, #tpu.memory_space<hbm>>
    %dma_wait3A_102 = arith.constant 0 : i32
    %dma_wait3A_103 = tpu.memref_slice %arg4[%add3A_62, %dma_wait3A_102] : memref<2048x2048xf32, #tpu.memory_space<hbm>> -> memref<8x2048xf32, #tpu.memory_space<hbm>>
    tpu.wait_dma2 semaphore(%arg12 : memref<!tpu.dma_semaphore, #tpu.memory_space<semaphore_mem>>) src(%arg8 : memref<8x2048xf32, #tpu.memory_space<vmem>>) dst(%dma_wait3A_103 : memref<8x2048xf32, #tpu.memory_space<hbm>>)
    %parallel_loop3A_104 = arith.constant 0 : i32
    %parallel_loop3A_105 = arith.constant 2048 : i32
    %parallel_loop3A_106 = arith.constant 16 : i32
    scf.for %parallel_loop3A_184 = %parallel_loop3A_104 to %parallel_loop3A_105 step %parallel_loop3A_106  : i32 {
      %parallel_loop3A_185 = arith.constant 0 : i32
      %parallel_loop3A_186 = arith.index_cast %parallel_loop3A_185 : i32 to index
      %parallel_loop3A_187 = arith.index_cast %parallel_loop3A_184 : i32 to index
      %parallel_loop3A_188 = tpu.vector_load %arg6[%parallel_loop3A_186, %parallel_loop3A_187] {strides = array<i32>} : memref<8x2048xi32, #tpu.memory_space<vmem>>, vector<16xi32>,
      %parallel_loop3A_189 = tpu.vector_load_idx %arg5[%parallel_loop3A_188] : memref<10000xf32, #tpu.memory_space<vmem>>[vector<16xi32>], vector<16xf32>,
      %parallel_loop3A_190 = arith.constant 0 : i32
      %parallel_loop3A_191 = arith.index_cast %parallel_loop3A_190 : i32 to index
      %parallel_loop3A_192 = arith.index_cast %parallel_loop3A_184 : i32 to index
      %parallel_loop3A_193 = tpu.vector_load %arg8[%parallel_loop3A_191, %parallel_loop3A_192] {strides = array<i32>} : memref<8x2048xf32, #tpu.memory_space<vmem>>, vector<16xf32>,
      tpu.vector_store %arg8[%parallel_loop3A_191, %parallel_loop3A_192], %parallel_loop3A_189 {strides = array<i32>} : memref<8x2048xf32, #tpu.memory_space<vmem>>, vector<16xf32>,
      %parallel_loop3A_194 = arith.constant 1 : i32
      %parallel_loop3A_195 = arith.index_cast %parallel_loop3A_194 : i32 to index
      %parallel_loop3A_196 = arith.index_cast %parallel_loop3A_184 : i32 to index
      %parallel_loop3A_197 = tpu.vector_load %arg6[%parallel_loop3A_195, %parallel_loop3A_196] {strides = array<i32>} : memref<8x2048xi32, #tpu.memory_space<vmem>>, vector<16xi32>,
      %parallel_loop3A_198 = tpu.vector_load_idx %arg5[%parallel_loop3A_197] : memref<10000xf32, #tpu.memory_space<vmem>>[vector<16xi32>], vector<16xf32>,
      %parallel_loop3A_199 = arith.constant 1 : i32
      %parallel_loop3A_200 = arith.index_cast %parallel_loop3A_199 : i32 to index
      %parallel_loop3A_201 = arith.index_cast %parallel_loop3A_184 : i32 to index
      %parallel_loop3A_202 = tpu.vector_load %arg8[%parallel_loop3A_200, %parallel_loop3A_201] {strides = array<i32>} : memref<8x2048xf32, #tpu.memory_space<vmem>>, vector<16xf32>,
      tpu.vector_store %arg8[%parallel_loop3A_200, %parallel_loop3A_201], %parallel_loop3A_198 {strides = array<i32>} : memref<8x2048xf32, #tpu.memory_space<vmem>>, vector<16xf32>,
      %parallel_loop3A_203 = arith.constant 2 : i32
      %parallel_loop3A_204 = arith.index_cast %parallel_loop3A_203 : i32 to index
      %parallel_loop3A_205 = arith.index_cast %parallel_loop3A_184 : i32 to index
      %parallel_loop3A_206 = tpu.vector_load %arg6[%parallel_loop3A_204, %parallel_loop3A_205] {strides = array<i32>} : memref<8x2048xi32, #tpu.memory_space<vmem>>, vector<16xi32>,
      %parallel_loop3A_207 = tpu.vector_load_idx %arg5[%parallel_loop3A_206] : memref<10000xf32, #tpu.memory_space<vmem>>[vector<16xi32>], vector<16xf32>,
      %parallel_loop3A_208 = arith.constant 2 : i32
      %parallel_loop3A_209 = arith.index_cast %parallel_loop3A_208 : i32 to index
      %parallel_loop3A_210 = arith.index_cast %parallel_loop3A_184 : i32 to index
      %parallel_loop3A_211 = tpu.vector_load %arg8[%parallel_loop3A_209, %parallel_loop3A_210] {strides = array<i32>} : memref<8x2048xf32, #tpu.memory_space<vmem>>, vector<16xf32>,
      tpu.vector_store %arg8[%parallel_loop3A_209, %parallel_loop3A_210], %parallel_loop3A_207 {strides = array<i32>} : memref<8x2048xf32, #tpu.memory_space<vmem>>, vector<16xf32>,
      %parallel_loop3A_212 = arith.constant 3 : i32
      %parallel_loop3A_213 = arith.index_cast %parallel_loop3A_212 : i32 to index
      %parallel_loop3A_214 = arith.index_cast %parallel_loop3A_184 : i32 to index
      %parallel_loop3A_215 = tpu.vector_load %arg6[%parallel_loop3A_213, %parallel_loop3A_214] {strides = array<i32>} : memref<8x2048xi32, #tpu.memory_space<vmem>>, vector<16xi32>,
      %parallel_loop3A_216 = tpu.vector_load_idx %arg5[%parallel_loop3A_215] : memref<10000xf32, #tpu.memory_space<vmem>>[vector<16xi32>], vector<16xf32>,
      %parallel_loop3A_217 = arith.constant 3 : i32
      %parallel_loop3A_218 = arith.index_cast %parallel_loop3A_217 : i32 to index
      %parallel_loop3A_219 = arith.index_cast %parallel_loop3A_184 : i32 to index
      %parallel_loop3A_220 = tpu.vector_load %arg8[%parallel_loop3A_218, %parallel_loop3A_219] {strides = array<i32>} : memref<8x2048xf32, #tpu.memory_space<vmem>>, vector<16xf32>,
      tpu.vector_store %arg8[%parallel_loop3A_218, %parallel_loop3A_219], %parallel_loop3A_216 {strides = array<i32>} : memref<8x2048xf32, #tpu.memory_space<vmem>>, vector<16xf32>,
      %parallel_loop3A_221 = arith.constant 4 : i32
      %parallel_loop3A_222 = arith.index_cast %parallel_loop3A_221 : i32 to index
      %parallel_loop3A_223 = arith.index_cast %parallel_loop3A_184 : i32 to index
      %parallel_loop3A_224 = tpu.vector_load %arg6[%parallel_loop3A_222, %parallel_loop3A_223] {strides = array<i32>} : memref<8x2048xi32, #tpu.memory_space<vmem>>, vector<16xi32>,
      %parallel_loop3A_225 = tpu.vector_load_idx %arg5[%parallel_loop3A_224] : memref<10000xf32, #tpu.memory_space<vmem>>[vector<16xi32>], vector<16xf32>,
      %parallel_loop3A_226 = arith.constant 4 : i32
      %parallel_loop3A_227 = arith.index_cast %parallel_loop3A_226 : i32 to index
      %parallel_loop3A_228 = arith.index_cast %parallel_loop3A_184 : i32 to index
      %parallel_loop3A_229 = tpu.vector_load %arg8[%parallel_loop3A_227, %parallel_loop3A_228] {strides = array<i32>} : memref<8x2048xf32, #tpu.memory_space<vmem>>, vector<16xf32>,
      tpu.vector_store %arg8[%parallel_loop3A_227, %parallel_loop3A_228], %parallel_loop3A_225 {strides = array<i32>} : memref<8x2048xf32, #tpu.memory_space<vmem>>, vector<16xf32>,
      %parallel_loop3A_230 = arith.constant 5 : i32
      %parallel_loop3A_231 = arith.index_cast %parallel_loop3A_230 : i32 to index
      %parallel_loop3A_232 = arith.index_cast %parallel_loop3A_184 : i32 to index
      %parallel_loop3A_233 = tpu.vector_load %arg6[%parallel_loop3A_231, %parallel_loop3A_232] {strides = array<i32>} : memref<8x2048xi32, #tpu.memory_space<vmem>>, vector<16xi32>,
      %parallel_loop3A_234 = tpu.vector_load_idx %arg5[%parallel_loop3A_233] : memref<10000xf32, #tpu.memory_space<vmem>>[vector<16xi32>], vector<16xf32>,
      %parallel_loop3A_235 = arith.constant 5 : i32
      %parallel_loop3A_236 = arith.index_cast %parallel_loop3A_235 : i32 to index
      %parallel_loop3A_237 = arith.index_cast %parallel_loop3A_184 : i32 to index
      %parallel_loop3A_238 = tpu.vector_load %arg8[%parallel_loop3A_236, %parallel_loop3A_237] {strides = array<i32>} : memref<8x2048xf32, #tpu.memory_space<vmem>>, vector<16xf32>,
      tpu.vector_store %arg8[%parallel_loop3A_236, %parallel_loop3A_237], %parallel_loop3A_234 {strides = array<i32>} : memref<8x2048xf32, #tpu.memory_space<vmem>>, vector<16xf32>,
      %parallel_loop3A_239 = arith.constant 6 : i32
      %parallel_loop3A_240 = arith.index_cast %parallel_loop3A_239 : i32 to index
      %parallel_loop3A_241 = arith.index_cast %parallel_loop3A_184 : i32 to index
      %parallel_loop3A_242 = tpu.vector_load %arg6[%parallel_loop3A_240, %parallel_loop3A_241] {strides = array<i32>} : memref<8x2048xi32, #tpu.memory_space<vmem>>, vector<16xi32>,
      %parallel_loop3A_243 = tpu.vector_load_idx %arg5[%parallel_loop3A_242] : memref<10000xf32, #tpu.memory_space<vmem>>[vector<16xi32>], vector<16xf32>,
      %parallel_loop3A_244 = arith.constant 6 : i32
      %parallel_loop3A_245 = arith.index_cast %parallel_loop3A_244 : i32 to index
      %parallel_loop3A_246 = arith.index_cast %parallel_loop3A_184 : i32 to index
      %parallel_loop3A_247 = tpu.vector_load %arg8[%parallel_loop3A_245, %parallel_loop3A_246] {strides = array<i32>} : memref<8x2048xf32, #tpu.memory_space<vmem>>, vector<16xf32>,
      tpu.vector_store %arg8[%parallel_loop3A_245, %parallel_loop3A_246], %parallel_loop3A_243 {strides = array<i32>} : memref<8x2048xf32, #tpu.memory_space<vmem>>, vector<16xf32>,
      %parallel_loop3A_248 = arith.constant 7 : i32
      %parallel_loop3A_249 = arith.index_cast %parallel_loop3A_248 : i32 to index
      %parallel_loop3A_250 = arith.index_cast %parallel_loop3A_184 : i32 to index
      %parallel_loop3A_251 = tpu.vector_load %arg6[%parallel_loop3A_249, %parallel_loop3A_250] {strides = array<i32>} : memref<8x2048xi32, #tpu.memory_space<vmem>>, vector<16xi32>,
      %parallel_loop3A_252 = tpu.vector_load_idx %arg5[%parallel_loop3A_251] : memref<10000xf32, #tpu.memory_space<vmem>>[vector<16xi32>], vector<16xf32>,
      %parallel_loop3A_253 = arith.constant 7 : i32
      %parallel_loop3A_254 = arith.index_cast %parallel_loop3A_253 : i32 to index
      %parallel_loop3A_255 = arith.index_cast %parallel_loop3A_184 : i32 to index
      %parallel_loop3A_256 = tpu.vector_load %arg8[%parallel_loop3A_254, %parallel_loop3A_255] {strides = array<i32>} : memref<8x2048xf32, #tpu.memory_space<vmem>>, vector<16xf32>,
      tpu.vector_store %arg8[%parallel_loop3A_254, %parallel_loop3A_255], %parallel_loop3A_252 {strides = array<i32>} : memref<8x2048xf32, #tpu.memory_space<vmem>>, vector<16xf32>,
    } {sc.loop_unroll_factor = 4 : i64, sc.parallel_access}
    %add3A_107 = arith.constant 32 : i32
    %add3A_108 = arith.addi %mul3A_2, %add3A_107 : i32
    %dma_start3A_109 = arith.constant 0 : i32
    %dma_start3A_110 = tpu.memref_slice %arg4[%add3A_108, %dma_start3A_109] : memref<2048x2048xf32, #tpu.memory_space<hbm>> -> memref<8x2048xf32, #tpu.memory_space<hbm>>
    %dma_start3A_111 = arith.constant 0 : i32
    %dma_start3A_112 = tpu.memref_slice %arg4[%add3A_108, %dma_start3A_111] : memref<2048x2048xf32, #tpu.memory_space<hbm>> -> memref<8x2048xf32, #tpu.memory_space<hbm>>
    tpu.enqueue_dma source(%arg8 : memref<8x2048xf32, #tpu.memory_space<vmem>>) target(%dma_start3A_112 : memref<8x2048xf32, #tpu.memory_space<hbm>>) target_semaphore(%arg12 : memref<!tpu.dma_semaphore, #tpu.memory_space<semaphore_mem>>)
    %add3A_113 = arith.constant 48 : i32
    %add3A_114 = arith.addi %mul3A_2, %add3A_113 : i32
    %dma_start3A_115 = arith.constant 0 : i32
    %dma_start3A_116 = tpu.memref_slice %arg3[%add3A_114, %dma_start3A_115] : memref<2048x2048xi32, #tpu.memory_space<hbm>> -> memref<8x2048xi32, #tpu.memory_space<hbm>>
    %dma_start3A_117 = arith.constant 0 : i32
    %dma_start3A_118 = tpu.memref_slice %arg3[%add3A_114, %dma_start3A_117] : memref<2048x2048xi32, #tpu.memory_space<hbm>> -> memref<8x2048xi32, #tpu.memory_space<hbm>>
    tpu.enqueue_dma source(%dma_start3A_118 : memref<8x2048xi32, #tpu.memory_space<hbm>>) target(%arg6 : memref<8x2048xi32, #tpu.memory_space<vmem>>) target_semaphore(%arg10 : memref<!tpu.dma_semaphore, #tpu.memory_space<semaphore_mem>>)
    %dma_wait3A_119 = arith.constant 0 : i32
    %dma_wait3A_120 = tpu.memref_slice %arg3[%add3A_91, %dma_wait3A_119] : memref<2048x2048xi32, #tpu.memory_space<hbm>> -> memref<8x2048xi32, #tpu.memory_space<hbm>>
    %dma_wait3A_121 = arith.constant 0 : i32
    %dma_wait3A_122 = tpu.memref_slice %arg3[%add3A_91, %dma_wait3A_121] : memref<2048x2048xi32, #tpu.memory_space<hbm>> -> memref<8x2048xi32, #tpu.memory_space<hbm>>
    tpu.wait_dma2 semaphore(%arg11 : memref<!tpu.dma_semaphore, #tpu.memory_space<semaphore_mem>>) src(%dma_wait3A_122 : memref<8x2048xi32, #tpu.memory_space<hbm>>) dst(%arg7 : memref<8x2048xi32, #tpu.memory_space<vmem>>)
    %dma_wait3A_123 = arith.constant 0 : i32
    %dma_wait3A_124 = tpu.memref_slice %arg4[%add3A_85, %dma_wait3A_123] : memref<2048x2048xf32, #tpu.memory_space<hbm>> -> memref<8x2048xf32, #tpu.memory_space<hbm>>
    %dma_wait3A_125 = arith.constant 0 : i32
    %dma_wait3A_126 = tpu.memref_slice %arg4[%add3A_85, %dma_wait3A_125] : memref<2048x2048xf32, #tpu.memory_space<hbm>> -> memref<8x2048xf32, #tpu.memory_space<hbm>>
    tpu.wait_dma2 semaphore(%arg13 : memref<!tpu.dma_semaphore, #tpu.memory_space<semaphore_mem>>) src(%arg9 : memref<8x2048xf32, #tpu.memory_space<vmem>>) dst(%dma_wait3A_126 : memref<8x2048xf32, #tpu.memory_space<hbm>>)
    %parallel_loop3A_127 = arith.constant 0 : i32
    %parallel_loop3A_128 = arith.constant 2048 : i32
    %parallel_loop3A_129 = arith.constant 16 : i32
    scf.for %parallel_loop3A_184 = %parallel_loop3A_127 to %parallel_loop3A_128 step %parallel_loop3A_129  : i32 {
      %parallel_loop3A_185 = arith.constant 0 : i32
      %parallel_loop3A_186 = arith.index_cast %parallel_loop3A_185 : i32 to index
      %parallel_loop3A_187 = arith.index_cast %parallel_loop3A_184 : i32 to index
      %parallel_loop3A_188 = tpu.vector_load %arg7[%parallel_loop3A_186, %parallel_loop3A_187] {strides = array<i32>} : memref<8x2048xi32, #tpu.memory_space<vmem>>, vector<16xi32>,
      %parallel_loop3A_189 = tpu.vector_load_idx %arg5[%parallel_loop3A_188] : memref<10000xf32, #tpu.memory_space<vmem>>[vector<16xi32>], vector<16xf32>,
      %parallel_loop3A_190 = arith.constant 0 : i32
      %parallel_loop3A_191 = arith.index_cast %parallel_loop3A_190 : i32 to index
      %parallel_loop3A_192 = arith.index_cast %parallel_loop3A_184 : i32 to index
      %parallel_loop3A_193 = tpu.vector_load %arg9[%parallel_loop3A_191, %parallel_loop3A_192] {strides = array<i32>} : memref<8x2048xf32, #tpu.memory_space<vmem>>, vector<16xf32>,
      tpu.vector_store %arg9[%parallel_loop3A_191, %parallel_loop3A_192], %parallel_loop3A_189 {strides = array<i32>} : memref<8x2048xf32, #tpu.memory_space<vmem>>, vector<16xf32>,
      %parallel_loop3A_194 = arith.constant 1 : i32
      %parallel_loop3A_195 = arith.index_cast %parallel_loop3A_194 : i32 to index
      %parallel_loop3A_196 = arith.index_cast %parallel_loop3A_184 : i32 to index
      %parallel_loop3A_197 = tpu.vector_load %arg7[%parallel_loop3A_195, %parallel_loop3A_196] {strides = array<i32>} : memref<8x2048xi32, #tpu.memory_space<vmem>>, vector<16xi32>,
      %parallel_loop3A_198 = tpu.vector_load_idx %arg5[%parallel_loop3A_197] : memref<10000xf32, #tpu.memory_space<vmem>>[vector<16xi32>], vector<16xf32>,
      %parallel_loop3A_199 = arith.constant 1 : i32
      %parallel_loop3A_200 = arith.index_cast %parallel_loop3A_199 : i32 to index
      %parallel_loop3A_201 = arith.index_cast %parallel_loop3A_184 : i32 to index
      %parallel_loop3A_202 = tpu.vector_load %arg9[%parallel_loop3A_200, %parallel_loop3A_201] {strides = array<i32>} : memref<8x2048xf32, #tpu.memory_space<vmem>>, vector<16xf32>,
      tpu.vector_store %arg9[%parallel_loop3A_200, %parallel_loop3A_201], %parallel_loop3A_198 {strides = array<i32>} : memref<8x2048xf32, #tpu.memory_space<vmem>>, vector<16xf32>,
      %parallel_loop3A_203 = arith.constant 2 : i32
      %parallel_loop3A_204 = arith.index_cast %parallel_loop3A_203 : i32 to index
      %parallel_loop3A_205 = arith.index_cast %parallel_loop3A_184 : i32 to index
      %parallel_loop3A_206 = tpu.vector_load %arg7[%parallel_loop3A_204, %parallel_loop3A_205] {strides = array<i32>} : memref<8x2048xi32, #tpu.memory_space<vmem>>, vector<16xi32>,
      %parallel_loop3A_207 = tpu.vector_load_idx %arg5[%parallel_loop3A_206] : memref<10000xf32, #tpu.memory_space<vmem>>[vector<16xi32>], vector<16xf32>,
      %parallel_loop3A_208 = arith.constant 2 : i32
      %parallel_loop3A_209 = arith.index_cast %parallel_loop3A_208 : i32 to index
      %parallel_loop3A_210 = arith.index_cast %parallel_loop3A_184 : i32 to index
      %parallel_loop3A_211 = tpu.vector_load %arg9[%parallel_loop3A_209, %parallel_loop3A_210] {strides = array<i32>} : memref<8x2048xf32, #tpu.memory_space<vmem>>, vector<16xf32>,
      tpu.vector_store %arg9[%parallel_loop3A_209, %parallel_loop3A_210], %parallel_loop3A_207 {strides = array<i32>} : memref<8x2048xf32, #tpu.memory_space<vmem>>, vector<16xf32>,
      %parallel_loop3A_212 = arith.constant 3 : i32
      %parallel_loop3A_213 = arith.index_cast %parallel_loop3A_212 : i32 to index
      %parallel_loop3A_214 = arith.index_cast %parallel_loop3A_184 : i32 to index
      %parallel_loop3A_215 = tpu.vector_load %arg7[%parallel_loop3A_213, %parallel_loop3A_214] {strides = array<i32>} : memref<8x2048xi32, #tpu.memory_space<vmem>>, vector<16xi32>,
      %parallel_loop3A_216 = tpu.vector_load_idx %arg5[%parallel_loop3A_215] : memref<10000xf32, #tpu.memory_space<vmem>>[vector<16xi32>], vector<16xf32>,
      %parallel_loop3A_217 = arith.constant 3 : i32
      %parallel_loop3A_218 = arith.index_cast %parallel_loop3A_217 : i32 to index
      %parallel_loop3A_219 = arith.index_cast %parallel_loop3A_184 : i32 to index
      %parallel_loop3A_220 = tpu.vector_load %arg9[%parallel_loop3A_218, %parallel_loop3A_219] {strides = array<i32>} : memref<8x2048xf32, #tpu.memory_space<vmem>>, vector<16xf32>,
      tpu.vector_store %arg9[%parallel_loop3A_218, %parallel_loop3A_219], %parallel_loop3A_216 {strides = array<i32>} : memref<8x2048xf32, #tpu.memory_space<vmem>>, vector<16xf32>,
      %parallel_loop3A_221 = arith.constant 4 : i32
      %parallel_loop3A_222 = arith.index_cast %parallel_loop3A_221 : i32 to index
      %parallel_loop3A_223 = arith.index_cast %parallel_loop3A_184 : i32 to index
      %parallel_loop3A_224 = tpu.vector_load %arg7[%parallel_loop3A_222, %parallel_loop3A_223] {strides = array<i32>} : memref<8x2048xi32, #tpu.memory_space<vmem>>, vector<16xi32>,
      %parallel_loop3A_225 = tpu.vector_load_idx %arg5[%parallel_loop3A_224] : memref<10000xf32, #tpu.memory_space<vmem>>[vector<16xi32>], vector<16xf32>,
      %parallel_loop3A_226 = arith.constant 4 : i32
      %parallel_loop3A_227 = arith.index_cast %parallel_loop3A_226 : i32 to index
      %parallel_loop3A_228 = arith.index_cast %parallel_loop3A_184 : i32 to index
      %parallel_loop3A_229 = tpu.vector_load %arg9[%parallel_loop3A_227, %parallel_loop3A_228] {strides = array<i32>} : memref<8x2048xf32, #tpu.memory_space<vmem>>, vector<16xf32>,
      tpu.vector_store %arg9[%parallel_loop3A_227, %parallel_loop3A_228], %parallel_loop3A_225 {strides = array<i32>} : memref<8x2048xf32, #tpu.memory_space<vmem>>, vector<16xf32>,
      %parallel_loop3A_230 = arith.constant 5 : i32
      %parallel_loop3A_231 = arith.index_cast %parallel_loop3A_230 : i32 to index
      %parallel_loop3A_232 = arith.index_cast %parallel_loop3A_184 : i32 to index
      %parallel_loop3A_233 = tpu.vector_load %arg7[%parallel_loop3A_231, %parallel_loop3A_232] {strides = array<i32>} : memref<8x2048xi32, #tpu.memory_space<vmem>>, vector<16xi32>,
      %parallel_loop3A_234 = tpu.vector_load_idx %arg5[%parallel_loop3A_233] : memref<10000xf32, #tpu.memory_space<vmem>>[vector<16xi32>], vector<16xf32>,
      %parallel_loop3A_235 = arith.constant 5 : i32
      %parallel_loop3A_236 = arith.index_cast %parallel_loop3A_235 : i32 to index
      %parallel_loop3A_237 = arith.index_cast %parallel_loop3A_184 : i32 to index
      %parallel_loop3A_238 = tpu.vector_load %arg9[%parallel_loop3A_236, %parallel_loop3A_237] {strides = array<i32>} : memref<8x2048xf32, #tpu.memory_space<vmem>>, vector<16xf32>,
      tpu.vector_store %arg9[%parallel_loop3A_236, %parallel_loop3A_237], %parallel_loop3A_234 {strides = array<i32>} : memref<8x2048xf32, #tpu.memory_space<vmem>>, vector<16xf32>,
      %parallel_loop3A_239 = arith.constant 6 : i32
      %parallel_loop3A_240 = arith.index_cast %parallel_loop3A_239 : i32 to index
      %parallel_loop3A_241 = arith.index_cast %parallel_loop3A_184 : i32 to index
      %parallel_loop3A_242 = tpu.vector_load %arg7[%parallel_loop3A_240, %parallel_loop3A_241] {strides = array<i32>} : memref<8x2048xi32, #tpu.memory_space<vmem>>, vector<16xi32>,
      %parallel_loop3A_243 = tpu.vector_load_idx %arg5[%parallel_loop3A_242] : memref<10000xf32, #tpu.memory_space<vmem>>[vector<16xi32>], vector<16xf32>,
      %parallel_loop3A_244 = arith.constant 6 : i32
      %parallel_loop3A_245 = arith.index_cast %parallel_loop3A_244 : i32 to index
      %parallel_loop3A_246 = arith.index_cast %parallel_loop3A_184 : i32 to index
      %parallel_loop3A_247 = tpu.vector_load %arg9[%parallel_loop3A_245, %parallel_loop3A_246] {strides = array<i32>} : memref<8x2048xf32, #tpu.memory_space<vmem>>, vector<16xf32>,
      tpu.vector_store %arg9[%parallel_loop3A_245, %parallel_loop3A_246], %parallel_loop3A_243 {strides = array<i32>} : memref<8x2048xf32, #tpu.memory_space<vmem>>, vector<16xf32>,
      %parallel_loop3A_248 = arith.constant 7 : i32
      %parallel_loop3A_249 = arith.index_cast %parallel_loop3A_248 : i32 to index
      %parallel_loop3A_250 = arith.index_cast %parallel_loop3A_184 : i32 to index
      %parallel_loop3A_251 = tpu.vector_load %arg7[%parallel_loop3A_249, %parallel_loop3A_250] {strides = array<i32>} : memref<8x2048xi32, #tpu.memory_space<vmem>>, vector<16xi32>,
      %parallel_loop3A_252 = tpu.vector_load_idx %arg5[%parallel_loop3A_251] : memref<10000xf32, #tpu.memory_space<vmem>>[vector<16xi32>], vector<16xf32>,
      %parallel_loop3A_253 = arith.constant 7 : i32
      %parallel_loop3A_254 = arith.index_cast %parallel_loop3A_253 : i32 to index
      %parallel_loop3A_255 = arith.index_cast %parallel_loop3A_184 : i32 to index
      %parallel_loop3A_256 = tpu.vector_load %arg9[%parallel_loop3A_254, %parallel_loop3A_255] {strides = array<i32>} : memref<8x2048xf32, #tpu.memory_space<vmem>>, vector<16xf32>,
      tpu.vector_store %arg9[%parallel_loop3A_254, %parallel_loop3A_255], %parallel_loop3A_252 {strides = array<i32>} : memref<8x2048xf32, #tpu.memory_space<vmem>>, vector<16xf32>,
    } {sc.loop_unroll_factor = 4 : i64, sc.parallel_access}
    %add3A_130 = arith.constant 40 : i32
    %add3A_131 = arith.addi %mul3A_2, %add3A_130 : i32
    %dma_start3A_132 = arith.constant 0 : i32
    %dma_start3A_133 = tpu.memref_slice %arg4[%add3A_131, %dma_start3A_132] : memref<2048x2048xf32, #tpu.memory_space<hbm>> -> memref<8x2048xf32, #tpu.memory_space<hbm>>
    %dma_start3A_134 = arith.constant 0 : i32
    %dma_start3A_135 = tpu.memref_slice %arg4[%add3A_131, %dma_start3A_134] : memref<2048x2048xf32, #tpu.memory_space<hbm>> -> memref<8x2048xf32, #tpu.memory_space<hbm>>
    tpu.enqueue_dma source(%arg9 : memref<8x2048xf32, #tpu.memory_space<vmem>>) target(%dma_start3A_135 : memref<8x2048xf32, #tpu.memory_space<hbm>>) target_semaphore(%arg13 : memref<!tpu.dma_semaphore, #tpu.memory_space<semaphore_mem>>)
    %add3A_136 = arith.constant 56 : i32
    %add3A_137 = arith.addi %mul3A_2, %add3A_136 : i32
    %dma_start3A_138 = arith.constant 0 : i32
    %dma_start3A_139 = tpu.memref_slice %arg3[%add3A_137, %dma_start3A_138] : memref<2048x2048xi32, #tpu.memory_space<hbm>> -> memref<8x2048xi32, #tpu.memory_space<hbm>>
    %dma_start3A_140 = arith.constant 0 : i32
    %dma_start3A_141 = tpu.memref_slice %arg3[%add3A_137, %dma_start3A_140] : memref<2048x2048xi32, #tpu.memory_space<hbm>> -> memref<8x2048xi32, #tpu.memory_space<hbm>>
    tpu.enqueue_dma source(%dma_start3A_141 : memref<8x2048xi32, #tpu.memory_space<hbm>>) target(%arg7 : memref<8x2048xi32, #tpu.memory_space<vmem>>) target_semaphore(%arg11 : memref<!tpu.dma_semaphore, #tpu.memory_space<semaphore_mem>>)
    %dma_wait3A_142 = arith.constant 0 : i32
    %dma_wait3A_143 = tpu.memref_slice %arg3[%add3A_114, %dma_wait3A_142] : memref<2048x2048xi32, #tpu.memory_space<hbm>> -> memref<8x2048xi32, #tpu.memory_space<hbm>>
    %dma_wait3A_144 = arith.constant 0 : i32
    %dma_wait3A_145 = tpu.memref_slice %arg3[%add3A_114, %dma_wait3A_144] : memref<2048x2048xi32, #tpu.memory_space<hbm>> -> memref<8x2048xi32, #tpu.memory_space<hbm>>
    tpu.wait_dma2 semaphore(%arg10 : memref<!tpu.dma_semaphore, #tpu.memory_space<semaphore_mem>>) src(%dma_wait3A_145 : memref<8x2048xi32, #tpu.memory_space<hbm>>) dst(%arg6 : memref<8x2048xi32, #tpu.memory_space<vmem>>)
    %dma_wait3A_146 = arith.constant 0 : i32
    %dma_wait3A_147 = tpu.memref_slice %arg4[%add3A_108, %dma_wait3A_146] : memref<2048x2048xf32, #tpu.memory_space<hbm>> -> memref<8x2048xf32, #tpu.memory_space<hbm>>
    %dma_wait3A_148 = arith.constant 0 : i32
    %dma_wait3A_149 = tpu.memref_slice %arg4[%add3A_108, %dma_wait3A_148] : memref<2048x2048xf32, #tpu.memory_space<hbm>> -> memref<8x2048xf32, #tpu.memory_space<hbm>>
    tpu.wait_dma2 semaphore(%arg12 : memref<!tpu.dma_semaphore, #tpu.memory_space<semaphore_mem>>) src(%arg8 : memref<8x2048xf32, #tpu.memory_space<vmem>>) dst(%dma_wait3A_149 : memref<8x2048xf32, #tpu.memory_space<hbm>>)
    %parallel_loop3A_150 = arith.constant 0 : i32
    %parallel_loop3A_151 = arith.constant 2048 : i32
    %parallel_loop3A_152 = arith.constant 16 : i32
    scf.for %parallel_loop3A_184 = %parallel_loop3A_150 to %parallel_loop3A_151 step %parallel_loop3A_152  : i32 {
      %parallel_loop3A_185 = arith.constant 0 : i32
      %parallel_loop3A_186 = arith.index_cast %parallel_loop3A_185 : i32 to index
      %parallel_loop3A_187 = arith.index_cast %parallel_loop3A_184 : i32 to index
      %parallel_loop3A_188 = tpu.vector_load %arg6[%parallel_loop3A_186, %parallel_loop3A_187] {strides = array<i32>} : memref<8x2048xi32, #tpu.memory_space<vmem>>, vector<16xi32>,
      %parallel_loop3A_189 = tpu.vector_load_idx %arg5[%parallel_loop3A_188] : memref<10000xf32, #tpu.memory_space<vmem>>[vector<16xi32>], vector<16xf32>,
      %parallel_loop3A_190 = arith.constant 0 : i32
      %parallel_loop3A_191 = arith.index_cast %parallel_loop3A_190 : i32 to index
      %parallel_loop3A_192 = arith.index_cast %parallel_loop3A_184 : i32 to index
      %parallel_loop3A_193 = tpu.vector_load %arg8[%parallel_loop3A_191, %parallel_loop3A_192] {strides = array<i32>} : memref<8x2048xf32, #tpu.memory_space<vmem>>, vector<16xf32>,
      tpu.vector_store %arg8[%parallel_loop3A_191, %parallel_loop3A_192], %parallel_loop3A_189 {strides = array<i32>} : memref<8x2048xf32, #tpu.memory_space<vmem>>, vector<16xf32>,
      %parallel_loop3A_194 = arith.constant 1 : i32
      %parallel_loop3A_195 = arith.index_cast %parallel_loop3A_194 : i32 to index
      %parallel_loop3A_196 = arith.index_cast %parallel_loop3A_184 : i32 to index
      %parallel_loop3A_197 = tpu.vector_load %arg6[%parallel_loop3A_195, %parallel_loop3A_196] {strides = array<i32>} : memref<8x2048xi32, #tpu.memory_space<vmem>>, vector<16xi32>,
      %parallel_loop3A_198 = tpu.vector_load_idx %arg5[%parallel_loop3A_197] : memref<10000xf32, #tpu.memory_space<vmem>>[vector<16xi32>], vector<16xf32>,
      %parallel_loop3A_199 = arith.constant 1 : i32
      %parallel_loop3A_200 = arith.index_cast %parallel_loop3A_199 : i32 to index
      %parallel_loop3A_201 = arith.index_cast %parallel_loop3A_184 : i32 to index
      %parallel_loop3A_202 = tpu.vector_load %arg8[%parallel_loop3A_200, %parallel_loop3A_201] {strides = array<i32>} : memref<8x2048xf32, #tpu.memory_space<vmem>>, vector<16xf32>,
      tpu.vector_store %arg8[%parallel_loop3A_200, %parallel_loop3A_201], %parallel_loop3A_198 {strides = array<i32>} : memref<8x2048xf32, #tpu.memory_space<vmem>>, vector<16xf32>,
      %parallel_loop3A_203 = arith.constant 2 : i32
      %parallel_loop3A_204 = arith.index_cast %parallel_loop3A_203 : i32 to index
      %parallel_loop3A_205 = arith.index_cast %parallel_loop3A_184 : i32 to index
      %parallel_loop3A_206 = tpu.vector_load %arg6[%parallel_loop3A_204, %parallel_loop3A_205] {strides = array<i32>} : memref<8x2048xi32, #tpu.memory_space<vmem>>, vector<16xi32>,
      %parallel_loop3A_207 = tpu.vector_load_idx %arg5[%parallel_loop3A_206] : memref<10000xf32, #tpu.memory_space<vmem>>[vector<16xi32>], vector<16xf32>,
      %parallel_loop3A_208 = arith.constant 2 : i32
      %parallel_loop3A_209 = arith.index_cast %parallel_loop3A_208 : i32 to index
      %parallel_loop3A_210 = arith.index_cast %parallel_loop3A_184 : i32 to index
      %parallel_loop3A_211 = tpu.vector_load %arg8[%parallel_loop3A_209, %parallel_loop3A_210] {strides = array<i32>} : memref<8x2048xf32, #tpu.memory_space<vmem>>, vector<16xf32>,
      tpu.vector_store %arg8[%parallel_loop3A_209, %parallel_loop3A_210], %parallel_loop3A_207 {strides = array<i32>} : memref<8x2048xf32, #tpu.memory_space<vmem>>, vector<16xf32>,
      %parallel_loop3A_212 = arith.constant 3 : i32
      %parallel_loop3A_213 = arith.index_cast %parallel_loop3A_212 : i32 to index
      %parallel_loop3A_214 = arith.index_cast %parallel_loop3A_184 : i32 to index
      %parallel_loop3A_215 = tpu.vector_load %arg6[%parallel_loop3A_213, %parallel_loop3A_214] {strides = array<i32>} : memref<8x2048xi32, #tpu.memory_space<vmem>>, vector<16xi32>,
      %parallel_loop3A_216 = tpu.vector_load_idx %arg5[%parallel_loop3A_215] : memref<10000xf32, #tpu.memory_space<vmem>>[vector<16xi32>], vector<16xf32>,
      %parallel_loop3A_217 = arith.constant 3 : i32
      %parallel_loop3A_218 = arith.index_cast %parallel_loop3A_217 : i32 to index
      %parallel_loop3A_219 = arith.index_cast %parallel_loop3A_184 : i32 to index
      %parallel_loop3A_220 = tpu.vector_load %arg8[%parallel_loop3A_218, %parallel_loop3A_219] {strides = array<i32>} : memref<8x2048xf32, #tpu.memory_space<vmem>>, vector<16xf32>,
      tpu.vector_store %arg8[%parallel_loop3A_218, %parallel_loop3A_219], %parallel_loop3A_216 {strides = array<i32>} : memref<8x2048xf32, #tpu.memory_space<vmem>>, vector<16xf32>,
      %parallel_loop3A_221 = arith.constant 4 : i32
      %parallel_loop3A_222 = arith.index_cast %parallel_loop3A_221 : i32 to index
      %parallel_loop3A_223 = arith.index_cast %parallel_loop3A_184 : i32 to index
      %parallel_loop3A_224 = tpu.vector_load %arg6[%parallel_loop3A_222, %parallel_loop3A_223] {strides = array<i32>} : memref<8x2048xi32, #tpu.memory_space<vmem>>, vector<16xi32>,
      %parallel_loop3A_225 = tpu.vector_load_idx %arg5[%parallel_loop3A_224] : memref<10000xf32, #tpu.memory_space<vmem>>[vector<16xi32>], vector<16xf32>,
      %parallel_loop3A_226 = arith.constant 4 : i32
      %parallel_loop3A_227 = arith.index_cast %parallel_loop3A_226 : i32 to index
      %parallel_loop3A_228 = arith.index_cast %parallel_loop3A_184 : i32 to index
      %parallel_loop3A_229 = tpu.vector_load %arg8[%parallel_loop3A_227, %parallel_loop3A_228] {strides = array<i32>} : memref<8x2048xf32, #tpu.memory_space<vmem>>, vector<16xf32>,
      tpu.vector_store %arg8[%parallel_loop3A_227, %parallel_loop3A_228], %parallel_loop3A_225 {strides = array<i32>} : memref<8x2048xf32, #tpu.memory_space<vmem>>, vector<16xf32>,
      %parallel_loop3A_230 = arith.constant 5 : i32
      %parallel_loop3A_231 = arith.index_cast %parallel_loop3A_230 : i32 to index
      %parallel_loop3A_232 = arith.index_cast %parallel_loop3A_184 : i32 to index
      %parallel_loop3A_233 = tpu.vector_load %arg6[%parallel_loop3A_231, %parallel_loop3A_232] {strides = array<i32>} : memref<8x2048xi32, #tpu.memory_space<vmem>>, vector<16xi32>,
      %parallel_loop3A_234 = tpu.vector_load_idx %arg5[%parallel_loop3A_233] : memref<10000xf32, #tpu.memory_space<vmem>>[vector<16xi32>], vector<16xf32>,
      %parallel_loop3A_235 = arith.constant 5 : i32
      %parallel_loop3A_236 = arith.index_cast %parallel_loop3A_235 : i32 to index
      %parallel_loop3A_237 = arith.index_cast %parallel_loop3A_184 : i32 to index
      %parallel_loop3A_238 = tpu.vector_load %arg8[%parallel_loop3A_236, %parallel_loop3A_237] {strides = array<i32>} : memref<8x2048xf32, #tpu.memory_space<vmem>>, vector<16xf32>,
      tpu.vector_store %arg8[%parallel_loop3A_236, %parallel_loop3A_237], %parallel_loop3A_234 {strides = array<i32>} : memref<8x2048xf32, #tpu.memory_space<vmem>>, vector<16xf32>,
      %parallel_loop3A_239 = arith.constant 6 : i32
      %parallel_loop3A_240 = arith.index_cast %parallel_loop3A_239 : i32 to index
      %parallel_loop3A_241 = arith.index_cast %parallel_loop3A_184 : i32 to index
      %parallel_loop3A_242 = tpu.vector_load %arg6[%parallel_loop3A_240, %parallel_loop3A_241] {strides = array<i32>} : memref<8x2048xi32, #tpu.memory_space<vmem>>, vector<16xi32>,
      %parallel_loop3A_243 = tpu.vector_load_idx %arg5[%parallel_loop3A_242] : memref<10000xf32, #tpu.memory_space<vmem>>[vector<16xi32>], vector<16xf32>,
      %parallel_loop3A_244 = arith.constant 6 : i32
      %parallel_loop3A_245 = arith.index_cast %parallel_loop3A_244 : i32 to index
      %parallel_loop3A_246 = arith.index_cast %parallel_loop3A_184 : i32 to index
      %parallel_loop3A_247 = tpu.vector_load %arg8[%parallel_loop3A_245, %parallel_loop3A_246] {strides = array<i32>} : memref<8x2048xf32, #tpu.memory_space<vmem>>, vector<16xf32>,
      tpu.vector_store %arg8[%parallel_loop3A_245, %parallel_loop3A_246], %parallel_loop3A_243 {strides = array<i32>} : memref<8x2048xf32, #tpu.memory_space<vmem>>, vector<16xf32>,
      %parallel_loop3A_248 = arith.constant 7 : i32
      %parallel_loop3A_249 = arith.index_cast %parallel_loop3A_248 : i32 to index
      %parallel_loop3A_250 = arith.index_cast %parallel_loop3A_184 : i32 to index
      %parallel_loop3A_251 = tpu.vector_load %arg6[%parallel_loop3A_249, %parallel_loop3A_250] {strides = array<i32>} : memref<8x2048xi32, #tpu.memory_space<vmem>>, vector<16xi32>,
      %parallel_loop3A_252 = tpu.vector_load_idx %arg5[%parallel_loop3A_251] : memref<10000xf32, #tpu.memory_space<vmem>>[vector<16xi32>], vector<16xf32>,
      %parallel_loop3A_253 = arith.constant 7 : i32
      %parallel_loop3A_254 = arith.index_cast %parallel_loop3A_253 : i32 to index
      %parallel_loop3A_255 = arith.index_cast %parallel_loop3A_184 : i32 to index
      %parallel_loop3A_256 = tpu.vector_load %arg8[%parallel_loop3A_254, %parallel_loop3A_255] {strides = array<i32>} : memref<8x2048xf32, #tpu.memory_space<vmem>>, vector<16xf32>,
      tpu.vector_store %arg8[%parallel_loop3A_254, %parallel_loop3A_255], %parallel_loop3A_252 {strides = array<i32>} : memref<8x2048xf32, #tpu.memory_space<vmem>>, vector<16xf32>,
    } {sc.loop_unroll_factor = 4 : i64, sc.parallel_access}
    %add3A_153 = arith.constant 48 : i32
    %add3A_154 = arith.addi %mul3A_2, %add3A_153 : i32
    %dma_start3A_155 = arith.constant 0 : i32
    %dma_start3A_156 = tpu.memref_slice %arg4[%add3A_154, %dma_start3A_155] : memref<2048x2048xf32, #tpu.memory_space<hbm>> -> memref<8x2048xf32, #tpu.memory_space<hbm>>
    %dma_start3A_157 = arith.constant 0 : i32
    %dma_start3A_158 = tpu.memref_slice %arg4[%add3A_154, %dma_start3A_157] : memref<2048x2048xf32, #tpu.memory_space<hbm>> -> memref<8x2048xf32, #tpu.memory_space<hbm>>
    tpu.enqueue_dma source(%arg8 : memref<8x2048xf32, #tpu.memory_space<vmem>>) target(%dma_start3A_158 : memref<8x2048xf32, #tpu.memory_space<hbm>>) target_semaphore(%arg12 : memref<!tpu.dma_semaphore, #tpu.memory_space<semaphore_mem>>)
    %dma_wait3A_159 = arith.constant 0 : i32
    %dma_wait3A_160 = tpu.memref_slice %arg3[%add3A_137, %dma_wait3A_159] : memref<2048x2048xi32, #tpu.memory_space<hbm>> -> memref<8x2048xi32, #tpu.memory_space<hbm>>
    %dma_wait3A_161 = arith.constant 0 : i32
    %dma_wait3A_162 = tpu.memref_slice %arg3[%add3A_137, %dma_wait3A_161] : memref<2048x2048xi32, #tpu.memory_space<hbm>> -> memref<8x2048xi32, #tpu.memory_space<hbm>>
    tpu.wait_dma2 semaphore(%arg11 : memref<!tpu.dma_semaphore, #tpu.memory_space<semaphore_mem>>) src(%dma_wait3A_162 : memref<8x2048xi32, #tpu.memory_space<hbm>>) dst(%arg7 : memref<8x2048xi32, #tpu.memory_space<vmem>>)
    %dma_wait3A_163 = arith.constant 0 : i32
    %dma_wait3A_164 = tpu.memref_slice %arg4[%add3A_131, %dma_wait3A_163] : memref<2048x2048xf32, #tpu.memory_space<hbm>> -> memref<8x2048xf32, #tpu.memory_space<hbm>>
    %dma_wait3A_165 = arith.constant 0 : i32
    %dma_wait3A_166 = tpu.memref_slice %arg4[%add3A_131, %dma_wait3A_165] : memref<2048x2048xf32, #tpu.memory_space<hbm>> -> memref<8x2048xf32, #tpu.memory_space<hbm>>
    tpu.wait_dma2 semaphore(%arg13 : memref<!tpu.dma_semaphore, #tpu.memory_space<semaphore_mem>>) src(%arg9 : memref<8x2048xf32, #tpu.memory_space<vmem>>) dst(%dma_wait3A_166 : memref<8x2048xf32, #tpu.memory_space<hbm>>)
    %parallel_loop3A_167 = arith.constant 0 : i32
    %parallel_loop3A_168 = arith.constant 2048 : i32
    %parallel_loop3A_169 = arith.constant 16 : i32
    scf.for %parallel_loop3A_184 = %parallel_loop3A_167 to %parallel_loop3A_168 step %parallel_loop3A_169  : i32 {
      %parallel_loop3A_185 = arith.constant 0 : i32
      %parallel_loop3A_186 = arith.index_cast %parallel_loop3A_185 : i32 to index
      %parallel_loop3A_187 = arith.index_cast %parallel_loop3A_184 : i32 to index
      %parallel_loop3A_188 = tpu.vector_load %arg7[%parallel_loop3A_186, %parallel_loop3A_187] {strides = array<i32>} : memref<8x2048xi32, #tpu.memory_space<vmem>>, vector<16xi32>,
      %parallel_loop3A_189 = tpu.vector_load_idx %arg5[%parallel_loop3A_188] : memref<10000xf32, #tpu.memory_space<vmem>>[vector<16xi32>], vector<16xf32>,
      %parallel_loop3A_190 = arith.constant 0 : i32
      %parallel_loop3A_191 = arith.index_cast %parallel_loop3A_190 : i32 to index
      %parallel_loop3A_192 = arith.index_cast %parallel_loop3A_184 : i32 to index
      %parallel_loop3A_193 = tpu.vector_load %arg9[%parallel_loop3A_191, %parallel_loop3A_192] {strides = array<i32>} : memref<8x2048xf32, #tpu.memory_space<vmem>>, vector<16xf32>,
      tpu.vector_store %arg9[%parallel_loop3A_191, %parallel_loop3A_192], %parallel_loop3A_189 {strides = array<i32>} : memref<8x2048xf32, #tpu.memory_space<vmem>>, vector<16xf32>,
      %parallel_loop3A_194 = arith.constant 1 : i32
      %parallel_loop3A_195 = arith.index_cast %parallel_loop3A_194 : i32 to index
      %parallel_loop3A_196 = arith.index_cast %parallel_loop3A_184 : i32 to index
      %parallel_loop3A_197 = tpu.vector_load %arg7[%parallel_loop3A_195, %parallel_loop3A_196] {strides = array<i32>} : memref<8x2048xi32, #tpu.memory_space<vmem>>, vector<16xi32>,
      %parallel_loop3A_198 = tpu.vector_load_idx %arg5[%parallel_loop3A_197] : memref<10000xf32, #tpu.memory_space<vmem>>[vector<16xi32>], vector<16xf32>,
      %parallel_loop3A_199 = arith.constant 1 : i32
      %parallel_loop3A_200 = arith.index_cast %parallel_loop3A_199 : i32 to index
      %parallel_loop3A_201 = arith.index_cast %parallel_loop3A_184 : i32 to index
      %parallel_loop3A_202 = tpu.vector_load %arg9[%parallel_loop3A_200, %parallel_loop3A_201] {strides = array<i32>} : memref<8x2048xf32, #tpu.memory_space<vmem>>, vector<16xf32>,
      tpu.vector_store %arg9[%parallel_loop3A_200, %parallel_loop3A_201], %parallel_loop3A_198 {strides = array<i32>} : memref<8x2048xf32, #tpu.memory_space<vmem>>, vector<16xf32>,
      %parallel_loop3A_203 = arith.constant 2 : i32
      %parallel_loop3A_204 = arith.index_cast %parallel_loop3A_203 : i32 to index
      %parallel_loop3A_205 = arith.index_cast %parallel_loop3A_184 : i32 to index
      %parallel_loop3A_206 = tpu.vector_load %arg7[%parallel_loop3A_204, %parallel_loop3A_205] {strides = array<i32>} : memref<8x2048xi32, #tpu.memory_space<vmem>>, vector<16xi32>,
      %parallel_loop3A_207 = tpu.vector_load_idx %arg5[%parallel_loop3A_206] : memref<10000xf32, #tpu.memory_space<vmem>>[vector<16xi32>], vector<16xf32>,
      %parallel_loop3A_208 = arith.constant 2 : i32
      %parallel_loop3A_209 = arith.index_cast %parallel_loop3A_208 : i32 to index
      %parallel_loop3A_210 = arith.index_cast %parallel_loop3A_184 : i32 to index
      %parallel_loop3A_211 = tpu.vector_load %arg9[%parallel_loop3A_209, %parallel_loop3A_210] {strides = array<i32>} : memref<8x2048xf32, #tpu.memory_space<vmem>>, vector<16xf32>,
      tpu.vector_store %arg9[%parallel_loop3A_209, %parallel_loop3A_210], %parallel_loop3A_207 {strides = array<i32>} : memref<8x2048xf32, #tpu.memory_space<vmem>>, vector<16xf32>,
      %parallel_loop3A_212 = arith.constant 3 : i32
      %parallel_loop3A_213 = arith.index_cast %parallel_loop3A_212 : i32 to index
      %parallel_loop3A_214 = arith.index_cast %parallel_loop3A_184 : i32 to index
      %parallel_loop3A_215 = tpu.vector_load %arg7[%parallel_loop3A_213, %parallel_loop3A_214] {strides = array<i32>} : memref<8x2048xi32, #tpu.memory_space<vmem>>, vector<16xi32>,
      %parallel_loop3A_216 = tpu.vector_load_idx %arg5[%parallel_loop3A_215] : memref<10000xf32, #tpu.memory_space<vmem>>[vector<16xi32>], vector<16xf32>,
      %parallel_loop3A_217 = arith.constant 3 : i32
      %parallel_loop3A_218 = arith.index_cast %parallel_loop3A_217 : i32 to index
      %parallel_loop3A_219 = arith.index_cast %parallel_loop3A_184 : i32 to index
      %parallel_loop3A_220 = tpu.vector_load %arg9[%parallel_loop3A_218, %parallel_loop3A_219] {strides = array<i32>} : memref<8x2048xf32, #tpu.memory_space<vmem>>, vector<16xf32>,
      tpu.vector_store %arg9[%parallel_loop3A_218, %parallel_loop3A_219], %parallel_loop3A_216 {strides = array<i32>} : memref<8x2048xf32, #tpu.memory_space<vmem>>, vector<16xf32>,
      %parallel_loop3A_221 = arith.constant 4 : i32
      %parallel_loop3A_222 = arith.index_cast %parallel_loop3A_221 : i32 to index
      %parallel_loop3A_223 = arith.index_cast %parallel_loop3A_184 : i32 to index
      %parallel_loop3A_224 = tpu.vector_load %arg7[%parallel_loop3A_222, %parallel_loop3A_223] {strides = array<i32>} : memref<8x2048xi32, #tpu.memory_space<vmem>>, vector<16xi32>,
      %parallel_loop3A_225 = tpu.vector_load_idx %arg5[%parallel_loop3A_224] : memref<10000xf32, #tpu.memory_space<vmem>>[vector<16xi32>], vector<16xf32>,
      %parallel_loop3A_226 = arith.constant 4 : i32
      %parallel_loop3A_227 = arith.index_cast %parallel_loop3A_226 : i32 to index
      %parallel_loop3A_228 = arith.index_cast %parallel_loop3A_184 : i32 to index
      %parallel_loop3A_229 = tpu.vector_load %arg9[%parallel_loop3A_227, %parallel_loop3A_228] {strides = array<i32>} : memref<8x2048xf32, #tpu.memory_space<vmem>>, vector<16xf32>,
      tpu.vector_store %arg9[%parallel_loop3A_227, %parallel_loop3A_228], %parallel_loop3A_225 {strides = array<i32>} : memref<8x2048xf32, #tpu.memory_space<vmem>>, vector<16xf32>,
      %parallel_loop3A_230 = arith.constant 5 : i32
      %parallel_loop3A_231 = arith.index_cast %parallel_loop3A_230 : i32 to index
      %parallel_loop3A_232 = arith.index_cast %parallel_loop3A_184 : i32 to index
      %parallel_loop3A_233 = tpu.vector_load %arg7[%parallel_loop3A_231, %parallel_loop3A_232] {strides = array<i32>} : memref<8x2048xi32, #tpu.memory_space<vmem>>, vector<16xi32>,
      %parallel_loop3A_234 = tpu.vector_load_idx %arg5[%parallel_loop3A_233] : memref<10000xf32, #tpu.memory_space<vmem>>[vector<16xi32>], vector<16xf32>,
      %parallel_loop3A_235 = arith.constant 5 : i32
      %parallel_loop3A_236 = arith.index_cast %parallel_loop3A_235 : i32 to index
      %parallel_loop3A_237 = arith.index_cast %parallel_loop3A_184 : i32 to index
      %parallel_loop3A_238 = tpu.vector_load %arg9[%parallel_loop3A_236, %parallel_loop3A_237] {strides = array<i32>} : memref<8x2048xf32, #tpu.memory_space<vmem>>, vector<16xf32>,
      tpu.vector_store %arg9[%parallel_loop3A_236, %parallel_loop3A_237], %parallel_loop3A_234 {strides = array<i32>} : memref<8x2048xf32, #tpu.memory_space<vmem>>, vector<16xf32>,
      %parallel_loop3A_239 = arith.constant 6 : i32
      %parallel_loop3A_240 = arith.index_cast %parallel_loop3A_239 : i32 to index
      %parallel_loop3A_241 = arith.index_cast %parallel_loop3A_184 : i32 to index
      %parallel_loop3A_242 = tpu.vector_load %arg7[%parallel_loop3A_240, %parallel_loop3A_241] {strides = array<i32>} : memref<8x2048xi32, #tpu.memory_space<vmem>>, vector<16xi32>,
      %parallel_loop3A_243 = tpu.vector_load_idx %arg5[%parallel_loop3A_242] : memref<10000xf32, #tpu.memory_space<vmem>>[vector<16xi32>], vector<16xf32>,
      %parallel_loop3A_244 = arith.constant 6 : i32
      %parallel_loop3A_245 = arith.index_cast %parallel_loop3A_244 : i32 to index
      %parallel_loop3A_246 = arith.index_cast %parallel_loop3A_184 : i32 to index
      %parallel_loop3A_247 = tpu.vector_load %arg9[%parallel_loop3A_245, %parallel_loop3A_246] {strides = array<i32>} : memref<8x2048xf32, #tpu.memory_space<vmem>>, vector<16xf32>,
      tpu.vector_store %arg9[%parallel_loop3A_245, %parallel_loop3A_246], %parallel_loop3A_243 {strides = array<i32>} : memref<8x2048xf32, #tpu.memory_space<vmem>>, vector<16xf32>,
      %parallel_loop3A_248 = arith.constant 7 : i32
      %parallel_loop3A_249 = arith.index_cast %parallel_loop3A_248 : i32 to index
      %parallel_loop3A_250 = arith.index_cast %parallel_loop3A_184 : i32 to index
      %parallel_loop3A_251 = tpu.vector_load %arg7[%parallel_loop3A_249, %parallel_loop3A_250] {strides = array<i32>} : memref<8x2048xi32, #tpu.memory_space<vmem>>, vector<16xi32>,
      %parallel_loop3A_252 = tpu.vector_load_idx %arg5[%parallel_loop3A_251] : memref<10000xf32, #tpu.memory_space<vmem>>[vector<16xi32>], vector<16xf32>,
      %parallel_loop3A_253 = arith.constant 7 : i32
      %parallel_loop3A_254 = arith.index_cast %parallel_loop3A_253 : i32 to index
      %parallel_loop3A_255 = arith.index_cast %parallel_loop3A_184 : i32 to index
      %parallel_loop3A_256 = tpu.vector_load %arg9[%parallel_loop3A_254, %parallel_loop3A_255] {strides = array<i32>} : memref<8x2048xf32, #tpu.memory_space<vmem>>, vector<16xf32>,
      tpu.vector_store %arg9[%parallel_loop3A_254, %parallel_loop3A_255], %parallel_loop3A_252 {strides = array<i32>} : memref<8x2048xf32, #tpu.memory_space<vmem>>, vector<16xf32>,
    } {sc.loop_unroll_factor = 4 : i64, sc.parallel_access}
    %add3A_170 = arith.constant 56 : i32
    %add3A_171 = arith.addi %mul3A_2, %add3A_170 : i32
    %dma_start3A_172 = arith.constant 0 : i32
    %dma_start3A_173 = tpu.memref_slice %arg4[%add3A_171, %dma_start3A_172] : memref<2048x2048xf32, #tpu.memory_space<hbm>> -> memref<8x2048xf32, #tpu.memory_space<hbm>>
    %dma_start3A_174 = arith.constant 0 : i32
    %dma_start3A_175 = tpu.memref_slice %arg4[%add3A_171, %dma_start3A_174] : memref<2048x2048xf32, #tpu.memory_space<hbm>> -> memref<8x2048xf32, #tpu.memory_space<hbm>>
    tpu.enqueue_dma source(%arg9 : memref<8x2048xf32, #tpu.memory_space<vmem>>) target(%dma_start3A_175 : memref<8x2048xf32, #tpu.memory_space<hbm>>) target_semaphore(%arg13 : memref<!tpu.dma_semaphore, #tpu.memory_space<semaphore_mem>>)
    %dma_wait3A_176 = arith.constant 0 : i32
    %dma_wait3A_177 = tpu.memref_slice %arg4[%add3A_154, %dma_wait3A_176] : memref<2048x2048xf32, #tpu.memory_space<hbm>> -> memref<8x2048xf32, #tpu.memory_space<hbm>>
    %dma_wait3A_178 = arith.constant 0 : i32
    %dma_wait3A_179 = tpu.memref_slice %arg4[%add3A_154, %dma_wait3A_178] : memref<2048x2048xf32, #tpu.memory_space<hbm>> -> memref<8x2048xf32, #tpu.memory_space<hbm>>
    tpu.wait_dma2 semaphore(%arg12 : memref<!tpu.dma_semaphore, #tpu.memory_space<semaphore_mem>>) src(%arg8 : memref<8x2048xf32, #tpu.memory_space<vmem>>) dst(%dma_wait3A_179 : memref<8x2048xf32, #tpu.memory_space<hbm>>)
    %dma_wait3A_180 = arith.constant 0 : i32
    %dma_wait3A_181 = tpu.memref_slice %arg4[%add3A_171, %dma_wait3A_180] : memref<2048x2048xf32, #tpu.memory_space<hbm>> -> memref<8x2048xf32, #tpu.memory_space<hbm>>
    %dma_wait3A_182 = arith.constant 0 : i32
    %dma_wait3A_183 = tpu.memref_slice %arg4[%add3A_171, %dma_wait3A_182] : memref<2048x2048xf32, #tpu.memory_space<hbm>> -> memref<8x2048xf32, #tpu.memory_space<hbm>>
    tpu.wait_dma2 semaphore(%arg13 : memref<!tpu.dma_semaphore, #tpu.memory_space<semaphore_mem>>) src(%arg9 : memref<8x2048xf32, #tpu.memory_space<vmem>>) dst(%dma_wait3A_183 : memref<8x2048xf32, #tpu.memory_space<hbm>>)
    return
  }
}

</mosaic_0001>

<sc_bundles>
// kernel: kernel.3.cloned.1.call-start
scs
__scs_entry_jumppad:
0x0: {  	(pc) =	sbr.rel $0x88, $3  }
0x1: {  	(tag) =	ssettag $0x0;
	lr =	simm.s32 $0x1  }
0x2: {  	[smem:$0x3F9F] =	sst lr;
	_ =	strace $0xD0000000  }
0x3: {  	_ = 	snop  }
0x4: {  	_ = 	snop  }
0x5: {  	_ = 	snop  }
0x6: {  	_ = 	snop  }
0x7: {  	_ = 	snop  }
__scs_overlays_trampoline_lowered:
0x8: {  	[smem:$0x3FAE] =	sst s0  }
0x9: {  	[smem:$0x3FAF] =	sst s1  }
0xa: {  	[smem:$0x3FB0] =	sst s2  }
0xb: {  	[smem:$0x3FB1] =	sst s3  }
0xc: {  	[smem:$0x3FB2] =	sst s4  }
0xd: {  	[smem:$0x3FB3] =	sst s5  }
0xe: {  	[smem:$0x3FB4] =	sst s6  }
0xf: {  	[smem:$0x3FB5] =	sst s7  }
0x10: {  	[smem:$0x3FB6] =	sst s8  }
0x11: {  	[smem:$0x3FB7] =	sst s9;
	s0 =	simm.s32 @!p0 $0x0  }
0x12: {  	s1 =	sld [smem:$0x3F9D];
	s0 =	simm.s32 @p0 $0x1  }
0x13: {  	[smem:$0x3FB8] =	sst s0;
	s0 =	simm.s32 @!p1 $0x0  }
0x14: {  	s2 =	sld [smem:$0x3F9C];
	s0 =	simm.s32 @p1 $0x1  }
0x15: {  	[smem:$0x3FB9] =	sst s0;
	s0 =	simm.s32 @!p2 $0x0  }
0x16: {  	s3 =	sld [smem:$0x3FDB];
	s0 =	simm.s32 @p2 $0x1  }
0x17: {  	s4 =	simm.s32 $0x1BF5;
	[smem:$0x3FBB] =	sst s0  }
0x18: {  	s0 =	sld [smem:$0x3F9E];
	_ =	swait.ge [sflag:s4], $0x0  }
0x19: {  	s7 =	sld [smem:$0x3F9F]  }
0x1a: {  	s8 =	sadd.s32 $0xFFFFE003, lr  }
0x1b: {  	s9 =	sadd.s32 $0xFFFFFEF7, lr;
	s5 =	simm.s32 $0xFFFFFFFF;
	p2 =	slt.u32 s8, $0xFFFFF086  }
0x1c: {  	p1 =	slt.u32 s9, $0xF7A;
	s5 =	simm.s32 @!p2 $0x0  }
0x1d: {  	s5 =	simm.s32 @p1 $0x1;
	p0 =	seq.s32 s7, s2  }
0x1e: {  	s7 =	smul.u32 @!p0 $0xF7A, s2;
	p2 =	seq.s32 @!p0 s5, $0x0  }
0x1f: {  	s9 =	smul.u32 $0xF7A, s1;
	s8 =	simm.s32 @!p0 $0x1BF5;
	p2 =	por !p2, p0  }
0x20: {  	[sflag:s8] =	ssyncset.s32 @!p0 $0xFFFFF086;
	s6 =	sadd.s32 @!p0 s3, s7;
	s7 =	simm.s32 @!p0 $0x108  }
0x21: {  	s3 =	sadd.s32 s3, s9;
	s6 =	sadd.s32 @!p0 $0x88, s6;
	s7 =	simm.s32 @p2 $0x1082  }
0x22: {  	[simem:s7], [sflag:s8] =	dma.local @!p0 [hbm:s6], $0xF7A  }
0x23: {  	s9 =	sor.u32 $0xD0000000, s2;
	s6 =	simm.s32 $0x108;
	_ =	swait.ge @!p0 [sflag:s8], $0x0  }
0x24: {  	s3 =	sadd.s32 $0x88, s3;
	s6 =	simm.s32 @!p1 $0x1082;
	[sflag:s4] =	ssyncset.s32 $0xFFFFF086  }
0x25: {  	[simem:s6], [sflag:s4] =	dma.local [hbm:s3], $0xF7A  }
0x26: {  	[smem:$0x3F9F] =	sst s1;
	(tag) =	ssettag s2;
	_ =	strace s9  }
0x27: {  	s1 =	sld [smem:$0x3FAF]  }
0x28: {  	s2 =	sld [smem:$0x3FB0]  }
0x29: {  	s4 =	sld [smem:$0x3FB2]  }
0x2a: {  	p0 =	seq.s32 s5, $0x0;
	s5 =	sld [smem:$0x3FB3]  }
0x2b: {  	s6 =	sld [smem:$0x3FB4]  }
0x2c: {  	s7 =	sld [smem:$0x3FB5]  }
0x2d: {  	s3 =	simm.s32 $0x108;
	s8 =	sld [smem:$0x3FB6]  }
0x2e: {  	s3 =	simm.s32 @!p0 $0x1082;
	s9 =	sld [smem:$0x3FB7]  }
0x2f: {  	lr =	sadd.s32 s0, s3;
	s0 =	sld [smem:$0x3FAE]  }
0x30: {  	s3 =	sld [smem:$0x3FB1]  }
0x31: {  	[smem:$0x3FBA] =	sst s10  }
0x32: {  	s10 =	sld [smem:$0x3FB8];
	_ =	sdelay $0x3  }
0x33: {  	p0 =	seq.s32 s10, $0x1;
	s10 =	sld [smem:$0x3FBA];
	_ =	sdelay $0x3  }
0x34: {  	[smem:$0x3FBA] =	sst s10  }
0x35: {  	s10 =	sld [smem:$0x3FB9];
	_ =	sdelay $0x3  }
0x36: {  	p1 =	seq.s32 s10, $0x1;
	s10 =	sld [smem:$0x3FBA];
	_ =	sdelay $0x3  }
0x37: {  	[smem:$0x3FBA] =	sst s10  }
0x38: {  	s10 =	sld [smem:$0x3FBB]  }
0x39: {  	_ = 	snop;
	(pc) =	sbr.ind lr, $3  }
0x3a: {  	_ = 	snop  }
0x3b: {  	_ = 	snop  }
0x3c: {  	p2 =	seq.s32 s10, $0x1;
	s10 =	sld [smem:$0x3FBA]  }
0x3d: {  	_ =	shalt  }
0x3e: {  	_ =	shalt  }
0x3f: {  	_ =	shalt  }
0x40: {  	_ =	shalt  }
0x41: {  	_ =	shalt  }
0x42: {  	_ =	shalt  }
0x43: {  	_ =	shalt  }
0x44: {  	_ =	shalt  }
0x45: {  	_ =	shalt  }
0x46: {  	_ =	shalt  }
0x47: {  	_ =	shalt  }
0x48: {  	_ =	shalt  }
0x49: {  	_ =	shalt  }
0x4a: {  	_ =	shalt  }
0x4b: {  	_ =	shalt  }
0x4c: {  	_ =	shalt  }
0x4d: {  	_ =	shalt  }
0x4e: {  	_ =	shalt  }
0x4f: {  	_ =	shalt  }
0x50: {  	_ =	shalt  }
0x51: {  	_ =	shalt  }
0x52: {  	_ =	shalt  }
0x53: {  	_ =	shalt  }
0x54: {  	_ =	shalt  }
0x55: {  	_ =	shalt  }
0x56: {  	_ =	shalt  }
0x57: {  	_ =	shalt  }
0x58: {  	_ =	shalt  }
0x59: {  	_ =	shalt  }
0x5a: {  	_ =	shalt  }
0x5b: {  	_ =	shalt  }
0x5c: {  	_ =	shalt  }
0x5d: {  	_ =	shalt  }
0x5e: {  	_ =	shalt  }
0x5f: {  	_ =	shalt  }
0x60: {  	_ =	shalt  }
0x61: {  	_ =	shalt  }
0x62: {  	_ =	shalt  }
0x63: {  	_ =	shalt  }
0x64: {  	_ =	shalt  }
0x65: {  	_ =	shalt  }
0x66: {  	_ =	shalt  }
0x67: {  	_ =	shalt  }
0x68: {  	_ =	shalt  }
0x69: {  	_ =	shalt  }
0x6a: {  	_ =	shalt  }
0x6b: {  	_ =	shalt  }
0x6c: {  	_ =	shalt  }
0x6d: {  	_ =	shalt  }
0x6e: {  	_ =	shalt  }
0x6f: {  	_ =	shalt  }
0x70: {  	_ =	shalt  }
0x71: {  	_ =	shalt  }
0x72: {  	_ =	shalt  }
0x73: {  	_ =	shalt  }
0x74: {  	_ =	shalt  }
0x75: {  	_ =	shalt  }
0x76: {  	_ =	shalt  }
0x77: {  	_ =	shalt  }
0x78: {  	_ =	shalt  }
0x79: {  	_ =	shalt  }
0x7a: {  	_ =	shalt  }
0x7b: {  	_ =	shalt  }
0x7c: {  	_ =	shalt  }
0x7d: {  	_ =	shalt  }
0x7e: {  	_ =	shalt  }
0x7f: {  	_ =	shalt  }
0x80: {  	_ =	shalt  }
0x81: {  	_ =	shalt  }
0x82: {  	_ =	shalt  }
0x83: {  	_ =	shalt  }
0x84: {  	_ =	shalt  }
0x85: {  	_ =	shalt  }
0x86: {  	_ =	shalt  }
0x87: {  	_ =	shalt  }
.Lfunc_end0:
.L_simem_size_0:
called_computation_lowered:
.L_overlay_start_0:
0x88: {  	s2 =	sld [smem:$0x3FD9]  }
0x89: {  	s3 =	sld [smem:$0x3FFE];
	_ =	sdelay $0x1  }
0x8a: {  	s1 =	srdreg.scid  }
0x8b: {  	s0 =	sand.u32 $0x1, s1  }
0x8c: {  	s18 =	sshll.u32 s0, $0xA;
	s2 =	sadd.s32 s3, s2  }
0x8d: {  	s2 =	sadd.s32 s2, s18  }
0x8e: {  	[smem:$0x3FC6] =	sst s2  }
0x8f: {  	_ = 	snop  }
0x90: {  	s2 =	sld [smem:$0x3FC9]  }
0x91: {  	s19 =	sld [smem:$0x3FC8]  }
0x92: {  	s4 =	sld [smem:$0x3FD0];
	(tm) =	ssettm $0x1  }
0x93: {  	s5 =	sld [smem:$0x3FFB];
	_ =	sdelay $0x3  }
0x94: {  	_ =	strace s5  }
0x95: {  	s5 =	sld [smem:$0x3FFC];
	_ =	sdelay $0x3  }
0x96: {  	_ =	strace s5  }
0x97: {  	s5 =	sld [smem:$0x3FFD];
	_ =	sdelay $0x3  }
0x98: {  	_ =	strace s5  }
0x99: {  	_ =	strace $0x8FFFFFFF  }
0x9a: {  	s20 =	sld [smem:$0x3FDB];
	_ =	sdelay $0x1  }
0x9b: {  	s6 =	simm.s32 $_scs_section_size  }
0x9c: {  	s7 =	simm.s32 $_size__tile_overlayer_lowered;
	s8 =	simm.s32 $_tile_overlayer_lowered  }
0x9d: {  	s23 =	simm.s32 $0x1BFF;
	s22 =	sshll.u32 s8, $0x1;
	s5 =	sadd.s32 s6, s20  }
0x9e: {  	s9 =	simm.s32 $0x0;
	s21 =	sshll.u32 s7, $0x1;
	s7 =	sadd.s32 s22, s5  }
0x9f: {  	[timem:s9], [sflag:s23] =	dma.local [hbm:s7], s21  }
0xa0: {  	_ =	swait.ge [sflag:s23], s21  }
0xa1: {  	s6 =	ssub.s32 $0x0, s21;
	[sflag:s23] =	ssyncset.done $0x0  }
0xa2: {  	[sflag:s23] =	ssyncadd.s32 s6;
	_ =	sdelay $0x1  }
0xa3: {  	s24 =	simm.s32 $0x1B8B  }
0xa4: {  	_ =	swait.ge [sflag:s24], $0x1  }
0xa5: {  	[sflag:s24] =	ssyncset.done $0x0  }
0xa6: {  	s25 =	simm.s32 $0x1B8E;
	[sflag:s24] =	ssyncadd.s32 $0xFFFFFFFF  }
0xa7: {  	s26 =	simm.s32 $execute0_lowered;
	[smem:$0x3FD2] =	sst s25  }
0xa8: {  	s6 =	sshll.u32 s26, $0x1;
	_ =	strace $0x80000046;
	[dreg:$0x1] =	wrdreg $0xFFFFFFFF  }
0xa9: {  	s28 =	simm.s32 $_size_execute0_lowered;
	s5 =	sadd.s32 s5, s6;
	[dreg:$0x0] =	wrdreg $0x0  }
0xaa: {  	s6 =	sshll.u32 s28, $0x1;
	[dreg:$0x2] =	wrdreg s5  }
0xab: {  	[dreg:$0x3] =	wrdreg s6  }
0xac: {  	[dreg:$0x4] =	wrdreg $0xC0  }
0xad: {  	_ =	task [dreg:s9], $0x5FFFF  }
0xae: {  	[dreg:$0x1] =	wrdreg $0xFFFFFFFF  }
0xaf: {  	[dreg:$0x0] =	wrdreg $0x60  }
0xb0: {  	[dreg:$0x2] =	wrdreg s2  }
0xb1: {  	[dreg:$0x3] =	wrdreg s19  }
0xb2: {  	[dreg:$0x4] =	wrdreg s4  }
0xb3: {  	[dreg:$0x5] =	wrdreg $0x9  }
0xb4: {  	_ =	task.clear_ibuf [dreg:s9], $0x6FFFF;
	_ =	strace $0x90000046  }
0xb5: {  	s29 =	simm.s32 $0x9;
	_ =	strace $0x80000048  }
0xb6: {  	_ =	swait.ge [sflag:s29], $0x1  }
0xb7: {  	[sflag:s29] =	ssyncadd.s32 $0xFFFFFFFF  }
0xb8: {  	_ =	strace $0x90000048  }
0xb9: {  	_ =	sfence  }
0xba: {  	s30 =	sld [smem:$0x0];
	_ =	sdelay $0x2  }
0xbb: {  	s31 =	sshll.u32 s1, $0xD;
	s1 =	sshrl.u32 s1, $0x2  }
0xbc: {  	s3 =	sand.u32 $0x4000, s31;
	s1 =	sadd.s32 s1, s30  }
0xbd: {  	s0 =	sor.u32 s3, s0;
	s1 =	sshll.u32 s1, $0x11  }
0xbe: {  	s0 =	sor.u32 s1, s0  }
0xbf: {  	s0 =	sadd.s32 $0x8F2B, s0  }
0xc0: {  	[sflag:s0] =	ssyncadd.remote.s32 $0x1  }
0xc1: {  	_ =	sfence.sel $0xFFFF  }
0xc2: {  	[dreg:$0x0] =	wrdreg $0xFFFFFFFF;
	(pc) =	sbr.abs _section_cstart, $3  }
0xc3: {  	[dreg:$0x1] =	wrdreg $0xFFFFFFFF  }
0xc4: {  	_ =	task.clear_ibuf [dreg:s9], $0x2FFFF;
	_ =	strace $0x9FFFFFFF  }
0xc5: {  	(tm) =	ssettm $0x7FFFFFFF  }
tec
execute0_lowered:
.L_overlay_start_1:
0x0: {  	(tag) =	ssettag $0x1  }
0x1: {  	s0 =	rddreg [dreg:$0x1];
	s2 =	srdreg.scid  }
0x2: {  	s3 =	simm.s32 $0x0;
	s5 =	stileid.u32;
	s2 =	sand.u32 $0x1, s2  }
0x3: {  	s5 =	sshll.u32 s5, $0xF;
	s4 =	ssub.s32 $0x2, s2;
	s2 =	sshll.u32 s2, $0xE  }
0x4: {  	[smem:$0x7FF] =	sst s3;
	s2 =	sor.u32 s2, s5  }
0x5: {  	s1 =	rddreg [dreg:$0x2];
	_ =	strace $0x80000047;
	s15 =	sadd.s32 s0, s2  }
0x6: {  	s5 =	sor.u32 $0x800, s2;
	s7 =	sadd.s32 s1, s2;
	[dreg:$0x4] =	wrdreg s15  }
0x7: {  	s17 =	sor.u32 $0x1000, s2;
	s16 =	sadd.s32 s0, s5;
	[dreg:$0x6] =	wrdreg s7  }
0x8: {  	s6 =	sshrl.u32 s4, $0x1;
	s18 =	sadd.s32 s0, s17;
	[dreg:$0x5] =	wrdreg s16  }
0x9: {  	s19 =	sor.u32 $0x1800, s2;
	s5 =	sadd.s32 s1, s5;
	[dreg:$0x7] =	wrdreg s18  }
0xa: {  	s4 =	ssub.s32 s4, s6;
	s20 =	sadd.s32 s0, s19;
	[dreg:$0x8] =	wrdreg s5  }
0xb: {  	s21 =	sor.u32 $0x2000, s2;
	s6 =	sadd.s32 s1, s17;
	[dreg:$0x9] =	wrdreg s20  }
0xc: {  	s22 =	sadd.s32 s0, s21;
	[dreg:$0xa] =	wrdreg s6  }
0xd: {  	s23 =	sor.u32 $0x2800, s2;
	s7 =	sadd.s32 s1, s19;
	[dreg:$0xb] =	wrdreg s22  }
0xe: {  	s25 =	sor.u32 $0x3000, s2;
	s24 =	sadd.s32 s0, s23;
	[dreg:$0xc] =	wrdreg s7  }
0xf: {  	s26 =	sadd.s32 s0, s25;
	[dreg:$0xd] =	wrdreg s24  }
0x10: {  	s2 =	sor.u32 $0x3800, s2;
	s28 =	sadd.s32 s1, s23;
	[dreg:$0xf] =	wrdreg s26  }
0x11: {  	s0 =	sadd.s32 s0, s2;
	[dreg:$0x10] =	wrdreg s28  }
0x12: {  	s29 =	sadd.s32 s1, s25;
	[dreg:$0x11] =	wrdreg s0  }
0x13: {  	s30 =	sadd.s32 s1, s2;
	[dreg:$0x12] =	wrdreg s29  }
0x14: {  	s31 =	smax.u32 s4, $0x1;
	[dreg:$0x13] =	wrdreg s30  }
0x15: {  	s5 =	sadd.s32 s1, s21;
	[dreg:$0x14] =	wrdreg s31  }
0x16: {  	s2 =	simm.s32 $0x0;
	[dreg:$0xe] =	wrdreg s5  }
.LBB2_1:
0x17: {  	[dreg:$0x15] =	wrdreg s2  }
0x18: {  	s0 =	rddreg [dreg:$0x4];
	s1 =	simm.s32 $0x2780  }
0x19: {  	[tilespmem:s1], [sflag:$0x1] =	stream.linear.gather [hbm4b:s0+s3], $0x4000, $0x38;
	[tilespmem:$0x12780] =	vst v63  }
0x1a: {  	s14 =	rddreg [dreg:$0x0];
	s15 =	simm.s32 $0x5  }
0x1b: {  	[tilespmem:s3], [sflag:$0x5] =	stream.linear.gather [hbm4b:s14+s3], $0x2780, $0x38;
	[tilespmem:$0x12780] =	vst v63  }
0x1c: {  	_ =	swait.ge [sflag:s15], $0x2780  }
0x1d: {  	s17 =	simm.s32 $0x6780;
	[sflag:s15] =	ssyncset.done $0x0  }
0x1e: {  	s18 =	simm.s32 $0x1;
	s16 =	rddreg [dreg:$0x5];
	[sflag:s15] =	ssyncadd.s32 $0xFFFFD880  }
0x1f: {  	[tilespmem:s17], [sflag:$0x2] =	stream.linear.gather [hbm4b:s16+s3], $0x4000, $0x38;
	[tilespmem:$0x12780] =	vst v63  }
0x20: {  	s19 =	simm.s32 $0x0;
	_ =	swait.ge [sflag:s18], $0x4000  }
0x21: {  	s20 =	sand.u32 $0x3C00, s3;
	s0 =	sand.u32 $0x40, s19;
	[sflag:s18] =	ssyncset.done $0x0  }
0x22: {  	s21 =	sor.u32 s0, s20;
	[sflag:s18] =	ssyncadd.s32 $0xFFFFC000  }
0x23: {  	v0 =	vld [tilespmem:s21+$0x27B0];
	_ =	sdelay $0x2  }
0x24: {  	v1 =	vld [tilespmem:s21+$0x2780]  }
0x25: {  	v2 =	vld [tilespmem:s21+$0x2790]  }
0x26: {  	v3 =	vld [tilespmem:s21+$0x2830]  }
0x27: {  	v4 =	vld [tilespmem:s21+$0x27A0]  }
0x28: {  	v5 =	vld [tilespmem:s21+$0x2800]  }
0x29: {  	v0 =	vld.idx.msk [tilespmem:v0+s3+$0x0], $0xffff  }
0x2a: {  	v6 =	vld [tilespmem:s21+$0x2810]  }
0x2b: {  	v7 =	vld [tilespmem:s21+$0x28B0]  }
0x2c: {  	v1 =	vld.idx.msk [tilespmem:v1+s3+$0x0], $0xffff  }
0x2d: {  	v8 =	vld [tilespmem:s21+$0x2880]  }
0x2e: {  	v2 =	vld.idx.msk [tilespmem:v2+s3+$0x0], $0xffff;
	[tilespmem:s21+$0xA7B0] =	vst v0  }
0x2f: {  	v0 =	vld.idx.msk [tilespmem:v3+s3+$0x0], $0xffff  }
0x30: {  	v3 =	vld.idx.msk [tilespmem:v4+s3+$0x0], $0xffff  }
0x31: {  	[tilespmem:s21+$0xA780] =	vst v1;
	v4 =	vld [tilespmem:s21+$0x2820]  }
0x32: {  	v1 =	vld.idx.msk [tilespmem:v5+s3+$0x0], $0xffff  }
0x33: {  	[tilespmem:s21+$0xA790] =	vst v2;
	v5 =	vld [tilespmem:s21+$0x2930]  }
0x34: {  	v2 =	vld.idx.msk [tilespmem:v6+s3+$0x0], $0xffff;
	[tilespmem:s21+$0xA830] =	vst v0  }
0x35: {  	v0 =	vld.idx.msk [tilespmem:v7+s3+$0x0], $0xffff  }
0x36: {  	v6 =	vld [tilespmem:s21+$0x2890]  }
0x37: {  	[tilespmem:s21+$0xA7A0] =	vst v3;
	v3 =	vld [tilespmem:s21+$0x28A0]  }
0x38: {  	v7 =	vld [tilespmem:s21+$0x2900]  }
0x39: {  	[tilespmem:s21+$0xA800] =	vst v1;
	v4 =	vld.idx.msk [tilespmem:v4+s3+$0x0], $0xffff  }
0x3a: {  	v1 =	vld.idx.msk [tilespmem:v8+s3+$0x0], $0xffff;
	[tilespmem:s21+$0xA8B0] =	vst v0  }
0x3b: {  	p0 =	por $0x0, $0x0;
	s0 =	simm.s32 $0x1;
	v0 =	vld.idx.msk [tilespmem:v5+s3+$0x0], $0xffff  }
0x3c: {  	s0 =	simm.s32 @!p0 $0x0;
	v5 =	vld [tilespmem:s21+$0x2910]  }
0x3d: {  	s0 =	sshll.u32 s0, $0x6;
	[tilespmem:s21+$0xA810] =	vst v2;
	v2 =	vld [tilespmem:s21+$0x2920]  }
0x3e: {  	s0 =	sadd.s32 $0x0, s0;
	v6 =	vld.idx.msk [tilespmem:v6+s3+$0x0], $0xffff;
	[tilespmem:s21+$0xA820] =	vst v4  }
0x3f: {  	s5 =	sadd.s32 $0x30, s0;
	v3 =	vld.idx.msk [tilespmem:v3+s3+$0x0], $0xffff  }
0x40: {  	s6 =	sor.u32 $0x200, s5;
	[tilespmem:s21+$0xA930] =	vst v0  }
0x41: {  	[tilespmem:s21+$0xA880] =	vst v1;
	v0 =	vld [tilespmem:s6+$0x2780]  }
0x42: {  	v1 =	vld.idx.msk [tilespmem:v7+s3+$0x0], $0xffff  }
0x43: {  	[tilespmem:s21+$0xA890] =	vst v6  }
0x44: {  	[tilespmem:s21+$0xA8A0] =	vst v3;
	v4 =	vld.idx.msk [tilespmem:v5+s3+$0x0], $0xffff  }
0x45: {  	v2 =	vld.idx.msk [tilespmem:v2+s3+$0x0], $0xffff;
	_ =	sdelay $0x1  }
0x46: {  	s7 =	sor.u32 $0x200, s0;
	[tilespmem:s21+$0xA900] =	vst v1  }
0x47: {  	s22 =	sadd.s32 $0x10, s0;
	v1 =	vld [tilespmem:s7+$0x2780]  }
0x48: {  	s4 =	sadd.s32 $0x20, s0;
	s9 =	sor.u32 $0x200, s22;
	[tilespmem:s21+$0xA910] =	vst v4;
	v0 =	vld.idx.msk [tilespmem:v0+s3+$0x0], $0xffff  }
0x49: {  	s10 =	sor.u32 $0x200, s4;
	[tilespmem:s21+$0xA920] =	vst v2;
	v3 =	vld [tilespmem:s9+$0x2780]  }
0x4a: {  	v2 =	vld [tilespmem:s10+$0x2780];
	_ =	sdelay $0x2  }
0x4b: {  	s23 =	sor.u32 $0x280, s5;
	[tilespmem:s6+$0xA780] =	vst v0  }
0x4c: {  	v0 =	vld [tilespmem:s23+$0x2780]  }
0x4d: {  	v1 =	vld.idx.msk [tilespmem:v1+s3+$0x0], $0xffff;
	_ =	sdelay $0x1  }
0x4e: {  	v3 =	vld.idx.msk [tilespmem:v3+s3+$0x0], $0xffff  }
0x4f: {  	v2 =	vld.idx.msk [tilespmem:v2+s3+$0x0], $0xffff;
	_ =	sdelay $0x1  }
0x50: {  	s8 =	sor.u32 $0x280, s0;
	[tilespmem:s7+$0xA780] =	vst v1  }
0x51: {  	v1 =	vld [tilespmem:s8+$0x2780]  }
0x52: {  	s25 =	simm.s32 $0x40;
	s11 =	simm.s32 $0x200;
	s24 =	sor.u32 $0x280, s22;
	[tilespmem:s9+$0xA780] =	vst v3;
	v0 =	vld.idx.msk [tilespmem:v0+s3+$0x0], $0xffff  }
0x53: {  	s28 =	sand.u32 $0x3C00, s11;
	s26 =	sor.u32 $0x280, s4;
	[tilespmem:s10+$0xA780] =	vst v2;
	s9 =	sand.u32 $0x40, s25;
	v3 =	vld [tilespmem:s24+$0x2780]  }
0x54: {  	v2 =	vld [tilespmem:s26+$0x2780];
	s9 =	sor.u32 s9, s28  }
0x55: {  	v4 =	vld [tilespmem:s9+$0x27B0]  }
0x56: {  	v5 =	vld [tilespmem:s9+$0x2780]  }
0x57: {  	v6 =	vld [tilespmem:s9+$0x2790]  }
0x58: {  	v7 =	vld [tilespmem:s9+$0x27A0]  }
0x59: {  	v8 =	vld [tilespmem:s9+$0x2800]  }
0x5a: {  	v9 =	vld [tilespmem:s9+$0x2810]  }
0x5b: {  	v10 =	vld [tilespmem:s9+$0x2830]  }
0x5c: {  	v11 =	vld [tilespmem:s9+$0x2820]  }
0x5d: {  	v44 =	vld [tilespmem:s9+$0x2880]  }
0x5e: {  	v12 =	vld [tilespmem:s9+$0x2890]  }
0x5f: {  	s29 =	sor.u32 $0x300, s5;
	v1 =	vld.idx.msk [tilespmem:v1+s3+$0x0], $0xffff;
	[tilespmem:s23+$0xA780] =	vst v0  }
0x60: {  	v0 =	vld [tilespmem:s29+$0x2780]  }
0x61: {  	v3 =	vld.idx.msk [tilespmem:v3+s3+$0x0], $0xffff  }
0x62: {  	v4 =	vld.idx.msk [tilespmem:v4+s3+$0x0], $0xffff  }
0x63: {  	v5 =	vld.idx.msk [tilespmem:v5+s3+$0x0], $0xffff  }
0x64: {  	s31 =	sor.u32 $0x300, s0;
	[tilespmem:s8+$0xA780] =	vst v1;
	v2 =	vld.idx.msk [tilespmem:v2+s3+$0x0], $0xffff  }
0x65: {  	v1 =	vld [tilespmem:s31+$0x2780]  }
0x66: {  	v6 =	vld.idx.msk [tilespmem:v6+s3+$0x0], $0xffff  }
0x67: {  	v7 =	vld.idx.msk [tilespmem:v7+s3+$0x0], $0xffff;
	[tilespmem:s9+$0xA7B0] =	vst v4  }
0x68: {  	v4 =	vld [tilespmem:s9+$0x28B0];
	[tilespmem:s9+$0xA780] =	vst v5  }
0x69: {  	v8 =	vld.idx.msk [tilespmem:v8+s3+$0x0], $0xffff  }
0x6a: {  	v5 =	vld.idx.msk [tilespmem:v10+s3+$0x0], $0xffff  }
0x6b: {  	v0 =	vld.idx.msk [tilespmem:v0+s3+$0x0], $0xffff;
	[tilespmem:s9+$0xA790] =	vst v6  }
0x6c: {  	v6 =	vld [tilespmem:s9+$0x2930];
	[tilespmem:s9+$0xA7A0] =	vst v7  }
0x6d: {  	v7 =	vld.idx.msk [tilespmem:v11+s3+$0x0], $0xffff  }
0x6e: {  	[tilespmem:s9+$0xA800] =	vst v8;
	v8 =	vld [tilespmem:s9+$0x2900]  }
0x6f: {  	[tilespmem:s9+$0xA830] =	vst v5;
	v5 =	vld [tilespmem:s9+$0x28A0]  }
0x70: {  	v45 =	vld.idx.msk [tilespmem:v44+s3+$0x0], $0xffff  }
0x71: {  	s15 =	sor.u32 $0x300, s22;
	[tilespmem:s24+$0xA780] =	vst v3;
	v4 =	vld.idx.msk [tilespmem:v4+s3+$0x0], $0xffff  }
0x72: {  	s5 =	sor.u32 $0x380, s5;
	v3 =	vld [tilespmem:s15+$0x2780];
	[tilespmem:s29+$0xA780] =	vst v0  }
0x73: {  	v0 =	vld [tilespmem:s5+$0x2780]  }
0x74: {  	v9 =	vld.idx.msk [tilespmem:v9+s3+$0x0], $0xffff;
	[tilespmem:s9+$0xA820] =	vst v7  }
0x75: {  	v7 =	vld [tilespmem:s9+$0x2920];
	[tilespmem:s9+$0xA880] =	vst v45  }
0x76: {  	[tilespmem:s9+$0xA8B0] =	vst v4;
	v8 =	vld.idx.msk [tilespmem:v8+s3+$0x0], $0xffff  }
0x77: {  	p0 =	por !p0, !p0;
	s6 =	simm.s32 $0x1;
	v4 =	vld.idx.msk [tilespmem:v6+s3+$0x0], $0xffff  }
0x78: {  	s6 =	simm.s32 @!p0 $0x0;
	v5 =	vld.idx.msk [tilespmem:v5+s3+$0x0], $0xffff  }
0x79: {  	s6 =	sshll.u32 s6, $0x6;
	[tilespmem:s9+$0xA810] =	vst v9;
	v6 =	vld [tilespmem:s9+$0x2910]  }
0x7a: {  	s6 =	sadd.s32 $0x200, s6;
	v46 =	vld.idx.msk [tilespmem:v12+s3+$0x0], $0xffff  }
0x7b: {  	s12 =	sadd.s32 $0x30, s6;
	[tilespmem:s9+$0xA900] =	vst v8;
	v8 =	vld.idx.msk [tilespmem:v0+s3+$0x0], $0xffff  }
0x7c: {  	s30 =	sor.u32 $0x200, s12;
	[tilespmem:s9+$0xA930] =	vst v4;
	v0 =	vld.idx.msk [tilespmem:v1+s3+$0x0], $0xffff  }
0x7d: {  	[tilespmem:s9+$0xA8A0] =	vst v5;
	v4 =	vld [tilespmem:s30+$0x2780]  }
0x7e: {  	v5 =	vld.idx.msk [tilespmem:v7+s3+$0x0], $0xffff  }
0x7f: {  	s14 =	sor.u32 $0x200, s6;
	v3 =	vld.idx.msk [tilespmem:v3+s3+$0x0], $0xffff  }
0x80: {  	[tilespmem:s9+$0xA890] =	vst v46;
	v7 =	vld [tilespmem:s14+$0x2780]  }
0x81: {  	[tilespmem:s26+$0xA780] =	vst v2;
	v6 =	vld.idx.msk [tilespmem:v6+s3+$0x0], $0xffff  }
0x82: {  	s18 =	sor.u32 $0x300, s4;
	[tilespmem:s31+$0xA780] =	vst v0  }
0x83: {  	s7 =	sadd.s32 $0x20, s6;
	s10 =	sor.u32 $0x380, s0;
	[tilespmem:s9+$0xA920] =	vst v5;
	v5 =	vld [tilespmem:s18+$0x2780]  }
0x84: {  	s17 =	sor.u32 $0x200, s7;
	[tilespmem:s15+$0xA780] =	vst v3;
	v3 =	vld [tilespmem:s10+$0x2780]  }
0x85: {  	s8 =	sadd.s32 $0x10, s6;
	v2 =	vld [tilespmem:s17+$0x2780]  }
0x86: {  	s16 =	sor.u32 $0x200, s8;
	[tilespmem:s9+$0xA910] =	vst v6;
	v4 =	vld.idx.msk [tilespmem:v4+s3+$0x0], $0xffff  }
0x87: {  	s2 =	simm.s32 $0x80;
	s1 =	simm.s32 $0x400;
	v6 =	vld [tilespmem:s16+$0x2780]  }
0x88: {  	s21 =	sand.u32 $0x40, s2;
	s9 =	sor.u32 $0x380, s22;
	s22 =	sand.u32 $0x3C00, s1;
	v1 =	vld.idx.msk [tilespmem:v7+s3+$0x0], $0xffff  }
0x89: {  	s0 =	sor.u32 $0x380, s4;
	v7 =	vld [tilespmem:s9+$0x2780];
	s4 =	sor.u32 s21, s22  }
0x8a: {  	v47 =	vld [tilespmem:s4+$0x2780]  }
0x8b: {  	v48 =	vld [tilespmem:s4+$0x2790]  }
0x8c: {  	v49 =	vld [tilespmem:s4+$0x27A0]  }
0x8d: {  	v50 =	vld [tilespmem:s4+$0x2800]  }
0x8e: {  	v13 =	vld [tilespmem:s4+$0x2810]  }
0x8f: {  	v14 =	vld [tilespmem:s4+$0x2830]  }
0x90: {  	v15 =	vld [tilespmem:s4+$0x2820]  }
0x91: {  	v52 =	vld [tilespmem:s4+$0x2880]  }
0x92: {  	v53 =	vld [tilespmem:s4+$0x2890]  }
0x93: {  	[tilespmem:s14+$0xA780] =	vst v1;
	v1 =	vld.idx.msk [tilespmem:v5+s3+$0x0], $0xffff  }
0x94: {  	v54 =	vld [tilespmem:s4+$0x2930]  }
0x95: {  	v55 =	vld [tilespmem:s4+$0x28A0]  }
0x96: {  	v56 =	vld [tilespmem:s4+$0x2900]  }
0x97: {  	v59 =	vld [tilespmem:s4+$0x2910]  }
0x98: {  	[tilespmem:s18+$0xA780] =	vst v1;
	v1 =	vld [tilespmem:s4+$0x27B0]  }
0x99: {  	v60 =	vld [tilespmem:s4+$0x2920]  }
0x9a: {  	s19 =	sor.u32 $0x280, s12;
	[tilespmem:s30+$0xA780] =	vst v4;
	v3 =	vld.idx.msk [tilespmem:v3+s3+$0x0], $0xffff  }
0x9b: {  	v4 =	vld [tilespmem:s19+$0x2780]  }
0x9c: {  	s13 =	sor.u32 $0x280, s6;
	v2 =	vld.idx.msk [tilespmem:v2+s3+$0x0], $0xffff  }
0x9d: {  	v5 =	vld [tilespmem:s13+$0x2780]  }
0x9e: {  	v6 =	vld.idx.msk [tilespmem:v6+s3+$0x0], $0xffff  }
0x9f: {  	v9 =	vld.idx.msk [tilespmem:v47+s3+$0x0], $0xffff  }
0xa0: {  	v1 =	vld.idx.msk [tilespmem:v1+s3+$0x0], $0xffff  }
0xa1: {  	v10 =	vld.idx.msk [tilespmem:v48+s3+$0x0], $0xffff  }
0xa2: {  	v11 =	vld.idx.msk [tilespmem:v49+s3+$0x0], $0xffff  }
0xa3: {  	s20 =	sor.u32 $0x280, s7;
	[tilespmem:s17+$0xA780] =	vst v2;
	v4 =	vld.idx.msk [tilespmem:v4+s3+$0x0], $0xffff  }
0xa4: {  	v2 =	vld [tilespmem:s20+$0x2780];
	[tilespmem:s4+$0xA780] =	vst v9  }
0xa5: {  	[tilespmem:s4+$0xA7B0] =	vst v1;
	v1 =	vld [tilespmem:s4+$0x28B0]  }
0xa6: {  	v12 =	vld.idx.msk [tilespmem:v50+s3+$0x0], $0xffff  }
0xa7: {  	[tilespmem:s4+$0xA790] =	vst v10;
	v51 =	vld.idx.msk [tilespmem:v14+s3+$0x0], $0xffff  }
0xa8: {  	s23 =	sor.u32 $0x300, s12;
	v10 =	vld.idx.msk [tilespmem:v13+s3+$0x0], $0xffff;
	[tilespmem:s19+$0xA780] =	vst v4  }
0xa9: {  	[tilespmem:s4+$0xA7A0] =	vst v11;
	v4 =	vld [tilespmem:s23+$0x2780]  }
0xaa: {  	s11 =	sor.u32 $0x280, s8;
	[tilespmem:s16+$0xA780] =	vst v6;
	v11 =	vld.idx.msk [tilespmem:v15+s3+$0x0], $0xffff  }
0xab: {  	v6 =	vld [tilespmem:s11+$0x2780]  }
0xac: {  	v5 =	vld.idx.msk [tilespmem:v5+s3+$0x0], $0xffff;
	[tilespmem:s4+$0xA830] =	vst v51  }
0xad: {  	[tilespmem:s4+$0xA800] =	vst v12;
	v1 =	vld.idx.msk [tilespmem:v1+s3+$0x0], $0xffff  }
0xae: {  	[tilespmem:s4+$0xA810] =	vst v10;
	v57 =	vld.idx.msk [tilespmem:v52+s3+$0x0], $0xffff  }
0xaf: {  	[tilespmem:s4+$0xA820] =	vst v11;
	v58 =	vld.idx.msk [tilespmem:v53+s3+$0x0], $0xffff  }
0xb0: {  	v61 =	vld.idx.msk [tilespmem:v55+s3+$0x0], $0xffff  }
0xb1: {  	v4 =	vld.idx.msk [tilespmem:v4+s3+$0x0], $0xffff  }
0xb2: {  	v2 =	vld.idx.msk [tilespmem:v2+s3+$0x0], $0xffff;
	[tilespmem:s4+$0xA8B0] =	vst v1  }
0xb3: {  	p0 =	por !p0, !p0;
	s24 =	sor.u32 $0x380, s12;
	s12 =	simm.s32 $0x1;
	[tilespmem:s4+$0xA880] =	vst v57;
	v1 =	vld.idx.msk [tilespmem:v54+s3+$0x0], $0xffff  }
0xb4: {  	s12 =	simm.s32 @!p0 $0x0;
	[tilespmem:s4+$0xA890] =	vst v58;
	v10 =	vld.idx.msk [tilespmem:v56+s3+$0x0], $0xffff  }
0xb5: {  	s12 =	sshll.u32 s12, $0x6;
	[tilespmem:s4+$0xA8A0] =	vst v61;
	v9 =	vld.idx.msk [tilespmem:v59+s3+$0x0], $0xffff  }
0xb6: {  	s26 =	sadd.s32 $0x400, s12;
	v11 =	vld.idx.msk [tilespmem:v60+s3+$0x0], $0xffff;
	[tilespmem:s23+$0xA780] =	vst v4  }
0xb7: {  	s12 =	sadd.s32 $0x30, s26;
	v4 =	vld [tilespmem:s24+$0x2780]  }
0xb8: {  	s28 =	sor.u32 $0x200, s12;
	[tilespmem:s4+$0xA930] =	vst v1;
	v1 =	vld.idx.msk [tilespmem:v6+s3+$0x0], $0xffff  }
0xb9: {  	[tilespmem:s13+$0xA780] =	vst v5;
	v6 =	vld [tilespmem:s28+$0x2780]  }
0xba: {  	s29 =	sor.u32 $0x300, s6;
	v7 =	vld.idx.msk [tilespmem:v7+s3+$0x0], $0xffff;
	[tilespmem:s20+$0xA780] =	vst v2  }
0xbb: {  	s22 =	sadd.s32 $0x20, s26;
	s30 =	sor.u32 $0x200, s26;
	v5 =	vld [tilespmem:s29+$0x2780];
	[tilespmem:s4+$0xA900] =	vst v10  }
0xbc: {  	s21 =	sadd.s32 $0x10, s26;
	s25 =	sor.u32 $0x200, s22;
	[tilespmem:s4+$0xA920] =	vst v11;
	v10 =	vld [tilespmem:s30+$0x2780]  }
0xbd: {  	[tilespmem:s4+$0xA910] =	vst v9;
	s23 =	sor.u32 $0x200, s21;
	v2 =	vld [tilespmem:s25+$0x2780]  }
0xbe: {  	v9 =	vld [tilespmem:s23+$0x2780]  }
0xbf: {  	s31 =	sor.u32 $0x300, s8;
	v4 =	vld.idx.msk [tilespmem:v4+s3+$0x0], $0xffff;
	[tilespmem:s11+$0xA780] =	vst v1  }
0xc0: {  	v1 =	vld [tilespmem:s31+$0x2780]  }
0xc1: {  	v6 =	vld.idx.msk [tilespmem:v6+s3+$0x0], $0xffff  }
0xc2: {  	v0 =	vld [tilespmem:s0+$0x2780];
	s4 =	sor.u32 $0x300, s7  }
0xc3: {  	v62 =	vld [tilespmem:s4+$0x2780]  }
0xc4: {  	v63 =	vld.idx.msk [tilespmem:v5+s3+$0x0], $0xffff  }
0xc5: {  	v5 =	vld.idx.msk [tilespmem:v10+s3+$0x0], $0xffff;
	[tilespmem:s24+$0xA780] =	vst v4  }
0xc6: {  	s20 =	sor.u32 $0x280, s12;
	v4 =	vld.idx.msk [tilespmem:v9+s3+$0x0], $0xffff;
	[tilespmem:s28+$0xA780] =	vst v6  }
0xc7: {  	v6 =	vld [tilespmem:s20+$0x2780]  }
0xc8: {  	[tilespmem:s5+$0xA780] =	vst v8;
	v1 =	vld.idx.msk [tilespmem:v1+s3+$0x0], $0xffff  }
0xc9: {  	s5 =	sor.u32 $0x380, s6;
	[tilespmem:s29+$0xA780] =	vst v63;
	v8 =	vld.idx.msk [tilespmem:v2+s3+$0x0], $0xffff  }
0xca: {  	[tilespmem:s10+$0xA780] =	vst v3;
	v2 =	vld [tilespmem:s5+$0x2780]  }
0xcb: {  	[tilespmem:s30+$0xA780] =	vst v5;
	s11 =	sor.u32 $0x280, s26;
	v5 =	vld.idx.msk [tilespmem:v62+s3+$0x0], $0xffff  }
0xcc: {  	s15 =	sor.u32 $0x280, s21;
	v3 =	vld [tilespmem:s11+$0x2780];
	[tilespmem:s23+$0xA780] =	vst v4  }
0xcd: {  	s6 =	sor.u32 $0x380, s8;
	s8 =	sor.u32 $0x380, s21;
	s14 =	sor.u32 $0x280, s22;
	v4 =	vld [tilespmem:s15+$0x2780];
	[tilespmem:s31+$0xA780] =	vst v1  }
0xce: {  	s10 =	sor.u32 $0x300, s21;
	s18 =	sor.u32 $0x300, s22;
	[tilespmem:s9+$0xA780] =	vst v7;
	s16 =	sor.u32 $0x380, s22;
	v1 =	vld [tilespmem:s6+$0x2780]  }
0xcf: {  	s9 =	sor.u32 $0x380, s26;
	s13 =	sor.u32 $0x300, s26;
	s7 =	sor.u32 $0x380, s7;
	[tilespmem:s25+$0xA780] =	vst v8;
	v6 =	vld.idx.msk [tilespmem:v6+s3+$0x0], $0xffff  }
.LBB2_2:
0xd0: {  	s2 =	sadd.s32 $0x40, s2;
	v7 =	vld [tilespmem:s14+$0x2780];
	s1 =	sadd.s32 $0x200, s1;
	[tilespmem:s4+$0xA780] =	vst v5;
	s4 =	smov.u32 s18  }
0xd1: {  	s17 =	sand.u32 $0x40, s2;
	s18 =	sand.u32 $0x3C00, s1;
	p1 =	slt.u32 s2, $0x7C0;
	v5 =	vld [tilespmem:s7+$0x2780]  }
0xd2: {  	s17 =	sor.u32 s17, s18;
	v8 =	vld.idx.msk [tilespmem:v0+s3+$0x0], $0xffff  }
0xd3: {  	v9 =	vld [tilespmem:s17+$0x27B0]  }
0xd4: {  	s18 =	sor.u32 $0x300, s12;
	v10 =	vld [tilespmem:s17+$0x2780];
	[tilespmem:s20+$0xA780] =	vst v6  }
0xd5: {  	v6 =	vld [tilespmem:s18+$0x2780]  }
0xd6: {  	v11 =	vld [tilespmem:s17+$0x2790];
	v0 =	vmov v5  }
0xd7: {  	v5 =	vld [tilespmem:s17+$0x27A0]  }
0xd8: {  	v12 =	vld [tilespmem:s17+$0x2800];
	[tilespmem:s0+$0xA780] =	vst v8;
	s0 =	smov.u32 s7;
	s7 =	smov.u32 s16  }
0xd9: {  	v8 =	vld [tilespmem:s17+$0x2810]  }
0xda: {  	v13 =	vld [tilespmem:s17+$0x2830]  }
0xdb: {  	v9 =	vld.idx.msk [tilespmem:v9+s3+$0x0], $0xffff  }
0xdc: {  	v10 =	vld.idx.msk [tilespmem:v10+s3+$0x0], $0xffff  }
0xdd: {  	v6 =	vld.idx.msk [tilespmem:v6+s3+$0x0], $0xffff  }
0xde: {  	v11 =	vld.idx.msk [tilespmem:v11+s3+$0x0], $0xffff  }
0xdf: {  	v5 =	vld.idx.msk [tilespmem:v5+s3+$0x0], $0xffff  }
0xe0: {  	v14 =	vld [tilespmem:s17+$0x2820]  }
0xe1: {  	[tilespmem:s17+$0xA7B0] =	vst v9;
	v9 =	vld [tilespmem:s17+$0x28B0]  }
0xe2: {  	[tilespmem:s17+$0xA780] =	vst v10;
	v10 =	vld.idx.msk [tilespmem:v13+s3+$0x0], $0xffff  }
0xe3: {  	s12 =	sor.u32 $0x380, s12;
	v12 =	vld.idx.msk [tilespmem:v12+s3+$0x0], $0xffff;
	[tilespmem:s18+$0xA780] =	vst v6  }
0xe4: {  	[tilespmem:s17+$0xA790] =	vst v11;
	v6 =	vld [tilespmem:s12+$0x2780]  }
0xe5: {  	v8 =	vld.idx.msk [tilespmem:v8+s3+$0x0], $0xffff;
	[tilespmem:s17+$0xA7A0] =	vst v5  }
0xe6: {  	v5 =	vld [tilespmem:s17+$0x2880]  }
0xe7: {  	v11 =	vld [tilespmem:s17+$0x2890]  }
0xe8: {  	[tilespmem:s17+$0xA830] =	vst v10;
	v10 =	vld [tilespmem:s17+$0x2930]  }
0xe9: {  	[tilespmem:s17+$0xA800] =	vst v12;
	v9 =	vld.idx.msk [tilespmem:v9+s3+$0x0], $0xffff  }
0xea: {  	v12 =	vld.idx.msk [tilespmem:v14+s3+$0x0], $0xffff  }
0xeb: {  	[tilespmem:s17+$0xA810] =	vst v8;
	v8 =	vld [tilespmem:s17+$0x28A0]  }
0xec: {  	v6 =	vld.idx.msk [tilespmem:v6+s3+$0x0], $0xffff  }
0xed: {  	v13 =	vld [tilespmem:s17+$0x2900]  }
0xee: {  	v5 =	vld.idx.msk [tilespmem:v5+s3+$0x0], $0xffff  }
0xef: {  	v11 =	vld.idx.msk [tilespmem:v11+s3+$0x0], $0xffff;
	[tilespmem:s17+$0xA8B0] =	vst v9  }
0xf0: {  	[tilespmem:s17+$0xA820] =	vst v12;
	v9 =	vld.idx.msk [tilespmem:v10+s3+$0x0], $0xffff  }
0xf1: {  	p0 =	por !p0, !p0;
	s16 =	simm.s32 $0x1;
	v10 =	vld [tilespmem:s17+$0x2910]  }
0xf2: {  	s16 =	simm.s32 @!p0 $0x0;
	v12 =	vld [tilespmem:s17+$0x2920];
	[tilespmem:s12+$0xA780] =	vst v6  }
0xf3: {  	s12 =	sshll.u32 s16, $0x6;
	v6 =	vld.idx.msk [tilespmem:v8+s3+$0x0], $0xffff  }
0xf4: {  	s20 =	sadd.s32 s12, s1;
	[tilespmem:s17+$0xA880] =	vst v5;
	v3 =	vld.idx.msk [tilespmem:v3+s3+$0x0], $0xffff  }
0xf5: {  	s16 =	sadd.s32 $0x10, s20;
	s28 =	sadd.s32 $0x20, s20;
	s12 =	sadd.s32 $0x30, s20;
	v5 =	vld.idx.msk [tilespmem:v13+s3+$0x0], $0xffff;
	[tilespmem:s17+$0xA890] =	vst v11  }
0xf6: {  	s22 =	sor.u32 $0x200, s16;
	s19 =	sor.u32 $0x200, s28;
	s24 =	sor.u32 $0x200, s12;
	[tilespmem:s17+$0xA930] =	vst v9;
	v4 =	vld.idx.msk [tilespmem:v4+s3+$0x0], $0xffff  }
0xf7: {  	s21 =	sor.u32 $0x200, s20;
	s26 =	sor.u32 $0x280, s16;
	s29 =	sor.u32 $0x280, s28;
	v8 =	vld [tilespmem:s24+$0x2780]  }
0xf8: {  	s30 =	sor.u32 $0x280, s20;
	s25 =	sor.u32 $0x300, s16;
	s18 =	sor.u32 $0x300, s28;
	v7 =	vld.idx.msk [tilespmem:v7+s3+$0x0], $0xffff  }
0xf9: {  	s31 =	sor.u32 $0x300, s20;
	s23 =	sor.u32 $0x380, s16;
	s16 =	sor.u32 $0x380, s28;
	v9 =	vld.idx.msk [tilespmem:v10+s3+$0x0], $0xffff;
	[tilespmem:s17+$0xA8A0] =	vst v6  }
0xfa: {  	s20 =	sor.u32 $0x380, s20;
	v6 =	vld.idx.msk [tilespmem:v12+s3+$0x0], $0xffff;
	[tilespmem:s11+$0xA780] =	vst v3;
	s11 =	smov.u32 s30  }
0xfb: {  	[tilespmem:s17+$0xA900] =	vst v5;
	v3 =	vld [tilespmem:s13+$0x2780]  }
0xfc: {  	v5 =	vld [tilespmem:s21+$0x2780];
	[tilespmem:s15+$0xA780] =	vst v4;
	s15 =	smov.u32 s26  }
0xfd: {  	v4 =	vld [tilespmem:s10+$0x2780]  }
0xfe: {  	[tilespmem:s14+$0xA780] =	vst v7;
	v2 =	vld.idx.msk [tilespmem:v2+s3+$0x0], $0xffff;
	s14 =	smov.u32 s29  }
0xff: {  	[tilespmem:s17+$0xA910] =	vst v9;
	v7 =	vld.idx.msk [tilespmem:v8+s3+$0x0], $0xffff  }
0x100: {  	v8 =	vld [tilespmem:s22+$0x2780];
	[tilespmem:s17+$0xA920] =	vst v6  }
0x101: {  	v6 =	vld [tilespmem:s19+$0x2780]  }
0x102: {  	v9 =	vld [tilespmem:s4+$0x2780]  }
0x103: {  	v3 =	vld.idx.msk [tilespmem:v3+s3+$0x0], $0xffff  }
0x104: {  	v5 =	vld.idx.msk [tilespmem:v5+s3+$0x0], $0xffff;
	[tilespmem:s5+$0xA780] =	vst v2;
	s5 =	smov.u32 s9;
	s9 =	smov.u32 s20  }
0x105: {  	s20 =	sor.u32 $0x280, s12;
	[tilespmem:s24+$0xA780] =	vst v7;
	v2 =	vld.idx.msk [tilespmem:v4+s3+$0x0], $0xffff  }
0x106: {  	v4 =	vld [tilespmem:s20+$0x2780]  }
0x107: {  	v7 =	vld.idx.msk [tilespmem:v1+s3+$0x0], $0xffff  }
0x108: {  	v8 =	vld.idx.msk [tilespmem:v8+s3+$0x0], $0xffff  }
0x109: {  	v10 =	vld.idx.msk [tilespmem:v6+s3+$0x0], $0xffff;
	[tilespmem:s13+$0xA780] =	vst v3;
	s13 =	smov.u32 s31  }
0x10a: {  	[tilespmem:s21+$0xA780] =	vst v5;
	v5 =	vld.idx.msk [tilespmem:v9+s3+$0x0], $0xffff  }
.Ltmp0:
0x10b: {  	v3 =	vld [tilespmem:s11+$0x2780];
	[tilespmem:s10+$0xA780] =	vst v2;
	s10 =	smov.u32 s25;
	(pc) =	sbr.rel @p1 .LBB2_2-.Ltmp0, $4  }
0x10c: {  	v2 =	vld [tilespmem:s5+$0x2780]  }
0x10d: {  	v1 =	vld [tilespmem:s8+$0x2780];
	[tilespmem:s6+$0xA780] =	vst v7;
	s6 =	smov.u32 s8;
	s8 =	smov.u32 s23  }
0x10e: {  	[tilespmem:s22+$0xA780] =	vst v8;
	v6 =	vld.idx.msk [tilespmem:v4+s3+$0x0], $0xffff  }
0x10f: {  	v4 =	vld [tilespmem:s15+$0x2780];
	[tilespmem:s19+$0xA780] =	vst v10  }
0x110: {  	_ = 	snop  }
0x111: {  	v7 =	vld [tilespmem:s14+$0x2780];
	_ =	sdelay $0x5  }
0x112: {  	v3 =	vld.idx.msk [tilespmem:v3+s3+$0x0], $0xffff  }
0x113: {  	v4 =	vld.idx.msk [tilespmem:v4+s3+$0x0], $0xffff  }
0x114: {  	v7 =	vld.idx.msk [tilespmem:v7+s3+$0x0], $0xffff;
	_ =	sdelay $0x1  }
0x115: {  	s1 =	sor.u32 $0x300, s12;
	[tilespmem:s20+$0xA780] =	vst v6  }
0x116: {  	v6 =	vld [tilespmem:s1+$0x2780];
	[tilespmem:s11+$0xA780] =	vst v3  }
0x117: {  	v3 =	vld [tilespmem:s13+$0x2780];
	[tilespmem:s15+$0xA780] =	vst v4  }
0x118: {  	v4 =	vld [tilespmem:s10+$0x2780];
	[tilespmem:s14+$0xA780] =	vst v7  }
0x119: {  	v7 =	vld [tilespmem:s18+$0x2780];
	_ =	sdelay $0x4  }
0x11a: {  	v6 =	vld.idx.msk [tilespmem:v6+s3+$0x0], $0xffff  }
0x11b: {  	v3 =	vld.idx.msk [tilespmem:v3+s3+$0x0], $0xffff  }
0x11c: {  	v4 =	vld.idx.msk [tilespmem:v4+s3+$0x0], $0xffff  }
0x11d: {  	v7 =	vld.idx.msk [tilespmem:v7+s3+$0x0], $0xffff  }
0x11e: {  	[tilespmem:s4+$0xA780] =	vst v5  }
0x11f: {  	s23 =	sor.u32 $0x380, s12;
	v5 =	vld [tilespmem:s7+$0x2780];
	[tilespmem:s1+$0xA780] =	vst v6  }
0x120: {  	v6 =	vld [tilespmem:s23+$0x2780];
	[tilespmem:s13+$0xA780] =	vst v3  }
0x121: {  	v3 =	vld [tilespmem:s9+$0x2780];
	[tilespmem:s10+$0xA780] =	vst v4  }
0x122: {  	v4 =	vld [tilespmem:s8+$0x2780];
	[tilespmem:s18+$0xA780] =	vst v7  }
0x123: {  	v7 =	vld [tilespmem:s16+$0x2780]  }
0x124: {  	v0 =	vld.idx.msk [tilespmem:v0+s3+$0x0], $0xffff  }
0x125: {  	v2 =	vld.idx.msk [tilespmem:v2+s3+$0x0], $0xffff  }
0x126: {  	v1 =	vld.idx.msk [tilespmem:v1+s3+$0x0], $0xffff  }
0x127: {  	v5 =	vld.idx.msk [tilespmem:v5+s3+$0x0], $0xffff  }
0x128: {  	v6 =	vld.idx.msk [tilespmem:v6+s3+$0x0], $0xffff  }
0x129: {  	[tilespmem:s0+$0xA780] =	vst v0;
	v0 =	vld.idx.msk [tilespmem:v3+s3+$0x0], $0xffff  }
0x12a: {  	[tilespmem:s5+$0xA780] =	vst v2;
	v3 =	vld.idx.msk [tilespmem:v4+s3+$0x0], $0xffff  }
0x12b: {  	[tilespmem:s6+$0xA780] =	vst v1;
	v2 =	vld.idx.msk [tilespmem:v7+s3+$0x0], $0xffff  }
0x12c: {  	[tilespmem:s7+$0xA780] =	vst v5  }
0x12d: {  	[tilespmem:s23+$0xA780] =	vst v6  }
0x12e: {  	[tilespmem:s9+$0xA780] =	vst v0  }
0x12f: {  	[tilespmem:s8+$0xA780] =	vst v3  }
0x130: {  	[tilespmem:s16+$0xA780] =	vst v2  }
0x131: {  	s24 =	simm.s32 $0x0;
	s2 =	simm.s32 $0xA780;
	s1 =	rddreg [dreg:$0x6]  }
0x132: {  	[hbm4b:s1+s24] =	stream.linear.scatter [tilespmem:s2], [sflag:$0x3], $0x4000, $0x38;
	[tilespmem:$0x12780] =	vst v63  }
0x133: {  	s26 =	simm.s32 $0x2780;
	s28 =	simm.s32 $0x2;
	s25 =	rddreg [dreg:$0x7]  }
0x134: {  	[tilespmem:s26], [sflag:$0x1] =	stream.linear.gather [hbm4b:s25+s24], $0x4000, $0x38;
	[tilespmem:$0x12780] =	vst v63  }
0x135: {  	s29 =	simm.s32 $0x0;
	_ =	swait.ge [sflag:s28], $0x4000  }
0x136: {  	s0 =	sand.u32 $0x3C00, s24;
	s1 =	sand.u32 $0x40, s29;
	[sflag:s28] =	ssyncset.done $0x0  }
0x137: {  	s30 =	sor.u32 s1, s0;
	[sflag:s28] =	ssyncadd.s32 $0xFFFFC000  }
0x138: {  	v0 =	vld [tilespmem:s30+$0x67B0]  }
0x139: {  	v1 =	vld [tilespmem:s30+$0x6780]  }
0x13a: {  	v2 =	vld [tilespmem:s30+$0x6790]  }
0x13b: {  	v3 =	vld [tilespmem:s30+$0x6830]  }
0x13c: {  	v4 =	vld [tilespmem:s30+$0x67A0]  }
0x13d: {  	v5 =	vld [tilespmem:s30+$0x6800]  }
0x13e: {  	s17 =	simm.s32 $0x200;
	s16 =	simm.s32 $0x40;
	v6 =	vld [tilespmem:s30+$0x6810]  }
0x13f: {  	s19 =	sand.u32 $0x3C00, s17;
	s9 =	sand.u32 $0x40, s16;
	v7 =	vld [tilespmem:s30+$0x68B0]  }
0x140: {  	s9 =	sor.u32 s9, s19;
	v8 =	vld [tilespmem:s30+$0x6880]  }
0x141: {  	v9 =	vld [tilespmem:s9+$0x6810]  }
0x142: {  	v0 =	vld.idx.msk [tilespmem:v0+s3+$0x0], $0xffff  }
0x143: {  	v10 =	vld [tilespmem:s9+$0x6830]  }
0x144: {  	v11 =	vld [tilespmem:s9+$0x6820]  }
0x145: {  	v2 =	vld.idx.msk [tilespmem:v2+s3+$0x0], $0xffff  }
0x146: {  	v44 =	vld [tilespmem:s9+$0x6880]  }
0x147: {  	v1 =	vld.idx.msk [tilespmem:v1+s3+$0x0], $0xffff;
	[tilespmem:s30+$0xE7B0] =	vst v0  }
0x148: {  	v0 =	vld.idx.msk [tilespmem:v3+s3+$0x0], $0xffff  }
0x149: {  	v3 =	vld.idx.msk [tilespmem:v4+s3+$0x0], $0xffff  }
0x14a: {  	[tilespmem:s30+$0xE790] =	vst v2;
	v4 =	vld [tilespmem:s30+$0x6820]  }
0x14b: {  	v2 =	vld.idx.msk [tilespmem:v6+s3+$0x0], $0xffff  }
0x14c: {  	[tilespmem:s30+$0xE780] =	vst v1;
	v6 =	vld [tilespmem:s30+$0x6890]  }
0x14d: {  	v1 =	vld.idx.msk [tilespmem:v5+s3+$0x0], $0xffff  }
0x14e: {  	v5 =	vld [tilespmem:s30+$0x6930]  }
0x14f: {  	v12 =	vld [tilespmem:s9+$0x6890];
	[tilespmem:s30+$0xE830] =	vst v0  }
0x150: {  	v0 =	vld.idx.msk [tilespmem:v7+s3+$0x0], $0xffff  }
0x151: {  	[tilespmem:s30+$0xE7A0] =	vst v3;
	v3 =	vld [tilespmem:s30+$0x68A0]  }
0x152: {  	v7 =	vld [tilespmem:s30+$0x6900]  }
0x153: {  	[tilespmem:s30+$0xE810] =	vst v2;
	v4 =	vld.idx.msk [tilespmem:v4+s3+$0x0], $0xffff  }
0x154: {  	[tilespmem:s30+$0xE800] =	vst v1;
	v6 =	vld.idx.msk [tilespmem:v6+s3+$0x0], $0xffff  }
0x155: {  	v1 =	vld.idx.msk [tilespmem:v8+s3+$0x0], $0xffff;
	[tilespmem:s30+$0xE8B0] =	vst v0  }
0x156: {  	v0 =	vld.idx.msk [tilespmem:v5+s3+$0x0], $0xffff  }
0x157: {  	v5 =	vld [tilespmem:s30+$0x6910]  }
0x158: {  	p0 =	por $0x0, $0x0;
	s0 =	simm.s32 $0x1;
	v2 =	vld [tilespmem:s30+$0x6920];
	[tilespmem:s30+$0xE820] =	vst v4  }
0x159: {  	s0 =	simm.s32 @!p0 $0x0;
	[tilespmem:s30+$0xE890] =	vst v6;
	v6 =	vld [tilespmem:s9+$0x6790]  }
0x15a: {  	s0 =	sshll.u32 s0, $0x6;
	[tilespmem:s30+$0xE880] =	vst v1;
	v3 =	vld.idx.msk [tilespmem:v3+s3+$0x0], $0xffff  }
0x15b: {  	s0 =	sadd.s32 $0x0, s0;
	v1 =	vld.idx.msk [tilespmem:v7+s3+$0x0], $0xffff  }
0x15c: {  	s31 =	sadd.s32 $0x30, s0;
	v7 =	vld [tilespmem:s9+$0x67A0]  }
0x15d: {  	s1 =	sor.u32 $0x200, s31;
	v8 =	vld [tilespmem:s9+$0x6800];
	[tilespmem:s30+$0xE930] =	vst v0  }
0x15e: {  	v0 =	vld [tilespmem:s1+$0x6780]  }
0x15f: {  	[tilespmem:s30+$0xE8A0] =	vst v3;
	v4 =	vld.idx.msk [tilespmem:v5+s3+$0x0], $0xffff  }
0x160: {  	s22 =	sor.u32 $0x200, s0;
	[tilespmem:s30+$0xE900] =	vst v1;
	v2 =	vld.idx.msk [tilespmem:v2+s3+$0x0], $0xffff  }
0x161: {  	v1 =	vld [tilespmem:s22+$0x6780]  }
0x162: {  	v5 =	vld [tilespmem:s9+$0x6780]  }
0x163: {  	v6 =	vld.idx.msk [tilespmem:v6+s3+$0x0], $0xffff  }
0x164: {  	v7 =	vld.idx.msk [tilespmem:v7+s3+$0x0], $0xffff  }
0x165: {  	s4 =	sadd.s32 $0x10, s0;
	[tilespmem:s30+$0xE910] =	vst v4;
	v4 =	vld [tilespmem:s9+$0x67B0]  }
0x166: {  	s23 =	sadd.s32 $0x20, s0;
	s11 =	sor.u32 $0x200, s4;
	v0 =	vld.idx.msk [tilespmem:v0+s3+$0x0], $0xffff  }
0x167: {  	s12 =	sor.u32 $0x200, s23;
	[tilespmem:s30+$0xE920] =	vst v2;
	v3 =	vld [tilespmem:s11+$0x6780]  }
0x168: {  	v2 =	vld [tilespmem:s12+$0x6780]  }
0x169: {  	[tilespmem:s9+$0xE790] =	vst v6;
	v6 =	vld [tilespmem:s9+$0x6930]  }
0x16a: {  	v9 =	vld.idx.msk [tilespmem:v9+s3+$0x0], $0xffff  }
0x16b: {  	[tilespmem:s9+$0xE7A0] =	vst v7;
	v1 =	vld.idx.msk [tilespmem:v1+s3+$0x0], $0xffff  }
0x16c: {  	v7 =	vld.idx.msk [tilespmem:v11+s3+$0x0], $0xffff  }
0x16d: {  	s13 =	sor.u32 $0x280, s31;
	v5 =	vld.idx.msk [tilespmem:v5+s3+$0x0], $0xffff;
	[tilespmem:s1+$0xE780] =	vst v0  }
0x16e: {  	v0 =	vld [tilespmem:s13+$0x6780]  }
0x16f: {  	[tilespmem:s9+$0xE810] =	vst v9;
	v4 =	vld.idx.msk [tilespmem:v4+s3+$0x0], $0xffff  }
0x170: {  	v46 =	vld.idx.msk [tilespmem:v12+s3+$0x0], $0xffff  }
0x171: {  	[tilespmem:s9+$0xE820] =	vst v7;
	v7 =	vld [tilespmem:s9+$0x6920]  }
0x172: {  	[tilespmem:s9+$0xE780] =	vst v5;
	v3 =	vld.idx.msk [tilespmem:v3+s3+$0x0], $0xffff  }
0x173: {  	v8 =	vld.idx.msk [tilespmem:v8+s3+$0x0], $0xffff  }
0x174: {  	[tilespmem:s22+$0xE780] =	vst v1;
	v2 =	vld.idx.msk [tilespmem:v2+s3+$0x0], $0xffff  }
0x175: {  	s14 =	sor.u32 $0x280, s0;
	[tilespmem:s9+$0xE7B0] =	vst v4;
	v4 =	vld [tilespmem:s9+$0x68B0]  }
0x176: {  	v1 =	vld [tilespmem:s14+$0x6780]  }
0x177: {  	[tilespmem:s11+$0xE780] =	vst v3;
	v5 =	vld.idx.msk [tilespmem:v10+s3+$0x0], $0xffff  }
0x178: {  	s15 =	sor.u32 $0x280, s4;
	[tilespmem:s9+$0xE800] =	vst v8;
	v8 =	vld [tilespmem:s9+$0x6900]  }
0x179: {  	v3 =	vld [tilespmem:s15+$0x6780]  }
0x17a: {  	v0 =	vld.idx.msk [tilespmem:v0+s3+$0x0], $0xffff  }
0x17b: {  	v45 =	vld.idx.msk [tilespmem:v44+s3+$0x0], $0xffff  }
0x17c: {  	[tilespmem:s9+$0xE830] =	vst v5;
	v5 =	vld [tilespmem:s9+$0x68A0]  }
0x17d: {  	s18 =	sor.u32 $0x280, s23;
	[tilespmem:s12+$0xE780] =	vst v2;
	v4 =	vld.idx.msk [tilespmem:v4+s3+$0x0], $0xffff  }
0x17e: {  	v2 =	vld [tilespmem:s18+$0x6780]  }
0x17f: {  	s20 =	sor.u32 $0x300, s31;
	v1 =	vld.idx.msk [tilespmem:v1+s3+$0x0], $0xffff;
	[tilespmem:s13+$0xE780] =	vst v0  }
0x180: {  	v0 =	vld [tilespmem:s20+$0x6780]  }
0x181: {  	[tilespmem:s9+$0xE880] =	vst v45;
	v3 =	vld.idx.msk [tilespmem:v3+s3+$0x0], $0xffff  }
0x182: {  	v8 =	vld.idx.msk [tilespmem:v8+s3+$0x0], $0xffff;
	[tilespmem:s9+$0xE8B0] =	vst v4  }
0x183: {  	v4 =	vld.idx.msk [tilespmem:v6+s3+$0x0], $0xffff  }
0x184: {  	s6 =	simm.s32 $0x1;
	p0 =	por !p0, !p0;
	v6 =	vld [tilespmem:s9+$0x6910]  }
0x185: {  	s6 =	simm.s32 @!p0 $0x0;
	v5 =	vld.idx.msk [tilespmem:v5+s3+$0x0], $0xffff  }
0x186: {  	s6 =	sshll.u32 s6, $0x6;
	s28 =	sor.u32 $0x300, s4;
	v2 =	vld.idx.msk [tilespmem:v2+s3+$0x0], $0xffff;
	[tilespmem:s15+$0xE780] =	vst v3  }
0x187: {  	s6 =	sadd.s32 $0x200, s6;
	v3 =	vld [tilespmem:s28+$0x6780]  }
0x188: {  	s25 =	sor.u32 $0x300, s0;
	s21 =	sadd.s32 $0x30, s6;
	[tilespmem:s14+$0xE780] =	vst v1;
	v0 =	vld.idx.msk [tilespmem:v0+s3+$0x0], $0xffff  }
0x189: {  	s24 =	sor.u32 $0x200, s21;
	v1 =	vld [tilespmem:s25+$0x6780];
	[tilespmem:s9+$0xE930] =	vst v4  }
0x18a: {  	[tilespmem:s9+$0xE8A0] =	vst v5;
	v4 =	vld [tilespmem:s24+$0x6780]  }
0x18b: {  	s26 =	sor.u32 $0x200, s6;
	[tilespmem:s9+$0xE900] =	vst v8;
	v5 =	vld.idx.msk [tilespmem:v7+s3+$0x0], $0xffff  }
0x18c: {  	[tilespmem:s9+$0xE890] =	vst v46;
	v7 =	vld [tilespmem:s26+$0x6780]  }
0x18d: {  	s5 =	sor.u32 $0x380, s31;
	[tilespmem:s20+$0xE780] =	vst v0;
	v6 =	vld.idx.msk [tilespmem:v6+s3+$0x0], $0xffff  }
0x18e: {  	v0 =	vld [tilespmem:s5+$0x6780]  }
0x18f: {  	s7 =	sadd.s32 $0x20, s6;
	s30 =	sor.u32 $0x300, s23;
	[tilespmem:s18+$0xE780] =	vst v2;
	v3 =	vld.idx.msk [tilespmem:v3+s3+$0x0], $0xffff  }
0x190: {  	s2 =	simm.s32 $0x80;
	s10 =	sor.u32 $0x380, s0;
	s17 =	sor.u32 $0x200, s7;
	[tilespmem:s9+$0xE920] =	vst v5;
	v5 =	vld [tilespmem:s30+$0x6780]  }
0x191: {  	s8 =	sadd.s32 $0x10, s6;
	s0 =	sor.u32 $0x380, s23;
	s1 =	simm.s32 $0x400;
	v2 =	vld [tilespmem:s17+$0x6780]  }
0x192: {  	s29 =	sor.u32 $0x200, s8;
	s23 =	sand.u32 $0x3C00, s1;
	s22 =	sand.u32 $0x40, s2;
	[tilespmem:s9+$0xE910] =	vst v6;
	v4 =	vld.idx.msk [tilespmem:v4+s3+$0x0], $0xffff  }
0x193: {  	s9 =	sor.u32 $0x380, s4;
	s4 =	sor.u32 s22, s23;
	v6 =	vld [tilespmem:s29+$0x6780]  }
0x194: {  	v47 =	vld [tilespmem:s4+$0x6780]  }
0x195: {  	v48 =	vld [tilespmem:s4+$0x6790]  }
0x196: {  	v49 =	vld [tilespmem:s4+$0x67A0]  }
0x197: {  	v50 =	vld [tilespmem:s4+$0x6800]  }
0x198: {  	v13 =	vld [tilespmem:s4+$0x6810]  }
0x199: {  	v14 =	vld [tilespmem:s4+$0x6830]  }
0x19a: {  	v15 =	vld [tilespmem:s4+$0x6820]  }
0x19b: {  	v8 =	vld.idx.msk [tilespmem:v0+s3+$0x0], $0xffff  }
0x19c: {  	v0 =	vld.idx.msk [tilespmem:v1+s3+$0x0], $0xffff  }
0x19d: {  	v1 =	vld.idx.msk [tilespmem:v7+s3+$0x0], $0xffff  }
0x19e: {  	v52 =	vld [tilespmem:s4+$0x6880]  }
0x19f: {  	v53 =	vld [tilespmem:s4+$0x6890]  }
0x1a0: {  	v54 =	vld [tilespmem:s4+$0x6930]  }
0x1a1: {  	v55 =	vld [tilespmem:s4+$0x68A0]  }
0x1a2: {  	[tilespmem:s26+$0xE780] =	vst v1;
	v1 =	vld.idx.msk [tilespmem:v5+s3+$0x0], $0xffff  }
0x1a3: {  	v56 =	vld [tilespmem:s4+$0x6900]  }
0x1a4: {  	v59 =	vld [tilespmem:s4+$0x6910]  }
0x1a5: {  	v60 =	vld [tilespmem:s4+$0x6920];
	[tilespmem:s28+$0xE780] =	vst v3  }
0x1a6: {  	v7 =	vld [tilespmem:s9+$0x6780];
	[tilespmem:s24+$0xE780] =	vst v4  }
0x1a7: {  	s19 =	sor.u32 $0x280, s21;
	[tilespmem:s30+$0xE780] =	vst v1;
	v1 =	vld [tilespmem:s4+$0x67B0]  }
0x1a8: {  	v4 =	vld [tilespmem:s19+$0x6780]  }
0x1a9: {  	v2 =	vld.idx.msk [tilespmem:v2+s3+$0x0], $0xffff  }
0x1aa: {  	s31 =	sor.u32 $0x280, s6;
	v6 =	vld.idx.msk [tilespmem:v6+s3+$0x0], $0xffff  }
0x1ab: {  	[tilespmem:s25+$0xE780] =	vst v0;
	v5 =	vld [tilespmem:s31+$0x6780]  }
0x1ac: {  	v3 =	vld [tilespmem:s10+$0x6780]  }
0x1ad: {  	v9 =	vld.idx.msk [tilespmem:v47+s3+$0x0], $0xffff  }
0x1ae: {  	v10 =	vld.idx.msk [tilespmem:v48+s3+$0x0], $0xffff  }
0x1af: {  	v1 =	vld.idx.msk [tilespmem:v1+s3+$0x0], $0xffff  }
0x1b0: {  	v11 =	vld.idx.msk [tilespmem:v49+s3+$0x0], $0xffff  }
0x1b1: {  	v7 =	vld.idx.msk [tilespmem:v7+s3+$0x0], $0xffff  }
0x1b2: {  	s20 =	sor.u32 $0x280, s7;
	[tilespmem:s17+$0xE780] =	vst v2;
	v4 =	vld.idx.msk [tilespmem:v4+s3+$0x0], $0xffff  }
0x1b3: {  	v2 =	vld [tilespmem:s20+$0x6780];
	[tilespmem:s4+$0xE780] =	vst v9  }
0x1b4: {  	[tilespmem:s4+$0xE7B0] =	vst v1;
	v1 =	vld [tilespmem:s4+$0x68B0]  }
0x1b5: {  	v12 =	vld.idx.msk [tilespmem:v50+s3+$0x0], $0xffff  }
0x1b6: {  	[tilespmem:s4+$0xE790] =	vst v10;
	v51 =	vld.idx.msk [tilespmem:v14+s3+$0x0], $0xffff  }
0x1b7: {  	s24 =	sor.u32 $0x300, s21;
	v10 =	vld.idx.msk [tilespmem:v13+s3+$0x0], $0xffff;
	[tilespmem:s19+$0xE780] =	vst v4  }
0x1b8: {  	[tilespmem:s4+$0xE7A0] =	vst v11;
	v4 =	vld [tilespmem:s24+$0x6780]  }
0x1b9: {  	s11 =	sor.u32 $0x280, s8;
	[tilespmem:s29+$0xE780] =	vst v6;
	v11 =	vld.idx.msk [tilespmem:v15+s3+$0x0], $0xffff  }
0x1ba: {  	v6 =	vld [tilespmem:s11+$0x6780]  }
0x1bb: {  	v5 =	vld.idx.msk [tilespmem:v5+s3+$0x0], $0xffff;
	[tilespmem:s4+$0xE830] =	vst v51  }
0x1bc: {  	[tilespmem:s4+$0xE800] =	vst v12;
	v1 =	vld.idx.msk [tilespmem:v1+s3+$0x0], $0xffff  }
0x1bd: {  	[tilespmem:s4+$0xE810] =	vst v10;
	v57 =	vld.idx.msk [tilespmem:v52+s3+$0x0], $0xffff  }
0x1be: {  	[tilespmem:s4+$0xE820] =	vst v11;
	v58 =	vld.idx.msk [tilespmem:v53+s3+$0x0], $0xffff  }
0x1bf: {  	v61 =	vld.idx.msk [tilespmem:v55+s3+$0x0], $0xffff  }
0x1c0: {  	v4 =	vld.idx.msk [tilespmem:v4+s3+$0x0], $0xffff  }
0x1c1: {  	v2 =	vld.idx.msk [tilespmem:v2+s3+$0x0], $0xffff;
	[tilespmem:s4+$0xE8B0] =	vst v1  }
0x1c2: {  	p0 =	por !p0, !p0;
	s12 =	simm.s32 $0x1;
	[tilespmem:s4+$0xE880] =	vst v57;
	v1 =	vld.idx.msk [tilespmem:v54+s3+$0x0], $0xffff  }
0x1c3: {  	s12 =	simm.s32 @!p0 $0x0;
	[tilespmem:s4+$0xE890] =	vst v58;
	v10 =	vld.idx.msk [tilespmem:v56+s3+$0x0], $0xffff  }
0x1c4: {  	s12 =	sshll.u32 s12, $0x6;
	[tilespmem:s4+$0xE8A0] =	vst v61;
	v9 =	vld.idx.msk [tilespmem:v59+s3+$0x0], $0xffff  }
0x1c5: {  	s25 =	sor.u32 $0x380, s21;
	s26 =	sadd.s32 $0x400, s12;
	v11 =	vld.idx.msk [tilespmem:v60+s3+$0x0], $0xffff;
	[tilespmem:s24+$0xE780] =	vst v4  }
0x1c6: {  	s12 =	sadd.s32 $0x30, s26;
	v4 =	vld [tilespmem:s25+$0x6780]  }
0x1c7: {  	s28 =	sor.u32 $0x200, s12;
	[tilespmem:s4+$0xE930] =	vst v1;
	v1 =	vld.idx.msk [tilespmem:v6+s3+$0x0], $0xffff  }
0x1c8: {  	v6 =	vld [tilespmem:s28+$0x6780]  }
0x1c9: {  	v0 =	vld [tilespmem:s0+$0x6780];
	s29 =	sor.u32 $0x300, s6;
	[tilespmem:s31+$0xE780] =	vst v5  }
0x1ca: {  	s21 =	sadd.s32 $0x10, s26;
	s30 =	sor.u32 $0x200, s26;
	v5 =	vld [tilespmem:s29+$0x6780];
	[tilespmem:s4+$0xE900] =	vst v10  }
0x1cb: {  	s22 =	sadd.s32 $0x20, s26;
	s23 =	sor.u32 $0x200, s21;
	[tilespmem:s4+$0xE910] =	vst v9;
	v10 =	vld [tilespmem:s30+$0x6780]  }
0x1cc: {  	[tilespmem:s4+$0xE920] =	vst v11;
	v9 =	vld [tilespmem:s23+$0x6780];
	s24 =	sor.u32 $0x200, s22  }
0x1cd: {  	[tilespmem:s20+$0xE780] =	vst v2;
	v2 =	vld [tilespmem:s24+$0x6780]  }
0x1ce: {  	s31 =	sor.u32 $0x300, s8;
	v4 =	vld.idx.msk [tilespmem:v4+s3+$0x0], $0xffff;
	[tilespmem:s11+$0xE780] =	vst v1  }
0x1cf: {  	v1 =	vld [tilespmem:s31+$0x6780]  }
0x1d0: {  	v6 =	vld.idx.msk [tilespmem:v6+s3+$0x0], $0xffff  }
0x1d1: {  	v3 =	vld.idx.msk [tilespmem:v3+s3+$0x0], $0xffff;
	s4 =	sor.u32 $0x300, s7  }
0x1d2: {  	v62 =	vld [tilespmem:s4+$0x6780]  }
0x1d3: {  	v63 =	vld.idx.msk [tilespmem:v5+s3+$0x0], $0xffff  }
0x1d4: {  	v5 =	vld.idx.msk [tilespmem:v10+s3+$0x0], $0xffff;
	[tilespmem:s25+$0xE780] =	vst v4  }
0x1d5: {  	s20 =	sor.u32 $0x280, s12;
	v4 =	vld.idx.msk [tilespmem:v9+s3+$0x0], $0xffff;
	[tilespmem:s28+$0xE780] =	vst v6  }
0x1d6: {  	v6 =	vld [tilespmem:s20+$0x6780]  }
0x1d7: {  	[tilespmem:s5+$0xE780] =	vst v8;
	v1 =	vld.idx.msk [tilespmem:v1+s3+$0x0], $0xffff  }
0x1d8: {  	s5 =	sor.u32 $0x380, s6;
	[tilespmem:s29+$0xE780] =	vst v63;
	v8 =	vld.idx.msk [tilespmem:v2+s3+$0x0], $0xffff  }
0x1d9: {  	[tilespmem:s10+$0xE780] =	vst v3;
	v2 =	vld [tilespmem:s5+$0x6780]  }
0x1da: {  	[tilespmem:s30+$0xE780] =	vst v5;
	s11 =	sor.u32 $0x280, s26;
	v5 =	vld.idx.msk [tilespmem:v62+s3+$0x0], $0xffff  }
0x1db: {  	s15 =	sor.u32 $0x280, s21;
	v3 =	vld [tilespmem:s11+$0x6780];
	[tilespmem:s23+$0xE780] =	vst v4  }
0x1dc: {  	s13 =	sor.u32 $0x300, s26;
	s14 =	sor.u32 $0x280, s22;
	s6 =	sor.u32 $0x380, s8;
	v4 =	vld [tilespmem:s15+$0x6780];
	[tilespmem:s31+$0xE780] =	vst v1  }
0x1dd: {  	s18 =	sor.u32 $0x300, s22;
	s16 =	sor.u32 $0x380, s22;
	[tilespmem:s9+$0xE780] =	vst v7;
	s9 =	sor.u32 $0x380, s26;
	v1 =	vld [tilespmem:s6+$0x6780]  }
0x1de: {  	s10 =	sor.u32 $0x300, s21;
	s8 =	sor.u32 $0x380, s21;
	s7 =	sor.u32 $0x380, s7;
	[tilespmem:s24+$0xE780] =	vst v8;
	v6 =	vld.idx.msk [tilespmem:v6+s3+$0x0], $0xffff  }
.LBB2_4:
0x1df: {  	s2 =	sadd.s32 $0x40, s2;
	v7 =	vld [tilespmem:s14+$0x6780];
	s1 =	sadd.s32 $0x200, s1;
	[tilespmem:s4+$0xE780] =	vst v5;
	s4 =	smov.u32 s18  }
0x1e0: {  	s17 =	sand.u32 $0x40, s2;
	s18 =	sand.u32 $0x3C00, s1;
	p1 =	slt.u32 s2, $0x7C0;
	v5 =	vld [tilespmem:s7+$0x6780]  }
0x1e1: {  	s17 =	sor.u32 s17, s18;
	v8 =	vld.idx.msk [tilespmem:v0+s3+$0x0], $0xffff  }
0x1e2: {  	v9 =	vld [tilespmem:s17+$0x67B0]  }
0x1e3: {  	s18 =	sor.u32 $0x300, s12;
	v10 =	vld [tilespmem:s17+$0x6780];
	[tilespmem:s20+$0xE780] =	vst v6  }
0x1e4: {  	v6 =	vld [tilespmem:s18+$0x6780]  }
0x1e5: {  	v11 =	vld [tilespmem:s17+$0x6790];
	v0 =	vmov v5  }
0x1e6: {  	v5 =	vld [tilespmem:s17+$0x67A0]  }
0x1e7: {  	v12 =	vld [tilespmem:s17+$0x6800];
	[tilespmem:s0+$0xE780] =	vst v8;
	s0 =	smov.u32 s7;
	s7 =	smov.u32 s16  }
0x1e8: {  	v8 =	vld [tilespmem:s17+$0x6810]  }
0x1e9: {  	v13 =	vld [tilespmem:s17+$0x6830]  }
0x1ea: {  	v9 =	vld.idx.msk [tilespmem:v9+s3+$0x0], $0xffff  }
0x1eb: {  	v10 =	vld.idx.msk [tilespmem:v10+s3+$0x0], $0xffff  }
0x1ec: {  	v6 =	vld.idx.msk [tilespmem:v6+s3+$0x0], $0xffff  }
0x1ed: {  	v11 =	vld.idx.msk [tilespmem:v11+s3+$0x0], $0xffff  }
0x1ee: {  	v5 =	vld.idx.msk [tilespmem:v5+s3+$0x0], $0xffff  }
0x1ef: {  	v14 =	vld [tilespmem:s17+$0x6820]  }
0x1f0: {  	[tilespmem:s17+$0xE7B0] =	vst v9;
	v9 =	vld [tilespmem:s17+$0x68B0]  }
0x1f1: {  	[tilespmem:s17+$0xE780] =	vst v10;
	v10 =	vld.idx.msk [tilespmem:v13+s3+$0x0], $0xffff  }
0x1f2: {  	s12 =	sor.u32 $0x380, s12;
	v12 =	vld.idx.msk [tilespmem:v12+s3+$0x0], $0xffff;
	[tilespmem:s18+$0xE780] =	vst v6  }
0x1f3: {  	[tilespmem:s17+$0xE790] =	vst v11;
	v6 =	vld [tilespmem:s12+$0x6780]  }
0x1f4: {  	v8 =	vld.idx.msk [tilespmem:v8+s3+$0x0], $0xffff;
	[tilespmem:s17+$0xE7A0] =	vst v5  }
0x1f5: {  	v5 =	vld [tilespmem:s17+$0x6880]  }
0x1f6: {  	v11 =	vld [tilespmem:s17+$0x6890]  }
0x1f7: {  	[tilespmem:s17+$0xE830] =	vst v10;
	v10 =	vld [tilespmem:s17+$0x6930]  }
0x1f8: {  	[tilespmem:s17+$0xE800] =	vst v12;
	v9 =	vld.idx.msk [tilespmem:v9+s3+$0x0], $0xffff  }
0x1f9: {  	v12 =	vld.idx.msk [tilespmem:v14+s3+$0x0], $0xffff  }
0x1fa: {  	[tilespmem:s17+$0xE810] =	vst v8;
	v8 =	vld [tilespmem:s17+$0x68A0]  }
0x1fb: {  	v6 =	vld.idx.msk [tilespmem:v6+s3+$0x0], $0xffff  }
0x1fc: {  	v13 =	vld [tilespmem:s17+$0x6900]  }
0x1fd: {  	v5 =	vld.idx.msk [tilespmem:v5+s3+$0x0], $0xffff  }
0x1fe: {  	v11 =	vld.idx.msk [tilespmem:v11+s3+$0x0], $0xffff;
	[tilespmem:s17+$0xE8B0] =	vst v9  }
0x1ff: {  	[tilespmem:s17+$0xE820] =	vst v12;
	v9 =	vld.idx.msk [tilespmem:v10+s3+$0x0], $0xffff  }
0x200: {  	p0 =	por !p0, !p0;
	s16 =	simm.s32 $0x1;
	v10 =	vld [tilespmem:s17+$0x6910]  }
0x201: {  	s16 =	simm.s32 @!p0 $0x0;
	v12 =	vld [tilespmem:s17+$0x6920];
	[tilespmem:s12+$0xE780] =	vst v6  }
0x202: {  	s12 =	sshll.u32 s16, $0x6;
	v6 =	vld.idx.msk [tilespmem:v8+s3+$0x0], $0xffff  }
0x203: {  	s20 =	sadd.s32 s12, s1;
	[tilespmem:s17+$0xE880] =	vst v5;
	v3 =	vld.idx.msk [tilespmem:v3+s3+$0x0], $0xffff  }
0x204: {  	s16 =	sadd.s32 $0x10, s20;
	s24 =	sadd.s32 $0x20, s20;
	s12 =	sadd.s32 $0x30, s20;
	v5 =	vld.idx.msk [tilespmem:v13+s3+$0x0], $0xffff;
	[tilespmem:s17+$0xE890] =	vst v11  }
0x205: {  	s22 =	sor.u32 $0x200, s16;
	s19 =	sor.u32 $0x200, s24;
	s26 =	sor.u32 $0x200, s12;
	[tilespmem:s17+$0xE930] =	vst v9;
	v4 =	vld.idx.msk [tilespmem:v4+s3+$0x0], $0xffff  }
0x206: {  	s21 =	sor.u32 $0x200, s20;
	s28 =	sor.u32 $0x280, s16;
	s29 =	sor.u32 $0x280, s24;
	v8 =	vld [tilespmem:s26+$0x6780]  }
0x207: {  	s30 =	sor.u32 $0x280, s20;
	s25 =	sor.u32 $0x300, s16;
	s18 =	sor.u32 $0x300, s24;
	v7 =	vld.idx.msk [tilespmem:v7+s3+$0x0], $0xffff  }
0x208: {  	s31 =	sor.u32 $0x300, s20;
	s23 =	sor.u32 $0x380, s16;
	s16 =	sor.u32 $0x380, s24;
	v9 =	vld.idx.msk [tilespmem:v10+s3+$0x0], $0xffff;
	[tilespmem:s17+$0xE8A0] =	vst v6  }
0x209: {  	s20 =	sor.u32 $0x380, s20;
	v6 =	vld.idx.msk [tilespmem:v12+s3+$0x0], $0xffff;
	[tilespmem:s11+$0xE780] =	vst v3;
	s11 =	smov.u32 s30  }
0x20a: {  	[tilespmem:s17+$0xE900] =	vst v5;
	v3 =	vld [tilespmem:s13+$0x6780]  }
0x20b: {  	v5 =	vld [tilespmem:s21+$0x6780];
	[tilespmem:s15+$0xE780] =	vst v4;
	s15 =	smov.u32 s28  }
0x20c: {  	v4 =	vld [tilespmem:s10+$0x6780]  }
0x20d: {  	[tilespmem:s14+$0xE780] =	vst v7;
	v2 =	vld.idx.msk [tilespmem:v2+s3+$0x0], $0xffff;
	s14 =	smov.u32 s29  }
0x20e: {  	[tilespmem:s17+$0xE910] =	vst v9;
	v7 =	vld.idx.msk [tilespmem:v8+s3+$0x0], $0xffff  }
0x20f: {  	v8 =	vld [tilespmem:s22+$0x6780];
	[tilespmem:s17+$0xE920] =	vst v6  }
0x210: {  	v6 =	vld [tilespmem:s19+$0x6780]  }
0x211: {  	v9 =	vld [tilespmem:s4+$0x6780]  }
0x212: {  	v3 =	vld.idx.msk [tilespmem:v3+s3+$0x0], $0xffff  }
0x213: {  	v5 =	vld.idx.msk [tilespmem:v5+s3+$0x0], $0xffff;
	[tilespmem:s5+$0xE780] =	vst v2;
	s5 =	smov.u32 s9;
	s9 =	smov.u32 s20  }
0x214: {  	s20 =	sor.u32 $0x280, s12;
	[tilespmem:s26+$0xE780] =	vst v7;
	v2 =	vld.idx.msk [tilespmem:v4+s3+$0x0], $0xffff  }
0x215: {  	v4 =	vld [tilespmem:s20+$0x6780]  }
0x216: {  	v7 =	vld.idx.msk [tilespmem:v1+s3+$0x0], $0xffff  }
0x217: {  	v8 =	vld.idx.msk [tilespmem:v8+s3+$0x0], $0xffff  }
0x218: {  	v10 =	vld.idx.msk [tilespmem:v6+s3+$0x0], $0xffff;
	[tilespmem:s13+$0xE780] =	vst v3;
	s13 =	smov.u32 s31  }
0x219: {  	[tilespmem:s21+$0xE780] =	vst v5;
	v5 =	vld.idx.msk [tilespmem:v9+s3+$0x0], $0xffff  }
.Ltmp1:
0x21a: {  	v3 =	vld [tilespmem:s11+$0x6780];
	[tilespmem:s10+$0xE780] =	vst v2;
	s10 =	smov.u32 s25;
	(pc) =	sbr.rel @p1 .LBB2_4-.Ltmp1, $4  }
0x21b: {  	v2 =	vld [tilespmem:s5+$0x6780]  }
0x21c: {  	v1 =	vld [tilespmem:s8+$0x6780];
	[tilespmem:s6+$0xE780] =	vst v7;
	s6 =	smov.u32 s8;
	s8 =	smov.u32 s23  }
0x21d: {  	[tilespmem:s22+$0xE780] =	vst v8;
	v6 =	vld.idx.msk [tilespmem:v4+s3+$0x0], $0xffff  }
0x21e: {  	v4 =	vld [tilespmem:s15+$0x6780];
	[tilespmem:s19+$0xE780] =	vst v10  }
0x21f: {  	_ = 	snop  }
0x220: {  	v7 =	vld [tilespmem:s14+$0x6780];
	_ =	sdelay $0x5  }
0x221: {  	v3 =	vld.idx.msk [tilespmem:v3+s3+$0x0], $0xffff  }
0x222: {  	v4 =	vld.idx.msk [tilespmem:v4+s3+$0x0], $0xffff  }
0x223: {  	v7 =	vld.idx.msk [tilespmem:v7+s3+$0x0], $0xffff;
	_ =	sdelay $0x1  }
0x224: {  	s1 =	sor.u32 $0x300, s12;
	[tilespmem:s20+$0xE780] =	vst v6  }
0x225: {  	v6 =	vld [tilespmem:s1+$0x6780];
	[tilespmem:s11+$0xE780] =	vst v3  }
0x226: {  	v3 =	vld [tilespmem:s13+$0x6780];
	[tilespmem:s15+$0xE780] =	vst v4  }
0x227: {  	v4 =	vld [tilespmem:s10+$0x6780];
	[tilespmem:s14+$0xE780] =	vst v7  }
0x228: {  	v7 =	vld [tilespmem:s18+$0x6780];
	_ =	sdelay $0x4  }
0x229: {  	v6 =	vld.idx.msk [tilespmem:v6+s3+$0x0], $0xffff  }
0x22a: {  	v3 =	vld.idx.msk [tilespmem:v3+s3+$0x0], $0xffff  }
0x22b: {  	v4 =	vld.idx.msk [tilespmem:v4+s3+$0x0], $0xffff  }
0x22c: {  	v7 =	vld.idx.msk [tilespmem:v7+s3+$0x0], $0xffff  }
0x22d: {  	[tilespmem:s4+$0xE780] =	vst v5  }
0x22e: {  	s22 =	sor.u32 $0x380, s12;
	v5 =	vld [tilespmem:s7+$0x6780];
	[tilespmem:s1+$0xE780] =	vst v6  }
0x22f: {  	v6 =	vld [tilespmem:s22+$0x6780];
	[tilespmem:s13+$0xE780] =	vst v3  }
0x230: {  	v3 =	vld [tilespmem:s9+$0x6780];
	[tilespmem:s10+$0xE780] =	vst v4  }
0x231: {  	v4 =	vld [tilespmem:s8+$0x6780];
	[tilespmem:s18+$0xE780] =	vst v7  }
0x232: {  	v7 =	vld [tilespmem:s16+$0x6780]  }
0x233: {  	v0 =	vld.idx.msk [tilespmem:v0+s3+$0x0], $0xffff  }
0x234: {  	v2 =	vld.idx.msk [tilespmem:v2+s3+$0x0], $0xffff  }
0x235: {  	v1 =	vld.idx.msk [tilespmem:v1+s3+$0x0], $0xffff  }
0x236: {  	v5 =	vld.idx.msk [tilespmem:v5+s3+$0x0], $0xffff  }
0x237: {  	v6 =	vld.idx.msk [tilespmem:v6+s3+$0x0], $0xffff  }
0x238: {  	[tilespmem:s0+$0xE780] =	vst v0;
	v0 =	vld.idx.msk [tilespmem:v3+s3+$0x0], $0xffff  }
0x239: {  	[tilespmem:s5+$0xE780] =	vst v2;
	v3 =	vld.idx.msk [tilespmem:v4+s3+$0x0], $0xffff  }
0x23a: {  	[tilespmem:s6+$0xE780] =	vst v1;
	v2 =	vld.idx.msk [tilespmem:v7+s3+$0x0], $0xffff  }
0x23b: {  	[tilespmem:s7+$0xE780] =	vst v5  }
0x23c: {  	[tilespmem:s22+$0xE780] =	vst v6  }
0x23d: {  	[tilespmem:s9+$0xE780] =	vst v0  }
0x23e: {  	[tilespmem:s8+$0xE780] =	vst v3  }
0x23f: {  	[tilespmem:s16+$0xE780] =	vst v2  }
0x240: {  	s23 =	simm.s32 $0x0;
	s2 =	simm.s32 $0xE780;
	s1 =	rddreg [dreg:$0x8]  }
0x241: {  	[hbm4b:s1+s23] =	stream.linear.scatter [tilespmem:s2], [sflag:$0x4], $0x4000, $0x38;
	[tilespmem:$0x12780] =	vst v63  }
0x242: {  	s25 =	simm.s32 $0x6780;
	s26 =	simm.s32 $0x1;
	s24 =	rddreg [dreg:$0x9]  }
0x243: {  	[tilespmem:s25], [sflag:$0x2] =	stream.linear.gather [hbm4b:s24+s23], $0x4000, $0x38;
	[tilespmem:$0x12780] =	vst v63  }
0x244: {  	_ =	swait.ge [sflag:s26], $0x4000  }
0x245: {  	[sflag:s26] =	ssyncset.done $0x0  }
0x246: {  	s28 =	simm.s32 $0x3;
	[sflag:s26] =	ssyncadd.s32 $0xFFFFC000  }
0x247: {  	s29 =	simm.s32 $0x0;
	_ =	swait.ge [sflag:s28], $0x4000  }
0x248: {  	s0 =	sand.u32 $0x3C00, s23;
	s1 =	sand.u32 $0x40, s29;
	[sflag:s28] =	ssyncset.done $0x0  }
0x249: {  	s30 =	sor.u32 s1, s0;
	[sflag:s28] =	ssyncadd.s32 $0xFFFFC000  }
0x24a: {  	v0 =	vld [tilespmem:s30+$0x27B0]  }
0x24b: {  	v1 =	vld [tilespmem:s30+$0x2780]  }
0x24c: {  	v2 =	vld [tilespmem:s30+$0x2790]  }
0x24d: {  	v3 =	vld [tilespmem:s30+$0x2830]  }
0x24e: {  	v4 =	vld [tilespmem:s30+$0x27A0]  }
0x24f: {  	v5 =	vld [tilespmem:s30+$0x2800]  }
0x250: {  	s17 =	simm.s32 $0x200;
	s16 =	simm.s32 $0x40;
	v6 =	vld [tilespmem:s30+$0x2810]  }
0x251: {  	s19 =	sand.u32 $0x3C00, s17;
	s9 =	sand.u32 $0x40, s16;
	v7 =	vld [tilespmem:s30+$0x28B0]  }
0x252: {  	s9 =	sor.u32 s9, s19;
	v8 =	vld [tilespmem:s30+$0x2880]  }
0x253: {  	v9 =	vld [tilespmem:s9+$0x2810]  }
0x254: {  	v0 =	vld.idx.msk [tilespmem:v0+s3+$0x0], $0xffff  }
0x255: {  	v10 =	vld [tilespmem:s9+$0x2830]  }
0x256: {  	v11 =	vld [tilespmem:s9+$0x2820]  }
0x257: {  	v2 =	vld.idx.msk [tilespmem:v2+s3+$0x0], $0xffff  }
0x258: {  	v44 =	vld [tilespmem:s9+$0x2880]  }
0x259: {  	v1 =	vld.idx.msk [tilespmem:v1+s3+$0x0], $0xffff;
	[tilespmem:s30+$0xA7B0] =	vst v0  }
0x25a: {  	v0 =	vld.idx.msk [tilespmem:v3+s3+$0x0], $0xffff  }
0x25b: {  	v3 =	vld.idx.msk [tilespmem:v4+s3+$0x0], $0xffff  }
0x25c: {  	[tilespmem:s30+$0xA790] =	vst v2;
	v4 =	vld [tilespmem:s30+$0x2820]  }
0x25d: {  	v2 =	vld.idx.msk [tilespmem:v6+s3+$0x0], $0xffff  }
0x25e: {  	[tilespmem:s30+$0xA780] =	vst v1;
	v6 =	vld [tilespmem:s30+$0x2890]  }
0x25f: {  	v1 =	vld.idx.msk [tilespmem:v5+s3+$0x0], $0xffff  }
0x260: {  	v5 =	vld [tilespmem:s30+$0x2930]  }
0x261: {  	v12 =	vld [tilespmem:s9+$0x2890];
	[tilespmem:s30+$0xA830] =	vst v0  }
0x262: {  	v0 =	vld.idx.msk [tilespmem:v7+s3+$0x0], $0xffff  }
0x263: {  	[tilespmem:s30+$0xA7A0] =	vst v3;
	v3 =	vld [tilespmem:s30+$0x28A0]  }
0x264: {  	v7 =	vld [tilespmem:s30+$0x2900]  }
0x265: {  	[tilespmem:s30+$0xA810] =	vst v2;
	v4 =	vld.idx.msk [tilespmem:v4+s3+$0x0], $0xffff  }
0x266: {  	[tilespmem:s30+$0xA800] =	vst v1;
	v6 =	vld.idx.msk [tilespmem:v6+s3+$0x0], $0xffff  }
0x267: {  	v1 =	vld.idx.msk [tilespmem:v8+s3+$0x0], $0xffff;
	[tilespmem:s30+$0xA8B0] =	vst v0  }
0x268: {  	v0 =	vld.idx.msk [tilespmem:v5+s3+$0x0], $0xffff  }
0x269: {  	v5 =	vld [tilespmem:s30+$0x2910]  }
0x26a: {  	p0 =	por $0x0, $0x0;
	s0 =	simm.s32 $0x1;
	v2 =	vld [tilespmem:s30+$0x2920];
	[tilespmem:s30+$0xA820] =	vst v4  }
0x26b: {  	s0 =	simm.s32 @!p0 $0x0;
	[tilespmem:s30+$0xA890] =	vst v6;
	v6 =	vld [tilespmem:s9+$0x2790]  }
0x26c: {  	s0 =	sshll.u32 s0, $0x6;
	[tilespmem:s30+$0xA880] =	vst v1;
	v3 =	vld.idx.msk [tilespmem:v3+s3+$0x0], $0xffff  }
0x26d: {  	s0 =	sadd.s32 $0x0, s0;
	v1 =	vld.idx.msk [tilespmem:v7+s3+$0x0], $0xffff  }
0x26e: {  	s31 =	sadd.s32 $0x30, s0;
	v7 =	vld [tilespmem:s9+$0x27A0]  }
0x26f: {  	s1 =	sor.u32 $0x200, s31;
	v8 =	vld [tilespmem:s9+$0x2800];
	[tilespmem:s30+$0xA930] =	vst v0  }
0x270: {  	v0 =	vld [tilespmem:s1+$0x2780]  }
0x271: {  	[tilespmem:s30+$0xA8A0] =	vst v3;
	v4 =	vld.idx.msk [tilespmem:v5+s3+$0x0], $0xffff  }
0x272: {  	s22 =	sor.u32 $0x200, s0;
	[tilespmem:s30+$0xA900] =	vst v1;
	v2 =	vld.idx.msk [tilespmem:v2+s3+$0x0], $0xffff  }
0x273: {  	v1 =	vld [tilespmem:s22+$0x2780]  }
0x274: {  	v5 =	vld [tilespmem:s9+$0x2780]  }
0x275: {  	v6 =	vld.idx.msk [tilespmem:v6+s3+$0x0], $0xffff  }
0x276: {  	v7 =	vld.idx.msk [tilespmem:v7+s3+$0x0], $0xffff  }
0x277: {  	s4 =	sadd.s32 $0x10, s0;
	[tilespmem:s30+$0xA910] =	vst v4;
	v4 =	vld [tilespmem:s9+$0x27B0]  }
0x278: {  	s23 =	sadd.s32 $0x20, s0;
	s11 =	sor.u32 $0x200, s4;
	v0 =	vld.idx.msk [tilespmem:v0+s3+$0x0], $0xffff  }
0x279: {  	s12 =	sor.u32 $0x200, s23;
	[tilespmem:s30+$0xA920] =	vst v2;
	v3 =	vld [tilespmem:s11+$0x2780]  }
0x27a: {  	v2 =	vld [tilespmem:s12+$0x2780]  }
0x27b: {  	[tilespmem:s9+$0xA790] =	vst v6;
	v6 =	vld [tilespmem:s9+$0x2930]  }
0x27c: {  	v9 =	vld.idx.msk [tilespmem:v9+s3+$0x0], $0xffff  }
0x27d: {  	[tilespmem:s9+$0xA7A0] =	vst v7;
	v1 =	vld.idx.msk [tilespmem:v1+s3+$0x0], $0xffff  }
0x27e: {  	v7 =	vld.idx.msk [tilespmem:v11+s3+$0x0], $0xffff  }
0x27f: {  	s13 =	sor.u32 $0x280, s31;
	v5 =	vld.idx.msk [tilespmem:v5+s3+$0x0], $0xffff;
	[tilespmem:s1+$0xA780] =	vst v0  }
0x280: {  	v0 =	vld [tilespmem:s13+$0x2780]  }
0x281: {  	[tilespmem:s9+$0xA810] =	vst v9;
	v4 =	vld.idx.msk [tilespmem:v4+s3+$0x0], $0xffff  }
0x282: {  	v46 =	vld.idx.msk [tilespmem:v12+s3+$0x0], $0xffff  }
0x283: {  	[tilespmem:s9+$0xA820] =	vst v7;
	v7 =	vld [tilespmem:s9+$0x2920]  }
0x284: {  	[tilespmem:s9+$0xA780] =	vst v5;
	v3 =	vld.idx.msk [tilespmem:v3+s3+$0x0], $0xffff  }
0x285: {  	v8 =	vld.idx.msk [tilespmem:v8+s3+$0x0], $0xffff  }
0x286: {  	[tilespmem:s22+$0xA780] =	vst v1;
	v2 =	vld.idx.msk [tilespmem:v2+s3+$0x0], $0xffff  }
0x287: {  	s14 =	sor.u32 $0x280, s0;
	[tilespmem:s9+$0xA7B0] =	vst v4;
	v4 =	vld [tilespmem:s9+$0x28B0]  }
0x288: {  	v1 =	vld [tilespmem:s14+$0x2780]  }
0x289: {  	[tilespmem:s11+$0xA780] =	vst v3;
	v5 =	vld.idx.msk [tilespmem:v10+s3+$0x0], $0xffff  }
0x28a: {  	s15 =	sor.u32 $0x280, s4;
	[tilespmem:s9+$0xA800] =	vst v8;
	v8 =	vld [tilespmem:s9+$0x2900]  }
0x28b: {  	v3 =	vld [tilespmem:s15+$0x2780]  }
0x28c: {  	v0 =	vld.idx.msk [tilespmem:v0+s3+$0x0], $0xffff  }
0x28d: {  	v45 =	vld.idx.msk [tilespmem:v44+s3+$0x0], $0xffff  }
0x28e: {  	[tilespmem:s9+$0xA830] =	vst v5;
	v5 =	vld [tilespmem:s9+$0x28A0]  }
0x28f: {  	s18 =	sor.u32 $0x280, s23;
	[tilespmem:s12+$0xA780] =	vst v2;
	v4 =	vld.idx.msk [tilespmem:v4+s3+$0x0], $0xffff  }
0x290: {  	v2 =	vld [tilespmem:s18+$0x2780]  }
0x291: {  	s20 =	sor.u32 $0x300, s31;
	v1 =	vld.idx.msk [tilespmem:v1+s3+$0x0], $0xffff;
	[tilespmem:s13+$0xA780] =	vst v0  }
0x292: {  	v0 =	vld [tilespmem:s20+$0x2780]  }
0x293: {  	[tilespmem:s9+$0xA880] =	vst v45;
	v3 =	vld.idx.msk [tilespmem:v3+s3+$0x0], $0xffff  }
0x294: {  	v8 =	vld.idx.msk [tilespmem:v8+s3+$0x0], $0xffff;
	[tilespmem:s9+$0xA8B0] =	vst v4  }
0x295: {  	v4 =	vld.idx.msk [tilespmem:v6+s3+$0x0], $0xffff  }
0x296: {  	s6 =	simm.s32 $0x1;
	p0 =	por !p0, !p0;
	v6 =	vld [tilespmem:s9+$0x2910]  }
0x297: {  	s6 =	simm.s32 @!p0 $0x0;
	v5 =	vld.idx.msk [tilespmem:v5+s3+$0x0], $0xffff  }
0x298: {  	s6 =	sshll.u32 s6, $0x6;
	s28 =	sor.u32 $0x300, s4;
	v2 =	vld.idx.msk [tilespmem:v2+s3+$0x0], $0xffff;
	[tilespmem:s15+$0xA780] =	vst v3  }
0x299: {  	s6 =	sadd.s32 $0x200, s6;
	v3 =	vld [tilespmem:s28+$0x2780]  }
0x29a: {  	s25 =	sor.u32 $0x300, s0;
	s21 =	sadd.s32 $0x30, s6;
	[tilespmem:s14+$0xA780] =	vst v1;
	v0 =	vld.idx.msk [tilespmem:v0+s3+$0x0], $0xffff  }
0x29b: {  	s24 =	sor.u32 $0x200, s21;
	v1 =	vld [tilespmem:s25+$0x2780];
	[tilespmem:s9+$0xA930] =	vst v4  }
0x29c: {  	[tilespmem:s9+$0xA8A0] =	vst v5;
	v4 =	vld [tilespmem:s24+$0x2780]  }
0x29d: {  	s26 =	sor.u32 $0x200, s6;
	[tilespmem:s9+$0xA900] =	vst v8;
	v5 =	vld.idx.msk [tilespmem:v7+s3+$0x0], $0xffff  }
0x29e: {  	[tilespmem:s9+$0xA890] =	vst v46;
	v7 =	vld [tilespmem:s26+$0x2780]  }
0x29f: {  	s5 =	sor.u32 $0x380, s31;
	[tilespmem:s20+$0xA780] =	vst v0;
	v6 =	vld.idx.msk [tilespmem:v6+s3+$0x0], $0xffff  }
0x2a0: {  	v0 =	vld [tilespmem:s5+$0x2780]  }
0x2a1: {  	s7 =	sadd.s32 $0x20, s6;
	s30 =	sor.u32 $0x300, s23;
	[tilespmem:s18+$0xA780] =	vst v2;
	v3 =	vld.idx.msk [tilespmem:v3+s3+$0x0], $0xffff  }
0x2a2: {  	s2 =	simm.s32 $0x80;
	s10 =	sor.u32 $0x380, s0;
	s17 =	sor.u32 $0x200, s7;
	[tilespmem:s9+$0xA920] =	vst v5;
	v5 =	vld [tilespmem:s30+$0x2780]  }
0x2a3: {  	s8 =	sadd.s32 $0x10, s6;
	s0 =	sor.u32 $0x380, s23;
	s1 =	simm.s32 $0x400;
	v2 =	vld [tilespmem:s17+$0x2780]  }
0x2a4: {  	s29 =	sor.u32 $0x200, s8;
	s23 =	sand.u32 $0x3C00, s1;
	s22 =	sand.u32 $0x40, s2;
	[tilespmem:s9+$0xA910] =	vst v6;
	v4 =	vld.idx.msk [tilespmem:v4+s3+$0x0], $0xffff  }
0x2a5: {  	s9 =	sor.u32 $0x380, s4;
	s4 =	sor.u32 s22, s23;
	v6 =	vld [tilespmem:s29+$0x2780]  }
0x2a6: {  	v47 =	vld [tilespmem:s4+$0x2780]  }
0x2a7: {  	v48 =	vld [tilespmem:s4+$0x2790]  }
0x2a8: {  	v49 =	vld [tilespmem:s4+$0x27A0]  }
0x2a9: {  	v50 =	vld [tilespmem:s4+$0x2800]  }
0x2aa: {  	v13 =	vld [tilespmem:s4+$0x2810]  }
0x2ab: {  	v14 =	vld [tilespmem:s4+$0x2830]  }
0x2ac: {  	v15 =	vld [tilespmem:s4+$0x2820]  }
0x2ad: {  	v8 =	vld.idx.msk [tilespmem:v0+s3+$0x0], $0xffff  }
0x2ae: {  	v0 =	vld.idx.msk [tilespmem:v1+s3+$0x0], $0xffff  }
0x2af: {  	v1 =	vld.idx.msk [tilespmem:v7+s3+$0x0], $0xffff  }
0x2b0: {  	v52 =	vld [tilespmem:s4+$0x2880]  }
0x2b1: {  	v53 =	vld [tilespmem:s4+$0x2890]  }
0x2b2: {  	v54 =	vld [tilespmem:s4+$0x2930]  }
0x2b3: {  	v55 =	vld [tilespmem:s4+$0x28A0]  }
0x2b4: {  	[tilespmem:s26+$0xA780] =	vst v1;
	v1 =	vld.idx.msk [tilespmem:v5+s3+$0x0], $0xffff  }
0x2b5: {  	v56 =	vld [tilespmem:s4+$0x2900]  }
0x2b6: {  	v59 =	vld [tilespmem:s4+$0x2910]  }
0x2b7: {  	v60 =	vld [tilespmem:s4+$0x2920];
	[tilespmem:s28+$0xA780] =	vst v3  }
0x2b8: {  	v7 =	vld [tilespmem:s9+$0x2780];
	[tilespmem:s24+$0xA780] =	vst v4  }
0x2b9: {  	s19 =	sor.u32 $0x280, s21;
	[tilespmem:s30+$0xA780] =	vst v1;
	v1 =	vld [tilespmem:s4+$0x27B0]  }
0x2ba: {  	v4 =	vld [tilespmem:s19+$0x2780]  }
0x2bb: {  	v2 =	vld.idx.msk [tilespmem:v2+s3+$0x0], $0xffff  }
0x2bc: {  	s31 =	sor.u32 $0x280, s6;
	v6 =	vld.idx.msk [tilespmem:v6+s3+$0x0], $0xffff  }
0x2bd: {  	[tilespmem:s25+$0xA780] =	vst v0;
	v5 =	vld [tilespmem:s31+$0x2780]  }
0x2be: {  	v3 =	vld [tilespmem:s10+$0x2780]  }
0x2bf: {  	v9 =	vld.idx.msk [tilespmem:v47+s3+$0x0], $0xffff  }
0x2c0: {  	v10 =	vld.idx.msk [tilespmem:v48+s3+$0x0], $0xffff  }
0x2c1: {  	v1 =	vld.idx.msk [tilespmem:v1+s3+$0x0], $0xffff  }
0x2c2: {  	v11 =	vld.idx.msk [tilespmem:v49+s3+$0x0], $0xffff  }
0x2c3: {  	v7 =	vld.idx.msk [tilespmem:v7+s3+$0x0], $0xffff  }
0x2c4: {  	s20 =	sor.u32 $0x280, s7;
	[tilespmem:s17+$0xA780] =	vst v2;
	v4 =	vld.idx.msk [tilespmem:v4+s3+$0x0], $0xffff  }
0x2c5: {  	v2 =	vld [tilespmem:s20+$0x2780];
	[tilespmem:s4+$0xA780] =	vst v9  }
0x2c6: {  	[tilespmem:s4+$0xA7B0] =	vst v1;
	v1 =	vld [tilespmem:s4+$0x28B0]  }
0x2c7: {  	v12 =	vld.idx.msk [tilespmem:v50+s3+$0x0], $0xffff  }
0x2c8: {  	[tilespmem:s4+$0xA790] =	vst v10;
	v51 =	vld.idx.msk [tilespmem:v14+s3+$0x0], $0xffff  }
0x2c9: {  	s24 =	sor.u32 $0x300, s21;
	v10 =	vld.idx.msk [tilespmem:v13+s3+$0x0], $0xffff;
	[tilespmem:s19+$0xA780] =	vst v4  }
0x2ca: {  	[tilespmem:s4+$0xA7A0] =	vst v11;
	v4 =	vld [tilespmem:s24+$0x2780]  }
0x2cb: {  	s11 =	sor.u32 $0x280, s8;
	[tilespmem:s29+$0xA780] =	vst v6;
	v11 =	vld.idx.msk [tilespmem:v15+s3+$0x0], $0xffff  }
0x2cc: {  	v6 =	vld [tilespmem:s11+$0x2780]  }
0x2cd: {  	v5 =	vld.idx.msk [tilespmem:v5+s3+$0x0], $0xffff;
	[tilespmem:s4+$0xA830] =	vst v51  }
0x2ce: {  	[tilespmem:s4+$0xA800] =	vst v12;
	v1 =	vld.idx.msk [tilespmem:v1+s3+$0x0], $0xffff  }
0x2cf: {  	[tilespmem:s4+$0xA810] =	vst v10;
	v57 =	vld.idx.msk [tilespmem:v52+s3+$0x0], $0xffff  }
0x2d0: {  	[tilespmem:s4+$0xA820] =	vst v11;
	v58 =	vld.idx.msk [tilespmem:v53+s3+$0x0], $0xffff  }
0x2d1: {  	v61 =	vld.idx.msk [tilespmem:v55+s3+$0x0], $0xffff  }
0x2d2: {  	v4 =	vld.idx.msk [tilespmem:v4+s3+$0x0], $0xffff  }
0x2d3: {  	v2 =	vld.idx.msk [tilespmem:v2+s3+$0x0], $0xffff;
	[tilespmem:s4+$0xA8B0] =	vst v1  }
0x2d4: {  	p0 =	por !p0, !p0;
	s12 =	simm.s32 $0x1;
	[tilespmem:s4+$0xA880] =	vst v57;
	v1 =	vld.idx.msk [tilespmem:v54+s3+$0x0], $0xffff  }
0x2d5: {  	s12 =	simm.s32 @!p0 $0x0;
	[tilespmem:s4+$0xA890] =	vst v58;
	v10 =	vld.idx.msk [tilespmem:v56+s3+$0x0], $0xffff  }
0x2d6: {  	s12 =	sshll.u32 s12, $0x6;
	[tilespmem:s4+$0xA8A0] =	vst v61;
	v9 =	vld.idx.msk [tilespmem:v59+s3+$0x0], $0xffff  }
0x2d7: {  	s25 =	sor.u32 $0x380, s21;
	s26 =	sadd.s32 $0x400, s12;
	v11 =	vld.idx.msk [tilespmem:v60+s3+$0x0], $0xffff;
	[tilespmem:s24+$0xA780] =	vst v4  }
0x2d8: {  	s12 =	sadd.s32 $0x30, s26;
	v4 =	vld [tilespmem:s25+$0x2780]  }
0x2d9: {  	s28 =	sor.u32 $0x200, s12;
	[tilespmem:s4+$0xA930] =	vst v1;
	v1 =	vld.idx.msk [tilespmem:v6+s3+$0x0], $0xffff  }
0x2da: {  	v6 =	vld [tilespmem:s28+$0x2780]  }
0x2db: {  	v0 =	vld [tilespmem:s0+$0x2780];
	s29 =	sor.u32 $0x300, s6;
	[tilespmem:s31+$0xA780] =	vst v5  }
0x2dc: {  	s21 =	sadd.s32 $0x10, s26;
	s30 =	sor.u32 $0x200, s26;
	v5 =	vld [tilespmem:s29+$0x2780];
	[tilespmem:s4+$0xA900] =	vst v10  }
0x2dd: {  	s22 =	sadd.s32 $0x20, s26;
	s23 =	sor.u32 $0x200, s21;
	[tilespmem:s4+$0xA910] =	vst v9;
	v10 =	vld [tilespmem:s30+$0x2780]  }
0x2de: {  	[tilespmem:s4+$0xA920] =	vst v11;
	v9 =	vld [tilespmem:s23+$0x2780];
	s24 =	sor.u32 $0x200, s22  }
0x2df: {  	[tilespmem:s20+$0xA780] =	vst v2;
	v2 =	vld [tilespmem:s24+$0x2780]  }
0x2e0: {  	s31 =	sor.u32 $0x300, s8;
	v4 =	vld.idx.msk [tilespmem:v4+s3+$0x0], $0xffff;
	[tilespmem:s11+$0xA780] =	vst v1  }
0x2e1: {  	v1 =	vld [tilespmem:s31+$0x2780]  }
0x2e2: {  	v6 =	vld.idx.msk [tilespmem:v6+s3+$0x0], $0xffff  }
0x2e3: {  	v3 =	vld.idx.msk [tilespmem:v3+s3+$0x0], $0xffff;
	s4 =	sor.u32 $0x300, s7  }
0x2e4: {  	v62 =	vld [tilespmem:s4+$0x2780]  }
0x2e5: {  	v63 =	vld.idx.msk [tilespmem:v5+s3+$0x0], $0xffff  }
0x2e6: {  	v5 =	vld.idx.msk [tilespmem:v10+s3+$0x0], $0xffff;
	[tilespmem:s25+$0xA780] =	vst v4  }
0x2e7: {  	s20 =	sor.u32 $0x280, s12;
	v4 =	vld.idx.msk [tilespmem:v9+s3+$0x0], $0xffff;
	[tilespmem:s28+$0xA780] =	vst v6  }
0x2e8: {  	v6 =	vld [tilespmem:s20+$0x2780]  }
0x2e9: {  	[tilespmem:s5+$0xA780] =	vst v8;
	v1 =	vld.idx.msk [tilespmem:v1+s3+$0x0], $0xffff  }
0x2ea: {  	s5 =	sor.u32 $0x380, s6;
	[tilespmem:s29+$0xA780] =	vst v63;
	v8 =	vld.idx.msk [tilespmem:v2+s3+$0x0], $0xffff  }
0x2eb: {  	[tilespmem:s10+$0xA780] =	vst v3;
	v2 =	vld [tilespmem:s5+$0x2780]  }
0x2ec: {  	[tilespmem:s30+$0xA780] =	vst v5;
	s11 =	sor.u32 $0x280, s26;
	v5 =	vld.idx.msk [tilespmem:v62+s3+$0x0], $0xffff  }
0x2ed: {  	s15 =	sor.u32 $0x280, s21;
	v3 =	vld [tilespmem:s11+$0x2780];
	[tilespmem:s23+$0xA780] =	vst v4  }
0x2ee: {  	s13 =	sor.u32 $0x300, s26;
	s14 =	sor.u32 $0x280, s22;
	s6 =	sor.u32 $0x380, s8;
	v4 =	vld [tilespmem:s15+$0x2780];
	[tilespmem:s31+$0xA780] =	vst v1  }
0x2ef: {  	s18 =	sor.u32 $0x300, s22;
	s16 =	sor.u32 $0x380, s22;
	[tilespmem:s9+$0xA780] =	vst v7;
	s9 =	sor.u32 $0x380, s26;
	v1 =	vld [tilespmem:s6+$0x2780]  }
0x2f0: {  	s10 =	sor.u32 $0x300, s21;
	s8 =	sor.u32 $0x380, s21;
	s7 =	sor.u32 $0x380, s7;
	[tilespmem:s24+$0xA780] =	vst v8;
	v6 =	vld.idx.msk [tilespmem:v6+s3+$0x0], $0xffff  }
.LBB2_6:
0x2f1: {  	s2 =	sadd.s32 $0x40, s2;
	v7 =	vld [tilespmem:s14+$0x2780];
	s1 =	sadd.s32 $0x200, s1;
	[tilespmem:s4+$0xA780] =	vst v5;
	s4 =	smov.u32 s18  }
0x2f2: {  	s17 =	sand.u32 $0x40, s2;
	s18 =	sand.u32 $0x3C00, s1;
	p1 =	slt.u32 s2, $0x7C0;
	v5 =	vld [tilespmem:s7+$0x2780]  }
0x2f3: {  	s17 =	sor.u32 s17, s18;
	v8 =	vld.idx.msk [tilespmem:v0+s3+$0x0], $0xffff  }
0x2f4: {  	v9 =	vld [tilespmem:s17+$0x27B0]  }
0x2f5: {  	s18 =	sor.u32 $0x300, s12;
	v10 =	vld [tilespmem:s17+$0x2780];
	[tilespmem:s20+$0xA780] =	vst v6  }
0x2f6: {  	v6 =	vld [tilespmem:s18+$0x2780]  }
0x2f7: {  	v11 =	vld [tilespmem:s17+$0x2790];
	v0 =	vmov v5  }
0x2f8: {  	v5 =	vld [tilespmem:s17+$0x27A0]  }
0x2f9: {  	v12 =	vld [tilespmem:s17+$0x2800];
	[tilespmem:s0+$0xA780] =	vst v8;
	s0 =	smov.u32 s7;
	s7 =	smov.u32 s16  }
0x2fa: {  	v8 =	vld [tilespmem:s17+$0x2810]  }
0x2fb: {  	v13 =	vld [tilespmem:s17+$0x2830]  }
0x2fc: {  	v9 =	vld.idx.msk [tilespmem:v9+s3+$0x0], $0xffff  }
0x2fd: {  	v10 =	vld.idx.msk [tilespmem:v10+s3+$0x0], $0xffff  }
0x2fe: {  	v6 =	vld.idx.msk [tilespmem:v6+s3+$0x0], $0xffff  }
0x2ff: {  	v11 =	vld.idx.msk [tilespmem:v11+s3+$0x0], $0xffff  }
0x300: {  	v5 =	vld.idx.msk [tilespmem:v5+s3+$0x0], $0xffff  }
0x301: {  	v14 =	vld [tilespmem:s17+$0x2820]  }
0x302: {  	[tilespmem:s17+$0xA7B0] =	vst v9;
	v9 =	vld [tilespmem:s17+$0x28B0]  }
0x303: {  	[tilespmem:s17+$0xA780] =	vst v10;
	v10 =	vld.idx.msk [tilespmem:v13+s3+$0x0], $0xffff  }
0x304: {  	s12 =	sor.u32 $0x380, s12;
	v12 =	vld.idx.msk [tilespmem:v12+s3+$0x0], $0xffff;
	[tilespmem:s18+$0xA780] =	vst v6  }
0x305: {  	[tilespmem:s17+$0xA790] =	vst v11;
	v6 =	vld [tilespmem:s12+$0x2780]  }
0x306: {  	v8 =	vld.idx.msk [tilespmem:v8+s3+$0x0], $0xffff;
	[tilespmem:s17+$0xA7A0] =	vst v5  }
0x307: {  	v5 =	vld [tilespmem:s17+$0x2880]  }
0x308: {  	v11 =	vld [tilespmem:s17+$0x2890]  }
0x309: {  	[tilespmem:s17+$0xA830] =	vst v10;
	v10 =	vld [tilespmem:s17+$0x2930]  }
0x30a: {  	[tilespmem:s17+$0xA800] =	vst v12;
	v9 =	vld.idx.msk [tilespmem:v9+s3+$0x0], $0xffff  }
0x30b: {  	v12 =	vld.idx.msk [tilespmem:v14+s3+$0x0], $0xffff  }
0x30c: {  	[tilespmem:s17+$0xA810] =	vst v8;
	v8 =	vld [tilespmem:s17+$0x28A0]  }
0x30d: {  	v6 =	vld.idx.msk [tilespmem:v6+s3+$0x0], $0xffff  }
0x30e: {  	v13 =	vld [tilespmem:s17+$0x2900]  }
0x30f: {  	v5 =	vld.idx.msk [tilespmem:v5+s3+$0x0], $0xffff  }
0x310: {  	v11 =	vld.idx.msk [tilespmem:v11+s3+$0x0], $0xffff;
	[tilespmem:s17+$0xA8B0] =	vst v9  }
0x311: {  	[tilespmem:s17+$0xA820] =	vst v12;
	v9 =	vld.idx.msk [tilespmem:v10+s3+$0x0], $0xffff  }
0x312: {  	p0 =	por !p0, !p0;
	s16 =	simm.s32 $0x1;
	v10 =	vld [tilespmem:s17+$0x2910]  }
0x313: {  	s16 =	simm.s32 @!p0 $0x0;
	v12 =	vld [tilespmem:s17+$0x2920];
	[tilespmem:s12+$0xA780] =	vst v6  }
0x314: {  	s12 =	sshll.u32 s16, $0x6;
	v6 =	vld.idx.msk [tilespmem:v8+s3+$0x0], $0xffff  }
0x315: {  	s20 =	sadd.s32 s12, s1;
	[tilespmem:s17+$0xA880] =	vst v5;
	v3 =	vld.idx.msk [tilespmem:v3+s3+$0x0], $0xffff  }
0x316: {  	s16 =	sadd.s32 $0x10, s20;
	s24 =	sadd.s32 $0x20, s20;
	s12 =	sadd.s32 $0x30, s20;
	v5 =	vld.idx.msk [tilespmem:v13+s3+$0x0], $0xffff;
	[tilespmem:s17+$0xA890] =	vst v11  }
0x317: {  	s22 =	sor.u32 $0x200, s16;
	s19 =	sor.u32 $0x200, s24;
	s26 =	sor.u32 $0x200, s12;
	[tilespmem:s17+$0xA930] =	vst v9;
	v4 =	vld.idx.msk [tilespmem:v4+s3+$0x0], $0xffff  }
0x318: {  	s21 =	sor.u32 $0x200, s20;
	s28 =	sor.u32 $0x280, s16;
	s29 =	sor.u32 $0x280, s24;
	v8 =	vld [tilespmem:s26+$0x2780]  }
0x319: {  	s30 =	sor.u32 $0x280, s20;
	s25 =	sor.u32 $0x300, s16;
	s18 =	sor.u32 $0x300, s24;
	v7 =	vld.idx.msk [tilespmem:v7+s3+$0x0], $0xffff  }
0x31a: {  	s31 =	sor.u32 $0x300, s20;
	s23 =	sor.u32 $0x380, s16;
	s16 =	sor.u32 $0x380, s24;
	v9 =	vld.idx.msk [tilespmem:v10+s3+$0x0], $0xffff;
	[tilespmem:s17+$0xA8A0] =	vst v6  }
0x31b: {  	s20 =	sor.u32 $0x380, s20;
	v6 =	vld.idx.msk [tilespmem:v12+s3+$0x0], $0xffff;
	[tilespmem:s11+$0xA780] =	vst v3;
	s11 =	smov.u32 s30  }
0x31c: {  	[tilespmem:s17+$0xA900] =	vst v5;
	v3 =	vld [tilespmem:s13+$0x2780]  }
0x31d: {  	v5 =	vld [tilespmem:s21+$0x2780];
	[tilespmem:s15+$0xA780] =	vst v4;
	s15 =	smov.u32 s28  }
0x31e: {  	v4 =	vld [tilespmem:s10+$0x2780]  }
0x31f: {  	[tilespmem:s14+$0xA780] =	vst v7;
	v2 =	vld.idx.msk [tilespmem:v2+s3+$0x0], $0xffff;
	s14 =	smov.u32 s29  }
0x320: {  	[tilespmem:s17+$0xA910] =	vst v9;
	v7 =	vld.idx.msk [tilespmem:v8+s3+$0x0], $0xffff  }
0x321: {  	v8 =	vld [tilespmem:s22+$0x2780];
	[tilespmem:s17+$0xA920] =	vst v6  }
0x322: {  	v6 =	vld [tilespmem:s19+$0x2780]  }
0x323: {  	v9 =	vld [tilespmem:s4+$0x2780]  }
0x324: {  	v3 =	vld.idx.msk [tilespmem:v3+s3+$0x0], $0xffff  }
0x325: {  	v5 =	vld.idx.msk [tilespmem:v5+s3+$0x0], $0xffff;
	[tilespmem:s5+$0xA780] =	vst v2;
	s5 =	smov.u32 s9;
	s9 =	smov.u32 s20  }
0x326: {  	s20 =	sor.u32 $0x280, s12;
	[tilespmem:s26+$0xA780] =	vst v7;
	v2 =	vld.idx.msk [tilespmem:v4+s3+$0x0], $0xffff  }
0x327: {  	v4 =	vld [tilespmem:s20+$0x2780]  }
0x328: {  	v7 =	vld.idx.msk [tilespmem:v1+s3+$0x0], $0xffff  }
0x329: {  	v8 =	vld.idx.msk [tilespmem:v8+s3+$0x0], $0xffff  }
0x32a: {  	v10 =	vld.idx.msk [tilespmem:v6+s3+$0x0], $0xffff;
	[tilespmem:s13+$0xA780] =	vst v3;
	s13 =	smov.u32 s31  }
0x32b: {  	[tilespmem:s21+$0xA780] =	vst v5;
	v5 =	vld.idx.msk [tilespmem:v9+s3+$0x0], $0xffff  }
.Ltmp2:
0x32c: {  	v3 =	vld [tilespmem:s11+$0x2780];
	[tilespmem:s10+$0xA780] =	vst v2;
	s10 =	smov.u32 s25;
	(pc) =	sbr.rel @p1 .LBB2_6-.Ltmp2, $4  }
0x32d: {  	v2 =	vld [tilespmem:s5+$0x2780]  }
0x32e: {  	v1 =	vld [tilespmem:s8+$0x2780];
	[tilespmem:s6+$0xA780] =	vst v7;
	s6 =	smov.u32 s8;
	s8 =	smov.u32 s23  }
0x32f: {  	[tilespmem:s22+$0xA780] =	vst v8;
	v6 =	vld.idx.msk [tilespmem:v4+s3+$0x0], $0xffff  }
0x330: {  	v4 =	vld [tilespmem:s15+$0x2780];
	[tilespmem:s19+$0xA780] =	vst v10  }
0x331: {  	_ = 	snop  }
0x332: {  	v7 =	vld [tilespmem:s14+$0x2780];
	_ =	sdelay $0x5  }
0x333: {  	v3 =	vld.idx.msk [tilespmem:v3+s3+$0x0], $0xffff  }
0x334: {  	v4 =	vld.idx.msk [tilespmem:v4+s3+$0x0], $0xffff  }
0x335: {  	v7 =	vld.idx.msk [tilespmem:v7+s3+$0x0], $0xffff;
	_ =	sdelay $0x1  }
0x336: {  	s1 =	sor.u32 $0x300, s12;
	[tilespmem:s20+$0xA780] =	vst v6  }
0x337: {  	v6 =	vld [tilespmem:s1+$0x2780];
	[tilespmem:s11+$0xA780] =	vst v3  }
0x338: {  	v3 =	vld [tilespmem:s13+$0x2780];
	[tilespmem:s15+$0xA780] =	vst v4  }
0x339: {  	v4 =	vld [tilespmem:s10+$0x2780];
	[tilespmem:s14+$0xA780] =	vst v7  }
0x33a: {  	v7 =	vld [tilespmem:s18+$0x2780];
	_ =	sdelay $0x4  }
0x33b: {  	v6 =	vld.idx.msk [tilespmem:v6+s3+$0x0], $0xffff  }
0x33c: {  	v3 =	vld.idx.msk [tilespmem:v3+s3+$0x0], $0xffff  }
0x33d: {  	v4 =	vld.idx.msk [tilespmem:v4+s3+$0x0], $0xffff  }
0x33e: {  	v7 =	vld.idx.msk [tilespmem:v7+s3+$0x0], $0xffff  }
0x33f: {  	[tilespmem:s4+$0xA780] =	vst v5  }
0x340: {  	s22 =	sor.u32 $0x380, s12;
	v5 =	vld [tilespmem:s7+$0x2780];
	[tilespmem:s1+$0xA780] =	vst v6  }
0x341: {  	v6 =	vld [tilespmem:s22+$0x2780];
	[tilespmem:s13+$0xA780] =	vst v3  }
0x342: {  	v3 =	vld [tilespmem:s9+$0x2780];
	[tilespmem:s10+$0xA780] =	vst v4  }
0x343: {  	v4 =	vld [tilespmem:s8+$0x2780];
	[tilespmem:s18+$0xA780] =	vst v7  }
0x344: {  	v7 =	vld [tilespmem:s16+$0x2780]  }
0x345: {  	v0 =	vld.idx.msk [tilespmem:v0+s3+$0x0], $0xffff  }
0x346: {  	v2 =	vld.idx.msk [tilespmem:v2+s3+$0x0], $0xffff  }
0x347: {  	v1 =	vld.idx.msk [tilespmem:v1+s3+$0x0], $0xffff  }
0x348: {  	v5 =	vld.idx.msk [tilespmem:v5+s3+$0x0], $0xffff  }
0x349: {  	v6 =	vld.idx.msk [tilespmem:v6+s3+$0x0], $0xffff  }
0x34a: {  	[tilespmem:s0+$0xA780] =	vst v0;
	v0 =	vld.idx.msk [tilespmem:v3+s3+$0x0], $0xffff  }
0x34b: {  	[tilespmem:s5+$0xA780] =	vst v2;
	v3 =	vld.idx.msk [tilespmem:v4+s3+$0x0], $0xffff  }
0x34c: {  	[tilespmem:s6+$0xA780] =	vst v1;
	v2 =	vld.idx.msk [tilespmem:v7+s3+$0x0], $0xffff  }
0x34d: {  	[tilespmem:s7+$0xA780] =	vst v5  }
0x34e: {  	[tilespmem:s22+$0xA780] =	vst v6  }
0x34f: {  	[tilespmem:s9+$0xA780] =	vst v0  }
0x350: {  	[tilespmem:s8+$0xA780] =	vst v3  }
0x351: {  	[tilespmem:s16+$0xA780] =	vst v2  }
0x352: {  	s23 =	simm.s32 $0x0;
	s2 =	simm.s32 $0xA780;
	s1 =	rddreg [dreg:$0xa]  }
0x353: {  	[hbm4b:s1+s23] =	stream.linear.scatter [tilespmem:s2], [sflag:$0x3], $0x4000, $0x38;
	[tilespmem:$0x12780] =	vst v63  }
0x354: {  	s25 =	simm.s32 $0x2780;
	s26 =	simm.s32 $0x2;
	s24 =	rddreg [dreg:$0xb]  }
0x355: {  	[tilespmem:s25], [sflag:$0x1] =	stream.linear.gather [hbm4b:s24+s23], $0x4000, $0x38;
	[tilespmem:$0x12780] =	vst v63  }
0x356: {  	_ =	swait.ge [sflag:s26], $0x4000  }
0x357: {  	[sflag:s26] =	ssyncset.done $0x0  }
0x358: {  	s28 =	simm.s32 $0x4;
	[sflag:s26] =	ssyncadd.s32 $0xFFFFC000  }
0x359: {  	s29 =	simm.s32 $0x0;
	_ =	swait.ge [sflag:s28], $0x4000  }
0x35a: {  	s0 =	sand.u32 $0x3C00, s23;
	s1 =	sand.u32 $0x40, s29;
	[sflag:s28] =	ssyncset.done $0x0  }
0x35b: {  	s30 =	sor.u32 s1, s0;
	[sflag:s28] =	ssyncadd.s32 $0xFFFFC000  }
0x35c: {  	v0 =	vld [tilespmem:s30+$0x67B0]  }
0x35d: {  	v1 =	vld [tilespmem:s30+$0x6780]  }
0x35e: {  	v2 =	vld [tilespmem:s30+$0x6790]  }
0x35f: {  	v3 =	vld [tilespmem:s30+$0x6830]  }
0x360: {  	v4 =	vld [tilespmem:s30+$0x67A0]  }
0x361: {  	v5 =	vld [tilespmem:s30+$0x6800]  }
0x362: {  	s17 =	simm.s32 $0x200;
	s16 =	simm.s32 $0x40;
	v6 =	vld [tilespmem:s30+$0x6810]  }
0x363: {  	s19 =	sand.u32 $0x3C00, s17;
	s9 =	sand.u32 $0x40, s16;
	v7 =	vld [tilespmem:s30+$0x68B0]  }
0x364: {  	s9 =	sor.u32 s9, s19;
	v8 =	vld [tilespmem:s30+$0x6880]  }
0x365: {  	v9 =	vld [tilespmem:s9+$0x6810]  }
0x366: {  	v0 =	vld.idx.msk [tilespmem:v0+s3+$0x0], $0xffff  }
0x367: {  	v10 =	vld [tilespmem:s9+$0x6830]  }
0x368: {  	v11 =	vld [tilespmem:s9+$0x6820]  }
0x369: {  	v2 =	vld.idx.msk [tilespmem:v2+s3+$0x0], $0xffff  }
0x36a: {  	v44 =	vld [tilespmem:s9+$0x6880]  }
0x36b: {  	v1 =	vld.idx.msk [tilespmem:v1+s3+$0x0], $0xffff;
	[tilespmem:s30+$0xE7B0] =	vst v0  }
0x36c: {  	v0 =	vld.idx.msk [tilespmem:v3+s3+$0x0], $0xffff  }
0x36d: {  	v3 =	vld.idx.msk [tilespmem:v4+s3+$0x0], $0xffff  }
0x36e: {  	[tilespmem:s30+$0xE790] =	vst v2;
	v4 =	vld [tilespmem:s30+$0x6820]  }
0x36f: {  	v2 =	vld.idx.msk [tilespmem:v6+s3+$0x0], $0xffff  }
0x370: {  	[tilespmem:s30+$0xE780] =	vst v1;
	v6 =	vld [tilespmem:s30+$0x6890]  }
0x371: {  	v1 =	vld.idx.msk [tilespmem:v5+s3+$0x0], $0xffff  }
0x372: {  	v5 =	vld [tilespmem:s30+$0x6930]  }
0x373: {  	v12 =	vld [tilespmem:s9+$0x6890];
	[tilespmem:s30+$0xE830] =	vst v0  }
0x374: {  	v0 =	vld.idx.msk [tilespmem:v7+s3+$0x0], $0xffff  }
0x375: {  	[tilespmem:s30+$0xE7A0] =	vst v3;
	v3 =	vld [tilespmem:s30+$0x68A0]  }
0x376: {  	v7 =	vld [tilespmem:s30+$0x6900]  }
0x377: {  	[tilespmem:s30+$0xE810] =	vst v2;
	v4 =	vld.idx.msk [tilespmem:v4+s3+$0x0], $0xffff  }
0x378: {  	[tilespmem:s30+$0xE800] =	vst v1;
	v6 =	vld.idx.msk [tilespmem:v6+s3+$0x0], $0xffff  }
0x379: {  	v1 =	vld.idx.msk [tilespmem:v8+s3+$0x0], $0xffff;
	[tilespmem:s30+$0xE8B0] =	vst v0  }
0x37a: {  	v0 =	vld.idx.msk [tilespmem:v5+s3+$0x0], $0xffff  }
0x37b: {  	v5 =	vld [tilespmem:s30+$0x6910]  }
0x37c: {  	p0 =	por $0x0, $0x0;
	s0 =	simm.s32 $0x1;
	v2 =	vld [tilespmem:s30+$0x6920];
	[tilespmem:s30+$0xE820] =	vst v4  }
0x37d: {  	s0 =	simm.s32 @!p0 $0x0;
	[tilespmem:s30+$0xE890] =	vst v6;
	v6 =	vld [tilespmem:s9+$0x6790]  }
0x37e: {  	s0 =	sshll.u32 s0, $0x6;
	[tilespmem:s30+$0xE880] =	vst v1;
	v3 =	vld.idx.msk [tilespmem:v3+s3+$0x0], $0xffff  }
0x37f: {  	s0 =	sadd.s32 $0x0, s0;
	v1 =	vld.idx.msk [tilespmem:v7+s3+$0x0], $0xffff  }
0x380: {  	s31 =	sadd.s32 $0x30, s0;
	v7 =	vld [tilespmem:s9+$0x67A0]  }
0x381: {  	s1 =	sor.u32 $0x200, s31;
	v8 =	vld [tilespmem:s9+$0x6800];
	[tilespmem:s30+$0xE930] =	vst v0  }
0x382: {  	v0 =	vld [tilespmem:s1+$0x6780]  }
0x383: {  	[tilespmem:s30+$0xE8A0] =	vst v3;
	v4 =	vld.idx.msk [tilespmem:v5+s3+$0x0], $0xffff  }
0x384: {  	s22 =	sor.u32 $0x200, s0;
	[tilespmem:s30+$0xE900] =	vst v1;
	v2 =	vld.idx.msk [tilespmem:v2+s3+$0x0], $0xffff  }
0x385: {  	v1 =	vld [tilespmem:s22+$0x6780]  }
0x386: {  	v5 =	vld [tilespmem:s9+$0x6780]  }
0x387: {  	v6 =	vld.idx.msk [tilespmem:v6+s3+$0x0], $0xffff  }
0x388: {  	v7 =	vld.idx.msk [tilespmem:v7+s3+$0x0], $0xffff  }
0x389: {  	s4 =	sadd.s32 $0x10, s0;
	[tilespmem:s30+$0xE910] =	vst v4;
	v4 =	vld [tilespmem:s9+$0x67B0]  }
0x38a: {  	s23 =	sadd.s32 $0x20, s0;
	s11 =	sor.u32 $0x200, s4;
	v0 =	vld.idx.msk [tilespmem:v0+s3+$0x0], $0xffff  }
0x38b: {  	s12 =	sor.u32 $0x200, s23;
	[tilespmem:s30+$0xE920] =	vst v2;
	v3 =	vld [tilespmem:s11+$0x6780]  }
0x38c: {  	v2 =	vld [tilespmem:s12+$0x6780]  }
0x38d: {  	[tilespmem:s9+$0xE790] =	vst v6;
	v6 =	vld [tilespmem:s9+$0x6930]  }
0x38e: {  	v9 =	vld.idx.msk [tilespmem:v9+s3+$0x0], $0xffff  }
0x38f: {  	[tilespmem:s9+$0xE7A0] =	vst v7;
	v1 =	vld.idx.msk [tilespmem:v1+s3+$0x0], $0xffff  }
0x390: {  	v7 =	vld.idx.msk [tilespmem:v11+s3+$0x0], $0xffff  }
0x391: {  	s13 =	sor.u32 $0x280, s31;
	v5 =	vld.idx.msk [tilespmem:v5+s3+$0x0], $0xffff;
	[tilespmem:s1+$0xE780] =	vst v0  }
0x392: {  	v0 =	vld [tilespmem:s13+$0x6780]  }
0x393: {  	[tilespmem:s9+$0xE810] =	vst v9;
	v4 =	vld.idx.msk [tilespmem:v4+s3+$0x0], $0xffff  }
0x394: {  	v46 =	vld.idx.msk [tilespmem:v12+s3+$0x0], $0xffff  }
0x395: {  	[tilespmem:s9+$0xE820] =	vst v7;
	v7 =	vld [tilespmem:s9+$0x6920]  }
0x396: {  	[tilespmem:s9+$0xE780] =	vst v5;
	v3 =	vld.idx.msk [tilespmem:v3+s3+$0x0], $0xffff  }
0x397: {  	v8 =	vld.idx.msk [tilespmem:v8+s3+$0x0], $0xffff  }
0x398: {  	[tilespmem:s22+$0xE780] =	vst v1;
	v2 =	vld.idx.msk [tilespmem:v2+s3+$0x0], $0xffff  }
0x399: {  	s14 =	sor.u32 $0x280, s0;
	[tilespmem:s9+$0xE7B0] =	vst v4;
	v4 =	vld [tilespmem:s9+$0x68B0]  }
0x39a: {  	v1 =	vld [tilespmem:s14+$0x6780]  }
0x39b: {  	[tilespmem:s11+$0xE780] =	vst v3;
	v5 =	vld.idx.msk [tilespmem:v10+s3+$0x0], $0xffff  }
0x39c: {  	s15 =	sor.u32 $0x280, s4;
	[tilespmem:s9+$0xE800] =	vst v8;
	v8 =	vld [tilespmem:s9+$0x6900]  }
0x39d: {  	v3 =	vld [tilespmem:s15+$0x6780]  }
0x39e: {  	v0 =	vld.idx.msk [tilespmem:v0+s3+$0x0], $0xffff  }
0x39f: {  	v45 =	vld.idx.msk [tilespmem:v44+s3+$0x0], $0xffff  }
0x3a0: {  	[tilespmem:s9+$0xE830] =	vst v5;
	v5 =	vld [tilespmem:s9+$0x68A0]  }
0x3a1: {  	s18 =	sor.u32 $0x280, s23;
	[tilespmem:s12+$0xE780] =	vst v2;
	v4 =	vld.idx.msk [tilespmem:v4+s3+$0x0], $0xffff  }
0x3a2: {  	v2 =	vld [tilespmem:s18+$0x6780]  }
0x3a3: {  	s20 =	sor.u32 $0x300, s31;
	v1 =	vld.idx.msk [tilespmem:v1+s3+$0x0], $0xffff;
	[tilespmem:s13+$0xE780] =	vst v0  }
0x3a4: {  	v0 =	vld [tilespmem:s20+$0x6780]  }
0x3a5: {  	[tilespmem:s9+$0xE880] =	vst v45;
	v3 =	vld.idx.msk [tilespmem:v3+s3+$0x0], $0xffff  }
0x3a6: {  	v8 =	vld.idx.msk [tilespmem:v8+s3+$0x0], $0xffff;
	[tilespmem:s9+$0xE8B0] =	vst v4  }
0x3a7: {  	v4 =	vld.idx.msk [tilespmem:v6+s3+$0x0], $0xffff  }
0x3a8: {  	s6 =	simm.s32 $0x1;
	p0 =	por !p0, !p0;
	v6 =	vld [tilespmem:s9+$0x6910]  }
0x3a9: {  	s6 =	simm.s32 @!p0 $0x0;
	v5 =	vld.idx.msk [tilespmem:v5+s3+$0x0], $0xffff  }
0x3aa: {  	s6 =	sshll.u32 s6, $0x6;
	s28 =	sor.u32 $0x300, s4;
	v2 =	vld.idx.msk [tilespmem:v2+s3+$0x0], $0xffff;
	[tilespmem:s15+$0xE780] =	vst v3  }
0x3ab: {  	s6 =	sadd.s32 $0x200, s6;
	v3 =	vld [tilespmem:s28+$0x6780]  }
0x3ac: {  	s25 =	sor.u32 $0x300, s0;
	s21 =	sadd.s32 $0x30, s6;
	[tilespmem:s14+$0xE780] =	vst v1;
	v0 =	vld.idx.msk [tilespmem:v0+s3+$0x0], $0xffff  }
0x3ad: {  	s24 =	sor.u32 $0x200, s21;
	v1 =	vld [tilespmem:s25+$0x6780];
	[tilespmem:s9+$0xE930] =	vst v4  }
0x3ae: {  	[tilespmem:s9+$0xE8A0] =	vst v5;
	v4 =	vld [tilespmem:s24+$0x6780]  }
0x3af: {  	s26 =	sor.u32 $0x200, s6;
	[tilespmem:s9+$0xE900] =	vst v8;
	v5 =	vld.idx.msk [tilespmem:v7+s3+$0x0], $0xffff  }
0x3b0: {  	[tilespmem:s9+$0xE890] =	vst v46;
	v7 =	vld [tilespmem:s26+$0x6780]  }
0x3b1: {  	s5 =	sor.u32 $0x380, s31;
	[tilespmem:s20+$0xE780] =	vst v0;
	v6 =	vld.idx.msk [tilespmem:v6+s3+$0x0], $0xffff  }
0x3b2: {  	v0 =	vld [tilespmem:s5+$0x6780]  }
0x3b3: {  	s7 =	sadd.s32 $0x20, s6;
	s30 =	sor.u32 $0x300, s23;
	[tilespmem:s18+$0xE780] =	vst v2;
	v3 =	vld.idx.msk [tilespmem:v3+s3+$0x0], $0xffff  }
0x3b4: {  	s2 =	simm.s32 $0x80;
	s10 =	sor.u32 $0x380, s0;
	s17 =	sor.u32 $0x200, s7;
	[tilespmem:s9+$0xE920] =	vst v5;
	v5 =	vld [tilespmem:s30+$0x6780]  }
0x3b5: {  	s8 =	sadd.s32 $0x10, s6;
	s0 =	sor.u32 $0x380, s23;
	s1 =	simm.s32 $0x400;
	v2 =	vld [tilespmem:s17+$0x6780]  }
0x3b6: {  	s29 =	sor.u32 $0x200, s8;
	s23 =	sand.u32 $0x3C00, s1;
	s22 =	sand.u32 $0x40, s2;
	[tilespmem:s9+$0xE910] =	vst v6;
	v4 =	vld.idx.msk [tilespmem:v4+s3+$0x0], $0xffff  }
0x3b7: {  	s9 =	sor.u32 $0x380, s4;
	s4 =	sor.u32 s22, s23;
	v6 =	vld [tilespmem:s29+$0x6780]  }
0x3b8: {  	v47 =	vld [tilespmem:s4+$0x6780]  }
0x3b9: {  	v48 =	vld [tilespmem:s4+$0x6790]  }
0x3ba: {  	v49 =	vld [tilespmem:s4+$0x67A0]  }
0x3bb: {  	v50 =	vld [tilespmem:s4+$0x6800]  }
0x3bc: {  	v13 =	vld [tilespmem:s4+$0x6810]  }
0x3bd: {  	v14 =	vld [tilespmem:s4+$0x6830]  }
0x3be: {  	v15 =	vld [tilespmem:s4+$0x6820]  }
0x3bf: {  	v8 =	vld.idx.msk [tilespmem:v0+s3+$0x0], $0xffff  }
0x3c0: {  	v0 =	vld.idx.msk [tilespmem:v1+s3+$0x0], $0xffff  }
0x3c1: {  	v1 =	vld.idx.msk [tilespmem:v7+s3+$0x0], $0xffff  }
0x3c2: {  	v52 =	vld [tilespmem:s4+$0x6880]  }
0x3c3: {  	v53 =	vld [tilespmem:s4+$0x6890]  }
0x3c4: {  	v54 =	vld [tilespmem:s4+$0x6930]  }
0x3c5: {  	v55 =	vld [tilespmem:s4+$0x68A0]  }
0x3c6: {  	[tilespmem:s26+$0xE780] =	vst v1;
	v1 =	vld.idx.msk [tilespmem:v5+s3+$0x0], $0xffff  }
0x3c7: {  	v56 =	vld [tilespmem:s4+$0x6900]  }
0x3c8: {  	v59 =	vld [tilespmem:s4+$0x6910]  }
0x3c9: {  	v60 =	vld [tilespmem:s4+$0x6920];
	[tilespmem:s28+$0xE780] =	vst v3  }
0x3ca: {  	v7 =	vld [tilespmem:s9+$0x6780];
	[tilespmem:s24+$0xE780] =	vst v4  }
0x3cb: {  	s19 =	sor.u32 $0x280, s21;
	[tilespmem:s30+$0xE780] =	vst v1;
	v1 =	vld [tilespmem:s4+$0x67B0]  }
0x3cc: {  	v4 =	vld [tilespmem:s19+$0x6780]  }
0x3cd: {  	v2 =	vld.idx.msk [tilespmem:v2+s3+$0x0], $0xffff  }
0x3ce: {  	s31 =	sor.u32 $0x280, s6;
	v6 =	vld.idx.msk [tilespmem:v6+s3+$0x0], $0xffff  }
0x3cf: {  	[tilespmem:s25+$0xE780] =	vst v0;
	v5 =	vld [tilespmem:s31+$0x6780]  }
0x3d0: {  	v3 =	vld [tilespmem:s10+$0x6780]  }
0x3d1: {  	v9 =	vld.idx.msk [tilespmem:v47+s3+$0x0], $0xffff  }
0x3d2: {  	v10 =	vld.idx.msk [tilespmem:v48+s3+$0x0], $0xffff  }
0x3d3: {  	v1 =	vld.idx.msk [tilespmem:v1+s3+$0x0], $0xffff  }
0x3d4: {  	v11 =	vld.idx.msk [tilespmem:v49+s3+$0x0], $0xffff  }
0x3d5: {  	v7 =	vld.idx.msk [tilespmem:v7+s3+$0x0], $0xffff  }
0x3d6: {  	s20 =	sor.u32 $0x280, s7;
	[tilespmem:s17+$0xE780] =	vst v2;
	v4 =	vld.idx.msk [tilespmem:v4+s3+$0x0], $0xffff  }
0x3d7: {  	v2 =	vld [tilespmem:s20+$0x6780];
	[tilespmem:s4+$0xE780] =	vst v9  }
0x3d8: {  	[tilespmem:s4+$0xE7B0] =	vst v1;
	v1 =	vld [tilespmem:s4+$0x68B0]  }
0x3d9: {  	v12 =	vld.idx.msk [tilespmem:v50+s3+$0x0], $0xffff  }
0x3da: {  	[tilespmem:s4+$0xE790] =	vst v10;
	v51 =	vld.idx.msk [tilespmem:v14+s3+$0x0], $0xffff  }
0x3db: {  	s24 =	sor.u32 $0x300, s21;
	v10 =	vld.idx.msk [tilespmem:v13+s3+$0x0], $0xffff;
	[tilespmem:s19+$0xE780] =	vst v4  }
0x3dc: {  	[tilespmem:s4+$0xE7A0] =	vst v11;
	v4 =	vld [tilespmem:s24+$0x6780]  }
0x3dd: {  	s11 =	sor.u32 $0x280, s8;
	[tilespmem:s29+$0xE780] =	vst v6;
	v11 =	vld.idx.msk [tilespmem:v15+s3+$0x0], $0xffff  }
0x3de: {  	v6 =	vld [tilespmem:s11+$0x6780]  }
0x3df: {  	v5 =	vld.idx.msk [tilespmem:v5+s3+$0x0], $0xffff;
	[tilespmem:s4+$0xE830] =	vst v51  }
0x3e0: {  	[tilespmem:s4+$0xE800] =	vst v12;
	v1 =	vld.idx.msk [tilespmem:v1+s3+$0x0], $0xffff  }
0x3e1: {  	[tilespmem:s4+$0xE810] =	vst v10;
	v57 =	vld.idx.msk [tilespmem:v52+s3+$0x0], $0xffff  }
0x3e2: {  	[tilespmem:s4+$0xE820] =	vst v11;
	v58 =	vld.idx.msk [tilespmem:v53+s3+$0x0], $0xffff  }
0x3e3: {  	v61 =	vld.idx.msk [tilespmem:v55+s3+$0x0], $0xffff  }
0x3e4: {  	v4 =	vld.idx.msk [tilespmem:v4+s3+$0x0], $0xffff  }
0x3e5: {  	v2 =	vld.idx.msk [tilespmem:v2+s3+$0x0], $0xffff;
	[tilespmem:s4+$0xE8B0] =	vst v1  }
0x3e6: {  	p0 =	por !p0, !p0;
	s12 =	simm.s32 $0x1;
	[tilespmem:s4+$0xE880] =	vst v57;
	v1 =	vld.idx.msk [tilespmem:v54+s3+$0x0], $0xffff  }
0x3e7: {  	s12 =	simm.s32 @!p0 $0x0;
	[tilespmem:s4+$0xE890] =	vst v58;
	v10 =	vld.idx.msk [tilespmem:v56+s3+$0x0], $0xffff  }
0x3e8: {  	s12 =	sshll.u32 s12, $0x6;
	[tilespmem:s4+$0xE8A0] =	vst v61;
	v9 =	vld.idx.msk [tilespmem:v59+s3+$0x0], $0xffff  }
0x3e9: {  	s25 =	sor.u32 $0x380, s21;
	s26 =	sadd.s32 $0x400, s12;
	v11 =	vld.idx.msk [tilespmem:v60+s3+$0x0], $0xffff;
	[tilespmem:s24+$0xE780] =	vst v4  }
0x3ea: {  	s12 =	sadd.s32 $0x30, s26;
	v4 =	vld [tilespmem:s25+$0x6780]  }
0x3eb: {  	s28 =	sor.u32 $0x200, s12;
	[tilespmem:s4+$0xE930] =	vst v1;
	v1 =	vld.idx.msk [tilespmem:v6+s3+$0x0], $0xffff  }
0x3ec: {  	v6 =	vld [tilespmem:s28+$0x6780]  }
0x3ed: {  	v0 =	vld [tilespmem:s0+$0x6780];
	s29 =	sor.u32 $0x300, s6;
	[tilespmem:s31+$0xE780] =	vst v5  }
0x3ee: {  	s21 =	sadd.s32 $0x10, s26;
	s30 =	sor.u32 $0x200, s26;
	v5 =	vld [tilespmem:s29+$0x6780];
	[tilespmem:s4+$0xE900] =	vst v10  }
0x3ef: {  	s22 =	sadd.s32 $0x20, s26;
	s23 =	sor.u32 $0x200, s21;
	[tilespmem:s4+$0xE910] =	vst v9;
	v10 =	vld [tilespmem:s30+$0x6780]  }
0x3f0: {  	[tilespmem:s4+$0xE920] =	vst v11;
	v9 =	vld [tilespmem:s23+$0x6780];
	s24 =	sor.u32 $0x200, s22  }
0x3f1: {  	[tilespmem:s20+$0xE780] =	vst v2;
	v2 =	vld [tilespmem:s24+$0x6780]  }
0x3f2: {  	s31 =	sor.u32 $0x300, s8;
	v4 =	vld.idx.msk [tilespmem:v4+s3+$0x0], $0xffff;
	[tilespmem:s11+$0xE780] =	vst v1  }
0x3f3: {  	v1 =	vld [tilespmem:s31+$0x6780]  }
0x3f4: {  	v6 =	vld.idx.msk [tilespmem:v6+s3+$0x0], $0xffff  }
0x3f5: {  	v3 =	vld.idx.msk [tilespmem:v3+s3+$0x0], $0xffff;
	s4 =	sor.u32 $0x300, s7  }
0x3f6: {  	v62 =	vld [tilespmem:s4+$0x6780]  }
0x3f7: {  	v63 =	vld.idx.msk [tilespmem:v5+s3+$0x0], $0xffff  }
0x3f8: {  	v5 =	vld.idx.msk [tilespmem:v10+s3+$0x0], $0xffff;
	[tilespmem:s25+$0xE780] =	vst v4  }
0x3f9: {  	s20 =	sor.u32 $0x280, s12;
	v4 =	vld.idx.msk [tilespmem:v9+s3+$0x0], $0xffff;
	[tilespmem:s28+$0xE780] =	vst v6  }
0x3fa: {  	v6 =	vld [tilespmem:s20+$0x6780]  }
0x3fb: {  	[tilespmem:s5+$0xE780] =	vst v8;
	v1 =	vld.idx.msk [tilespmem:v1+s3+$0x0], $0xffff  }
0x3fc: {  	s5 =	sor.u32 $0x380, s6;
	[tilespmem:s29+$0xE780] =	vst v63;
	v8 =	vld.idx.msk [tilespmem:v2+s3+$0x0], $0xffff  }
0x3fd: {  	[tilespmem:s10+$0xE780] =	vst v3;
	v2 =	vld [tilespmem:s5+$0x6780]  }
0x3fe: {  	[tilespmem:s30+$0xE780] =	vst v5;
	s11 =	sor.u32 $0x280, s26;
	v5 =	vld.idx.msk [tilespmem:v62+s3+$0x0], $0xffff  }
0x3ff: {  	s15 =	sor.u32 $0x280, s21;
	v3 =	vld [tilespmem:s11+$0x6780];
	[tilespmem:s23+$0xE780] =	vst v4  }
0x400: {  	s13 =	sor.u32 $0x300, s26;
	s14 =	sor.u32 $0x280, s22;
	s6 =	sor.u32 $0x380, s8;
	v4 =	vld [tilespmem:s15+$0x6780];
	[tilespmem:s31+$0xE780] =	vst v1  }
0x401: {  	s18 =	sor.u32 $0x300, s22;
	s16 =	sor.u32 $0x380, s22;
	[tilespmem:s9+$0xE780] =	vst v7;
	s9 =	sor.u32 $0x380, s26;
	v1 =	vld [tilespmem:s6+$0x6780]  }
0x402: {  	s10 =	sor.u32 $0x300, s21;
	s8 =	sor.u32 $0x380, s21;
	s7 =	sor.u32 $0x380, s7;
	[tilespmem:s24+$0xE780] =	vst v8;
	v6 =	vld.idx.msk [tilespmem:v6+s3+$0x0], $0xffff  }
.LBB2_8:
0x403: {  	s2 =	sadd.s32 $0x40, s2;
	v7 =	vld [tilespmem:s14+$0x6780];
	s1 =	sadd.s32 $0x200, s1;
	[tilespmem:s4+$0xE780] =	vst v5;
	s4 =	smov.u32 s18  }
0x404: {  	s17 =	sand.u32 $0x40, s2;
	s18 =	sand.u32 $0x3C00, s1;
	p1 =	slt.u32 s2, $0x7C0;
	v5 =	vld [tilespmem:s7+$0x6780]  }
0x405: {  	s17 =	sor.u32 s17, s18;
	v8 =	vld.idx.msk [tilespmem:v0+s3+$0x0], $0xffff  }
0x406: {  	v9 =	vld [tilespmem:s17+$0x67B0]  }
0x407: {  	s18 =	sor.u32 $0x300, s12;
	v10 =	vld [tilespmem:s17+$0x6780];
	[tilespmem:s20+$0xE780] =	vst v6  }
0x408: {  	v6 =	vld [tilespmem:s18+$0x6780]  }
0x409: {  	v11 =	vld [tilespmem:s17+$0x6790];
	v0 =	vmov v5  }
0x40a: {  	v5 =	vld [tilespmem:s17+$0x67A0]  }
0x40b: {  	v12 =	vld [tilespmem:s17+$0x6800];
	[tilespmem:s0+$0xE780] =	vst v8;
	s0 =	smov.u32 s7;
	s7 =	smov.u32 s16  }
0x40c: {  	v8 =	vld [tilespmem:s17+$0x6810]  }
0x40d: {  	v13 =	vld [tilespmem:s17+$0x6830]  }
0x40e: {  	v9 =	vld.idx.msk [tilespmem:v9+s3+$0x0], $0xffff  }
0x40f: {  	v10 =	vld.idx.msk [tilespmem:v10+s3+$0x0], $0xffff  }
0x410: {  	v6 =	vld.idx.msk [tilespmem:v6+s3+$0x0], $0xffff  }
0x411: {  	v11 =	vld.idx.msk [tilespmem:v11+s3+$0x0], $0xffff  }
0x412: {  	v5 =	vld.idx.msk [tilespmem:v5+s3+$0x0], $0xffff  }
0x413: {  	v14 =	vld [tilespmem:s17+$0x6820]  }
0x414: {  	[tilespmem:s17+$0xE7B0] =	vst v9;
	v9 =	vld [tilespmem:s17+$0x68B0]  }
0x415: {  	[tilespmem:s17+$0xE780] =	vst v10;
	v10 =	vld.idx.msk [tilespmem:v13+s3+$0x0], $0xffff  }
0x416: {  	s12 =	sor.u32 $0x380, s12;
	v12 =	vld.idx.msk [tilespmem:v12+s3+$0x0], $0xffff;
	[tilespmem:s18+$0xE780] =	vst v6  }
0x417: {  	[tilespmem:s17+$0xE790] =	vst v11;
	v6 =	vld [tilespmem:s12+$0x6780]  }
0x418: {  	v8 =	vld.idx.msk [tilespmem:v8+s3+$0x0], $0xffff;
	[tilespmem:s17+$0xE7A0] =	vst v5  }
0x419: {  	v5 =	vld [tilespmem:s17+$0x6880]  }
0x41a: {  	v11 =	vld [tilespmem:s17+$0x6890]  }
0x41b: {  	[tilespmem:s17+$0xE830] =	vst v10;
	v10 =	vld [tilespmem:s17+$0x6930]  }
0x41c: {  	[tilespmem:s17+$0xE800] =	vst v12;
	v9 =	vld.idx.msk [tilespmem:v9+s3+$0x0], $0xffff  }
0x41d: {  	v12 =	vld.idx.msk [tilespmem:v14+s3+$0x0], $0xffff  }
0x41e: {  	[tilespmem:s17+$0xE810] =	vst v8;
	v8 =	vld [tilespmem:s17+$0x68A0]  }
0x41f: {  	v6 =	vld.idx.msk [tilespmem:v6+s3+$0x0], $0xffff  }
0x420: {  	v13 =	vld [tilespmem:s17+$0x6900]  }
0x421: {  	v5 =	vld.idx.msk [tilespmem:v5+s3+$0x0], $0xffff  }
0x422: {  	v11 =	vld.idx.msk [tilespmem:v11+s3+$0x0], $0xffff;
	[tilespmem:s17+$0xE8B0] =	vst v9  }
0x423: {  	[tilespmem:s17+$0xE820] =	vst v12;
	v9 =	vld.idx.msk [tilespmem:v10+s3+$0x0], $0xffff  }
0x424: {  	p0 =	por !p0, !p0;
	s16 =	simm.s32 $0x1;
	v10 =	vld [tilespmem:s17+$0x6910]  }
0x425: {  	s16 =	simm.s32 @!p0 $0x0;
	v12 =	vld [tilespmem:s17+$0x6920];
	[tilespmem:s12+$0xE780] =	vst v6  }
0x426: {  	s12 =	sshll.u32 s16, $0x6;
	v6 =	vld.idx.msk [tilespmem:v8+s3+$0x0], $0xffff  }
0x427: {  	s20 =	sadd.s32 s12, s1;
	[tilespmem:s17+$0xE880] =	vst v5;
	v3 =	vld.idx.msk [tilespmem:v3+s3+$0x0], $0xffff  }
0x428: {  	s16 =	sadd.s32 $0x10, s20;
	s24 =	sadd.s32 $0x20, s20;
	s12 =	sadd.s32 $0x30, s20;
	v5 =	vld.idx.msk [tilespmem:v13+s3+$0x0], $0xffff;
	[tilespmem:s17+$0xE890] =	vst v11  }
0x429: {  	s22 =	sor.u32 $0x200, s16;
	s19 =	sor.u32 $0x200, s24;
	s26 =	sor.u32 $0x200, s12;
	[tilespmem:s17+$0xE930] =	vst v9;
	v4 =	vld.idx.msk [tilespmem:v4+s3+$0x0], $0xffff  }
0x42a: {  	s21 =	sor.u32 $0x200, s20;
	s28 =	sor.u32 $0x280, s16;
	s29 =	sor.u32 $0x280, s24;
	v8 =	vld [tilespmem:s26+$0x6780]  }
0x42b: {  	s30 =	sor.u32 $0x280, s20;
	s25 =	sor.u32 $0x300, s16;
	s18 =	sor.u32 $0x300, s24;
	v7 =	vld.idx.msk [tilespmem:v7+s3+$0x0], $0xffff  }
0x42c: {  	s31 =	sor.u32 $0x300, s20;
	s23 =	sor.u32 $0x380, s16;
	s16 =	sor.u32 $0x380, s24;
	v9 =	vld.idx.msk [tilespmem:v10+s3+$0x0], $0xffff;
	[tilespmem:s17+$0xE8A0] =	vst v6  }
0x42d: {  	s20 =	sor.u32 $0x380, s20;
	v6 =	vld.idx.msk [tilespmem:v12+s3+$0x0], $0xffff;
	[tilespmem:s11+$0xE780] =	vst v3;
	s11 =	smov.u32 s30  }
0x42e: {  	[tilespmem:s17+$0xE900] =	vst v5;
	v3 =	vld [tilespmem:s13+$0x6780]  }
0x42f: {  	v5 =	vld [tilespmem:s21+$0x6780];
	[tilespmem:s15+$0xE780] =	vst v4;
	s15 =	smov.u32 s28  }
0x430: {  	v4 =	vld [tilespmem:s10+$0x6780]  }
0x431: {  	[tilespmem:s14+$0xE780] =	vst v7;
	v2 =	vld.idx.msk [tilespmem:v2+s3+$0x0], $0xffff;
	s14 =	smov.u32 s29  }
0x432: {  	[tilespmem:s17+$0xE910] =	vst v9;
	v7 =	vld.idx.msk [tilespmem:v8+s3+$0x0], $0xffff  }
0x433: {  	v8 =	vld [tilespmem:s22+$0x6780];
	[tilespmem:s17+$0xE920] =	vst v6  }
0x434: {  	v6 =	vld [tilespmem:s19+$0x6780]  }
0x435: {  	v9 =	vld [tilespmem:s4+$0x6780]  }
0x436: {  	v3 =	vld.idx.msk [tilespmem:v3+s3+$0x0], $0xffff  }
0x437: {  	v5 =	vld.idx.msk [tilespmem:v5+s3+$0x0], $0xffff;
	[tilespmem:s5+$0xE780] =	vst v2;
	s5 =	smov.u32 s9;
	s9 =	smov.u32 s20  }
0x438: {  	s20 =	sor.u32 $0x280, s12;
	[tilespmem:s26+$0xE780] =	vst v7;
	v2 =	vld.idx.msk [tilespmem:v4+s3+$0x0], $0xffff  }
0x439: {  	v4 =	vld [tilespmem:s20+$0x6780]  }
0x43a: {  	v7 =	vld.idx.msk [tilespmem:v1+s3+$0x0], $0xffff  }
0x43b: {  	v8 =	vld.idx.msk [tilespmem:v8+s3+$0x0], $0xffff  }
0x43c: {  	v10 =	vld.idx.msk [tilespmem:v6+s3+$0x0], $0xffff;
	[tilespmem:s13+$0xE780] =	vst v3;
	s13 =	smov.u32 s31  }
0x43d: {  	[tilespmem:s21+$0xE780] =	vst v5;
	v5 =	vld.idx.msk [tilespmem:v9+s3+$0x0], $0xffff  }
.Ltmp3:
0x43e: {  	v3 =	vld [tilespmem:s11+$0x6780];
	[tilespmem:s10+$0xE780] =	vst v2;
	s10 =	smov.u32 s25;
	(pc) =	sbr.rel @p1 .LBB2_8-.Ltmp3, $4  }
0x43f: {  	v2 =	vld [tilespmem:s5+$0x6780]  }
0x440: {  	v1 =	vld [tilespmem:s8+$0x6780];
	[tilespmem:s6+$0xE780] =	vst v7;
	s6 =	smov.u32 s8;
	s8 =	smov.u32 s23  }
0x441: {  	[tilespmem:s22+$0xE780] =	vst v8;
	v6 =	vld.idx.msk [tilespmem:v4+s3+$0x0], $0xffff  }
0x442: {  	v4 =	vld [tilespmem:s15+$0x6780];
	[tilespmem:s19+$0xE780] =	vst v10  }
0x443: {  	_ = 	snop  }
0x444: {  	v7 =	vld [tilespmem:s14+$0x6780];
	_ =	sdelay $0x5  }
0x445: {  	v3 =	vld.idx.msk [tilespmem:v3+s3+$0x0], $0xffff  }
0x446: {  	v4 =	vld.idx.msk [tilespmem:v4+s3+$0x0], $0xffff  }
0x447: {  	v7 =	vld.idx.msk [tilespmem:v7+s3+$0x0], $0xffff;
	_ =	sdelay $0x1  }
0x448: {  	s1 =	sor.u32 $0x300, s12;
	[tilespmem:s20+$0xE780] =	vst v6  }
0x449: {  	v6 =	vld [tilespmem:s1+$0x6780];
	[tilespmem:s11+$0xE780] =	vst v3  }
0x44a: {  	v3 =	vld [tilespmem:s13+$0x6780];
	[tilespmem:s15+$0xE780] =	vst v4  }
0x44b: {  	v4 =	vld [tilespmem:s10+$0x6780];
	[tilespmem:s14+$0xE780] =	vst v7  }
0x44c: {  	v7 =	vld [tilespmem:s18+$0x6780];
	_ =	sdelay $0x4  }
0x44d: {  	v6 =	vld.idx.msk [tilespmem:v6+s3+$0x0], $0xffff  }
0x44e: {  	v3 =	vld.idx.msk [tilespmem:v3+s3+$0x0], $0xffff  }
0x44f: {  	v4 =	vld.idx.msk [tilespmem:v4+s3+$0x0], $0xffff  }
0x450: {  	v7 =	vld.idx.msk [tilespmem:v7+s3+$0x0], $0xffff  }
0x451: {  	[tilespmem:s4+$0xE780] =	vst v5  }
0x452: {  	s22 =	sor.u32 $0x380, s12;
	v5 =	vld [tilespmem:s7+$0x6780];
	[tilespmem:s1+$0xE780] =	vst v6  }
0x453: {  	v6 =	vld [tilespmem:s22+$0x6780];
	[tilespmem:s13+$0xE780] =	vst v3  }
0x454: {  	v3 =	vld [tilespmem:s9+$0x6780];
	[tilespmem:s10+$0xE780] =	vst v4  }
0x455: {  	v4 =	vld [tilespmem:s8+$0x6780];
	[tilespmem:s18+$0xE780] =	vst v7  }
0x456: {  	v7 =	vld [tilespmem:s16+$0x6780]  }
0x457: {  	v0 =	vld.idx.msk [tilespmem:v0+s3+$0x0], $0xffff  }
0x458: {  	v2 =	vld.idx.msk [tilespmem:v2+s3+$0x0], $0xffff  }
0x459: {  	v1 =	vld.idx.msk [tilespmem:v1+s3+$0x0], $0xffff  }
0x45a: {  	v5 =	vld.idx.msk [tilespmem:v5+s3+$0x0], $0xffff  }
0x45b: {  	v6 =	vld.idx.msk [tilespmem:v6+s3+$0x0], $0xffff  }
0x45c: {  	[tilespmem:s0+$0xE780] =	vst v0;
	v0 =	vld.idx.msk [tilespmem:v3+s3+$0x0], $0xffff  }
0x45d: {  	[tilespmem:s5+$0xE780] =	vst v2;
	v3 =	vld.idx.msk [tilespmem:v4+s3+$0x0], $0xffff  }
0x45e: {  	[tilespmem:s6+$0xE780] =	vst v1;
	v2 =	vld.idx.msk [tilespmem:v7+s3+$0x0], $0xffff  }
0x45f: {  	[tilespmem:s7+$0xE780] =	vst v5  }
0x460: {  	[tilespmem:s22+$0xE780] =	vst v6  }
0x461: {  	[tilespmem:s9+$0xE780] =	vst v0  }
0x462: {  	[tilespmem:s8+$0xE780] =	vst v3  }
0x463: {  	[tilespmem:s16+$0xE780] =	vst v2  }
0x464: {  	s23 =	simm.s32 $0x0;
	s2 =	simm.s32 $0xE780;
	s1 =	rddreg [dreg:$0xc]  }
0x465: {  	[hbm4b:s1+s23] =	stream.linear.scatter [tilespmem:s2], [sflag:$0x4], $0x4000, $0x38;
	[tilespmem:$0x12780] =	vst v63  }
0x466: {  	s25 =	simm.s32 $0x6780;
	s26 =	simm.s32 $0x1;
	s24 =	rddreg [dreg:$0xd]  }
0x467: {  	[tilespmem:s25], [sflag:$0x2] =	stream.linear.gather [hbm4b:s24+s23], $0x4000, $0x38;
	[tilespmem:$0x12780] =	vst v63  }
0x468: {  	_ =	swait.ge [sflag:s26], $0x4000  }
0x469: {  	[sflag:s26] =	ssyncset.done $0x0  }
0x46a: {  	s28 =	simm.s32 $0x3;
	[sflag:s26] =	ssyncadd.s32 $0xFFFFC000  }
0x46b: {  	s29 =	simm.s32 $0x0;
	_ =	swait.ge [sflag:s28], $0x4000  }
0x46c: {  	s0 =	sand.u32 $0x3C00, s23;
	s1 =	sand.u32 $0x40, s29;
	[sflag:s28] =	ssyncset.done $0x0  }
0x46d: {  	s30 =	sor.u32 s1, s0;
	[sflag:s28] =	ssyncadd.s32 $0xFFFFC000  }
0x46e: {  	v0 =	vld [tilespmem:s30+$0x27B0]  }
0x46f: {  	v1 =	vld [tilespmem:s30+$0x2780]  }
0x470: {  	v2 =	vld [tilespmem:s30+$0x2790]  }
0x471: {  	v3 =	vld [tilespmem:s30+$0x2830]  }
0x472: {  	v4 =	vld [tilespmem:s30+$0x27A0]  }
0x473: {  	v5 =	vld [tilespmem:s30+$0x2800]  }
0x474: {  	s17 =	simm.s32 $0x200;
	s16 =	simm.s32 $0x40;
	v6 =	vld [tilespmem:s30+$0x2810]  }
0x475: {  	s19 =	sand.u32 $0x3C00, s17;
	s9 =	sand.u32 $0x40, s16;
	v7 =	vld [tilespmem:s30+$0x28B0]  }
0x476: {  	s9 =	sor.u32 s9, s19;
	v8 =	vld [tilespmem:s30+$0x2880]  }
0x477: {  	v9 =	vld [tilespmem:s9+$0x2810]  }
0x478: {  	v0 =	vld.idx.msk [tilespmem:v0+s3+$0x0], $0xffff  }
0x479: {  	v10 =	vld [tilespmem:s9+$0x2830]  }
0x47a: {  	v11 =	vld [tilespmem:s9+$0x2820]  }
0x47b: {  	v2 =	vld.idx.msk [tilespmem:v2+s3+$0x0], $0xffff  }
0x47c: {  	v44 =	vld [tilespmem:s9+$0x2880]  }
0x47d: {  	v1 =	vld.idx.msk [tilespmem:v1+s3+$0x0], $0xffff;
	[tilespmem:s30+$0xA7B0] =	vst v0  }
0x47e: {  	v0 =	vld.idx.msk [tilespmem:v3+s3+$0x0], $0xffff  }
0x47f: {  	v3 =	vld.idx.msk [tilespmem:v4+s3+$0x0], $0xffff  }
0x480: {  	[tilespmem:s30+$0xA790] =	vst v2;
	v4 =	vld [tilespmem:s30+$0x2820]  }
0x481: {  	v2 =	vld.idx.msk [tilespmem:v6+s3+$0x0], $0xffff  }
0x482: {  	[tilespmem:s30+$0xA780] =	vst v1;
	v6 =	vld [tilespmem:s30+$0x2890]  }
0x483: {  	v1 =	vld.idx.msk [tilespmem:v5+s3+$0x0], $0xffff  }
0x484: {  	v5 =	vld [tilespmem:s30+$0x2930]  }
0x485: {  	v12 =	vld [tilespmem:s9+$0x2890];
	[tilespmem:s30+$0xA830] =	vst v0  }
0x486: {  	v0 =	vld.idx.msk [tilespmem:v7+s3+$0x0], $0xffff  }
0x487: {  	[tilespmem:s30+$0xA7A0] =	vst v3;
	v3 =	vld [tilespmem:s30+$0x28A0]  }
0x488: {  	v7 =	vld [tilespmem:s30+$0x2900]  }
0x489: {  	[tilespmem:s30+$0xA810] =	vst v2;
	v4 =	vld.idx.msk [tilespmem:v4+s3+$0x0], $0xffff  }
0x48a: {  	[tilespmem:s30+$0xA800] =	vst v1;
	v6 =	vld.idx.msk [tilespmem:v6+s3+$0x0], $0xffff  }
0x48b: {  	v1 =	vld.idx.msk [tilespmem:v8+s3+$0x0], $0xffff;
	[tilespmem:s30+$0xA8B0] =	vst v0  }
0x48c: {  	v0 =	vld.idx.msk [tilespmem:v5+s3+$0x0], $0xffff  }
0x48d: {  	v5 =	vld [tilespmem:s30+$0x2910]  }
0x48e: {  	p0 =	por $0x0, $0x0;
	s0 =	simm.s32 $0x1;
	v2 =	vld [tilespmem:s30+$0x2920];
	[tilespmem:s30+$0xA820] =	vst v4  }
0x48f: {  	s0 =	simm.s32 @!p0 $0x0;
	[tilespmem:s30+$0xA890] =	vst v6;
	v6 =	vld [tilespmem:s9+$0x2790]  }
0x490: {  	s0 =	sshll.u32 s0, $0x6;
	[tilespmem:s30+$0xA880] =	vst v1;
	v3 =	vld.idx.msk [tilespmem:v3+s3+$0x0], $0xffff  }
0x491: {  	s0 =	sadd.s32 $0x0, s0;
	v1 =	vld.idx.msk [tilespmem:v7+s3+$0x0], $0xffff  }
0x492: {  	s31 =	sadd.s32 $0x30, s0;
	v7 =	vld [tilespmem:s9+$0x27A0]  }
0x493: {  	s1 =	sor.u32 $0x200, s31;
	v8 =	vld [tilespmem:s9+$0x2800];
	[tilespmem:s30+$0xA930] =	vst v0  }
0x494: {  	v0 =	vld [tilespmem:s1+$0x2780]  }
0x495: {  	[tilespmem:s30+$0xA8A0] =	vst v3;
	v4 =	vld.idx.msk [tilespmem:v5+s3+$0x0], $0xffff  }
0x496: {  	s22 =	sor.u32 $0x200, s0;
	[tilespmem:s30+$0xA900] =	vst v1;
	v2 =	vld.idx.msk [tilespmem:v2+s3+$0x0], $0xffff  }
0x497: {  	v1 =	vld [tilespmem:s22+$0x2780]  }
0x498: {  	v5 =	vld [tilespmem:s9+$0x2780]  }
0x499: {  	v6 =	vld.idx.msk [tilespmem:v6+s3+$0x0], $0xffff  }
0x49a: {  	v7 =	vld.idx.msk [tilespmem:v7+s3+$0x0], $0xffff  }
0x49b: {  	s4 =	sadd.s32 $0x10, s0;
	[tilespmem:s30+$0xA910] =	vst v4;
	v4 =	vld [tilespmem:s9+$0x27B0]  }
0x49c: {  	s23 =	sadd.s32 $0x20, s0;
	s11 =	sor.u32 $0x200, s4;
	v0 =	vld.idx.msk [tilespmem:v0+s3+$0x0], $0xffff  }
0x49d: {  	s12 =	sor.u32 $0x200, s23;
	[tilespmem:s30+$0xA920] =	vst v2;
	v3 =	vld [tilespmem:s11+$0x2780]  }
0x49e: {  	v2 =	vld [tilespmem:s12+$0x2780]  }
0x49f: {  	[tilespmem:s9+$0xA790] =	vst v6;
	v6 =	vld [tilespmem:s9+$0x2930]  }
0x4a0: {  	v9 =	vld.idx.msk [tilespmem:v9+s3+$0x0], $0xffff  }
0x4a1: {  	[tilespmem:s9+$0xA7A0] =	vst v7;
	v1 =	vld.idx.msk [tilespmem:v1+s3+$0x0], $0xffff  }
0x4a2: {  	v7 =	vld.idx.msk [tilespmem:v11+s3+$0x0], $0xffff  }
0x4a3: {  	s13 =	sor.u32 $0x280, s31;
	v5 =	vld.idx.msk [tilespmem:v5+s3+$0x0], $0xffff;
	[tilespmem:s1+$0xA780] =	vst v0  }
0x4a4: {  	v0 =	vld [tilespmem:s13+$0x2780]  }
0x4a5: {  	[tilespmem:s9+$0xA810] =	vst v9;
	v4 =	vld.idx.msk [tilespmem:v4+s3+$0x0], $0xffff  }
0x4a6: {  	v46 =	vld.idx.msk [tilespmem:v12+s3+$0x0], $0xffff  }
0x4a7: {  	[tilespmem:s9+$0xA820] =	vst v7;
	v7 =	vld [tilespmem:s9+$0x2920]  }
0x4a8: {  	[tilespmem:s9+$0xA780] =	vst v5;
	v3 =	vld.idx.msk [tilespmem:v3+s3+$0x0], $0xffff  }
0x4a9: {  	v8 =	vld.idx.msk [tilespmem:v8+s3+$0x0], $0xffff  }
0x4aa: {  	[tilespmem:s22+$0xA780] =	vst v1;
	v2 =	vld.idx.msk [tilespmem:v2+s3+$0x0], $0xffff  }
0x4ab: {  	s14 =	sor.u32 $0x280, s0;
	[tilespmem:s9+$0xA7B0] =	vst v4;
	v4 =	vld [tilespmem:s9+$0x28B0]  }
0x4ac: {  	v1 =	vld [tilespmem:s14+$0x2780]  }
0x4ad: {  	[tilespmem:s11+$0xA780] =	vst v3;
	v5 =	vld.idx.msk [tilespmem:v10+s3+$0x0], $0xffff  }
0x4ae: {  	s15 =	sor.u32 $0x280, s4;
	[tilespmem:s9+$0xA800] =	vst v8;
	v8 =	vld [tilespmem:s9+$0x2900]  }
0x4af: {  	v3 =	vld [tilespmem:s15+$0x2780]  }
0x4b0: {  	v0 =	vld.idx.msk [tilespmem:v0+s3+$0x0], $0xffff  }
0x4b1: {  	v45 =	vld.idx.msk [tilespmem:v44+s3+$0x0], $0xffff  }
0x4b2: {  	[tilespmem:s9+$0xA830] =	vst v5;
	v5 =	vld [tilespmem:s9+$0x28A0]  }
0x4b3: {  	s18 =	sor.u32 $0x280, s23;
	[tilespmem:s12+$0xA780] =	vst v2;
	v4 =	vld.idx.msk [tilespmem:v4+s3+$0x0], $0xffff  }
0x4b4: {  	v2 =	vld [tilespmem:s18+$0x2780]  }
0x4b5: {  	s20 =	sor.u32 $0x300, s31;
	v1 =	vld.idx.msk [tilespmem:v1+s3+$0x0], $0xffff;
	[tilespmem:s13+$0xA780] =	vst v0  }
0x4b6: {  	v0 =	vld [tilespmem:s20+$0x2780]  }
0x4b7: {  	[tilespmem:s9+$0xA880] =	vst v45;
	v3 =	vld.idx.msk [tilespmem:v3+s3+$0x0], $0xffff  }
0x4b8: {  	v8 =	vld.idx.msk [tilespmem:v8+s3+$0x0], $0xffff;
	[tilespmem:s9+$0xA8B0] =	vst v4  }
0x4b9: {  	v4 =	vld.idx.msk [tilespmem:v6+s3+$0x0], $0xffff  }
0x4ba: {  	s6 =	simm.s32 $0x1;
	p0 =	por !p0, !p0;
	v6 =	vld [tilespmem:s9+$0x2910]  }
0x4bb: {  	s6 =	simm.s32 @!p0 $0x0;
	v5 =	vld.idx.msk [tilespmem:v5+s3+$0x0], $0xffff  }
0x4bc: {  	s6 =	sshll.u32 s6, $0x6;
	s28 =	sor.u32 $0x300, s4;
	v2 =	vld.idx.msk [tilespmem:v2+s3+$0x0], $0xffff;
	[tilespmem:s15+$0xA780] =	vst v3  }
0x4bd: {  	s6 =	sadd.s32 $0x200, s6;
	v3 =	vld [tilespmem:s28+$0x2780]  }
0x4be: {  	s25 =	sor.u32 $0x300, s0;
	s21 =	sadd.s32 $0x30, s6;
	[tilespmem:s14+$0xA780] =	vst v1;
	v0 =	vld.idx.msk [tilespmem:v0+s3+$0x0], $0xffff  }
0x4bf: {  	s24 =	sor.u32 $0x200, s21;
	v1 =	vld [tilespmem:s25+$0x2780];
	[tilespmem:s9+$0xA930] =	vst v4  }
0x4c0: {  	[tilespmem:s9+$0xA8A0] =	vst v5;
	v4 =	vld [tilespmem:s24+$0x2780]  }
0x4c1: {  	s26 =	sor.u32 $0x200, s6;
	[tilespmem:s9+$0xA900] =	vst v8;
	v5 =	vld.idx.msk [tilespmem:v7+s3+$0x0], $0xffff  }
0x4c2: {  	[tilespmem:s9+$0xA890] =	vst v46;
	v7 =	vld [tilespmem:s26+$0x2780]  }
0x4c3: {  	s5 =	sor.u32 $0x380, s31;
	[tilespmem:s20+$0xA780] =	vst v0;
	v6 =	vld.idx.msk [tilespmem:v6+s3+$0x0], $0xffff  }
0x4c4: {  	v0 =	vld [tilespmem:s5+$0x2780]  }
0x4c5: {  	s7 =	sadd.s32 $0x20, s6;
	s30 =	sor.u32 $0x300, s23;
	[tilespmem:s18+$0xA780] =	vst v2;
	v3 =	vld.idx.msk [tilespmem:v3+s3+$0x0], $0xffff  }
0x4c6: {  	s2 =	simm.s32 $0x80;
	s10 =	sor.u32 $0x380, s0;
	s17 =	sor.u32 $0x200, s7;
	[tilespmem:s9+$0xA920] =	vst v5;
	v5 =	vld [tilespmem:s30+$0x2780]  }
0x4c7: {  	s8 =	sadd.s32 $0x10, s6;
	s0 =	sor.u32 $0x380, s23;
	s1 =	simm.s32 $0x400;
	v2 =	vld [tilespmem:s17+$0x2780]  }
0x4c8: {  	s29 =	sor.u32 $0x200, s8;
	s23 =	sand.u32 $0x3C00, s1;
	s22 =	sand.u32 $0x40, s2;
	[tilespmem:s9+$0xA910] =	vst v6;
	v4 =	vld.idx.msk [tilespmem:v4+s3+$0x0], $0xffff  }
0x4c9: {  	s9 =	sor.u32 $0x380, s4;
	s4 =	sor.u32 s22, s23;
	v6 =	vld [tilespmem:s29+$0x2780]  }
0x4ca: {  	v47 =	vld [tilespmem:s4+$0x2780]  }
0x4cb: {  	v48 =	vld [tilespmem:s4+$0x2790]  }
0x4cc: {  	v49 =	vld [tilespmem:s4+$0x27A0]  }
0x4cd: {  	v50 =	vld [tilespmem:s4+$0x2800]  }
0x4ce: {  	v13 =	vld [tilespmem:s4+$0x2810]  }
0x4cf: {  	v14 =	vld [tilespmem:s4+$0x2830]  }
0x4d0: {  	v15 =	vld [tilespmem:s4+$0x2820]  }
0x4d1: {  	v8 =	vld.idx.msk [tilespmem:v0+s3+$0x0], $0xffff  }
0x4d2: {  	v0 =	vld.idx.msk [tilespmem:v1+s3+$0x0], $0xffff  }
0x4d3: {  	v1 =	vld.idx.msk [tilespmem:v7+s3+$0x0], $0xffff  }
0x4d4: {  	v52 =	vld [tilespmem:s4+$0x2880]  }
0x4d5: {  	v53 =	vld [tilespmem:s4+$0x2890]  }
0x4d6: {  	v54 =	vld [tilespmem:s4+$0x2930]  }
0x4d7: {  	v55 =	vld [tilespmem:s4+$0x28A0]  }
0x4d8: {  	[tilespmem:s26+$0xA780] =	vst v1;
	v1 =	vld.idx.msk [tilespmem:v5+s3+$0x0], $0xffff  }
0x4d9: {  	v56 =	vld [tilespmem:s4+$0x2900]  }
0x4da: {  	v59 =	vld [tilespmem:s4+$0x2910]  }
0x4db: {  	v60 =	vld [tilespmem:s4+$0x2920];
	[tilespmem:s28+$0xA780] =	vst v3  }
0x4dc: {  	v7 =	vld [tilespmem:s9+$0x2780];
	[tilespmem:s24+$0xA780] =	vst v4  }
0x4dd: {  	s19 =	sor.u32 $0x280, s21;
	[tilespmem:s30+$0xA780] =	vst v1;
	v1 =	vld [tilespmem:s4+$0x27B0]  }
0x4de: {  	v4 =	vld [tilespmem:s19+$0x2780]  }
0x4df: {  	v2 =	vld.idx.msk [tilespmem:v2+s3+$0x0], $0xffff  }
0x4e0: {  	s31 =	sor.u32 $0x280, s6;
	v6 =	vld.idx.msk [tilespmem:v6+s3+$0x0], $0xffff  }
0x4e1: {  	[tilespmem:s25+$0xA780] =	vst v0;
	v5 =	vld [tilespmem:s31+$0x2780]  }
0x4e2: {  	v3 =	vld [tilespmem:s10+$0x2780]  }
0x4e3: {  	v9 =	vld.idx.msk [tilespmem:v47+s3+$0x0], $0xffff  }
0x4e4: {  	v10 =	vld.idx.msk [tilespmem:v48+s3+$0x0], $0xffff  }
0x4e5: {  	v1 =	vld.idx.msk [tilespmem:v1+s3+$0x0], $0xffff  }
0x4e6: {  	v11 =	vld.idx.msk [tilespmem:v49+s3+$0x0], $0xffff  }
0x4e7: {  	v7 =	vld.idx.msk [tilespmem:v7+s3+$0x0], $0xffff  }
0x4e8: {  	s20 =	sor.u32 $0x280, s7;
	[tilespmem:s17+$0xA780] =	vst v2;
	v4 =	vld.idx.msk [tilespmem:v4+s3+$0x0], $0xffff  }
0x4e9: {  	v2 =	vld [tilespmem:s20+$0x2780];
	[tilespmem:s4+$0xA780] =	vst v9  }
0x4ea: {  	[tilespmem:s4+$0xA7B0] =	vst v1;
	v1 =	vld [tilespmem:s4+$0x28B0]  }
0x4eb: {  	v12 =	vld.idx.msk [tilespmem:v50+s3+$0x0], $0xffff  }
0x4ec: {  	[tilespmem:s4+$0xA790] =	vst v10;
	v51 =	vld.idx.msk [tilespmem:v14+s3+$0x0], $0xffff  }
0x4ed: {  	s24 =	sor.u32 $0x300, s21;
	v10 =	vld.idx.msk [tilespmem:v13+s3+$0x0], $0xffff;
	[tilespmem:s19+$0xA780] =	vst v4  }
0x4ee: {  	[tilespmem:s4+$0xA7A0] =	vst v11;
	v4 =	vld [tilespmem:s24+$0x2780]  }
0x4ef: {  	s11 =	sor.u32 $0x280, s8;
	[tilespmem:s29+$0xA780] =	vst v6;
	v11 =	vld.idx.msk [tilespmem:v15+s3+$0x0], $0xffff  }
0x4f0: {  	v6 =	vld [tilespmem:s11+$0x2780]  }
0x4f1: {  	v5 =	vld.idx.msk [tilespmem:v5+s3+$0x0], $0xffff;
	[tilespmem:s4+$0xA830] =	vst v51  }
0x4f2: {  	[tilespmem:s4+$0xA800] =	vst v12;
	v1 =	vld.idx.msk [tilespmem:v1+s3+$0x0], $0xffff  }
0x4f3: {  	[tilespmem:s4+$0xA810] =	vst v10;
	v57 =	vld.idx.msk [tilespmem:v52+s3+$0x0], $0xffff  }
0x4f4: {  	[tilespmem:s4+$0xA820] =	vst v11;
	v58 =	vld.idx.msk [tilespmem:v53+s3+$0x0], $0xffff  }
0x4f5: {  	v61 =	vld.idx.msk [tilespmem:v55+s3+$0x0], $0xffff  }
0x4f6: {  	v4 =	vld.idx.msk [tilespmem:v4+s3+$0x0], $0xffff  }
0x4f7: {  	v2 =	vld.idx.msk [tilespmem:v2+s3+$0x0], $0xffff;
	[tilespmem:s4+$0xA8B0] =	vst v1  }
0x4f8: {  	p0 =	por !p0, !p0;
	s12 =	simm.s32 $0x1;
	[tilespmem:s4+$0xA880] =	vst v57;
	v1 =	vld.idx.msk [tilespmem:v54+s3+$0x0], $0xffff  }
0x4f9: {  	s12 =	simm.s32 @!p0 $0x0;
	[tilespmem:s4+$0xA890] =	vst v58;
	v10 =	vld.idx.msk [tilespmem:v56+s3+$0x0], $0xffff  }
0x4fa: {  	s12 =	sshll.u32 s12, $0x6;
	[tilespmem:s4+$0xA8A0] =	vst v61;
	v9 =	vld.idx.msk [tilespmem:v59+s3+$0x0], $0xffff  }
0x4fb: {  	s25 =	sor.u32 $0x380, s21;
	s26 =	sadd.s32 $0x400, s12;
	v11 =	vld.idx.msk [tilespmem:v60+s3+$0x0], $0xffff;
	[tilespmem:s24+$0xA780] =	vst v4  }
0x4fc: {  	s12 =	sadd.s32 $0x30, s26;
	v4 =	vld [tilespmem:s25+$0x2780]  }
0x4fd: {  	s28 =	sor.u32 $0x200, s12;
	[tilespmem:s4+$0xA930] =	vst v1;
	v1 =	vld.idx.msk [tilespmem:v6+s3+$0x0], $0xffff  }
0x4fe: {  	v6 =	vld [tilespmem:s28+$0x2780]  }
0x4ff: {  	v0 =	vld [tilespmem:s0+$0x2780];
	s29 =	sor.u32 $0x300, s6;
	[tilespmem:s31+$0xA780] =	vst v5  }
0x500: {  	s21 =	sadd.s32 $0x10, s26;
	s30 =	sor.u32 $0x200, s26;
	v5 =	vld [tilespmem:s29+$0x2780];
	[tilespmem:s4+$0xA900] =	vst v10  }
0x501: {  	s22 =	sadd.s32 $0x20, s26;
	s23 =	sor.u32 $0x200, s21;
	[tilespmem:s4+$0xA910] =	vst v9;
	v10 =	vld [tilespmem:s30+$0x2780]  }
0x502: {  	[tilespmem:s4+$0xA920] =	vst v11;
	v9 =	vld [tilespmem:s23+$0x2780];
	s24 =	sor.u32 $0x200, s22  }
0x503: {  	[tilespmem:s20+$0xA780] =	vst v2;
	v2 =	vld [tilespmem:s24+$0x2780]  }
0x504: {  	s31 =	sor.u32 $0x300, s8;
	v4 =	vld.idx.msk [tilespmem:v4+s3+$0x0], $0xffff;
	[tilespmem:s11+$0xA780] =	vst v1  }
0x505: {  	v1 =	vld [tilespmem:s31+$0x2780]  }
0x506: {  	v6 =	vld.idx.msk [tilespmem:v6+s3+$0x0], $0xffff  }
0x507: {  	v3 =	vld.idx.msk [tilespmem:v3+s3+$0x0], $0xffff;
	s4 =	sor.u32 $0x300, s7  }
0x508: {  	v62 =	vld [tilespmem:s4+$0x2780]  }
0x509: {  	v63 =	vld.idx.msk [tilespmem:v5+s3+$0x0], $0xffff  }
0x50a: {  	v5 =	vld.idx.msk [tilespmem:v10+s3+$0x0], $0xffff;
	[tilespmem:s25+$0xA780] =	vst v4  }
0x50b: {  	s20 =	sor.u32 $0x280, s12;
	v4 =	vld.idx.msk [tilespmem:v9+s3+$0x0], $0xffff;
	[tilespmem:s28+$0xA780] =	vst v6  }
0x50c: {  	v6 =	vld [tilespmem:s20+$0x2780]  }
0x50d: {  	[tilespmem:s5+$0xA780] =	vst v8;
	v1 =	vld.idx.msk [tilespmem:v1+s3+$0x0], $0xffff  }
0x50e: {  	s5 =	sor.u32 $0x380, s6;
	[tilespmem:s29+$0xA780] =	vst v63;
	v8 =	vld.idx.msk [tilespmem:v2+s3+$0x0], $0xffff  }
0x50f: {  	[tilespmem:s10+$0xA780] =	vst v3;
	v2 =	vld [tilespmem:s5+$0x2780]  }
0x510: {  	[tilespmem:s30+$0xA780] =	vst v5;
	s11 =	sor.u32 $0x280, s26;
	v5 =	vld.idx.msk [tilespmem:v62+s3+$0x0], $0xffff  }
0x511: {  	s15 =	sor.u32 $0x280, s21;
	v3 =	vld [tilespmem:s11+$0x2780];
	[tilespmem:s23+$0xA780] =	vst v4  }
0x512: {  	s13 =	sor.u32 $0x300, s26;
	s14 =	sor.u32 $0x280, s22;
	s6 =	sor.u32 $0x380, s8;
	v4 =	vld [tilespmem:s15+$0x2780];
	[tilespmem:s31+$0xA780] =	vst v1  }
0x513: {  	s18 =	sor.u32 $0x300, s22;
	s16 =	sor.u32 $0x380, s22;
	[tilespmem:s9+$0xA780] =	vst v7;
	s9 =	sor.u32 $0x380, s26;
	v1 =	vld [tilespmem:s6+$0x2780]  }
0x514: {  	s10 =	sor.u32 $0x300, s21;
	s8 =	sor.u32 $0x380, s21;
	s7 =	sor.u32 $0x380, s7;
	[tilespmem:s24+$0xA780] =	vst v8;
	v6 =	vld.idx.msk [tilespmem:v6+s3+$0x0], $0xffff  }
.LBB2_10:
0x515: {  	s2 =	sadd.s32 $0x40, s2;
	v7 =	vld [tilespmem:s14+$0x2780];
	s1 =	sadd.s32 $0x200, s1;
	[tilespmem:s4+$0xA780] =	vst v5;
	s4 =	smov.u32 s18  }
0x516: {  	s17 =	sand.u32 $0x40, s2;
	s18 =	sand.u32 $0x3C00, s1;
	p1 =	slt.u32 s2, $0x7C0;
	v5 =	vld [tilespmem:s7+$0x2780]  }
0x517: {  	s17 =	sor.u32 s17, s18;
	v8 =	vld.idx.msk [tilespmem:v0+s3+$0x0], $0xffff  }
0x518: {  	v9 =	vld [tilespmem:s17+$0x27B0]  }
0x519: {  	s18 =	sor.u32 $0x300, s12;
	v10 =	vld [tilespmem:s17+$0x2780];
	[tilespmem:s20+$0xA780] =	vst v6  }
0x51a: {  	v6 =	vld [tilespmem:s18+$0x2780]  }
0x51b: {  	v11 =	vld [tilespmem:s17+$0x2790];
	v0 =	vmov v5  }
0x51c: {  	v5 =	vld [tilespmem:s17+$0x27A0]  }
0x51d: {  	v12 =	vld [tilespmem:s17+$0x2800];
	[tilespmem:s0+$0xA780] =	vst v8;
	s0 =	smov.u32 s7;
	s7 =	smov.u32 s16  }
0x51e: {  	v8 =	vld [tilespmem:s17+$0x2810]  }
0x51f: {  	v13 =	vld [tilespmem:s17+$0x2830]  }
0x520: {  	v9 =	vld.idx.msk [tilespmem:v9+s3+$0x0], $0xffff  }
0x521: {  	v10 =	vld.idx.msk [tilespmem:v10+s3+$0x0], $0xffff  }
0x522: {  	v6 =	vld.idx.msk [tilespmem:v6+s3+$0x0], $0xffff  }
0x523: {  	v11 =	vld.idx.msk [tilespmem:v11+s3+$0x0], $0xffff  }
0x524: {  	v5 =	vld.idx.msk [tilespmem:v5+s3+$0x0], $0xffff  }
0x525: {  	v14 =	vld [tilespmem:s17+$0x2820]  }
0x526: {  	[tilespmem:s17+$0xA7B0] =	vst v9;
	v9 =	vld [tilespmem:s17+$0x28B0]  }
0x527: {  	[tilespmem:s17+$0xA780] =	vst v10;
	v10 =	vld.idx.msk [tilespmem:v13+s3+$0x0], $0xffff  }
0x528: {  	s12 =	sor.u32 $0x380, s12;
	v12 =	vld.idx.msk [tilespmem:v12+s3+$0x0], $0xffff;
	[tilespmem:s18+$0xA780] =	vst v6  }
0x529: {  	[tilespmem:s17+$0xA790] =	vst v11;
	v6 =	vld [tilespmem:s12+$0x2780]  }
0x52a: {  	v8 =	vld.idx.msk [tilespmem:v8+s3+$0x0], $0xffff;
	[tilespmem:s17+$0xA7A0] =	vst v5  }
0x52b: {  	v5 =	vld [tilespmem:s17+$0x2880]  }
0x52c: {  	v11 =	vld [tilespmem:s17+$0x2890]  }
0x52d: {  	[tilespmem:s17+$0xA830] =	vst v10;
	v10 =	vld [tilespmem:s17+$0x2930]  }
0x52e: {  	[tilespmem:s17+$0xA800] =	vst v12;
	v9 =	vld.idx.msk [tilespmem:v9+s3+$0x0], $0xffff  }
0x52f: {  	v12 =	vld.idx.msk [tilespmem:v14+s3+$0x0], $0xffff  }
0x530: {  	[tilespmem:s17+$0xA810] =	vst v8;
	v8 =	vld [tilespmem:s17+$0x28A0]  }
0x531: {  	v6 =	vld.idx.msk [tilespmem:v6+s3+$0x0], $0xffff  }
0x532: {  	v13 =	vld [tilespmem:s17+$0x2900]  }
0x533: {  	v5 =	vld.idx.msk [tilespmem:v5+s3+$0x0], $0xffff  }
0x534: {  	v11 =	vld.idx.msk [tilespmem:v11+s3+$0x0], $0xffff;
	[tilespmem:s17+$0xA8B0] =	vst v9  }
0x535: {  	[tilespmem:s17+$0xA820] =	vst v12;
	v9 =	vld.idx.msk [tilespmem:v10+s3+$0x0], $0xffff  }
0x536: {  	p0 =	por !p0, !p0;
	s16 =	simm.s32 $0x1;
	v10 =	vld [tilespmem:s17+$0x2910]  }
0x537: {  	s16 =	simm.s32 @!p0 $0x0;
	v12 =	vld [tilespmem:s17+$0x2920];
	[tilespmem:s12+$0xA780] =	vst v6  }
0x538: {  	s12 =	sshll.u32 s16, $0x6;
	v6 =	vld.idx.msk [tilespmem:v8+s3+$0x0], $0xffff  }
0x539: {  	s20 =	sadd.s32 s12, s1;
	[tilespmem:s17+$0xA880] =	vst v5;
	v3 =	vld.idx.msk [tilespmem:v3+s3+$0x0], $0xffff  }
0x53a: {  	s16 =	sadd.s32 $0x10, s20;
	s24 =	sadd.s32 $0x20, s20;
	s12 =	sadd.s32 $0x30, s20;
	v5 =	vld.idx.msk [tilespmem:v13+s3+$0x0], $0xffff;
	[tilespmem:s17+$0xA890] =	vst v11  }
0x53b: {  	s22 =	sor.u32 $0x200, s16;
	s19 =	sor.u32 $0x200, s24;
	s26 =	sor.u32 $0x200, s12;
	[tilespmem:s17+$0xA930] =	vst v9;
	v4 =	vld.idx.msk [tilespmem:v4+s3+$0x0], $0xffff  }
0x53c: {  	s21 =	sor.u32 $0x200, s20;
	s28 =	sor.u32 $0x280, s16;
	s29 =	sor.u32 $0x280, s24;
	v8 =	vld [tilespmem:s26+$0x2780]  }
0x53d: {  	s30 =	sor.u32 $0x280, s20;
	s25 =	sor.u32 $0x300, s16;
	s18 =	sor.u32 $0x300, s24;
	v7 =	vld.idx.msk [tilespmem:v7+s3+$0x0], $0xffff  }
0x53e: {  	s31 =	sor.u32 $0x300, s20;
	s23 =	sor.u32 $0x380, s16;
	s16 =	sor.u32 $0x380, s24;
	v9 =	vld.idx.msk [tilespmem:v10+s3+$0x0], $0xffff;
	[tilespmem:s17+$0xA8A0] =	vst v6  }
0x53f: {  	s20 =	sor.u32 $0x380, s20;
	v6 =	vld.idx.msk [tilespmem:v12+s3+$0x0], $0xffff;
	[tilespmem:s11+$0xA780] =	vst v3;
	s11 =	smov.u32 s30  }
0x540: {  	[tilespmem:s17+$0xA900] =	vst v5;
	v3 =	vld [tilespmem:s13+$0x2780]  }
0x541: {  	v5 =	vld [tilespmem:s21+$0x2780];
	[tilespmem:s15+$0xA780] =	vst v4;
	s15 =	smov.u32 s28  }
0x542: {  	v4 =	vld [tilespmem:s10+$0x2780]  }
0x543: {  	[tilespmem:s14+$0xA780] =	vst v7;
	v2 =	vld.idx.msk [tilespmem:v2+s3+$0x0], $0xffff;
	s14 =	smov.u32 s29  }
0x544: {  	[tilespmem:s17+$0xA910] =	vst v9;
	v7 =	vld.idx.msk [tilespmem:v8+s3+$0x0], $0xffff  }
0x545: {  	v8 =	vld [tilespmem:s22+$0x2780];
	[tilespmem:s17+$0xA920] =	vst v6  }
0x546: {  	v6 =	vld [tilespmem:s19+$0x2780]  }
0x547: {  	v9 =	vld [tilespmem:s4+$0x2780]  }
0x548: {  	v3 =	vld.idx.msk [tilespmem:v3+s3+$0x0], $0xffff  }
0x549: {  	v5 =	vld.idx.msk [tilespmem:v5+s3+$0x0], $0xffff;
	[tilespmem:s5+$0xA780] =	vst v2;
	s5 =	smov.u32 s9;
	s9 =	smov.u32 s20  }
0x54a: {  	s20 =	sor.u32 $0x280, s12;
	[tilespmem:s26+$0xA780] =	vst v7;
	v2 =	vld.idx.msk [tilespmem:v4+s3+$0x0], $0xffff  }
0x54b: {  	v4 =	vld [tilespmem:s20+$0x2780]  }
0x54c: {  	v7 =	vld.idx.msk [tilespmem:v1+s3+$0x0], $0xffff  }
0x54d: {  	v8 =	vld.idx.msk [tilespmem:v8+s3+$0x0], $0xffff  }
0x54e: {  	v10 =	vld.idx.msk [tilespmem:v6+s3+$0x0], $0xffff;
	[tilespmem:s13+$0xA780] =	vst v3;
	s13 =	smov.u32 s31  }
0x54f: {  	[tilespmem:s21+$0xA780] =	vst v5;
	v5 =	vld.idx.msk [tilespmem:v9+s3+$0x0], $0xffff  }
.Ltmp4:
0x550: {  	v3 =	vld [tilespmem:s11+$0x2780];
	[tilespmem:s10+$0xA780] =	vst v2;
	s10 =	smov.u32 s25;
	(pc) =	sbr.rel @p1 .LBB2_10-.Ltmp4, $4  }
0x551: {  	v2 =	vld [tilespmem:s5+$0x2780]  }
0x552: {  	v1 =	vld [tilespmem:s8+$0x2780];
	[tilespmem:s6+$0xA780] =	vst v7;
	s6 =	smov.u32 s8;
	s8 =	smov.u32 s23  }
0x553: {  	[tilespmem:s22+$0xA780] =	vst v8;
	v6 =	vld.idx.msk [tilespmem:v4+s3+$0x0], $0xffff  }
0x554: {  	v4 =	vld [tilespmem:s15+$0x2780];
	[tilespmem:s19+$0xA780] =	vst v10  }
0x555: {  	_ = 	snop  }
0x556: {  	v7 =	vld [tilespmem:s14+$0x2780];
	_ =	sdelay $0x5  }
0x557: {  	v3 =	vld.idx.msk [tilespmem:v3+s3+$0x0], $0xffff  }
0x558: {  	v4 =	vld.idx.msk [tilespmem:v4+s3+$0x0], $0xffff  }
0x559: {  	v7 =	vld.idx.msk [tilespmem:v7+s3+$0x0], $0xffff;
	_ =	sdelay $0x1  }
0x55a: {  	s1 =	sor.u32 $0x300, s12;
	[tilespmem:s20+$0xA780] =	vst v6  }
0x55b: {  	v6 =	vld [tilespmem:s1+$0x2780];
	[tilespmem:s11+$0xA780] =	vst v3  }
0x55c: {  	v3 =	vld [tilespmem:s13+$0x2780];
	[tilespmem:s15+$0xA780] =	vst v4  }
0x55d: {  	v4 =	vld [tilespmem:s10+$0x2780];
	[tilespmem:s14+$0xA780] =	vst v7  }
0x55e: {  	v7 =	vld [tilespmem:s18+$0x2780];
	_ =	sdelay $0x4  }
0x55f: {  	v6 =	vld.idx.msk [tilespmem:v6+s3+$0x0], $0xffff  }
0x560: {  	v3 =	vld.idx.msk [tilespmem:v3+s3+$0x0], $0xffff  }
0x561: {  	v4 =	vld.idx.msk [tilespmem:v4+s3+$0x0], $0xffff  }
0x562: {  	v7 =	vld.idx.msk [tilespmem:v7+s3+$0x0], $0xffff  }
0x563: {  	[tilespmem:s4+$0xA780] =	vst v5  }
0x564: {  	s22 =	sor.u32 $0x380, s12;
	v5 =	vld [tilespmem:s7+$0x2780];
	[tilespmem:s1+$0xA780] =	vst v6  }
0x565: {  	v6 =	vld [tilespmem:s22+$0x2780];
	[tilespmem:s13+$0xA780] =	vst v3  }
0x566: {  	v3 =	vld [tilespmem:s9+$0x2780];
	[tilespmem:s10+$0xA780] =	vst v4  }
0x567: {  	v4 =	vld [tilespmem:s8+$0x2780];
	[tilespmem:s18+$0xA780] =	vst v7  }
0x568: {  	v7 =	vld [tilespmem:s16+$0x2780]  }
0x569: {  	v0 =	vld.idx.msk [tilespmem:v0+s3+$0x0], $0xffff  }
0x56a: {  	v2 =	vld.idx.msk [tilespmem:v2+s3+$0x0], $0xffff  }
0x56b: {  	v1 =	vld.idx.msk [tilespmem:v1+s3+$0x0], $0xffff  }
0x56c: {  	v5 =	vld.idx.msk [tilespmem:v5+s3+$0x0], $0xffff  }
0x56d: {  	v6 =	vld.idx.msk [tilespmem:v6+s3+$0x0], $0xffff  }
0x56e: {  	[tilespmem:s0+$0xA780] =	vst v0;
	v0 =	vld.idx.msk [tilespmem:v3+s3+$0x0], $0xffff  }
0x56f: {  	[tilespmem:s5+$0xA780] =	vst v2;
	v3 =	vld.idx.msk [tilespmem:v4+s3+$0x0], $0xffff  }
0x570: {  	[tilespmem:s6+$0xA780] =	vst v1;
	v2 =	vld.idx.msk [tilespmem:v7+s3+$0x0], $0xffff  }
0x571: {  	[tilespmem:s7+$0xA780] =	vst v5  }
0x572: {  	[tilespmem:s22+$0xA780] =	vst v6  }
0x573: {  	[tilespmem:s9+$0xA780] =	vst v0  }
0x574: {  	[tilespmem:s8+$0xA780] =	vst v3  }
0x575: {  	[tilespmem:s16+$0xA780] =	vst v2  }
0x576: {  	s23 =	simm.s32 $0x0;
	s2 =	simm.s32 $0xA780;
	s1 =	rddreg [dreg:$0xe]  }
0x577: {  	[hbm4b:s1+s23] =	stream.linear.scatter [tilespmem:s2], [sflag:$0x3], $0x4000, $0x38;
	[tilespmem:$0x12780] =	vst v63  }
0x578: {  	s25 =	simm.s32 $0x2780;
	s26 =	simm.s32 $0x2;
	s24 =	rddreg [dreg:$0xf]  }
0x579: {  	[tilespmem:s25], [sflag:$0x1] =	stream.linear.gather [hbm4b:s24+s23], $0x4000, $0x38;
	[tilespmem:$0x12780] =	vst v63  }
0x57a: {  	_ =	swait.ge [sflag:s26], $0x4000  }
0x57b: {  	[sflag:s26] =	ssyncset.done $0x0  }
0x57c: {  	s28 =	simm.s32 $0x4;
	[sflag:s26] =	ssyncadd.s32 $0xFFFFC000  }
0x57d: {  	s29 =	simm.s32 $0x0;
	_ =	swait.ge [sflag:s28], $0x4000  }
0x57e: {  	s0 =	sand.u32 $0x3C00, s23;
	s1 =	sand.u32 $0x40, s29;
	[sflag:s28] =	ssyncset.done $0x0  }
0x57f: {  	s30 =	sor.u32 s1, s0;
	[sflag:s28] =	ssyncadd.s32 $0xFFFFC000  }
0x580: {  	v0 =	vld [tilespmem:s30+$0x67B0]  }
0x581: {  	v1 =	vld [tilespmem:s30+$0x6780]  }
0x582: {  	v2 =	vld [tilespmem:s30+$0x6790]  }
0x583: {  	v3 =	vld [tilespmem:s30+$0x6830]  }
0x584: {  	v4 =	vld [tilespmem:s30+$0x67A0]  }
0x585: {  	v5 =	vld [tilespmem:s30+$0x6800]  }
0x586: {  	s17 =	simm.s32 $0x200;
	s16 =	simm.s32 $0x40;
	v6 =	vld [tilespmem:s30+$0x6810]  }
0x587: {  	s19 =	sand.u32 $0x3C00, s17;
	s9 =	sand.u32 $0x40, s16;
	v7 =	vld [tilespmem:s30+$0x68B0]  }
0x588: {  	s9 =	sor.u32 s9, s19;
	v8 =	vld [tilespmem:s30+$0x6880]  }
0x589: {  	v9 =	vld [tilespmem:s9+$0x6810]  }
0x58a: {  	v0 =	vld.idx.msk [tilespmem:v0+s3+$0x0], $0xffff  }
0x58b: {  	v10 =	vld [tilespmem:s9+$0x6830]  }
0x58c: {  	v11 =	vld [tilespmem:s9+$0x6820]  }
0x58d: {  	v2 =	vld.idx.msk [tilespmem:v2+s3+$0x0], $0xffff  }
0x58e: {  	v44 =	vld [tilespmem:s9+$0x6880]  }
0x58f: {  	v1 =	vld.idx.msk [tilespmem:v1+s3+$0x0], $0xffff;
	[tilespmem:s30+$0xE7B0] =	vst v0  }
0x590: {  	v0 =	vld.idx.msk [tilespmem:v3+s3+$0x0], $0xffff  }
0x591: {  	v3 =	vld.idx.msk [tilespmem:v4+s3+$0x0], $0xffff  }
0x592: {  	[tilespmem:s30+$0xE790] =	vst v2;
	v4 =	vld [tilespmem:s30+$0x6820]  }
0x593: {  	v2 =	vld.idx.msk [tilespmem:v6+s3+$0x0], $0xffff  }
0x594: {  	[tilespmem:s30+$0xE780] =	vst v1;
	v6 =	vld [tilespmem:s30+$0x6890]  }
0x595: {  	v1 =	vld.idx.msk [tilespmem:v5+s3+$0x0], $0xffff  }
0x596: {  	v5 =	vld [tilespmem:s30+$0x6930]  }
0x597: {  	v12 =	vld [tilespmem:s9+$0x6890];
	[tilespmem:s30+$0xE830] =	vst v0  }
0x598: {  	v0 =	vld.idx.msk [tilespmem:v7+s3+$0x0], $0xffff  }
0x599: {  	[tilespmem:s30+$0xE7A0] =	vst v3;
	v3 =	vld [tilespmem:s30+$0x68A0]  }
0x59a: {  	v7 =	vld [tilespmem:s30+$0x6900]  }
0x59b: {  	[tilespmem:s30+$0xE810] =	vst v2;
	v4 =	vld.idx.msk [tilespmem:v4+s3+$0x0], $0xffff  }
0x59c: {  	[tilespmem:s30+$0xE800] =	vst v1;
	v6 =	vld.idx.msk [tilespmem:v6+s3+$0x0], $0xffff  }
0x59d: {  	v1 =	vld.idx.msk [tilespmem:v8+s3+$0x0], $0xffff;
	[tilespmem:s30+$0xE8B0] =	vst v0  }
0x59e: {  	v0 =	vld.idx.msk [tilespmem:v5+s3+$0x0], $0xffff  }
0x59f: {  	v5 =	vld [tilespmem:s30+$0x6910]  }
0x5a0: {  	p0 =	por $0x0, $0x0;
	s0 =	simm.s32 $0x1;
	v2 =	vld [tilespmem:s30+$0x6920];
	[tilespmem:s30+$0xE820] =	vst v4  }
0x5a1: {  	s0 =	simm.s32 @!p0 $0x0;
	[tilespmem:s30+$0xE890] =	vst v6;
	v6 =	vld [tilespmem:s9+$0x6790]  }
0x5a2: {  	s0 =	sshll.u32 s0, $0x6;
	[tilespmem:s30+$0xE880] =	vst v1;
	v3 =	vld.idx.msk [tilespmem:v3+s3+$0x0], $0xffff  }
0x5a3: {  	s0 =	sadd.s32 $0x0, s0;
	v1 =	vld.idx.msk [tilespmem:v7+s3+$0x0], $0xffff  }
0x5a4: {  	s31 =	sadd.s32 $0x30, s0;
	v7 =	vld [tilespmem:s9+$0x67A0]  }
0x5a5: {  	s1 =	sor.u32 $0x200, s31;
	v8 =	vld [tilespmem:s9+$0x6800];
	[tilespmem:s30+$0xE930] =	vst v0  }
0x5a6: {  	v0 =	vld [tilespmem:s1+$0x6780]  }
0x5a7: {  	[tilespmem:s30+$0xE8A0] =	vst v3;
	v4 =	vld.idx.msk [tilespmem:v5+s3+$0x0], $0xffff  }
0x5a8: {  	s22 =	sor.u32 $0x200, s0;
	[tilespmem:s30+$0xE900] =	vst v1;
	v2 =	vld.idx.msk [tilespmem:v2+s3+$0x0], $0xffff  }
0x5a9: {  	v1 =	vld [tilespmem:s22+$0x6780]  }
0x5aa: {  	v5 =	vld [tilespmem:s9+$0x6780]  }
0x5ab: {  	v6 =	vld.idx.msk [tilespmem:v6+s3+$0x0], $0xffff  }
0x5ac: {  	v7 =	vld.idx.msk [tilespmem:v7+s3+$0x0], $0xffff  }
0x5ad: {  	s4 =	sadd.s32 $0x10, s0;
	[tilespmem:s30+$0xE910] =	vst v4;
	v4 =	vld [tilespmem:s9+$0x67B0]  }
0x5ae: {  	s23 =	sadd.s32 $0x20, s0;
	s11 =	sor.u32 $0x200, s4;
	v0 =	vld.idx.msk [tilespmem:v0+s3+$0x0], $0xffff  }
0x5af: {  	s12 =	sor.u32 $0x200, s23;
	[tilespmem:s30+$0xE920] =	vst v2;
	v3 =	vld [tilespmem:s11+$0x6780]  }
0x5b0: {  	v2 =	vld [tilespmem:s12+$0x6780]  }
0x5b1: {  	[tilespmem:s9+$0xE790] =	vst v6;
	v6 =	vld [tilespmem:s9+$0x6930]  }
0x5b2: {  	v9 =	vld.idx.msk [tilespmem:v9+s3+$0x0], $0xffff  }
0x5b3: {  	[tilespmem:s9+$0xE7A0] =	vst v7;
	v1 =	vld.idx.msk [tilespmem:v1+s3+$0x0], $0xffff  }
0x5b4: {  	v7 =	vld.idx.msk [tilespmem:v11+s3+$0x0], $0xffff  }
0x5b5: {  	s13 =	sor.u32 $0x280, s31;
	v5 =	vld.idx.msk [tilespmem:v5+s3+$0x0], $0xffff;
	[tilespmem:s1+$0xE780] =	vst v0  }
0x5b6: {  	v0 =	vld [tilespmem:s13+$0x6780]  }
0x5b7: {  	[tilespmem:s9+$0xE810] =	vst v9;
	v4 =	vld.idx.msk [tilespmem:v4+s3+$0x0], $0xffff  }
0x5b8: {  	v46 =	vld.idx.msk [tilespmem:v12+s3+$0x0], $0xffff  }
0x5b9: {  	[tilespmem:s9+$0xE820] =	vst v7;
	v7 =	vld [tilespmem:s9+$0x6920]  }
0x5ba: {  	[tilespmem:s9+$0xE780] =	vst v5;
	v3 =	vld.idx.msk [tilespmem:v3+s3+$0x0], $0xffff  }
0x5bb: {  	v8 =	vld.idx.msk [tilespmem:v8+s3+$0x0], $0xffff  }
0x5bc: {  	[tilespmem:s22+$0xE780] =	vst v1;
	v2 =	vld.idx.msk [tilespmem:v2+s3+$0x0], $0xffff  }
0x5bd: {  	s14 =	sor.u32 $0x280, s0;
	[tilespmem:s9+$0xE7B0] =	vst v4;
	v4 =	vld [tilespmem:s9+$0x68B0]  }
0x5be: {  	v1 =	vld [tilespmem:s14+$0x6780]  }
0x5bf: {  	[tilespmem:s11+$0xE780] =	vst v3;
	v5 =	vld.idx.msk [tilespmem:v10+s3+$0x0], $0xffff  }
0x5c0: {  	s15 =	sor.u32 $0x280, s4;
	[tilespmem:s9+$0xE800] =	vst v8;
	v8 =	vld [tilespmem:s9+$0x6900]  }
0x5c1: {  	v3 =	vld [tilespmem:s15+$0x6780]  }
0x5c2: {  	v0 =	vld.idx.msk [tilespmem:v0+s3+$0x0], $0xffff  }
0x5c3: {  	v45 =	vld.idx.msk [tilespmem:v44+s3+$0x0], $0xffff  }
0x5c4: {  	[tilespmem:s9+$0xE830] =	vst v5;
	v5 =	vld [tilespmem:s9+$0x68A0]  }
0x5c5: {  	s18 =	sor.u32 $0x280, s23;
	[tilespmem:s12+$0xE780] =	vst v2;
	v4 =	vld.idx.msk [tilespmem:v4+s3+$0x0], $0xffff  }
0x5c6: {  	v2 =	vld [tilespmem:s18+$0x6780]  }
0x5c7: {  	s20 =	sor.u32 $0x300, s31;
	v1 =	vld.idx.msk [tilespmem:v1+s3+$0x0], $0xffff;
	[tilespmem:s13+$0xE780] =	vst v0  }
0x5c8: {  	v0 =	vld [tilespmem:s20+$0x6780]  }
0x5c9: {  	[tilespmem:s9+$0xE880] =	vst v45;
	v3 =	vld.idx.msk [tilespmem:v3+s3+$0x0], $0xffff  }
0x5ca: {  	v8 =	vld.idx.msk [tilespmem:v8+s3+$0x0], $0xffff;
	[tilespmem:s9+$0xE8B0] =	vst v4  }
0x5cb: {  	v4 =	vld.idx.msk [tilespmem:v6+s3+$0x0], $0xffff  }
0x5cc: {  	s6 =	simm.s32 $0x1;
	p0 =	por !p0, !p0;
	v6 =	vld [tilespmem:s9+$0x6910]  }
0x5cd: {  	s6 =	simm.s32 @!p0 $0x0;
	v5 =	vld.idx.msk [tilespmem:v5+s3+$0x0], $0xffff  }
0x5ce: {  	s6 =	sshll.u32 s6, $0x6;
	s28 =	sor.u32 $0x300, s4;
	v2 =	vld.idx.msk [tilespmem:v2+s3+$0x0], $0xffff;
	[tilespmem:s15+$0xE780] =	vst v3  }
0x5cf: {  	s6 =	sadd.s32 $0x200, s6;
	v3 =	vld [tilespmem:s28+$0x6780]  }
0x5d0: {  	s25 =	sor.u32 $0x300, s0;
	s21 =	sadd.s32 $0x30, s6;
	[tilespmem:s14+$0xE780] =	vst v1;
	v0 =	vld.idx.msk [tilespmem:v0+s3+$0x0], $0xffff  }
0x5d1: {  	s24 =	sor.u32 $0x200, s21;
	v1 =	vld [tilespmem:s25+$0x6780];
	[tilespmem:s9+$0xE930] =	vst v4  }
0x5d2: {  	[tilespmem:s9+$0xE8A0] =	vst v5;
	v4 =	vld [tilespmem:s24+$0x6780]  }
0x5d3: {  	s26 =	sor.u32 $0x200, s6;
	[tilespmem:s9+$0xE900] =	vst v8;
	v5 =	vld.idx.msk [tilespmem:v7+s3+$0x0], $0xffff  }
0x5d4: {  	[tilespmem:s9+$0xE890] =	vst v46;
	v7 =	vld [tilespmem:s26+$0x6780]  }
0x5d5: {  	s5 =	sor.u32 $0x380, s31;
	[tilespmem:s20+$0xE780] =	vst v0;
	v6 =	vld.idx.msk [tilespmem:v6+s3+$0x0], $0xffff  }
0x5d6: {  	v0 =	vld [tilespmem:s5+$0x6780]  }
0x5d7: {  	s7 =	sadd.s32 $0x20, s6;
	s30 =	sor.u32 $0x300, s23;
	[tilespmem:s18+$0xE780] =	vst v2;
	v3 =	vld.idx.msk [tilespmem:v3+s3+$0x0], $0xffff  }
0x5d8: {  	s2 =	simm.s32 $0x80;
	s10 =	sor.u32 $0x380, s0;
	s17 =	sor.u32 $0x200, s7;
	[tilespmem:s9+$0xE920] =	vst v5;
	v5 =	vld [tilespmem:s30+$0x6780]  }
0x5d9: {  	s8 =	sadd.s32 $0x10, s6;
	s0 =	sor.u32 $0x380, s23;
	s1 =	simm.s32 $0x400;
	v2 =	vld [tilespmem:s17+$0x6780]  }
0x5da: {  	s29 =	sor.u32 $0x200, s8;
	s23 =	sand.u32 $0x3C00, s1;
	s22 =	sand.u32 $0x40, s2;
	[tilespmem:s9+$0xE910] =	vst v6;
	v4 =	vld.idx.msk [tilespmem:v4+s3+$0x0], $0xffff  }
0x5db: {  	s9 =	sor.u32 $0x380, s4;
	s4 =	sor.u32 s22, s23;
	v6 =	vld [tilespmem:s29+$0x6780]  }
0x5dc: {  	v47 =	vld [tilespmem:s4+$0x6780]  }
0x5dd: {  	v48 =	vld [tilespmem:s4+$0x6790]  }
0x5de: {  	v49 =	vld [tilespmem:s4+$0x67A0]  }
0x5df: {  	v50 =	vld [tilespmem:s4+$0x6800]  }
0x5e0: {  	v13 =	vld [tilespmem:s4+$0x6810]  }
0x5e1: {  	v14 =	vld [tilespmem:s4+$0x6830]  }
0x5e2: {  	v15 =	vld [tilespmem:s4+$0x6820]  }
0x5e3: {  	v8 =	vld.idx.msk [tilespmem:v0+s3+$0x0], $0xffff  }
0x5e4: {  	v0 =	vld.idx.msk [tilespmem:v1+s3+$0x0], $0xffff  }
0x5e5: {  	v1 =	vld.idx.msk [tilespmem:v7+s3+$0x0], $0xffff  }
0x5e6: {  	v52 =	vld [tilespmem:s4+$0x6880]  }
0x5e7: {  	v53 =	vld [tilespmem:s4+$0x6890]  }
0x5e8: {  	v54 =	vld [tilespmem:s4+$0x6930]  }
0x5e9: {  	v55 =	vld [tilespmem:s4+$0x68A0]  }
0x5ea: {  	[tilespmem:s26+$0xE780] =	vst v1;
	v1 =	vld.idx.msk [tilespmem:v5+s3+$0x0], $0xffff  }
0x5eb: {  	v56 =	vld [tilespmem:s4+$0x6900]  }
0x5ec: {  	v59 =	vld [tilespmem:s4+$0x6910]  }
0x5ed: {  	v60 =	vld [tilespmem:s4+$0x6920];
	[tilespmem:s28+$0xE780] =	vst v3  }
0x5ee: {  	v7 =	vld [tilespmem:s9+$0x6780];
	[tilespmem:s24+$0xE780] =	vst v4  }
0x5ef: {  	s19 =	sor.u32 $0x280, s21;
	[tilespmem:s30+$0xE780] =	vst v1;
	v1 =	vld [tilespmem:s4+$0x67B0]  }
0x5f0: {  	v4 =	vld [tilespmem:s19+$0x6780]  }
0x5f1: {  	v2 =	vld.idx.msk [tilespmem:v2+s3+$0x0], $0xffff  }
0x5f2: {  	s31 =	sor.u32 $0x280, s6;
	v6 =	vld.idx.msk [tilespmem:v6+s3+$0x0], $0xffff  }
0x5f3: {  	[tilespmem:s25+$0xE780] =	vst v0;
	v5 =	vld [tilespmem:s31+$0x6780]  }
0x5f4: {  	v3 =	vld [tilespmem:s10+$0x6780]  }
0x5f5: {  	v9 =	vld.idx.msk [tilespmem:v47+s3+$0x0], $0xffff  }
0x5f6: {  	v10 =	vld.idx.msk [tilespmem:v48+s3+$0x0], $0xffff  }
0x5f7: {  	v1 =	vld.idx.msk [tilespmem:v1+s3+$0x0], $0xffff  }
0x5f8: {  	v11 =	vld.idx.msk [tilespmem:v49+s3+$0x0], $0xffff  }
0x5f9: {  	v7 =	vld.idx.msk [tilespmem:v7+s3+$0x0], $0xffff  }
0x5fa: {  	s20 =	sor.u32 $0x280, s7;
	[tilespmem:s17+$0xE780] =	vst v2;
	v4 =	vld.idx.msk [tilespmem:v4+s3+$0x0], $0xffff  }
0x5fb: {  	v2 =	vld [tilespmem:s20+$0x6780];
	[tilespmem:s4+$0xE780] =	vst v9  }
0x5fc: {  	[tilespmem:s4+$0xE7B0] =	vst v1;
	v1 =	vld [tilespmem:s4+$0x68B0]  }
0x5fd: {  	v12 =	vld.idx.msk [tilespmem:v50+s3+$0x0], $0xffff  }
0x5fe: {  	[tilespmem:s4+$0xE790] =	vst v10;
	v51 =	vld.idx.msk [tilespmem:v14+s3+$0x0], $0xffff  }
0x5ff: {  	s24 =	sor.u32 $0x300, s21;
	v10 =	vld.idx.msk [tilespmem:v13+s3+$0x0], $0xffff;
	[tilespmem:s19+$0xE780] =	vst v4  }
0x600: {  	[tilespmem:s4+$0xE7A0] =	vst v11;
	v4 =	vld [tilespmem:s24+$0x6780]  }
0x601: {  	s11 =	sor.u32 $0x280, s8;
	[tilespmem:s29+$0xE780] =	vst v6;
	v11 =	vld.idx.msk [tilespmem:v15+s3+$0x0], $0xffff  }
0x602: {  	v6 =	vld [tilespmem:s11+$0x6780]  }
0x603: {  	v5 =	vld.idx.msk [tilespmem:v5+s3+$0x0], $0xffff;
	[tilespmem:s4+$0xE830] =	vst v51  }
0x604: {  	[tilespmem:s4+$0xE800] =	vst v12;
	v1 =	vld.idx.msk [tilespmem:v1+s3+$0x0], $0xffff  }
0x605: {  	[tilespmem:s4+$0xE810] =	vst v10;
	v57 =	vld.idx.msk [tilespmem:v52+s3+$0x0], $0xffff  }
0x606: {  	[tilespmem:s4+$0xE820] =	vst v11;
	v58 =	vld.idx.msk [tilespmem:v53+s3+$0x0], $0xffff  }
0x607: {  	v61 =	vld.idx.msk [tilespmem:v55+s3+$0x0], $0xffff  }
0x608: {  	v4 =	vld.idx.msk [tilespmem:v4+s3+$0x0], $0xffff  }
0x609: {  	v2 =	vld.idx.msk [tilespmem:v2+s3+$0x0], $0xffff;
	[tilespmem:s4+$0xE8B0] =	vst v1  }
0x60a: {  	p0 =	por !p0, !p0;
	s12 =	simm.s32 $0x1;
	[tilespmem:s4+$0xE880] =	vst v57;
	v1 =	vld.idx.msk [tilespmem:v54+s3+$0x0], $0xffff  }
0x60b: {  	s12 =	simm.s32 @!p0 $0x0;
	[tilespmem:s4+$0xE890] =	vst v58;
	v10 =	vld.idx.msk [tilespmem:v56+s3+$0x0], $0xffff  }
0x60c: {  	s12 =	sshll.u32 s12, $0x6;
	[tilespmem:s4+$0xE8A0] =	vst v61;
	v9 =	vld.idx.msk [tilespmem:v59+s3+$0x0], $0xffff  }
0x60d: {  	s25 =	sor.u32 $0x380, s21;
	s26 =	sadd.s32 $0x400, s12;
	v11 =	vld.idx.msk [tilespmem:v60+s3+$0x0], $0xffff;
	[tilespmem:s24+$0xE780] =	vst v4  }
0x60e: {  	s12 =	sadd.s32 $0x30, s26;
	v4 =	vld [tilespmem:s25+$0x6780]  }
0x60f: {  	s28 =	sor.u32 $0x200, s12;
	[tilespmem:s4+$0xE930] =	vst v1;
	v1 =	vld.idx.msk [tilespmem:v6+s3+$0x0], $0xffff  }
0x610: {  	v6 =	vld [tilespmem:s28+$0x6780]  }
0x611: {  	v0 =	vld [tilespmem:s0+$0x6780];
	s29 =	sor.u32 $0x300, s6;
	[tilespmem:s31+$0xE780] =	vst v5  }
0x612: {  	s21 =	sadd.s32 $0x10, s26;
	s30 =	sor.u32 $0x200, s26;
	v5 =	vld [tilespmem:s29+$0x6780];
	[tilespmem:s4+$0xE900] =	vst v10  }
0x613: {  	s22 =	sadd.s32 $0x20, s26;
	s23 =	sor.u32 $0x200, s21;
	[tilespmem:s4+$0xE910] =	vst v9;
	v10 =	vld [tilespmem:s30+$0x6780]  }
0x614: {  	[tilespmem:s4+$0xE920] =	vst v11;
	v9 =	vld [tilespmem:s23+$0x6780];
	s24 =	sor.u32 $0x200, s22  }
0x615: {  	[tilespmem:s20+$0xE780] =	vst v2;
	v2 =	vld [tilespmem:s24+$0x6780]  }
0x616: {  	s31 =	sor.u32 $0x300, s8;
	v4 =	vld.idx.msk [tilespmem:v4+s3+$0x0], $0xffff;
	[tilespmem:s11+$0xE780] =	vst v1  }
0x617: {  	v1 =	vld [tilespmem:s31+$0x6780]  }
0x618: {  	v6 =	vld.idx.msk [tilespmem:v6+s3+$0x0], $0xffff  }
0x619: {  	v3 =	vld.idx.msk [tilespmem:v3+s3+$0x0], $0xffff;
	s4 =	sor.u32 $0x300, s7  }
0x61a: {  	v62 =	vld [tilespmem:s4+$0x6780]  }
0x61b: {  	v63 =	vld.idx.msk [tilespmem:v5+s3+$0x0], $0xffff  }
0x61c: {  	v5 =	vld.idx.msk [tilespmem:v10+s3+$0x0], $0xffff;
	[tilespmem:s25+$0xE780] =	vst v4  }
0x61d: {  	s20 =	sor.u32 $0x280, s12;
	v4 =	vld.idx.msk [tilespmem:v9+s3+$0x0], $0xffff;
	[tilespmem:s28+$0xE780] =	vst v6  }
0x61e: {  	v6 =	vld [tilespmem:s20+$0x6780]  }
0x61f: {  	[tilespmem:s5+$0xE780] =	vst v8;
	v1 =	vld.idx.msk [tilespmem:v1+s3+$0x0], $0xffff  }
0x620: {  	s5 =	sor.u32 $0x380, s6;
	[tilespmem:s29+$0xE780] =	vst v63;
	v8 =	vld.idx.msk [tilespmem:v2+s3+$0x0], $0xffff  }
0x621: {  	[tilespmem:s10+$0xE780] =	vst v3;
	v2 =	vld [tilespmem:s5+$0x6780]  }
0x622: {  	[tilespmem:s30+$0xE780] =	vst v5;
	s11 =	sor.u32 $0x280, s26;
	v5 =	vld.idx.msk [tilespmem:v62+s3+$0x0], $0xffff  }
0x623: {  	s15 =	sor.u32 $0x280, s21;
	v3 =	vld [tilespmem:s11+$0x6780];
	[tilespmem:s23+$0xE780] =	vst v4  }
0x624: {  	s13 =	sor.u32 $0x300, s26;
	s14 =	sor.u32 $0x280, s22;
	s6 =	sor.u32 $0x380, s8;
	v4 =	vld [tilespmem:s15+$0x6780];
	[tilespmem:s31+$0xE780] =	vst v1  }
0x625: {  	s18 =	sor.u32 $0x300, s22;
	s16 =	sor.u32 $0x380, s22;
	[tilespmem:s9+$0xE780] =	vst v7;
	s9 =	sor.u32 $0x380, s26;
	v1 =	vld [tilespmem:s6+$0x6780]  }
0x626: {  	s10 =	sor.u32 $0x300, s21;
	s8 =	sor.u32 $0x380, s21;
	s7 =	sor.u32 $0x380, s7;
	[tilespmem:s24+$0xE780] =	vst v8;
	v6 =	vld.idx.msk [tilespmem:v6+s3+$0x0], $0xffff  }
.LBB2_12:
0x627: {  	s2 =	sadd.s32 $0x40, s2;
	v7 =	vld [tilespmem:s14+$0x6780];
	s1 =	sadd.s32 $0x200, s1;
	[tilespmem:s4+$0xE780] =	vst v5;
	s4 =	smov.u32 s18  }
0x628: {  	s17 =	sand.u32 $0x40, s2;
	s18 =	sand.u32 $0x3C00, s1;
	p1 =	slt.u32 s2, $0x7C0;
	v5 =	vld [tilespmem:s7+$0x6780]  }
0x629: {  	s17 =	sor.u32 s17, s18;
	v8 =	vld.idx.msk [tilespmem:v0+s3+$0x0], $0xffff  }
0x62a: {  	v9 =	vld [tilespmem:s17+$0x67B0]  }
0x62b: {  	s18 =	sor.u32 $0x300, s12;
	v10 =	vld [tilespmem:s17+$0x6780];
	[tilespmem:s20+$0xE780] =	vst v6  }
0x62c: {  	v6 =	vld [tilespmem:s18+$0x6780]  }
0x62d: {  	v11 =	vld [tilespmem:s17+$0x6790];
	v0 =	vmov v5  }
0x62e: {  	v5 =	vld [tilespmem:s17+$0x67A0]  }
0x62f: {  	v12 =	vld [tilespmem:s17+$0x6800];
	[tilespmem:s0+$0xE780] =	vst v8;
	s0 =	smov.u32 s7;
	s7 =	smov.u32 s16  }
0x630: {  	v8 =	vld [tilespmem:s17+$0x6810]  }
0x631: {  	v13 =	vld [tilespmem:s17+$0x6830]  }
0x632: {  	v9 =	vld.idx.msk [tilespmem:v9+s3+$0x0], $0xffff  }
0x633: {  	v10 =	vld.idx.msk [tilespmem:v10+s3+$0x0], $0xffff  }
0x634: {  	v6 =	vld.idx.msk [tilespmem:v6+s3+$0x0], $0xffff  }
0x635: {  	v11 =	vld.idx.msk [tilespmem:v11+s3+$0x0], $0xffff  }
0x636: {  	v5 =	vld.idx.msk [tilespmem:v5+s3+$0x0], $0xffff  }
0x637: {  	v14 =	vld [tilespmem:s17+$0x6820]  }
0x638: {  	[tilespmem:s17+$0xE7B0] =	vst v9;
	v9 =	vld [tilespmem:s17+$0x68B0]  }
0x639: {  	[tilespmem:s17+$0xE780] =	vst v10;
	v10 =	vld.idx.msk [tilespmem:v13+s3+$0x0], $0xffff  }
0x63a: {  	s12 =	sor.u32 $0x380, s12;
	v12 =	vld.idx.msk [tilespmem:v12+s3+$0x0], $0xffff;
	[tilespmem:s18+$0xE780] =	vst v6  }
0x63b: {  	[tilespmem:s17+$0xE790] =	vst v11;
	v6 =	vld [tilespmem:s12+$0x6780]  }
0x63c: {  	v8 =	vld.idx.msk [tilespmem:v8+s3+$0x0], $0xffff;
	[tilespmem:s17+$0xE7A0] =	vst v5  }
0x63d: {  	v5 =	vld [tilespmem:s17+$0x6880]  }
0x63e: {  	v11 =	vld [tilespmem:s17+$0x6890]  }
0x63f: {  	[tilespmem:s17+$0xE830] =	vst v10;
	v10 =	vld [tilespmem:s17+$0x6930]  }
0x640: {  	[tilespmem:s17+$0xE800] =	vst v12;
	v9 =	vld.idx.msk [tilespmem:v9+s3+$0x0], $0xffff  }
0x641: {  	v12 =	vld.idx.msk [tilespmem:v14+s3+$0x0], $0xffff  }
0x642: {  	[tilespmem:s17+$0xE810] =	vst v8;
	v8 =	vld [tilespmem:s17+$0x68A0]  }
0x643: {  	v6 =	vld.idx.msk [tilespmem:v6+s3+$0x0], $0xffff  }
0x644: {  	v13 =	vld [tilespmem:s17+$0x6900]  }
0x645: {  	v5 =	vld.idx.msk [tilespmem:v5+s3+$0x0], $0xffff  }
0x646: {  	v11 =	vld.idx.msk [tilespmem:v11+s3+$0x0], $0xffff;
	[tilespmem:s17+$0xE8B0] =	vst v9  }
0x647: {  	[tilespmem:s17+$0xE820] =	vst v12;
	v9 =	vld.idx.msk [tilespmem:v10+s3+$0x0], $0xffff  }
0x648: {  	p0 =	por !p0, !p0;
	s16 =	simm.s32 $0x1;
	v10 =	vld [tilespmem:s17+$0x6910]  }
0x649: {  	s16 =	simm.s32 @!p0 $0x0;
	v12 =	vld [tilespmem:s17+$0x6920];
	[tilespmem:s12+$0xE780] =	vst v6  }
0x64a: {  	s12 =	sshll.u32 s16, $0x6;
	v6 =	vld.idx.msk [tilespmem:v8+s3+$0x0], $0xffff  }
0x64b: {  	s20 =	sadd.s32 s12, s1;
	[tilespmem:s17+$0xE880] =	vst v5;
	v3 =	vld.idx.msk [tilespmem:v3+s3+$0x0], $0xffff  }
0x64c: {  	s16 =	sadd.s32 $0x10, s20;
	s24 =	sadd.s32 $0x20, s20;
	s12 =	sadd.s32 $0x30, s20;
	v5 =	vld.idx.msk [tilespmem:v13+s3+$0x0], $0xffff;
	[tilespmem:s17+$0xE890] =	vst v11  }
0x64d: {  	s22 =	sor.u32 $0x200, s16;
	s19 =	sor.u32 $0x200, s24;
	s26 =	sor.u32 $0x200, s12;
	[tilespmem:s17+$0xE930] =	vst v9;
	v4 =	vld.idx.msk [tilespmem:v4+s3+$0x0], $0xffff  }
0x64e: {  	s21 =	sor.u32 $0x200, s20;
	s28 =	sor.u32 $0x280, s16;
	s29 =	sor.u32 $0x280, s24;
	v8 =	vld [tilespmem:s26+$0x6780]  }
0x64f: {  	s30 =	sor.u32 $0x280, s20;
	s25 =	sor.u32 $0x300, s16;
	s18 =	sor.u32 $0x300, s24;
	v7 =	vld.idx.msk [tilespmem:v7+s3+$0x0], $0xffff  }
0x650: {  	s31 =	sor.u32 $0x300, s20;
	s23 =	sor.u32 $0x380, s16;
	s16 =	sor.u32 $0x380, s24;
	v9 =	vld.idx.msk [tilespmem:v10+s3+$0x0], $0xffff;
	[tilespmem:s17+$0xE8A0] =	vst v6  }
0x651: {  	s20 =	sor.u32 $0x380, s20;
	v6 =	vld.idx.msk [tilespmem:v12+s3+$0x0], $0xffff;
	[tilespmem:s11+$0xE780] =	vst v3;
	s11 =	smov.u32 s30  }
0x652: {  	[tilespmem:s17+$0xE900] =	vst v5;
	v3 =	vld [tilespmem:s13+$0x6780]  }
0x653: {  	v5 =	vld [tilespmem:s21+$0x6780];
	[tilespmem:s15+$0xE780] =	vst v4;
	s15 =	smov.u32 s28  }
0x654: {  	v4 =	vld [tilespmem:s10+$0x6780]  }
0x655: {  	[tilespmem:s14+$0xE780] =	vst v7;
	v2 =	vld.idx.msk [tilespmem:v2+s3+$0x0], $0xffff;
	s14 =	smov.u32 s29  }
0x656: {  	[tilespmem:s17+$0xE910] =	vst v9;
	v7 =	vld.idx.msk [tilespmem:v8+s3+$0x0], $0xffff  }
0x657: {  	v8 =	vld [tilespmem:s22+$0x6780];
	[tilespmem:s17+$0xE920] =	vst v6  }
0x658: {  	v6 =	vld [tilespmem:s19+$0x6780]  }
0x659: {  	v9 =	vld [tilespmem:s4+$0x6780]  }
0x65a: {  	v3 =	vld.idx.msk [tilespmem:v3+s3+$0x0], $0xffff  }
0x65b: {  	v5 =	vld.idx.msk [tilespmem:v5+s3+$0x0], $0xffff;
	[tilespmem:s5+$0xE780] =	vst v2;
	s5 =	smov.u32 s9;
	s9 =	smov.u32 s20  }
0x65c: {  	s20 =	sor.u32 $0x280, s12;
	[tilespmem:s26+$0xE780] =	vst v7;
	v2 =	vld.idx.msk [tilespmem:v4+s3+$0x0], $0xffff  }
0x65d: {  	v4 =	vld [tilespmem:s20+$0x6780]  }
0x65e: {  	v7 =	vld.idx.msk [tilespmem:v1+s3+$0x0], $0xffff  }
0x65f: {  	v8 =	vld.idx.msk [tilespmem:v8+s3+$0x0], $0xffff  }
0x660: {  	v10 =	vld.idx.msk [tilespmem:v6+s3+$0x0], $0xffff;
	[tilespmem:s13+$0xE780] =	vst v3;
	s13 =	smov.u32 s31  }
0x661: {  	[tilespmem:s21+$0xE780] =	vst v5;
	v5 =	vld.idx.msk [tilespmem:v9+s3+$0x0], $0xffff  }
.Ltmp5:
0x662: {  	v3 =	vld [tilespmem:s11+$0x6780];
	[tilespmem:s10+$0xE780] =	vst v2;
	s10 =	smov.u32 s25;
	(pc) =	sbr.rel @p1 .LBB2_12-.Ltmp5, $4  }
0x663: {  	v2 =	vld [tilespmem:s5+$0x6780]  }
0x664: {  	v1 =	vld [tilespmem:s8+$0x6780];
	[tilespmem:s6+$0xE780] =	vst v7;
	s6 =	smov.u32 s8;
	s8 =	smov.u32 s23  }
0x665: {  	[tilespmem:s22+$0xE780] =	vst v8;
	v6 =	vld.idx.msk [tilespmem:v4+s3+$0x0], $0xffff  }
0x666: {  	v4 =	vld [tilespmem:s15+$0x6780];
	[tilespmem:s19+$0xE780] =	vst v10  }
0x667: {  	_ = 	snop  }
0x668: {  	v7 =	vld [tilespmem:s14+$0x6780];
	_ =	sdelay $0x5  }
0x669: {  	v3 =	vld.idx.msk [tilespmem:v3+s3+$0x0], $0xffff  }
0x66a: {  	v4 =	vld.idx.msk [tilespmem:v4+s3+$0x0], $0xffff  }
0x66b: {  	v7 =	vld.idx.msk [tilespmem:v7+s3+$0x0], $0xffff;
	_ =	sdelay $0x1  }
0x66c: {  	s1 =	sor.u32 $0x300, s12;
	[tilespmem:s20+$0xE780] =	vst v6  }
0x66d: {  	v6 =	vld [tilespmem:s1+$0x6780];
	[tilespmem:s11+$0xE780] =	vst v3  }
0x66e: {  	v3 =	vld [tilespmem:s13+$0x6780];
	[tilespmem:s15+$0xE780] =	vst v4  }
0x66f: {  	v4 =	vld [tilespmem:s10+$0x6780];
	[tilespmem:s14+$0xE780] =	vst v7  }
0x670: {  	v7 =	vld [tilespmem:s18+$0x6780];
	_ =	sdelay $0x4  }
0x671: {  	v6 =	vld.idx.msk [tilespmem:v6+s3+$0x0], $0xffff  }
0x672: {  	v3 =	vld.idx.msk [tilespmem:v3+s3+$0x0], $0xffff  }
0x673: {  	v4 =	vld.idx.msk [tilespmem:v4+s3+$0x0], $0xffff  }
0x674: {  	v7 =	vld.idx.msk [tilespmem:v7+s3+$0x0], $0xffff  }
0x675: {  	[tilespmem:s4+$0xE780] =	vst v5  }
0x676: {  	s22 =	sor.u32 $0x380, s12;
	v5 =	vld [tilespmem:s7+$0x6780];
	[tilespmem:s1+$0xE780] =	vst v6  }
0x677: {  	v6 =	vld [tilespmem:s22+$0x6780];
	[tilespmem:s13+$0xE780] =	vst v3  }
0x678: {  	v3 =	vld [tilespmem:s9+$0x6780];
	[tilespmem:s10+$0xE780] =	vst v4  }
0x679: {  	v4 =	vld [tilespmem:s8+$0x6780];
	[tilespmem:s18+$0xE780] =	vst v7  }
0x67a: {  	v7 =	vld [tilespmem:s16+$0x6780]  }
0x67b: {  	v0 =	vld.idx.msk [tilespmem:v0+s3+$0x0], $0xffff  }
0x67c: {  	v2 =	vld.idx.msk [tilespmem:v2+s3+$0x0], $0xffff  }
0x67d: {  	v1 =	vld.idx.msk [tilespmem:v1+s3+$0x0], $0xffff  }
0x67e: {  	v5 =	vld.idx.msk [tilespmem:v5+s3+$0x0], $0xffff  }
0x67f: {  	v6 =	vld.idx.msk [tilespmem:v6+s3+$0x0], $0xffff  }
0x680: {  	[tilespmem:s0+$0xE780] =	vst v0;
	v0 =	vld.idx.msk [tilespmem:v3+s3+$0x0], $0xffff  }
0x681: {  	[tilespmem:s5+$0xE780] =	vst v2;
	v3 =	vld.idx.msk [tilespmem:v4+s3+$0x0], $0xffff  }
0x682: {  	[tilespmem:s6+$0xE780] =	vst v1;
	v2 =	vld.idx.msk [tilespmem:v7+s3+$0x0], $0xffff  }
0x683: {  	[tilespmem:s7+$0xE780] =	vst v5  }
0x684: {  	[tilespmem:s22+$0xE780] =	vst v6  }
0x685: {  	[tilespmem:s9+$0xE780] =	vst v0  }
0x686: {  	[tilespmem:s8+$0xE780] =	vst v3  }
0x687: {  	[tilespmem:s16+$0xE780] =	vst v2  }
0x688: {  	s23 =	simm.s32 $0x0;
	s2 =	simm.s32 $0xE780;
	s1 =	rddreg [dreg:$0x10]  }
0x689: {  	[hbm4b:s1+s23] =	stream.linear.scatter [tilespmem:s2], [sflag:$0x4], $0x4000, $0x38;
	[tilespmem:$0x12780] =	vst v63  }
0x68a: {  	s25 =	simm.s32 $0x6780;
	s26 =	simm.s32 $0x1;
	s24 =	rddreg [dreg:$0x11]  }
0x68b: {  	[tilespmem:s25], [sflag:$0x2] =	stream.linear.gather [hbm4b:s24+s23], $0x4000, $0x38;
	[tilespmem:$0x12780] =	vst v63  }
0x68c: {  	_ =	swait.ge [sflag:s26], $0x4000  }
0x68d: {  	[sflag:s26] =	ssyncset.done $0x0  }
0x68e: {  	s28 =	simm.s32 $0x3;
	[sflag:s26] =	ssyncadd.s32 $0xFFFFC000  }
0x68f: {  	s29 =	simm.s32 $0x0;
	_ =	swait.ge [sflag:s28], $0x4000  }
0x690: {  	s0 =	sand.u32 $0x3C00, s23;
	s1 =	sand.u32 $0x40, s29;
	[sflag:s28] =	ssyncset.done $0x0  }
0x691: {  	s30 =	sor.u32 s1, s0;
	[sflag:s28] =	ssyncadd.s32 $0xFFFFC000  }
0x692: {  	v0 =	vld [tilespmem:s30+$0x27B0]  }
0x693: {  	v1 =	vld [tilespmem:s30+$0x2780]  }
0x694: {  	v2 =	vld [tilespmem:s30+$0x2790]  }
0x695: {  	v3 =	vld [tilespmem:s30+$0x2830]  }
0x696: {  	v4 =	vld [tilespmem:s30+$0x27A0]  }
0x697: {  	v5 =	vld [tilespmem:s30+$0x2800]  }
0x698: {  	s17 =	simm.s32 $0x200;
	s16 =	simm.s32 $0x40;
	v6 =	vld [tilespmem:s30+$0x2810]  }
0x699: {  	s19 =	sand.u32 $0x3C00, s17;
	s9 =	sand.u32 $0x40, s16;
	v7 =	vld [tilespmem:s30+$0x28B0]  }
0x69a: {  	s9 =	sor.u32 s9, s19;
	v8 =	vld [tilespmem:s30+$0x2880]  }
0x69b: {  	v9 =	vld [tilespmem:s9+$0x2810]  }
0x69c: {  	v0 =	vld.idx.msk [tilespmem:v0+s3+$0x0], $0xffff  }
0x69d: {  	v10 =	vld [tilespmem:s9+$0x2830]  }
0x69e: {  	v11 =	vld [tilespmem:s9+$0x2820]  }
0x69f: {  	v2 =	vld.idx.msk [tilespmem:v2+s3+$0x0], $0xffff  }
0x6a0: {  	v44 =	vld [tilespmem:s9+$0x2880]  }
0x6a1: {  	v1 =	vld.idx.msk [tilespmem:v1+s3+$0x0], $0xffff;
	[tilespmem:s30+$0xA7B0] =	vst v0  }
0x6a2: {  	v0 =	vld.idx.msk [tilespmem:v3+s3+$0x0], $0xffff  }
0x6a3: {  	v3 =	vld.idx.msk [tilespmem:v4+s3+$0x0], $0xffff  }
0x6a4: {  	[tilespmem:s30+$0xA790] =	vst v2;
	v4 =	vld [tilespmem:s30+$0x2820]  }
0x6a5: {  	v2 =	vld.idx.msk [tilespmem:v6+s3+$0x0], $0xffff  }
0x6a6: {  	[tilespmem:s30+$0xA780] =	vst v1;
	v6 =	vld [tilespmem:s30+$0x2890]  }
0x6a7: {  	v1 =	vld.idx.msk [tilespmem:v5+s3+$0x0], $0xffff  }
0x6a8: {  	v5 =	vld [tilespmem:s30+$0x2930]  }
0x6a9: {  	v12 =	vld [tilespmem:s9+$0x2890];
	[tilespmem:s30+$0xA830] =	vst v0  }
0x6aa: {  	v0 =	vld.idx.msk [tilespmem:v7+s3+$0x0], $0xffff  }
0x6ab: {  	[tilespmem:s30+$0xA7A0] =	vst v3;
	v3 =	vld [tilespmem:s30+$0x28A0]  }
0x6ac: {  	v7 =	vld [tilespmem:s30+$0x2900]  }
0x6ad: {  	[tilespmem:s30+$0xA810] =	vst v2;
	v4 =	vld.idx.msk [tilespmem:v4+s3+$0x0], $0xffff  }
0x6ae: {  	[tilespmem:s30+$0xA800] =	vst v1;
	v6 =	vld.idx.msk [tilespmem:v6+s3+$0x0], $0xffff  }
0x6af: {  	v1 =	vld.idx.msk [tilespmem:v8+s3+$0x0], $0xffff;
	[tilespmem:s30+$0xA8B0] =	vst v0  }
0x6b0: {  	v0 =	vld.idx.msk [tilespmem:v5+s3+$0x0], $0xffff  }
0x6b1: {  	v5 =	vld [tilespmem:s30+$0x2910]  }
0x6b2: {  	p0 =	por $0x0, $0x0;
	s0 =	simm.s32 $0x1;
	v2 =	vld [tilespmem:s30+$0x2920];
	[tilespmem:s30+$0xA820] =	vst v4  }
0x6b3: {  	s0 =	simm.s32 @!p0 $0x0;
	[tilespmem:s30+$0xA890] =	vst v6;
	v6 =	vld [tilespmem:s9+$0x2790]  }
0x6b4: {  	s0 =	sshll.u32 s0, $0x6;
	[tilespmem:s30+$0xA880] =	vst v1;
	v3 =	vld.idx.msk [tilespmem:v3+s3+$0x0], $0xffff  }
0x6b5: {  	s0 =	sadd.s32 $0x0, s0;
	v1 =	vld.idx.msk [tilespmem:v7+s3+$0x0], $0xffff  }
0x6b6: {  	s31 =	sadd.s32 $0x30, s0;
	v7 =	vld [tilespmem:s9+$0x27A0]  }
0x6b7: {  	s1 =	sor.u32 $0x200, s31;
	v8 =	vld [tilespmem:s9+$0x2800];
	[tilespmem:s30+$0xA930] =	vst v0  }
0x6b8: {  	v0 =	vld [tilespmem:s1+$0x2780]  }
0x6b9: {  	[tilespmem:s30+$0xA8A0] =	vst v3;
	v4 =	vld.idx.msk [tilespmem:v5+s3+$0x0], $0xffff  }
0x6ba: {  	s22 =	sor.u32 $0x200, s0;
	[tilespmem:s30+$0xA900] =	vst v1;
	v2 =	vld.idx.msk [tilespmem:v2+s3+$0x0], $0xffff  }
0x6bb: {  	v1 =	vld [tilespmem:s22+$0x2780]  }
0x6bc: {  	v5 =	vld [tilespmem:s9+$0x2780]  }
0x6bd: {  	v6 =	vld.idx.msk [tilespmem:v6+s3+$0x0], $0xffff  }
0x6be: {  	v7 =	vld.idx.msk [tilespmem:v7+s3+$0x0], $0xffff  }
0x6bf: {  	s4 =	sadd.s32 $0x10, s0;
	[tilespmem:s30+$0xA910] =	vst v4;
	v4 =	vld [tilespmem:s9+$0x27B0]  }
0x6c0: {  	s23 =	sadd.s32 $0x20, s0;
	s11 =	sor.u32 $0x200, s4;
	v0 =	vld.idx.msk [tilespmem:v0+s3+$0x0], $0xffff  }
0x6c1: {  	s12 =	sor.u32 $0x200, s23;
	[tilespmem:s30+$0xA920] =	vst v2;
	v3 =	vld [tilespmem:s11+$0x2780]  }
0x6c2: {  	v2 =	vld [tilespmem:s12+$0x2780]  }
0x6c3: {  	[tilespmem:s9+$0xA790] =	vst v6;
	v6 =	vld [tilespmem:s9+$0x2930]  }
0x6c4: {  	v9 =	vld.idx.msk [tilespmem:v9+s3+$0x0], $0xffff  }
0x6c5: {  	[tilespmem:s9+$0xA7A0] =	vst v7;
	v1 =	vld.idx.msk [tilespmem:v1+s3+$0x0], $0xffff  }
0x6c6: {  	v7 =	vld.idx.msk [tilespmem:v11+s3+$0x0], $0xffff  }
0x6c7: {  	s13 =	sor.u32 $0x280, s31;
	v5 =	vld.idx.msk [tilespmem:v5+s3+$0x0], $0xffff;
	[tilespmem:s1+$0xA780] =	vst v0  }
0x6c8: {  	v0 =	vld [tilespmem:s13+$0x2780]  }
0x6c9: {  	[tilespmem:s9+$0xA810] =	vst v9;
	v4 =	vld.idx.msk [tilespmem:v4+s3+$0x0], $0xffff  }
0x6ca: {  	v46 =	vld.idx.msk [tilespmem:v12+s3+$0x0], $0xffff  }
0x6cb: {  	[tilespmem:s9+$0xA820] =	vst v7;
	v7 =	vld [tilespmem:s9+$0x2920]  }
0x6cc: {  	[tilespmem:s9+$0xA780] =	vst v5;
	v3 =	vld.idx.msk [tilespmem:v3+s3+$0x0], $0xffff  }
0x6cd: {  	v8 =	vld.idx.msk [tilespmem:v8+s3+$0x0], $0xffff  }
0x6ce: {  	[tilespmem:s22+$0xA780] =	vst v1;
	v2 =	vld.idx.msk [tilespmem:v2+s3+$0x0], $0xffff  }
0x6cf: {  	s14 =	sor.u32 $0x280, s0;
	[tilespmem:s9+$0xA7B0] =	vst v4;
	v4 =	vld [tilespmem:s9+$0x28B0]  }
0x6d0: {  	v1 =	vld [tilespmem:s14+$0x2780]  }
0x6d1: {  	[tilespmem:s11+$0xA780] =	vst v3;
	v5 =	vld.idx.msk [tilespmem:v10+s3+$0x0], $0xffff  }
0x6d2: {  	s15 =	sor.u32 $0x280, s4;
	[tilespmem:s9+$0xA800] =	vst v8;
	v8 =	vld [tilespmem:s9+$0x2900]  }
0x6d3: {  	v3 =	vld [tilespmem:s15+$0x2780]  }
0x6d4: {  	v0 =	vld.idx.msk [tilespmem:v0+s3+$0x0], $0xffff  }
0x6d5: {  	v45 =	vld.idx.msk [tilespmem:v44+s3+$0x0], $0xffff  }
0x6d6: {  	[tilespmem:s9+$0xA830] =	vst v5;
	v5 =	vld [tilespmem:s9+$0x28A0]  }
0x6d7: {  	s18 =	sor.u32 $0x280, s23;
	[tilespmem:s12+$0xA780] =	vst v2;
	v4 =	vld.idx.msk [tilespmem:v4+s3+$0x0], $0xffff  }
0x6d8: {  	v2 =	vld [tilespmem:s18+$0x2780]  }
0x6d9: {  	s20 =	sor.u32 $0x300, s31;
	v1 =	vld.idx.msk [tilespmem:v1+s3+$0x0], $0xffff;
	[tilespmem:s13+$0xA780] =	vst v0  }
0x6da: {  	v0 =	vld [tilespmem:s20+$0x2780]  }
0x6db: {  	[tilespmem:s9+$0xA880] =	vst v45;
	v3 =	vld.idx.msk [tilespmem:v3+s3+$0x0], $0xffff  }
0x6dc: {  	v8 =	vld.idx.msk [tilespmem:v8+s3+$0x0], $0xffff;
	[tilespmem:s9+$0xA8B0] =	vst v4  }
0x6dd: {  	v4 =	vld.idx.msk [tilespmem:v6+s3+$0x0], $0xffff  }
0x6de: {  	s6 =	simm.s32 $0x1;
	p0 =	por !p0, !p0;
	v6 =	vld [tilespmem:s9+$0x2910]  }
0x6df: {  	s6 =	simm.s32 @!p0 $0x0;
	v5 =	vld.idx.msk [tilespmem:v5+s3+$0x0], $0xffff  }
0x6e0: {  	s6 =	sshll.u32 s6, $0x6;
	s28 =	sor.u32 $0x300, s4;
	v2 =	vld.idx.msk [tilespmem:v2+s3+$0x0], $0xffff;
	[tilespmem:s15+$0xA780] =	vst v3  }
0x6e1: {  	s6 =	sadd.s32 $0x200, s6;
	v3 =	vld [tilespmem:s28+$0x2780]  }
0x6e2: {  	s25 =	sor.u32 $0x300, s0;
	s21 =	sadd.s32 $0x30, s6;
	[tilespmem:s14+$0xA780] =	vst v1;
	v0 =	vld.idx.msk [tilespmem:v0+s3+$0x0], $0xffff  }
0x6e3: {  	s24 =	sor.u32 $0x200, s21;
	v1 =	vld [tilespmem:s25+$0x2780];
	[tilespmem:s9+$0xA930] =	vst v4  }
0x6e4: {  	[tilespmem:s9+$0xA8A0] =	vst v5;
	v4 =	vld [tilespmem:s24+$0x2780]  }
0x6e5: {  	s26 =	sor.u32 $0x200, s6;
	[tilespmem:s9+$0xA900] =	vst v8;
	v5 =	vld.idx.msk [tilespmem:v7+s3+$0x0], $0xffff  }
0x6e6: {  	[tilespmem:s9+$0xA890] =	vst v46;
	v7 =	vld [tilespmem:s26+$0x2780]  }
0x6e7: {  	s5 =	sor.u32 $0x380, s31;
	[tilespmem:s20+$0xA780] =	vst v0;
	v6 =	vld.idx.msk [tilespmem:v6+s3+$0x0], $0xffff  }
0x6e8: {  	v0 =	vld [tilespmem:s5+$0x2780]  }
0x6e9: {  	s7 =	sadd.s32 $0x20, s6;
	s30 =	sor.u32 $0x300, s23;
	[tilespmem:s18+$0xA780] =	vst v2;
	v3 =	vld.idx.msk [tilespmem:v3+s3+$0x0], $0xffff  }
0x6ea: {  	s2 =	simm.s32 $0x80;
	s10 =	sor.u32 $0x380, s0;
	s17 =	sor.u32 $0x200, s7;
	[tilespmem:s9+$0xA920] =	vst v5;
	v5 =	vld [tilespmem:s30+$0x2780]  }
0x6eb: {  	s8 =	sadd.s32 $0x10, s6;
	s0 =	sor.u32 $0x380, s23;
	s1 =	simm.s32 $0x400;
	v2 =	vld [tilespmem:s17+$0x2780]  }
0x6ec: {  	s29 =	sor.u32 $0x200, s8;
	s23 =	sand.u32 $0x3C00, s1;
	s22 =	sand.u32 $0x40, s2;
	[tilespmem:s9+$0xA910] =	vst v6;
	v4 =	vld.idx.msk [tilespmem:v4+s3+$0x0], $0xffff  }
0x6ed: {  	s9 =	sor.u32 $0x380, s4;
	s4 =	sor.u32 s22, s23;
	v6 =	vld [tilespmem:s29+$0x2780]  }
0x6ee: {  	v47 =	vld [tilespmem:s4+$0x2780]  }
0x6ef: {  	v48 =	vld [tilespmem:s4+$0x2790]  }
0x6f0: {  	v49 =	vld [tilespmem:s4+$0x27A0]  }
0x6f1: {  	v50 =	vld [tilespmem:s4+$0x2800]  }
0x6f2: {  	v13 =	vld [tilespmem:s4+$0x2810]  }
0x6f3: {  	v14 =	vld [tilespmem:s4+$0x2830]  }
0x6f4: {  	v15 =	vld [tilespmem:s4+$0x2820]  }
0x6f5: {  	v8 =	vld.idx.msk [tilespmem:v0+s3+$0x0], $0xffff  }
0x6f6: {  	v0 =	vld.idx.msk [tilespmem:v1+s3+$0x0], $0xffff  }
0x6f7: {  	v1 =	vld.idx.msk [tilespmem:v7+s3+$0x0], $0xffff  }
0x6f8: {  	v52 =	vld [tilespmem:s4+$0x2880]  }
0x6f9: {  	v53 =	vld [tilespmem:s4+$0x2890]  }
0x6fa: {  	v54 =	vld [tilespmem:s4+$0x2930]  }
0x6fb: {  	v55 =	vld [tilespmem:s4+$0x28A0]  }
0x6fc: {  	[tilespmem:s26+$0xA780] =	vst v1;
	v1 =	vld.idx.msk [tilespmem:v5+s3+$0x0], $0xffff  }
0x6fd: {  	v56 =	vld [tilespmem:s4+$0x2900]  }
0x6fe: {  	v59 =	vld [tilespmem:s4+$0x2910]  }
0x6ff: {  	v60 =	vld [tilespmem:s4+$0x2920];
	[tilespmem:s28+$0xA780] =	vst v3  }
0x700: {  	v7 =	vld [tilespmem:s9+$0x2780];
	[tilespmem:s24+$0xA780] =	vst v4  }
0x701: {  	s19 =	sor.u32 $0x280, s21;
	[tilespmem:s30+$0xA780] =	vst v1;
	v1 =	vld [tilespmem:s4+$0x27B0]  }
0x702: {  	v4 =	vld [tilespmem:s19+$0x2780]  }
0x703: {  	v2 =	vld.idx.msk [tilespmem:v2+s3+$0x0], $0xffff  }
0x704: {  	s31 =	sor.u32 $0x280, s6;
	v6 =	vld.idx.msk [tilespmem:v6+s3+$0x0], $0xffff  }
0x705: {  	[tilespmem:s25+$0xA780] =	vst v0;
	v5 =	vld [tilespmem:s31+$0x2780]  }
0x706: {  	v3 =	vld [tilespmem:s10+$0x2780]  }
0x707: {  	v9 =	vld.idx.msk [tilespmem:v47+s3+$0x0], $0xffff  }
0x708: {  	v10 =	vld.idx.msk [tilespmem:v48+s3+$0x0], $0xffff  }
0x709: {  	v1 =	vld.idx.msk [tilespmem:v1+s3+$0x0], $0xffff  }
0x70a: {  	v11 =	vld.idx.msk [tilespmem:v49+s3+$0x0], $0xffff  }
0x70b: {  	v7 =	vld.idx.msk [tilespmem:v7+s3+$0x0], $0xffff  }
0x70c: {  	s20 =	sor.u32 $0x280, s7;
	[tilespmem:s17+$0xA780] =	vst v2;
	v4 =	vld.idx.msk [tilespmem:v4+s3+$0x0], $0xffff  }
0x70d: {  	v2 =	vld [tilespmem:s20+$0x2780];
	[tilespmem:s4+$0xA780] =	vst v9  }
0x70e: {  	[tilespmem:s4+$0xA7B0] =	vst v1;
	v1 =	vld [tilespmem:s4+$0x28B0]  }
0x70f: {  	v12 =	vld.idx.msk [tilespmem:v50+s3+$0x0], $0xffff  }
0x710: {  	[tilespmem:s4+$0xA790] =	vst v10;
	v51 =	vld.idx.msk [tilespmem:v14+s3+$0x0], $0xffff  }
0x711: {  	s24 =	sor.u32 $0x300, s21;
	v10 =	vld.idx.msk [tilespmem:v13+s3+$0x0], $0xffff;
	[tilespmem:s19+$0xA780] =	vst v4  }
0x712: {  	[tilespmem:s4+$0xA7A0] =	vst v11;
	v4 =	vld [tilespmem:s24+$0x2780]  }
0x713: {  	s11 =	sor.u32 $0x280, s8;
	[tilespmem:s29+$0xA780] =	vst v6;
	v11 =	vld.idx.msk [tilespmem:v15+s3+$0x0], $0xffff  }
0x714: {  	v6 =	vld [tilespmem:s11+$0x2780]  }
0x715: {  	v5 =	vld.idx.msk [tilespmem:v5+s3+$0x0], $0xffff;
	[tilespmem:s4+$0xA830] =	vst v51  }
0x716: {  	[tilespmem:s4+$0xA800] =	vst v12;
	v1 =	vld.idx.msk [tilespmem:v1+s3+$0x0], $0xffff  }
0x717: {  	[tilespmem:s4+$0xA810] =	vst v10;
	v57 =	vld.idx.msk [tilespmem:v52+s3+$0x0], $0xffff  }
0x718: {  	[tilespmem:s4+$0xA820] =	vst v11;
	v58 =	vld.idx.msk [tilespmem:v53+s3+$0x0], $0xffff  }
0x719: {  	v61 =	vld.idx.msk [tilespmem:v55+s3+$0x0], $0xffff  }
0x71a: {  	v4 =	vld.idx.msk [tilespmem:v4+s3+$0x0], $0xffff  }
0x71b: {  	v2 =	vld.idx.msk [tilespmem:v2+s3+$0x0], $0xffff;
	[tilespmem:s4+$0xA8B0] =	vst v1  }
0x71c: {  	p0 =	por !p0, !p0;
	s12 =	simm.s32 $0x1;
	[tilespmem:s4+$0xA880] =	vst v57;
	v1 =	vld.idx.msk [tilespmem:v54+s3+$0x0], $0xffff  }
0x71d: {  	s12 =	simm.s32 @!p0 $0x0;
	[tilespmem:s4+$0xA890] =	vst v58;
	v10 =	vld.idx.msk [tilespmem:v56+s3+$0x0], $0xffff  }
0x71e: {  	s12 =	sshll.u32 s12, $0x6;
	[tilespmem:s4+$0xA8A0] =	vst v61;
	v9 =	vld.idx.msk [tilespmem:v59+s3+$0x0], $0xffff  }
0x71f: {  	s25 =	sor.u32 $0x380, s21;
	s26 =	sadd.s32 $0x400, s12;
	v11 =	vld.idx.msk [tilespmem:v60+s3+$0x0], $0xffff;
	[tilespmem:s24+$0xA780] =	vst v4  }
0x720: {  	s12 =	sadd.s32 $0x30, s26;
	v4 =	vld [tilespmem:s25+$0x2780]  }
0x721: {  	s28 =	sor.u32 $0x200, s12;
	[tilespmem:s4+$0xA930] =	vst v1;
	v1 =	vld.idx.msk [tilespmem:v6+s3+$0x0], $0xffff  }
0x722: {  	v6 =	vld [tilespmem:s28+$0x2780]  }
0x723: {  	v0 =	vld [tilespmem:s0+$0x2780];
	s29 =	sor.u32 $0x300, s6;
	[tilespmem:s31+$0xA780] =	vst v5  }
0x724: {  	s21 =	sadd.s32 $0x10, s26;
	s30 =	sor.u32 $0x200, s26;
	v5 =	vld [tilespmem:s29+$0x2780];
	[tilespmem:s4+$0xA900] =	vst v10  }
0x725: {  	s22 =	sadd.s32 $0x20, s26;
	s23 =	sor.u32 $0x200, s21;
	[tilespmem:s4+$0xA910] =	vst v9;
	v10 =	vld [tilespmem:s30+$0x2780]  }
0x726: {  	[tilespmem:s4+$0xA920] =	vst v11;
	v9 =	vld [tilespmem:s23+$0x2780];
	s24 =	sor.u32 $0x200, s22  }
0x727: {  	[tilespmem:s20+$0xA780] =	vst v2;
	v2 =	vld [tilespmem:s24+$0x2780]  }
0x728: {  	s31 =	sor.u32 $0x300, s8;
	v4 =	vld.idx.msk [tilespmem:v4+s3+$0x0], $0xffff;
	[tilespmem:s11+$0xA780] =	vst v1  }
0x729: {  	v1 =	vld [tilespmem:s31+$0x2780]  }
0x72a: {  	v6 =	vld.idx.msk [tilespmem:v6+s3+$0x0], $0xffff  }
0x72b: {  	v3 =	vld.idx.msk [tilespmem:v3+s3+$0x0], $0xffff;
	s4 =	sor.u32 $0x300, s7  }
0x72c: {  	v62 =	vld [tilespmem:s4+$0x2780]  }
0x72d: {  	v63 =	vld.idx.msk [tilespmem:v5+s3+$0x0], $0xffff  }
0x72e: {  	v5 =	vld.idx.msk [tilespmem:v10+s3+$0x0], $0xffff;
	[tilespmem:s25+$0xA780] =	vst v4  }
0x72f: {  	s20 =	sor.u32 $0x280, s12;
	v4 =	vld.idx.msk [tilespmem:v9+s3+$0x0], $0xffff;
	[tilespmem:s28+$0xA780] =	vst v6  }
0x730: {  	v6 =	vld [tilespmem:s20+$0x2780]  }
0x731: {  	[tilespmem:s5+$0xA780] =	vst v8;
	v1 =	vld.idx.msk [tilespmem:v1+s3+$0x0], $0xffff  }
0x732: {  	s5 =	sor.u32 $0x380, s6;
	[tilespmem:s29+$0xA780] =	vst v63;
	v8 =	vld.idx.msk [tilespmem:v2+s3+$0x0], $0xffff  }
0x733: {  	[tilespmem:s10+$0xA780] =	vst v3;
	v2 =	vld [tilespmem:s5+$0x2780]  }
0x734: {  	[tilespmem:s30+$0xA780] =	vst v5;
	s11 =	sor.u32 $0x280, s26;
	v5 =	vld.idx.msk [tilespmem:v62+s3+$0x0], $0xffff  }
0x735: {  	s15 =	sor.u32 $0x280, s21;
	v3 =	vld [tilespmem:s11+$0x2780];
	[tilespmem:s23+$0xA780] =	vst v4  }
0x736: {  	s13 =	sor.u32 $0x300, s26;
	s14 =	sor.u32 $0x280, s22;
	s6 =	sor.u32 $0x380, s8;
	v4 =	vld [tilespmem:s15+$0x2780];
	[tilespmem:s31+$0xA780] =	vst v1  }
0x737: {  	s18 =	sor.u32 $0x300, s22;
	s16 =	sor.u32 $0x380, s22;
	[tilespmem:s9+$0xA780] =	vst v7;
	s9 =	sor.u32 $0x380, s26;
	v1 =	vld [tilespmem:s6+$0x2780]  }
0x738: {  	s10 =	sor.u32 $0x300, s21;
	s8 =	sor.u32 $0x380, s21;
	s7 =	sor.u32 $0x380, s7;
	[tilespmem:s24+$0xA780] =	vst v8;
	v6 =	vld.idx.msk [tilespmem:v6+s3+$0x0], $0xffff  }
.LBB2_14:
0x739: {  	s2 =	sadd.s32 $0x40, s2;
	v7 =	vld [tilespmem:s14+$0x2780];
	s1 =	sadd.s32 $0x200, s1;
	[tilespmem:s4+$0xA780] =	vst v5;
	s4 =	smov.u32 s18  }
0x73a: {  	s17 =	sand.u32 $0x40, s2;
	s18 =	sand.u32 $0x3C00, s1;
	p1 =	slt.u32 s2, $0x7C0;
	v5 =	vld [tilespmem:s7+$0x2780]  }
0x73b: {  	s17 =	sor.u32 s17, s18;
	v8 =	vld.idx.msk [tilespmem:v0+s3+$0x0], $0xffff  }
0x73c: {  	v9 =	vld [tilespmem:s17+$0x27B0]  }
0x73d: {  	s18 =	sor.u32 $0x300, s12;
	v10 =	vld [tilespmem:s17+$0x2780];
	[tilespmem:s20+$0xA780] =	vst v6  }
0x73e: {  	v6 =	vld [tilespmem:s18+$0x2780]  }
0x73f: {  	v11 =	vld [tilespmem:s17+$0x2790];
	v0 =	vmov v5  }
0x740: {  	v5 =	vld [tilespmem:s17+$0x27A0]  }
0x741: {  	v12 =	vld [tilespmem:s17+$0x2800];
	[tilespmem:s0+$0xA780] =	vst v8;
	s0 =	smov.u32 s7;
	s7 =	smov.u32 s16  }
0x742: {  	v8 =	vld [tilespmem:s17+$0x2810]  }
0x743: {  	v13 =	vld [tilespmem:s17+$0x2830]  }
0x744: {  	v9 =	vld.idx.msk [tilespmem:v9+s3+$0x0], $0xffff  }
0x745: {  	v10 =	vld.idx.msk [tilespmem:v10+s3+$0x0], $0xffff  }
0x746: {  	v6 =	vld.idx.msk [tilespmem:v6+s3+$0x0], $0xffff  }
0x747: {  	v11 =	vld.idx.msk [tilespmem:v11+s3+$0x0], $0xffff  }
0x748: {  	v5 =	vld.idx.msk [tilespmem:v5+s3+$0x0], $0xffff  }
0x749: {  	v14 =	vld [tilespmem:s17+$0x2820]  }
0x74a: {  	[tilespmem:s17+$0xA7B0] =	vst v9;
	v9 =	vld [tilespmem:s17+$0x28B0]  }
0x74b: {  	[tilespmem:s17+$0xA780] =	vst v10;
	v10 =	vld.idx.msk [tilespmem:v13+s3+$0x0], $0xffff  }
0x74c: {  	s12 =	sor.u32 $0x380, s12;
	v12 =	vld.idx.msk [tilespmem:v12+s3+$0x0], $0xffff;
	[tilespmem:s18+$0xA780] =	vst v6  }
0x74d: {  	[tilespmem:s17+$0xA790] =	vst v11;
	v6 =	vld [tilespmem:s12+$0x2780]  }
0x74e: {  	v8 =	vld.idx.msk [tilespmem:v8+s3+$0x0], $0xffff;
	[tilespmem:s17+$0xA7A0] =	vst v5  }
0x74f: {  	v5 =	vld [tilespmem:s17+$0x2880]  }
0x750: {  	v11 =	vld [tilespmem:s17+$0x2890]  }
0x751: {  	[tilespmem:s17+$0xA830] =	vst v10;
	v10 =	vld [tilespmem:s17+$0x2930]  }
0x752: {  	[tilespmem:s17+$0xA800] =	vst v12;
	v9 =	vld.idx.msk [tilespmem:v9+s3+$0x0], $0xffff  }
0x753: {  	v12 =	vld.idx.msk [tilespmem:v14+s3+$0x0], $0xffff  }
0x754: {  	[tilespmem:s17+$0xA810] =	vst v8;
	v8 =	vld [tilespmem:s17+$0x28A0]  }
0x755: {  	v6 =	vld.idx.msk [tilespmem:v6+s3+$0x0], $0xffff  }
0x756: {  	v13 =	vld [tilespmem:s17+$0x2900]  }
0x757: {  	v5 =	vld.idx.msk [tilespmem:v5+s3+$0x0], $0xffff  }
0x758: {  	v11 =	vld.idx.msk [tilespmem:v11+s3+$0x0], $0xffff;
	[tilespmem:s17+$0xA8B0] =	vst v9  }
0x759: {  	[tilespmem:s17+$0xA820] =	vst v12;
	v9 =	vld.idx.msk [tilespmem:v10+s3+$0x0], $0xffff  }
0x75a: {  	p0 =	por !p0, !p0;
	s16 =	simm.s32 $0x1;
	v10 =	vld [tilespmem:s17+$0x2910]  }
0x75b: {  	s16 =	simm.s32 @!p0 $0x0;
	v12 =	vld [tilespmem:s17+$0x2920];
	[tilespmem:s12+$0xA780] =	vst v6  }
0x75c: {  	s12 =	sshll.u32 s16, $0x6;
	v6 =	vld.idx.msk [tilespmem:v8+s3+$0x0], $0xffff  }
0x75d: {  	s20 =	sadd.s32 s12, s1;
	[tilespmem:s17+$0xA880] =	vst v5;
	v3 =	vld.idx.msk [tilespmem:v3+s3+$0x0], $0xffff  }
0x75e: {  	s16 =	sadd.s32 $0x10, s20;
	s24 =	sadd.s32 $0x20, s20;
	s12 =	sadd.s32 $0x30, s20;
	v5 =	vld.idx.msk [tilespmem:v13+s3+$0x0], $0xffff;
	[tilespmem:s17+$0xA890] =	vst v11  }
0x75f: {  	s22 =	sor.u32 $0x200, s16;
	s19 =	sor.u32 $0x200, s24;
	s26 =	sor.u32 $0x200, s12;
	[tilespmem:s17+$0xA930] =	vst v9;
	v4 =	vld.idx.msk [tilespmem:v4+s3+$0x0], $0xffff  }
0x760: {  	s21 =	sor.u32 $0x200, s20;
	s28 =	sor.u32 $0x280, s16;
	s29 =	sor.u32 $0x280, s24;
	v8 =	vld [tilespmem:s26+$0x2780]  }
0x761: {  	s30 =	sor.u32 $0x280, s20;
	s25 =	sor.u32 $0x300, s16;
	s18 =	sor.u32 $0x300, s24;
	v7 =	vld.idx.msk [tilespmem:v7+s3+$0x0], $0xffff  }
0x762: {  	s31 =	sor.u32 $0x300, s20;
	s23 =	sor.u32 $0x380, s16;
	s16 =	sor.u32 $0x380, s24;
	v9 =	vld.idx.msk [tilespmem:v10+s3+$0x0], $0xffff;
	[tilespmem:s17+$0xA8A0] =	vst v6  }
0x763: {  	s20 =	sor.u32 $0x380, s20;
	v6 =	vld.idx.msk [tilespmem:v12+s3+$0x0], $0xffff;
	[tilespmem:s11+$0xA780] =	vst v3;
	s11 =	smov.u32 s30  }
0x764: {  	[tilespmem:s17+$0xA900] =	vst v5;
	v3 =	vld [tilespmem:s13+$0x2780]  }
0x765: {  	v5 =	vld [tilespmem:s21+$0x2780];
	[tilespmem:s15+$0xA780] =	vst v4;
	s15 =	smov.u32 s28  }
0x766: {  	v4 =	vld [tilespmem:s10+$0x2780]  }
0x767: {  	[tilespmem:s14+$0xA780] =	vst v7;
	v2 =	vld.idx.msk [tilespmem:v2+s3+$0x0], $0xffff;
	s14 =	smov.u32 s29  }
0x768: {  	[tilespmem:s17+$0xA910] =	vst v9;
	v7 =	vld.idx.msk [tilespmem:v8+s3+$0x0], $0xffff  }
0x769: {  	v8 =	vld [tilespmem:s22+$0x2780];
	[tilespmem:s17+$0xA920] =	vst v6  }
0x76a: {  	v6 =	vld [tilespmem:s19+$0x2780]  }
0x76b: {  	v9 =	vld [tilespmem:s4+$0x2780]  }
0x76c: {  	v3 =	vld.idx.msk [tilespmem:v3+s3+$0x0], $0xffff  }
0x76d: {  	v5 =	vld.idx.msk [tilespmem:v5+s3+$0x0], $0xffff;
	[tilespmem:s5+$0xA780] =	vst v2;
	s5 =	smov.u32 s9;
	s9 =	smov.u32 s20  }
0x76e: {  	s20 =	sor.u32 $0x280, s12;
	[tilespmem:s26+$0xA780] =	vst v7;
	v2 =	vld.idx.msk [tilespmem:v4+s3+$0x0], $0xffff  }
0x76f: {  	v4 =	vld [tilespmem:s20+$0x2780]  }
0x770: {  	v7 =	vld.idx.msk [tilespmem:v1+s3+$0x0], $0xffff  }
0x771: {  	v8 =	vld.idx.msk [tilespmem:v8+s3+$0x0], $0xffff  }
0x772: {  	v10 =	vld.idx.msk [tilespmem:v6+s3+$0x0], $0xffff;
	[tilespmem:s13+$0xA780] =	vst v3;
	s13 =	smov.u32 s31  }
0x773: {  	[tilespmem:s21+$0xA780] =	vst v5;
	v5 =	vld.idx.msk [tilespmem:v9+s3+$0x0], $0xffff  }
.Ltmp6:
0x774: {  	v3 =	vld [tilespmem:s11+$0x2780];
	[tilespmem:s10+$0xA780] =	vst v2;
	s10 =	smov.u32 s25;
	(pc) =	sbr.rel @p1 .LBB2_14-.Ltmp6, $4  }
0x775: {  	v2 =	vld [tilespmem:s5+$0x2780]  }
0x776: {  	v1 =	vld [tilespmem:s8+$0x2780];
	[tilespmem:s6+$0xA780] =	vst v7;
	s6 =	smov.u32 s8;
	s8 =	smov.u32 s23  }
0x777: {  	[tilespmem:s22+$0xA780] =	vst v8;
	v6 =	vld.idx.msk [tilespmem:v4+s3+$0x0], $0xffff  }
0x778: {  	v4 =	vld [tilespmem:s15+$0x2780];
	[tilespmem:s19+$0xA780] =	vst v10  }
0x779: {  	_ = 	snop  }
0x77a: {  	v7 =	vld [tilespmem:s14+$0x2780];
	_ =	sdelay $0x5  }
0x77b: {  	v3 =	vld.idx.msk [tilespmem:v3+s3+$0x0], $0xffff  }
0x77c: {  	v4 =	vld.idx.msk [tilespmem:v4+s3+$0x0], $0xffff  }
0x77d: {  	v7 =	vld.idx.msk [tilespmem:v7+s3+$0x0], $0xffff;
	_ =	sdelay $0x1  }
0x77e: {  	s1 =	sor.u32 $0x300, s12;
	[tilespmem:s20+$0xA780] =	vst v6  }
0x77f: {  	v6 =	vld [tilespmem:s1+$0x2780];
	[tilespmem:s11+$0xA780] =	vst v3  }
0x780: {  	v3 =	vld [tilespmem:s13+$0x2780];
	[tilespmem:s15+$0xA780] =	vst v4  }
0x781: {  	v4 =	vld [tilespmem:s10+$0x2780];
	[tilespmem:s14+$0xA780] =	vst v7  }
0x782: {  	v7 =	vld [tilespmem:s18+$0x2780];
	_ =	sdelay $0x4  }
0x783: {  	v6 =	vld.idx.msk [tilespmem:v6+s3+$0x0], $0xffff  }
0x784: {  	v3 =	vld.idx.msk [tilespmem:v3+s3+$0x0], $0xffff  }
0x785: {  	v4 =	vld.idx.msk [tilespmem:v4+s3+$0x0], $0xffff  }
0x786: {  	v7 =	vld.idx.msk [tilespmem:v7+s3+$0x0], $0xffff  }
0x787: {  	[tilespmem:s4+$0xA780] =	vst v5  }
0x788: {  	s24 =	sor.u32 $0x380, s12;
	v5 =	vld [tilespmem:s7+$0x2780];
	[tilespmem:s1+$0xA780] =	vst v6  }
0x789: {  	v6 =	vld [tilespmem:s24+$0x2780];
	[tilespmem:s13+$0xA780] =	vst v3  }
0x78a: {  	v3 =	vld [tilespmem:s9+$0x2780];
	[tilespmem:s10+$0xA780] =	vst v4  }
0x78b: {  	v4 =	vld [tilespmem:s8+$0x2780];
	[tilespmem:s18+$0xA780] =	vst v7  }
0x78c: {  	v7 =	vld [tilespmem:s16+$0x2780]  }
0x78d: {  	v0 =	vld.idx.msk [tilespmem:v0+s3+$0x0], $0xffff  }
0x78e: {  	v2 =	vld.idx.msk [tilespmem:v2+s3+$0x0], $0xffff  }
0x78f: {  	v1 =	vld.idx.msk [tilespmem:v1+s3+$0x0], $0xffff  }
0x790: {  	v5 =	vld.idx.msk [tilespmem:v5+s3+$0x0], $0xffff  }
0x791: {  	v6 =	vld.idx.msk [tilespmem:v6+s3+$0x0], $0xffff  }
0x792: {  	[tilespmem:s0+$0xA780] =	vst v0;
	v0 =	vld.idx.msk [tilespmem:v3+s3+$0x0], $0xffff  }
0x793: {  	[tilespmem:s5+$0xA780] =	vst v2;
	v3 =	vld.idx.msk [tilespmem:v4+s3+$0x0], $0xffff  }
0x794: {  	[tilespmem:s6+$0xA780] =	vst v1;
	v2 =	vld.idx.msk [tilespmem:v7+s3+$0x0], $0xffff  }
0x795: {  	[tilespmem:s7+$0xA780] =	vst v5  }
0x796: {  	[tilespmem:s24+$0xA780] =	vst v6  }
0x797: {  	[tilespmem:s9+$0xA780] =	vst v0  }
0x798: {  	[tilespmem:s8+$0xA780] =	vst v3  }
0x799: {  	s25 =	simm.s32 $0x0;
	[tilespmem:s16+$0xA780] =	vst v2  }
0x79a: {  	s2 =	simm.s32 $0xA780;
	s26 =	simm.s32 $0x2;
	s1 =	rddreg [dreg:$0x12]  }
0x79b: {  	[hbm4b:s1+s25] =	stream.linear.scatter [tilespmem:s2], [sflag:$0x3], $0x4000, $0x38;
	[tilespmem:$0x12780] =	vst v63  }
0x79c: {  	_ =	swait.ge [sflag:s26], $0x4000  }
0x79d: {  	[sflag:s26] =	ssyncset.done $0x0  }
0x79e: {  	s28 =	simm.s32 $0x4;
	[sflag:s26] =	ssyncadd.s32 $0xFFFFC000  }
0x79f: {  	s29 =	simm.s32 $0x0;
	_ =	swait.ge [sflag:s28], $0x4000  }
0x7a0: {  	s0 =	sand.u32 $0x3C00, s25;
	s1 =	sand.u32 $0x40, s29;
	[sflag:s28] =	ssyncset.done $0x0  }
0x7a1: {  	s30 =	sor.u32 s1, s0;
	[sflag:s28] =	ssyncadd.s32 $0xFFFFC000  }
0x7a2: {  	v0 =	vld [tilespmem:s30+$0x67B0]  }
0x7a3: {  	v1 =	vld [tilespmem:s30+$0x6780]  }
0x7a4: {  	v2 =	vld [tilespmem:s30+$0x6790]  }
0x7a5: {  	v3 =	vld [tilespmem:s30+$0x6830]  }
0x7a6: {  	v4 =	vld [tilespmem:s30+$0x67A0]  }
0x7a7: {  	v5 =	vld [tilespmem:s30+$0x6800]  }
0x7a8: {  	s17 =	simm.s32 $0x200;
	s16 =	simm.s32 $0x40;
	v6 =	vld [tilespmem:s30+$0x6810]  }
0x7a9: {  	s19 =	sand.u32 $0x3C00, s17;
	s9 =	sand.u32 $0x40, s16;
	v7 =	vld [tilespmem:s30+$0x68B0]  }
0x7aa: {  	s9 =	sor.u32 s9, s19;
	v8 =	vld [tilespmem:s30+$0x6880]  }
0x7ab: {  	v9 =	vld [tilespmem:s9+$0x6810]  }
0x7ac: {  	v0 =	vld.idx.msk [tilespmem:v0+s3+$0x0], $0xffff  }
0x7ad: {  	v10 =	vld [tilespmem:s9+$0x6830]  }
0x7ae: {  	v11 =	vld [tilespmem:s9+$0x6820]  }
0x7af: {  	v2 =	vld.idx.msk [tilespmem:v2+s3+$0x0], $0xffff  }
0x7b0: {  	v44 =	vld [tilespmem:s9+$0x6880]  }
0x7b1: {  	v1 =	vld.idx.msk [tilespmem:v1+s3+$0x0], $0xffff;
	[tilespmem:s30+$0xE7B0] =	vst v0  }
0x7b2: {  	v0 =	vld.idx.msk [tilespmem:v3+s3+$0x0], $0xffff  }
0x7b3: {  	v3 =	vld.idx.msk [tilespmem:v4+s3+$0x0], $0xffff  }
0x7b4: {  	[tilespmem:s30+$0xE790] =	vst v2;
	v4 =	vld [tilespmem:s30+$0x6820]  }
0x7b5: {  	v2 =	vld.idx.msk [tilespmem:v6+s3+$0x0], $0xffff  }
0x7b6: {  	[tilespmem:s30+$0xE780] =	vst v1;
	v6 =	vld [tilespmem:s30+$0x6890]  }
0x7b7: {  	v1 =	vld.idx.msk [tilespmem:v5+s3+$0x0], $0xffff  }
0x7b8: {  	v5 =	vld [tilespmem:s30+$0x6930]  }
0x7b9: {  	v12 =	vld [tilespmem:s9+$0x6890];
	[tilespmem:s30+$0xE830] =	vst v0  }
0x7ba: {  	v0 =	vld.idx.msk [tilespmem:v7+s3+$0x0], $0xffff  }
0x7bb: {  	[tilespmem:s30+$0xE7A0] =	vst v3;
	v3 =	vld [tilespmem:s30+$0x68A0]  }
0x7bc: {  	v7 =	vld [tilespmem:s30+$0x6900]  }
0x7bd: {  	[tilespmem:s30+$0xE810] =	vst v2;
	v4 =	vld.idx.msk [tilespmem:v4+s3+$0x0], $0xffff  }
0x7be: {  	[tilespmem:s30+$0xE800] =	vst v1;
	v6 =	vld.idx.msk [tilespmem:v6+s3+$0x0], $0xffff  }
0x7bf: {  	v1 =	vld.idx.msk [tilespmem:v8+s3+$0x0], $0xffff;
	[tilespmem:s30+$0xE8B0] =	vst v0  }
0x7c0: {  	v0 =	vld.idx.msk [tilespmem:v5+s3+$0x0], $0xffff  }
0x7c1: {  	v5 =	vld [tilespmem:s30+$0x6910]  }
0x7c2: {  	p0 =	por $0x0, $0x0;
	s0 =	simm.s32 $0x1;
	v2 =	vld [tilespmem:s30+$0x6920];
	[tilespmem:s30+$0xE820] =	vst v4  }
0x7c3: {  	s0 =	simm.s32 @!p0 $0x0;
	[tilespmem:s30+$0xE890] =	vst v6;
	v6 =	vld [tilespmem:s9+$0x6790]  }
0x7c4: {  	s0 =	sshll.u32 s0, $0x6;
	[tilespmem:s30+$0xE880] =	vst v1;
	v3 =	vld.idx.msk [tilespmem:v3+s3+$0x0], $0xffff  }
0x7c5: {  	s0 =	sadd.s32 $0x0, s0;
	v1 =	vld.idx.msk [tilespmem:v7+s3+$0x0], $0xffff  }
0x7c6: {  	s31 =	sadd.s32 $0x30, s0;
	v7 =	vld [tilespmem:s9+$0x67A0]  }
0x7c7: {  	s1 =	sor.u32 $0x200, s31;
	v8 =	vld [tilespmem:s9+$0x6800];
	[tilespmem:s30+$0xE930] =	vst v0  }
0x7c8: {  	v0 =	vld [tilespmem:s1+$0x6780]  }
0x7c9: {  	[tilespmem:s30+$0xE8A0] =	vst v3;
	v4 =	vld.idx.msk [tilespmem:v5+s3+$0x0], $0xffff  }
0x7ca: {  	s22 =	sor.u32 $0x200, s0;
	[tilespmem:s30+$0xE900] =	vst v1;
	v2 =	vld.idx.msk [tilespmem:v2+s3+$0x0], $0xffff  }
0x7cb: {  	v1 =	vld [tilespmem:s22+$0x6780]  }
0x7cc: {  	v5 =	vld [tilespmem:s9+$0x6780]  }
0x7cd: {  	v6 =	vld.idx.msk [tilespmem:v6+s3+$0x0], $0xffff  }
0x7ce: {  	v7 =	vld.idx.msk [tilespmem:v7+s3+$0x0], $0xffff  }
0x7cf: {  	s4 =	sadd.s32 $0x10, s0;
	[tilespmem:s30+$0xE910] =	vst v4;
	v4 =	vld [tilespmem:s9+$0x67B0]  }
0x7d0: {  	s23 =	sadd.s32 $0x20, s0;
	s11 =	sor.u32 $0x200, s4;
	v0 =	vld.idx.msk [tilespmem:v0+s3+$0x0], $0xffff  }
0x7d1: {  	s12 =	sor.u32 $0x200, s23;
	[tilespmem:s30+$0xE920] =	vst v2;
	v3 =	vld [tilespmem:s11+$0x6780]  }
0x7d2: {  	v2 =	vld [tilespmem:s12+$0x6780]  }
0x7d3: {  	[tilespmem:s9+$0xE790] =	vst v6;
	v6 =	vld [tilespmem:s9+$0x6930]  }
0x7d4: {  	v9 =	vld.idx.msk [tilespmem:v9+s3+$0x0], $0xffff  }
0x7d5: {  	[tilespmem:s9+$0xE7A0] =	vst v7;
	v1 =	vld.idx.msk [tilespmem:v1+s3+$0x0], $0xffff  }
0x7d6: {  	v7 =	vld.idx.msk [tilespmem:v11+s3+$0x0], $0xffff  }
0x7d7: {  	s13 =	sor.u32 $0x280, s31;
	v5 =	vld.idx.msk [tilespmem:v5+s3+$0x0], $0xffff;
	[tilespmem:s1+$0xE780] =	vst v0  }
0x7d8: {  	v0 =	vld [tilespmem:s13+$0x6780]  }
0x7d9: {  	[tilespmem:s9+$0xE810] =	vst v9;
	v4 =	vld.idx.msk [tilespmem:v4+s3+$0x0], $0xffff  }
0x7da: {  	v46 =	vld.idx.msk [tilespmem:v12+s3+$0x0], $0xffff  }
0x7db: {  	[tilespmem:s9+$0xE820] =	vst v7;
	v7 =	vld [tilespmem:s9+$0x6920]  }
0x7dc: {  	[tilespmem:s9+$0xE780] =	vst v5;
	v3 =	vld.idx.msk [tilespmem:v3+s3+$0x0], $0xffff  }
0x7dd: {  	v8 =	vld.idx.msk [tilespmem:v8+s3+$0x0], $0xffff  }
0x7de: {  	[tilespmem:s22+$0xE780] =	vst v1;
	v2 =	vld.idx.msk [tilespmem:v2+s3+$0x0], $0xffff  }
0x7df: {  	s14 =	sor.u32 $0x280, s0;
	[tilespmem:s9+$0xE7B0] =	vst v4;
	v4 =	vld [tilespmem:s9+$0x68B0]  }
0x7e0: {  	v1 =	vld [tilespmem:s14+$0x6780]  }
0x7e1: {  	[tilespmem:s11+$0xE780] =	vst v3;
	v5 =	vld.idx.msk [tilespmem:v10+s3+$0x0], $0xffff  }
0x7e2: {  	s15 =	sor.u32 $0x280, s4;
	[tilespmem:s9+$0xE800] =	vst v8;
	v8 =	vld [tilespmem:s9+$0x6900]  }
0x7e3: {  	v3 =	vld [tilespmem:s15+$0x6780]  }
0x7e4: {  	v0 =	vld.idx.msk [tilespmem:v0+s3+$0x0], $0xffff  }
0x7e5: {  	v45 =	vld.idx.msk [tilespmem:v44+s3+$0x0], $0xffff  }
0x7e6: {  	[tilespmem:s9+$0xE830] =	vst v5;
	v5 =	vld [tilespmem:s9+$0x68A0]  }
0x7e7: {  	s18 =	sor.u32 $0x280, s23;
	[tilespmem:s12+$0xE780] =	vst v2;
	v4 =	vld.idx.msk [tilespmem:v4+s3+$0x0], $0xffff  }
0x7e8: {  	v2 =	vld [tilespmem:s18+$0x6780]  }
0x7e9: {  	s20 =	sor.u32 $0x300, s31;
	v1 =	vld.idx.msk [tilespmem:v1+s3+$0x0], $0xffff;
	[tilespmem:s13+$0xE780] =	vst v0  }
0x7ea: {  	v0 =	vld [tilespmem:s20+$0x6780]  }
0x7eb: {  	[tilespmem:s9+$0xE880] =	vst v45;
	v3 =	vld.idx.msk [tilespmem:v3+s3+$0x0], $0xffff  }
0x7ec: {  	v8 =	vld.idx.msk [tilespmem:v8+s3+$0x0], $0xffff;
	[tilespmem:s9+$0xE8B0] =	vst v4  }
0x7ed: {  	v4 =	vld.idx.msk [tilespmem:v6+s3+$0x0], $0xffff  }
0x7ee: {  	s6 =	simm.s32 $0x1;
	p0 =	por !p0, !p0;
	v6 =	vld [tilespmem:s9+$0x6910]  }
0x7ef: {  	s6 =	simm.s32 @!p0 $0x0;
	v5 =	vld.idx.msk [tilespmem:v5+s3+$0x0], $0xffff  }
0x7f0: {  	s6 =	sshll.u32 s6, $0x6;
	s28 =	sor.u32 $0x300, s4;
	v2 =	vld.idx.msk [tilespmem:v2+s3+$0x0], $0xffff;
	[tilespmem:s15+$0xE780] =	vst v3  }
0x7f1: {  	s6 =	sadd.s32 $0x200, s6;
	v3 =	vld [tilespmem:s28+$0x6780]  }
0x7f2: {  	s25 =	sor.u32 $0x300, s0;
	s21 =	sadd.s32 $0x30, s6;
	[tilespmem:s14+$0xE780] =	vst v1;
	v0 =	vld.idx.msk [tilespmem:v0+s3+$0x0], $0xffff  }
0x7f3: {  	s24 =	sor.u32 $0x200, s21;
	v1 =	vld [tilespmem:s25+$0x6780];
	[tilespmem:s9+$0xE930] =	vst v4  }
0x7f4: {  	[tilespmem:s9+$0xE8A0] =	vst v5;
	v4 =	vld [tilespmem:s24+$0x6780]  }
0x7f5: {  	s26 =	sor.u32 $0x200, s6;
	[tilespmem:s9+$0xE900] =	vst v8;
	v5 =	vld.idx.msk [tilespmem:v7+s3+$0x0], $0xffff  }
0x7f6: {  	[tilespmem:s9+$0xE890] =	vst v46;
	v7 =	vld [tilespmem:s26+$0x6780]  }
0x7f7: {  	s5 =	sor.u32 $0x380, s31;
	[tilespmem:s20+$0xE780] =	vst v0;
	v6 =	vld.idx.msk [tilespmem:v6+s3+$0x0], $0xffff  }
0x7f8: {  	v0 =	vld [tilespmem:s5+$0x6780]  }
0x7f9: {  	s7 =	sadd.s32 $0x20, s6;
	s30 =	sor.u32 $0x300, s23;
	[tilespmem:s18+$0xE780] =	vst v2;
	v3 =	vld.idx.msk [tilespmem:v3+s3+$0x0], $0xffff  }
0x7fa: {  	s2 =	simm.s32 $0x80;
	s10 =	sor.u32 $0x380, s0;
	s17 =	sor.u32 $0x200, s7;
	[tilespmem:s9+$0xE920] =	vst v5;
	v5 =	vld [tilespmem:s30+$0x6780]  }
0x7fb: {  	s8 =	sadd.s32 $0x10, s6;
	s0 =	sor.u32 $0x380, s23;
	s1 =	simm.s32 $0x400;
	v2 =	vld [tilespmem:s17+$0x6780]  }
0x7fc: {  	s29 =	sor.u32 $0x200, s8;
	s23 =	sand.u32 $0x3C00, s1;
	s22 =	sand.u32 $0x40, s2;
	[tilespmem:s9+$0xE910] =	vst v6;
	v4 =	vld.idx.msk [tilespmem:v4+s3+$0x0], $0xffff  }
0x7fd: {  	s9 =	sor.u32 $0x380, s4;
	s4 =	sor.u32 s22, s23;
	v6 =	vld [tilespmem:s29+$0x6780]  }
0x7fe: {  	v47 =	vld [tilespmem:s4+$0x6780]  }
0x7ff: {  	v48 =	vld [tilespmem:s4+$0x6790]  }
0x800: {  	v49 =	vld [tilespmem:s4+$0x67A0]  }
0x801: {  	v50 =	vld [tilespmem:s4+$0x6800]  }
0x802: {  	v13 =	vld [tilespmem:s4+$0x6810]  }
0x803: {  	v14 =	vld [tilespmem:s4+$0x6830]  }
0x804: {  	v15 =	vld [tilespmem:s4+$0x6820]  }
0x805: {  	v8 =	vld.idx.msk [tilespmem:v0+s3+$0x0], $0xffff  }
0x806: {  	v0 =	vld.idx.msk [tilespmem:v1+s3+$0x0], $0xffff  }
0x807: {  	v1 =	vld.idx.msk [tilespmem:v7+s3+$0x0], $0xffff  }
0x808: {  	v52 =	vld [tilespmem:s4+$0x6880]  }
0x809: {  	v53 =	vld [tilespmem:s4+$0x6890]  }
0x80a: {  	v54 =	vld [tilespmem:s4+$0x6930]  }
0x80b: {  	v55 =	vld [tilespmem:s4+$0x68A0]  }
0x80c: {  	[tilespmem:s26+$0xE780] =	vst v1;
	v1 =	vld.idx.msk [tilespmem:v5+s3+$0x0], $0xffff  }
0x80d: {  	v56 =	vld [tilespmem:s4+$0x6900]  }
0x80e: {  	v59 =	vld [tilespmem:s4+$0x6910]  }
0x80f: {  	v60 =	vld [tilespmem:s4+$0x6920];
	[tilespmem:s28+$0xE780] =	vst v3  }
0x810: {  	v7 =	vld [tilespmem:s9+$0x6780];
	[tilespmem:s24+$0xE780] =	vst v4  }
0x811: {  	s19 =	sor.u32 $0x280, s21;
	[tilespmem:s30+$0xE780] =	vst v1;
	v1 =	vld [tilespmem:s4+$0x67B0]  }
0x812: {  	v4 =	vld [tilespmem:s19+$0x6780]  }
0x813: {  	v2 =	vld.idx.msk [tilespmem:v2+s3+$0x0], $0xffff  }
0x814: {  	s31 =	sor.u32 $0x280, s6;
	v6 =	vld.idx.msk [tilespmem:v6+s3+$0x0], $0xffff  }
0x815: {  	[tilespmem:s25+$0xE780] =	vst v0;
	v5 =	vld [tilespmem:s31+$0x6780]  }
0x816: {  	v3 =	vld [tilespmem:s10+$0x6780]  }
0x817: {  	v9 =	vld.idx.msk [tilespmem:v47+s3+$0x0], $0xffff  }
0x818: {  	v10 =	vld.idx.msk [tilespmem:v48+s3+$0x0], $0xffff  }
0x819: {  	v1 =	vld.idx.msk [tilespmem:v1+s3+$0x0], $0xffff  }
0x81a: {  	v11 =	vld.idx.msk [tilespmem:v49+s3+$0x0], $0xffff  }
0x81b: {  	v7 =	vld.idx.msk [tilespmem:v7+s3+$0x0], $0xffff  }
0x81c: {  	s20 =	sor.u32 $0x280, s7;
	[tilespmem:s17+$0xE780] =	vst v2;
	v4 =	vld.idx.msk [tilespmem:v4+s3+$0x0], $0xffff  }
0x81d: {  	v2 =	vld [tilespmem:s20+$0x6780];
	[tilespmem:s4+$0xE780] =	vst v9  }
0x81e: {  	[tilespmem:s4+$0xE7B0] =	vst v1;
	v1 =	vld [tilespmem:s4+$0x68B0]  }
0x81f: {  	v12 =	vld.idx.msk [tilespmem:v50+s3+$0x0], $0xffff  }
0x820: {  	[tilespmem:s4+$0xE790] =	vst v10;
	v51 =	vld.idx.msk [tilespmem:v14+s3+$0x0], $0xffff  }
0x821: {  	s24 =	sor.u32 $0x300, s21;
	v10 =	vld.idx.msk [tilespmem:v13+s3+$0x0], $0xffff;
	[tilespmem:s19+$0xE780] =	vst v4  }
0x822: {  	[tilespmem:s4+$0xE7A0] =	vst v11;
	v4 =	vld [tilespmem:s24+$0x6780]  }
0x823: {  	s11 =	sor.u32 $0x280, s8;
	[tilespmem:s29+$0xE780] =	vst v6;
	v11 =	vld.idx.msk [tilespmem:v15+s3+$0x0], $0xffff  }
0x824: {  	v6 =	vld [tilespmem:s11+$0x6780]  }
0x825: {  	v5 =	vld.idx.msk [tilespmem:v5+s3+$0x0], $0xffff;
	[tilespmem:s4+$0xE830] =	vst v51  }
0x826: {  	[tilespmem:s4+$0xE800] =	vst v12;
	v1 =	vld.idx.msk [tilespmem:v1+s3+$0x0], $0xffff  }
0x827: {  	[tilespmem:s4+$0xE810] =	vst v10;
	v57 =	vld.idx.msk [tilespmem:v52+s3+$0x0], $0xffff  }
0x828: {  	[tilespmem:s4+$0xE820] =	vst v11;
	v58 =	vld.idx.msk [tilespmem:v53+s3+$0x0], $0xffff  }
0x829: {  	v61 =	vld.idx.msk [tilespmem:v55+s3+$0x0], $0xffff  }
0x82a: {  	v4 =	vld.idx.msk [tilespmem:v4+s3+$0x0], $0xffff  }
0x82b: {  	v2 =	vld.idx.msk [tilespmem:v2+s3+$0x0], $0xffff;
	[tilespmem:s4+$0xE8B0] =	vst v1  }
0x82c: {  	p0 =	por !p0, !p0;
	s12 =	simm.s32 $0x1;
	[tilespmem:s4+$0xE880] =	vst v57;
	v1 =	vld.idx.msk [tilespmem:v54+s3+$0x0], $0xffff  }
0x82d: {  	s12 =	simm.s32 @!p0 $0x0;
	[tilespmem:s4+$0xE890] =	vst v58;
	v10 =	vld.idx.msk [tilespmem:v56+s3+$0x0], $0xffff  }
0x82e: {  	s12 =	sshll.u32 s12, $0x6;
	[tilespmem:s4+$0xE8A0] =	vst v61;
	v9 =	vld.idx.msk [tilespmem:v59+s3+$0x0], $0xffff  }
0x82f: {  	s25 =	sor.u32 $0x380, s21;
	s26 =	sadd.s32 $0x400, s12;
	v11 =	vld.idx.msk [tilespmem:v60+s3+$0x0], $0xffff;
	[tilespmem:s24+$0xE780] =	vst v4  }
0x830: {  	s12 =	sadd.s32 $0x30, s26;
	v4 =	vld [tilespmem:s25+$0x6780]  }
0x831: {  	s28 =	sor.u32 $0x200, s12;
	[tilespmem:s4+$0xE930] =	vst v1;
	v1 =	vld.idx.msk [tilespmem:v6+s3+$0x0], $0xffff  }
0x832: {  	v6 =	vld [tilespmem:s28+$0x6780]  }
0x833: {  	v0 =	vld [tilespmem:s0+$0x6780];
	s29 =	sor.u32 $0x300, s6;
	[tilespmem:s31+$0xE780] =	vst v5  }
0x834: {  	s21 =	sadd.s32 $0x10, s26;
	s30 =	sor.u32 $0x200, s26;
	v5 =	vld [tilespmem:s29+$0x6780];
	[tilespmem:s4+$0xE900] =	vst v10  }
0x835: {  	s22 =	sadd.s32 $0x20, s26;
	s23 =	sor.u32 $0x200, s21;
	[tilespmem:s4+$0xE910] =	vst v9;
	v10 =	vld [tilespmem:s30+$0x6780]  }
0x836: {  	[tilespmem:s4+$0xE920] =	vst v11;
	v9 =	vld [tilespmem:s23+$0x6780];
	s24 =	sor.u32 $0x200, s22  }
0x837: {  	[tilespmem:s20+$0xE780] =	vst v2;
	v2 =	vld [tilespmem:s24+$0x6780]  }
0x838: {  	s31 =	sor.u32 $0x300, s8;
	v4 =	vld.idx.msk [tilespmem:v4+s3+$0x0], $0xffff;
	[tilespmem:s11+$0xE780] =	vst v1  }
0x839: {  	v1 =	vld [tilespmem:s31+$0x6780]  }
0x83a: {  	v6 =	vld.idx.msk [tilespmem:v6+s3+$0x0], $0xffff  }
0x83b: {  	v3 =	vld.idx.msk [tilespmem:v3+s3+$0x0], $0xffff;
	s4 =	sor.u32 $0x300, s7  }
0x83c: {  	v62 =	vld [tilespmem:s4+$0x6780]  }
0x83d: {  	v63 =	vld.idx.msk [tilespmem:v5+s3+$0x0], $0xffff  }
0x83e: {  	v5 =	vld.idx.msk [tilespmem:v10+s3+$0x0], $0xffff;
	[tilespmem:s25+$0xE780] =	vst v4  }
0x83f: {  	s20 =	sor.u32 $0x280, s12;
	v4 =	vld.idx.msk [tilespmem:v9+s3+$0x0], $0xffff;
	[tilespmem:s28+$0xE780] =	vst v6  }
0x840: {  	v6 =	vld [tilespmem:s20+$0x6780]  }
0x841: {  	[tilespmem:s5+$0xE780] =	vst v8;
	v1 =	vld.idx.msk [tilespmem:v1+s3+$0x0], $0xffff  }
0x842: {  	s5 =	sor.u32 $0x380, s6;
	[tilespmem:s29+$0xE780] =	vst v63;
	v8 =	vld.idx.msk [tilespmem:v2+s3+$0x0], $0xffff  }
0x843: {  	[tilespmem:s10+$0xE780] =	vst v3;
	v2 =	vld [tilespmem:s5+$0x6780]  }
0x844: {  	[tilespmem:s30+$0xE780] =	vst v5;
	s11 =	sor.u32 $0x280, s26;
	v5 =	vld.idx.msk [tilespmem:v62+s3+$0x0], $0xffff  }
0x845: {  	s15 =	sor.u32 $0x280, s21;
	v3 =	vld [tilespmem:s11+$0x6780];
	[tilespmem:s23+$0xE780] =	vst v4  }
0x846: {  	s13 =	sor.u32 $0x300, s26;
	s14 =	sor.u32 $0x280, s22;
	s6 =	sor.u32 $0x380, s8;
	v4 =	vld [tilespmem:s15+$0x6780];
	[tilespmem:s31+$0xE780] =	vst v1  }
0x847: {  	s18 =	sor.u32 $0x300, s22;
	s16 =	sor.u32 $0x380, s22;
	[tilespmem:s9+$0xE780] =	vst v7;
	s9 =	sor.u32 $0x380, s26;
	v1 =	vld [tilespmem:s6+$0x6780]  }
0x848: {  	s10 =	sor.u32 $0x300, s21;
	s8 =	sor.u32 $0x380, s21;
	s7 =	sor.u32 $0x380, s7;
	[tilespmem:s24+$0xE780] =	vst v8;
	v6 =	vld.idx.msk [tilespmem:v6+s3+$0x0], $0xffff  }
.LBB2_16:
0x849: {  	s2 =	sadd.s32 $0x40, s2;
	v7 =	vld [tilespmem:s14+$0x6780];
	s1 =	sadd.s32 $0x200, s1;
	[tilespmem:s4+$0xE780] =	vst v5;
	s4 =	smov.u32 s18  }
0x84a: {  	s17 =	sand.u32 $0x40, s2;
	s18 =	sand.u32 $0x3C00, s1;
	p1 =	slt.u32 s2, $0x7C0;
	v5 =	vld [tilespmem:s7+$0x6780]  }
0x84b: {  	s17 =	sor.u32 s17, s18;
	v8 =	vld.idx.msk [tilespmem:v0+s3+$0x0], $0xffff  }
0x84c: {  	v9 =	vld [tilespmem:s17+$0x67B0]  }
0x84d: {  	s18 =	sor.u32 $0x300, s12;
	v10 =	vld [tilespmem:s17+$0x6780];
	[tilespmem:s20+$0xE780] =	vst v6  }
0x84e: {  	v6 =	vld [tilespmem:s18+$0x6780]  }
0x84f: {  	v11 =	vld [tilespmem:s17+$0x6790];
	v0 =	vmov v5  }
0x850: {  	v5 =	vld [tilespmem:s17+$0x67A0]  }
0x851: {  	v12 =	vld [tilespmem:s17+$0x6800];
	[tilespmem:s0+$0xE780] =	vst v8;
	s0 =	smov.u32 s7;
	s7 =	smov.u32 s16  }
0x852: {  	v8 =	vld [tilespmem:s17+$0x6810]  }
0x853: {  	v13 =	vld [tilespmem:s17+$0x6830]  }
0x854: {  	v9 =	vld.idx.msk [tilespmem:v9+s3+$0x0], $0xffff  }
0x855: {  	v10 =	vld.idx.msk [tilespmem:v10+s3+$0x0], $0xffff  }
0x856: {  	v6 =	vld.idx.msk [tilespmem:v6+s3+$0x0], $0xffff  }
0x857: {  	v11 =	vld.idx.msk [tilespmem:v11+s3+$0x0], $0xffff  }
0x858: {  	v5 =	vld.idx.msk [tilespmem:v5+s3+$0x0], $0xffff  }
0x859: {  	v14 =	vld [tilespmem:s17+$0x6820]  }
0x85a: {  	[tilespmem:s17+$0xE7B0] =	vst v9;
	v9 =	vld [tilespmem:s17+$0x68B0]  }
0x85b: {  	[tilespmem:s17+$0xE780] =	vst v10;
	v10 =	vld.idx.msk [tilespmem:v13+s3+$0x0], $0xffff  }
0x85c: {  	s12 =	sor.u32 $0x380, s12;
	v12 =	vld.idx.msk [tilespmem:v12+s3+$0x0], $0xffff;
	[tilespmem:s18+$0xE780] =	vst v6  }
0x85d: {  	[tilespmem:s17+$0xE790] =	vst v11;
	v6 =	vld [tilespmem:s12+$0x6780]  }
0x85e: {  	v8 =	vld.idx.msk [tilespmem:v8+s3+$0x0], $0xffff;
	[tilespmem:s17+$0xE7A0] =	vst v5  }
0x85f: {  	v5 =	vld [tilespmem:s17+$0x6880]  }
0x860: {  	v11 =	vld [tilespmem:s17+$0x6890]  }
0x861: {  	[tilespmem:s17+$0xE830] =	vst v10;
	v10 =	vld [tilespmem:s17+$0x6930]  }
0x862: {  	[tilespmem:s17+$0xE800] =	vst v12;
	v9 =	vld.idx.msk [tilespmem:v9+s3+$0x0], $0xffff  }
0x863: {  	v12 =	vld.idx.msk [tilespmem:v14+s3+$0x0], $0xffff  }
0x864: {  	[tilespmem:s17+$0xE810] =	vst v8;
	v8 =	vld [tilespmem:s17+$0x68A0]  }
0x865: {  	v6 =	vld.idx.msk [tilespmem:v6+s3+$0x0], $0xffff  }
0x866: {  	v13 =	vld [tilespmem:s17+$0x6900]  }
0x867: {  	v5 =	vld.idx.msk [tilespmem:v5+s3+$0x0], $0xffff  }
0x868: {  	v11 =	vld.idx.msk [tilespmem:v11+s3+$0x0], $0xffff;
	[tilespmem:s17+$0xE8B0] =	vst v9  }
0x869: {  	[tilespmem:s17+$0xE820] =	vst v12;
	v9 =	vld.idx.msk [tilespmem:v10+s3+$0x0], $0xffff  }
0x86a: {  	p0 =	por !p0, !p0;
	s16 =	simm.s32 $0x1;
	v10 =	vld [tilespmem:s17+$0x6910]  }
0x86b: {  	s16 =	simm.s32 @!p0 $0x0;
	v12 =	vld [tilespmem:s17+$0x6920];
	[tilespmem:s12+$0xE780] =	vst v6  }
0x86c: {  	s12 =	sshll.u32 s16, $0x6;
	v6 =	vld.idx.msk [tilespmem:v8+s3+$0x0], $0xffff  }
0x86d: {  	s20 =	sadd.s32 s12, s1;
	[tilespmem:s17+$0xE880] =	vst v5;
	v3 =	vld.idx.msk [tilespmem:v3+s3+$0x0], $0xffff  }
0x86e: {  	s16 =	sadd.s32 $0x10, s20;
	s24 =	sadd.s32 $0x20, s20;
	s12 =	sadd.s32 $0x30, s20;
	v5 =	vld.idx.msk [tilespmem:v13+s3+$0x0], $0xffff;
	[tilespmem:s17+$0xE890] =	vst v11  }
0x86f: {  	s22 =	sor.u32 $0x200, s16;
	s19 =	sor.u32 $0x200, s24;
	s26 =	sor.u32 $0x200, s12;
	[tilespmem:s17+$0xE930] =	vst v9;
	v4 =	vld.idx.msk [tilespmem:v4+s3+$0x0], $0xffff  }
0x870: {  	s21 =	sor.u32 $0x200, s20;
	s28 =	sor.u32 $0x280, s16;
	s29 =	sor.u32 $0x280, s24;
	v8 =	vld [tilespmem:s26+$0x6780]  }
0x871: {  	s30 =	sor.u32 $0x280, s20;
	s25 =	sor.u32 $0x300, s16;
	s18 =	sor.u32 $0x300, s24;
	v7 =	vld.idx.msk [tilespmem:v7+s3+$0x0], $0xffff  }
0x872: {  	s31 =	sor.u32 $0x300, s20;
	s23 =	sor.u32 $0x380, s16;
	s16 =	sor.u32 $0x380, s24;
	v9 =	vld.idx.msk [tilespmem:v10+s3+$0x0], $0xffff;
	[tilespmem:s17+$0xE8A0] =	vst v6  }
0x873: {  	s20 =	sor.u32 $0x380, s20;
	v6 =	vld.idx.msk [tilespmem:v12+s3+$0x0], $0xffff;
	[tilespmem:s11+$0xE780] =	vst v3;
	s11 =	smov.u32 s30  }
0x874: {  	[tilespmem:s17+$0xE900] =	vst v5;
	v3 =	vld [tilespmem:s13+$0x6780]  }
0x875: {  	v5 =	vld [tilespmem:s21+$0x6780];
	[tilespmem:s15+$0xE780] =	vst v4;
	s15 =	smov.u32 s28  }
0x876: {  	v4 =	vld [tilespmem:s10+$0x6780]  }
0x877: {  	[tilespmem:s14+$0xE780] =	vst v7;
	v2 =	vld.idx.msk [tilespmem:v2+s3+$0x0], $0xffff;
	s14 =	smov.u32 s29  }
0x878: {  	[tilespmem:s17+$0xE910] =	vst v9;
	v7 =	vld.idx.msk [tilespmem:v8+s3+$0x0], $0xffff  }
0x879: {  	v8 =	vld [tilespmem:s22+$0x6780];
	[tilespmem:s17+$0xE920] =	vst v6  }
0x87a: {  	v6 =	vld [tilespmem:s19+$0x6780]  }
0x87b: {  	v9 =	vld [tilespmem:s4+$0x6780]  }
0x87c: {  	v3 =	vld.idx.msk [tilespmem:v3+s3+$0x0], $0xffff  }
0x87d: {  	v5 =	vld.idx.msk [tilespmem:v5+s3+$0x0], $0xffff;
	[tilespmem:s5+$0xE780] =	vst v2;
	s5 =	smov.u32 s9;
	s9 =	smov.u32 s20  }
0x87e: {  	s20 =	sor.u32 $0x280, s12;
	[tilespmem:s26+$0xE780] =	vst v7;
	v2 =	vld.idx.msk [tilespmem:v4+s3+$0x0], $0xffff  }
0x87f: {  	v4 =	vld [tilespmem:s20+$0x6780]  }
0x880: {  	v7 =	vld.idx.msk [tilespmem:v1+s3+$0x0], $0xffff  }
0x881: {  	v8 =	vld.idx.msk [tilespmem:v8+s3+$0x0], $0xffff  }
0x882: {  	v10 =	vld.idx.msk [tilespmem:v6+s3+$0x0], $0xffff;
	[tilespmem:s13+$0xE780] =	vst v3;
	s13 =	smov.u32 s31  }
0x883: {  	[tilespmem:s21+$0xE780] =	vst v5;
	v5 =	vld.idx.msk [tilespmem:v9+s3+$0x0], $0xffff  }
.Ltmp7:
0x884: {  	v3 =	vld [tilespmem:s11+$0x6780];
	[tilespmem:s10+$0xE780] =	vst v2;
	s10 =	smov.u32 s25;
	(pc) =	sbr.rel @p1 .LBB2_16-.Ltmp7, $4  }
0x885: {  	v2 =	vld [tilespmem:s5+$0x6780]  }
0x886: {  	v1 =	vld [tilespmem:s8+$0x6780];
	[tilespmem:s6+$0xE780] =	vst v7;
	s6 =	smov.u32 s8;
	s8 =	smov.u32 s23  }
0x887: {  	[tilespmem:s22+$0xE780] =	vst v8;
	v6 =	vld.idx.msk [tilespmem:v4+s3+$0x0], $0xffff  }
0x888: {  	v4 =	vld [tilespmem:s15+$0x6780];
	[tilespmem:s19+$0xE780] =	vst v10  }
0x889: {  	_ = 	snop  }
0x88a: {  	v7 =	vld [tilespmem:s14+$0x6780];
	_ =	sdelay $0x5  }
0x88b: {  	v3 =	vld.idx.msk [tilespmem:v3+s3+$0x0], $0xffff  }
0x88c: {  	v4 =	vld.idx.msk [tilespmem:v4+s3+$0x0], $0xffff  }
0x88d: {  	v7 =	vld.idx.msk [tilespmem:v7+s3+$0x0], $0xffff;
	_ =	sdelay $0x1  }
0x88e: {  	s1 =	sor.u32 $0x300, s12;
	[tilespmem:s20+$0xE780] =	vst v6  }
0x88f: {  	v6 =	vld [tilespmem:s1+$0x6780];
	[tilespmem:s11+$0xE780] =	vst v3  }
0x890: {  	v3 =	vld [tilespmem:s13+$0x6780];
	[tilespmem:s15+$0xE780] =	vst v4  }
0x891: {  	v4 =	vld [tilespmem:s10+$0x6780];
	[tilespmem:s14+$0xE780] =	vst v7  }
0x892: {  	v7 =	vld [tilespmem:s18+$0x6780];
	_ =	sdelay $0x4  }
0x893: {  	v6 =	vld.idx.msk [tilespmem:v6+s3+$0x0], $0xffff  }
0x894: {  	v3 =	vld.idx.msk [tilespmem:v3+s3+$0x0], $0xffff  }
0x895: {  	v4 =	vld.idx.msk [tilespmem:v4+s3+$0x0], $0xffff  }
0x896: {  	v7 =	vld.idx.msk [tilespmem:v7+s3+$0x0], $0xffff  }
0x897: {  	[tilespmem:s4+$0xE780] =	vst v5  }
0x898: {  	s26 =	sor.u32 $0x380, s12;
	v5 =	vld [tilespmem:s7+$0x6780];
	[tilespmem:s1+$0xE780] =	vst v6  }
0x899: {  	v6 =	vld [tilespmem:s26+$0x6780];
	[tilespmem:s13+$0xE780] =	vst v3  }
0x89a: {  	v3 =	vld [tilespmem:s9+$0x6780];
	[tilespmem:s10+$0xE780] =	vst v4  }
0x89b: {  	v4 =	vld [tilespmem:s8+$0x6780];
	[tilespmem:s18+$0xE780] =	vst v7  }
0x89c: {  	v7 =	vld [tilespmem:s16+$0x6780]  }
0x89d: {  	v0 =	vld.idx.msk [tilespmem:v0+s3+$0x0], $0xffff  }
0x89e: {  	v2 =	vld.idx.msk [tilespmem:v2+s3+$0x0], $0xffff  }
0x89f: {  	v1 =	vld.idx.msk [tilespmem:v1+s3+$0x0], $0xffff  }
0x8a0: {  	v5 =	vld.idx.msk [tilespmem:v5+s3+$0x0], $0xffff  }
0x8a1: {  	v6 =	vld.idx.msk [tilespmem:v6+s3+$0x0], $0xffff  }
0x8a2: {  	[tilespmem:s0+$0xE780] =	vst v0;
	v61 =	vld.idx.msk [tilespmem:v3+s3+$0x0], $0xffff  }
0x8a3: {  	[tilespmem:s5+$0xE780] =	vst v2;
	v62 =	vld.idx.msk [tilespmem:v4+s3+$0x0], $0xffff  }
0x8a4: {  	[tilespmem:s6+$0xE780] =	vst v1;
	v63 =	vld.idx.msk [tilespmem:v7+s3+$0x0], $0xffff  }
0x8a5: {  	[tilespmem:s7+$0xE780] =	vst v5  }
0x8a6: {  	[tilespmem:s26+$0xE780] =	vst v6  }
0x8a7: {  	[tilespmem:s9+$0xE780] =	vst v61  }
0x8a8: {  	[tilespmem:s8+$0xE780] =	vst v62  }
0x8a9: {  	[tilespmem:s16+$0xE780] =	vst v63  }
0x8aa: {  	s28 =	simm.s32 $0xE780;
	s29 =	simm.s32 $0x3;
	s0 =	rddreg [dreg:$0x13]  }
0x8ab: {  	[hbm4b:s0+s3] =	stream.linear.scatter [tilespmem:s28], [sflag:$0x4], $0x4000, $0x38;
	[tilespmem:$0x12780] =	vst v63  }
0x8ac: {  	_ =	swait.ge [sflag:s29], $0x4000  }
0x8ad: {  	[sflag:s29] =	ssyncset.done $0x0  }
0x8ae: {  	s30 =	simm.s32 $0x4;
	[sflag:s29] =	ssyncadd.s32 $0xFFFFC000  }
0x8af: {  	_ =	swait.ge [sflag:s30], $0x4000  }
0x8b0: {  	s2 =	rddreg [dreg:$0x15]  }
0x8b1: {  	s31 =	rddreg [dreg:$0x14];
	s2 =	sadd.s32 $0x1, s2  }
0x8b2: {  	p0 =	sne.s32 s2, s31  }
.Ltmp8:
0x8b3: {  	_ = 	snop;
	(pc) =	sbr.rel @p0 .LBB2_1-.Ltmp8, $3  }
0x8b4: {  	_ =	sdelay $0x1  }
0x8b5: {  	[sflag:s30] =	ssyncset.done $0x0  }
0x8b6: {  	[sflag:s30] =	ssyncadd.s32 $0xFFFFC000  }
0x8b7: {  	_ =	sfence.sel $0x180000  }
0x8b8: {  	[bflag:$0x0] =	sbarrier.arrive $0xFFFF  }
0x8b9: {  	_ =	strace $0x90000047  }
0x8ba: {  	s0 =	stileid.u32;
	[bflag:$0x2] =	sbarrier.arrive $0xFFFF  }
0x8bb: {  	p0 =	sne.s32 s0, $0x0;
	s0 =	rddreg [dreg:$0x3]  }
0x8bc: {  	s0 =	sadd.s32 @!p0 $0x100000, s0  }
0x8bd: {  	[sflag:s0] =	ssyncadd.tile.s32 @!p0 $0x1;
	_ =	shalt  }
.Lfunc_end2:
_tile_overlayer_lowered:
.L_overlay_start_2:
0x8be: {  	(tag) =	ssettag $0x2  }
0x8bf: {  	s0 =	rddreg [dreg:$0x0];
	s2 =	stileid.u32  }
0x8c0: {  	s1 =	rddreg [dreg:$0x1];
	p0 =	sne.s32 s2, $0x0  }
0x8c1: {  	s3 =	rddreg [dreg:$0x2];
	[bflag:$0x3] =	sbarrier.arrive $0xFFFF;
	s2 =	simm.s32 @!p0 $0x1C05  }
0x8c2: {  	[timem:s3], [sflag:s2] =	dma.local @!p0 [hbm:s0], s1  }
0x8c3: {  	s0 =	simm.s32 @!p0 $0x5  }
0x8c4: {  	_ =	swait.ge @!p0 [sflag:s0], s1  }
0x8c5: {  	s1 =	ssub.s32 @!p0 $0x0, s1;
	[sflag:s0] =	ssyncset.done @!p0 $0x0  }
0x8c6: {  	[sflag:s0] =	ssyncadd.s32 @!p0 s1  }
0x8c7: {  	[bflag:$0x3] =	sbarrier.arrive $0xFFFF  }
0x8c8: {  	_ =	shalt  }

</sc_bundles>
